<compile_context>
chip_gen: v7x
topology: tpu7x:2x2x1
jax: 0.10.2.dev20260603
libtpu: 0.0.44.dev20260713+nightly
codegen_flags: <defaults>
</compile_context>

<pallas_src>
import functools

import jax
import jax.numpy as jnp
from jax import lax
from jax.experimental import pallas as pl
from jax.experimental.pallas import tpu as pltpu
from jax.experimental.pallas import tpu_sc as plsc

NN = 10000
EE = 160000
DD = 256
HH = 128
LL = 3
NC = 2
NS = 16
RPW = 632
NPAD = NS * RPW
KE = 100
KR = 100
KP = 100
CPS = 10
SUP = 10
NCH_NAR = EE // (NC * NS) // KE
GROW = NPAD - 8
BR = 400


def _sc_mesh():
    return plsc.VectorSubcoreMesh(core_axis_name="c", subcore_axis_name="s")



@functools.partial(
    pl.kernel,
    out_type=jax.ShapeDtypeStruct((NC, NPAD, HH), jnp.float32),
    mesh=_sc_mesh(),
    scratch_types=[
        pltpu.VMEM((NCH_NAR, KE), jnp.int32),
        pltpu.VMEM((KE, HH), jnp.float32),
        pltpu.SemaphoreType.DMA,
        pltpu.SemaphoreType.DMA,
        pltpu.VMEM_SHARED((NPAD, HH), jnp.float32),
    ],
)
def _deg_pass(to_hbm, ones_hbm, zrow_hbm, deg_out,
              tslab, ones_v, ssem0, ssem1, acc_sh):
    c = lax.axis_index("c")
    s = lax.axis_index("s")
    pltpu.sync_copy(to_hbm.at[c, s], tslab)
    pltpu.sync_copy(ones_hbm, ones_v)
    pltpu.sync_copy(zrow_hbm, acc_sh.at[pl.ds(s * RPW, RPW)])
    plsc.subcore_barrier()

    def body(j, carry):
        i0 = j * 2
        i1 = i0 + 1

        @pl.when(j > 0)
        def _():
            pltpu.make_async_copy(ones_v, acc_sh.at[tslab.at[i0]], ssem0).wait()
            pltpu.make_async_copy(ones_v, acc_sh.at[tslab.at[i1]], ssem1).wait()

        pltpu.async_copy(ones_v, acc_sh.at[tslab.at[i0]], ssem0, add=True)
        pltpu.async_copy(ones_v, acc_sh.at[tslab.at[i1]], ssem1, add=True)
        return carry

    lax.fori_loop(0, NCH_NAR // 2, body, 0)
    pltpu.make_async_copy(ones_v, acc_sh.at[tslab.at[NCH_NAR - 2]], ssem0).wait()
    pltpu.make_async_copy(ones_v, acc_sh.at[tslab.at[NCH_NAR - 1]], ssem1).wait()
    plsc.subcore_barrier()
    pltpu.sync_copy(acc_sh.at[pl.ds(s * RPW, RPW)],
                    deg_out.at[c, pl.ds(s * RPW, RPW)])



@functools.partial(
    pl.kernel,
    out_type=jax.ShapeDtypeStruct((NC, NPAD, HH), jnp.float32),
    mesh=_sc_mesh(),
    scratch_types=[
        pltpu.VMEM((NCH_NAR, KE), jnp.int32),
        pltpu.VMEM((NCH_NAR, KE), jnp.int32),
        pltpu.VMEM((KE, HH), jnp.float32),
        pltpu.VMEM((KE, HH), jnp.float32),
        pltpu.SemaphoreType.DMA,
        pltpu.SemaphoreType.DMA,
        pltpu.SemaphoreType.DMA,
        pltpu.SemaphoreType.DMA,
        pltpu.VMEM_SHARED((NPAD, HH), jnp.float32),
    ],
)
def _t_pass(fr_hbm, to_hbm, dis_hbm, zrow_hbm, t_out,
            fslab, tslab, rows0, rows1, gsem0, gsem1, ssem0, ssem1, acc_sh):
    c = lax.axis_index("c")
    s = lax.axis_index("s")
    pltpu.sync_copy(fr_hbm.at[c, s], fslab)
    pltpu.sync_copy(to_hbm.at[c, s], tslab)
    pltpu.sync_copy(zrow_hbm, acc_sh.at[pl.ds(s * RPW, RPW)])
    plsc.subcore_barrier()
    pltpu.async_copy(dis_hbm.at[fslab.at[0]], rows0, gsem0)
    pltpu.async_copy(dis_hbm.at[fslab.at[1]], rows1, gsem1)

    def body(j, carry):
        i0 = j * 2
        i1 = i0 + 1
        pltpu.make_async_copy(dis_hbm.at[fslab.at[i0]], rows0, gsem0).wait()
        pltpu.async_copy(rows0, acc_sh.at[tslab.at[i0]], ssem0, add=True)
        pltpu.make_async_copy(dis_hbm.at[fslab.at[i1]], rows1, gsem1).wait()
        pltpu.async_copy(rows1, acc_sh.at[tslab.at[i1]], ssem1, add=True)

        @pl.when(j < NCH_NAR // 2 - 1)
        def _():
            pltpu.make_async_copy(rows0, acc_sh.at[tslab.at[i0]], ssem0).wait()
            pltpu.async_copy(dis_hbm.at[fslab.at[i0 + 2]], rows0, gsem0)
            pltpu.make_async_copy(rows1, acc_sh.at[tslab.at[i1]], ssem1).wait()
            pltpu.async_copy(dis_hbm.at[fslab.at[i1 + 2]], rows1, gsem1)

        return carry

    lax.fori_loop(0, NCH_NAR // 2, body, 0)
    pltpu.make_async_copy(rows0, acc_sh.at[tslab.at[NCH_NAR - 2]], ssem0).wait()
    pltpu.make_async_copy(rows1, acc_sh.at[tslab.at[NCH_NAR - 1]], ssem1).wait()
    plsc.subcore_barrier()
    pltpu.sync_copy(acc_sh.at[pl.ds(s * RPW, RPW)],
                    t_out.at[c, pl.ds(s * RPW, RPW)])



@functools.partial(
    pl.kernel,
    out_type=jax.ShapeDtypeStruct((NC, NPAD, HH), jnp.float32),
    mesh=_sc_mesh(),
    scratch_types=[
        pltpu.VMEM((2, CPS, KP), jnp.int32),
        pltpu.VMEM((2, CPS, KP), jnp.int32),
        pltpu.VMEM((KP, HH), jnp.float32),
        pltpu.VMEM((KP, HH), jnp.float32),
        pltpu.SemaphoreType.DMA((2,)),
        pltpu.SemaphoreType.DMA((2,)),
        pltpu.SemaphoreType.DMA,
        pltpu.SemaphoreType.DMA,
        pltpu.SemaphoreType.DMA,
        pltpu.SemaphoreType.DMA,
        pltpu.VMEM_SHARED((NPAD, HH), jnp.float32),
    ],
)
def _row_pass(f2_hbm, to_hbm, ytab_hbm, zrow_hbm, agg_out,
              fs3, ts3, rows0, rows1, ifsem, itsem,
              gsem0, gsem1, ssem0, ssem1, acc_sh):
    c = lax.axis_index("c")
    s = lax.axis_index("s")
    rows = (rows0, rows1)
    gsem = (gsem0, gsem1)
    ssem = (ssem0, ssem1)

    pltpu.async_copy(f2_hbm.at[c, s, 0], fs3.at[0], ifsem.at[0])
    pltpu.async_copy(to_hbm.at[s, 0], ts3.at[0], itsem.at[0])
    pltpu.sync_copy(zrow_hbm, acc_sh.at[pl.ds(s * RPW, RPW)])
    plsc.subcore_barrier()
    pltpu.make_async_copy(f2_hbm.at[c, s, 0], fs3.at[0], ifsem.at[0]).wait()
    pltpu.make_async_copy(to_hbm.at[s, 0], ts3.at[0], itsem.at[0]).wait()
    for b in range(2):
        pltpu.async_copy(ytab_hbm.at[fs3.at[0, b]], rows[b], gsem[b])

    def super_body(u, carry):
        p = lax.rem(u, 2)
        q = 1 - p

        @pl.when(u + 1 < SUP)
        def _():
            pltpu.async_copy(f2_hbm.at[c, s, u + 1], fs3.at[q], ifsem.at[q])
            pltpu.async_copy(to_hbm.at[s, u + 1], ts3.at[q], itsem.at[q])

        @pl.when(u > 0)
        def _():
            pltpu.make_async_copy(to_hbm.at[s, u], ts3.at[p], itsem.at[p]).wait()

        for jj in range(CPS // 2):
            j0 = 2 * jj
            j1 = j0 + 1
            pltpu.make_async_copy(ytab_hbm.at[fs3.at[p, j0]], rows[0],
                                  gsem[0]).wait()
            pltpu.async_copy(rows[0], acc_sh.at[ts3.at[p, j0]], ssem[0],
                             add=True)
            pltpu.make_async_copy(ytab_hbm.at[fs3.at[p, j1]], rows[1],
                                  gsem[1]).wait()
            pltpu.async_copy(rows[1], acc_sh.at[ts3.at[p, j1]], ssem[1],
                             add=True)
            if jj < CPS // 2 - 1:
                pltpu.make_async_copy(rows[0], acc_sh.at[ts3.at[p, j0]],
                                      ssem[0]).wait()
                pltpu.async_copy(ytab_hbm.at[fs3.at[p, j0 + 2]], rows[0],
                                 gsem[0])
                pltpu.make_async_copy(rows[1], acc_sh.at[ts3.at[p, j1]],
                                      ssem[1]).wait()
                pltpu.async_copy(ytab_hbm.at[fs3.at[p, j1 + 2]], rows[1],
                                 gsem[1])
            else:
                @pl.when(u + 1 < SUP)
                def _():
                    pltpu.make_async_copy(f2_hbm.at[c, s, u + 1], fs3.at[q],
                                          ifsem.at[q]).wait()
                    pltpu.make_async_copy(rows[0], acc_sh.at[ts3.at[p, j0]],
                                          ssem[0]).wait()
                    pltpu.async_copy(ytab_hbm.at[fs3.at[q, 0]], rows[0],
                                     gsem[0])
                    pltpu.make_async_copy(rows[1], acc_sh.at[ts3.at[p, j1]],
                                          ssem[1]).wait()
                    pltpu.async_copy(ytab_hbm.at[fs3.at[q, 1]], rows[1],
                                     gsem[1])

        return carry

    lax.fori_loop(0, SUP, super_body, 0)
    for b in range(2):
        pltpu.make_async_copy(rows[b], acc_sh.at[ts3.at[0, b]], ssem[b]).wait()
    plsc.subcore_barrier()
    pltpu.sync_copy(acc_sh.at[pl.ds(s * RPW, RPW)],
                    agg_out.at[c, pl.ds(s * RPW, RPW)])



def _prep_body(deg2_ref, emb_ref, dis_ref, y0_ref):
    deg = deg2_ref[0, :, 0:1] + deg2_ref[1, :, 0:1]
    dis = jnp.where(deg > 0.0, lax.rsqrt(deg), 0.0)
    dis_ref[...] = jnp.broadcast_to(dis, (BR, HH))
    y = dis * emb_ref[...]
    y0_ref[0] = y[:, :HH]
    y0_ref[1] = y[:, HH:]


def _prep_call(deg2, emb0):
    return pl.pallas_call(
        _prep_body,
        grid=(NN // BR,),
        in_specs=[
            pl.BlockSpec((NC, BR, HH), lambda i: (0, i, 0)),
            pl.BlockSpec((BR, DD), lambda i: (i, 0)),
        ],
        out_specs=[
            pl.BlockSpec((BR, HH), lambda i: (i, 0)),
            pl.BlockSpec((NC, BR, HH), lambda i: (0, i, 0)),
        ],
        out_shape=[
            jax.ShapeDtypeStruct((NN, HH), jnp.float32),
            jax.ShapeDtypeStruct((NC, NN, HH), jnp.float32),
        ],
    )(deg2, emb0)



def _layer_body(x_ref, agg_ref, dis_ref, t2_ref, w1_ref, w2_ref,
                b1_ref, b2_ref, xo_ref, y_ref):
    dis = dis_ref[:, 0:1]
    t = t2_ref[0, :, 0:1] + t2_ref[1, :, 0:1]
    sv = dis * t
    agg_raw = jnp.concatenate([agg_ref[0], agg_ref[1]], axis=-1)
    x = x_ref[...]
    agg1 = dis * agg_raw
    h1 = agg1 + x
    h2 = x * agg1
    out = (jnp.dot(h1, w1_ref[...], preferred_element_type=jnp.float32)
           + jnp.dot(h2, w2_ref[...], preferred_element_type=jnp.float32)
           + sv * (b1_ref[...] + b2_ref[...]) + b1_ref[...])
    xo = jnp.where(out >= 0.0, out, 0.01 * out)
    xo_ref[...] = xo
    y = dis * xo
    y_ref[0] = y[:, :HH]
    y_ref[1] = y[:, HH:]


def _layer_call(x, agg, dis_b, t2, w1t, w2t, b1l, b2l):
    return pl.pallas_call(
        _layer_body,
        grid=(NN // BR,),
        in_specs=[
            pl.BlockSpec((BR, DD), lambda i: (i, 0)),
            pl.BlockSpec((NC, BR, HH), lambda i: (0, i, 0)),
            pl.BlockSpec((BR, HH), lambda i: (i, 0)),
            pl.BlockSpec((NC, BR, HH), lambda i: (0, i, 0)),
            pl.BlockSpec((DD, DD), lambda i: (0, 0)),
            pl.BlockSpec((DD, DD), lambda i: (0, 0)),
            pl.BlockSpec((1, DD), lambda i: (0, 0)),
            pl.BlockSpec((1, DD), lambda i: (0, 0)),
        ],
        out_specs=[
            pl.BlockSpec((BR, DD), lambda i: (i, 0)),
            pl.BlockSpec((NC, BR, HH), lambda i: (0, i, 0)),
        ],
        out_shape=[
            jax.ShapeDtypeStruct((NN, DD), jnp.float32),
            jax.ShapeDtypeStruct((NC, NN, HH), jnp.float32),
        ],
    )(x, agg, dis_b, t2, w1t, w2t, b1l, b2l)



def kernel(edge_index, edge_attrs, emb_weight, W1, b1, W2, b2):
    fr = edge_index[0]
    to = edge_index[1]
    f2p = jnp.concatenate([fr, fr + NN]).reshape(NC, NS, SUP, CPS, KP)
    top = to.reshape(NS, SUP, CPS, KP)
    fr_nar = fr.reshape(NC, NS, NCH_NAR, KE)
    to_nar = to.reshape(NC, NS, NCH_NAR, KE)
    ones_slab = jnp.ones((KE, HH), jnp.float32)
    zrow = jnp.zeros((RPW, HH), jnp.float32)

    deg2 = _deg_pass(to_nar, ones_slab, zrow)
    dis_b, y0 = _prep_call(deg2, emb_weight)
    t2 = _t_pass(fr_nar, to_nar, dis_b, zrow)

    x = emb_weight
    embs = [emb_weight]
    y = y0
    for l in range(LL):
        agg = _row_pass(f2p, top, y.reshape(NC * NN, HH), zrow)
        x, y = _layer_call(x, agg, dis_b, t2, W1[l].T, W2[l].T,
                           b1[l][None, :], b2[l][None, :])
        embs.append(x)
    out = jnp.concatenate(embs, axis=-1)
    return emb_weight, out

# --- scband reference (transcript-rebuilt; emitter-appended) ---
"""Pipeline reference for scband-rec-sys-gnn-24816321036388 (READ-ONLY COPY).

The authoritative reference and input builder live on the scoring server;
editing this copy changes nothing except your own understanding.
"""

import jax, jax.numpy as jnp
import numpy as np

N_USERS = 6000
N_ITEMS = 4000
N = N_USERS + N_ITEMS
E = 160000
D = 256
L = 3


def setup_inputs(seed: int = 0) -> dict:
    key = jax.random.key(seed)
    ks = jax.random.split(key, 8)
    edge_index = jax.random.randint(ks[0], (2, E), 0, N)
    edge_attrs = jax.random.normal(ks[1], (E,), dtype=jnp.float32)
    # NGCF uses xavier_uniform for the embedding
    limit = float(np.sqrt(6.0 / (N + D)))
    emb_weight = jax.random.uniform(ks[2], (N, D), dtype=jnp.float32, minval=-limit, maxval=limit)
    wlim = float(np.sqrt(6.0 / (D + D)))
    W1 = jax.random.uniform(ks[3], (L, D, D), dtype=jnp.float32, minval=-wlim, maxval=wlim)
    b1 = jnp.zeros((L, D), dtype=jnp.float32)
    W2 = jax.random.uniform(ks[4], (L, D, D), dtype=jnp.float32, minval=-wlim, maxval=wlim)
    b2 = jnp.zeros((L, D), dtype=jnp.float32)
    return {"edge_index": edge_index, "edge_attrs": edge_attrs, "emb_weight": emb_weight,
            "W1": W1, "b1": b1, "W2": W2, "b2": b2}


def _ngcf_forward(edge_index, edge_attrs, emb_weight, W1, b1, W2, b2):
    from_ = edge_index[0]
    to_ = edge_index[1]
    # degree of target nodes (same every layer)
    deg = jnp.bincount(to_, length=N).astype(jnp.float32)
    deg_inv_sqrt = jnp.where(deg > 0, deg ** -0.5, 0.0)
    norm = deg_inv_sqrt[from_] * deg_inv_sqrt[to_]
    emb0 = emb_weight
    embs = [emb0]
    x = emb0
    for l in range(L):
        W1l, b1l = W1[l], b1[l]
        W2l, b2l = W2[l], b2[l]
        xj = x[from_]
        xi = x[to_]
        msg = norm[:, None] * ((xj @ W1l.T + b1l) + ((xj * xi) @ W2l.T + b2l))
        out = jnp.zeros((N, D), dtype=x.dtype).at[to_].add(msg)
        out = out + (x @ W1l.T + b1l)
        # dropout p=0.0 -> identity
        x = jax.nn.leaky_relu(out, negative_slope=0.01)
        embs.append(x)
    out = jnp.concatenate(embs, axis=-1)  # NGCF: concat layers
    return emb0, out


def reference(edge_index, edge_attrs, emb_weight, W1, b1, W2, b2):
    return _ngcf_forward(edge_index, edge_attrs, emb_weight, W1, b1, W2, b2)

if __name__ == "__main__":
    import jax
    _d = setup_inputs()
    print(jax.jit(kernel)(*tuple(_d.values())))

</pallas_src>

<mosaic_0001>
#map = affine_map<(d0, d1) -> (0, 0, 0, 0, 0)>
#map1 = affine_map<(d0, d1) -> (0, 0, 0, 0)>
#map2 = affine_map<(d0, d1) -> (0, 0)>
#map3 = affine_map<(d0, d1) -> (0, 0, 0)>
module attributes {stable_mosaic.version = 14 : i64} {
  func.func @_row_pass(%arg0: i32, %arg1: i32, %arg2: memref<2x16x10x10x100xi32, #tpu.memory_space<hbm>>, %arg3: memref<16x10x10x100xi32, #tpu.memory_space<hbm>>, %arg4: memref<20000x128xf32, #tpu.memory_space<hbm>>, %arg5: memref<632x128xf32, #tpu.memory_space<hbm>>, %arg6: memref<2x10112x128xf32, #tpu.memory_space<hbm>>, %arg7: memref<2x10x100xi32, #tpu.memory_space<vmem>>, %arg8: memref<2x10x100xi32, #tpu.memory_space<vmem>>, %arg9: memref<100x128xf32, #tpu.memory_space<vmem>>, %arg10: memref<100x128xf32, #tpu.memory_space<vmem>>, %arg11: memref<2x!tpu.dma_semaphore, #tpu.memory_space<semaphore_mem>>, %arg12: memref<2x!tpu.dma_semaphore, #tpu.memory_space<semaphore_mem>>, %arg13: memref<!tpu.dma_semaphore, #tpu.memory_space<semaphore_mem>>, %arg14: memref<!tpu.dma_semaphore, #tpu.memory_space<semaphore_mem>>, %arg15: memref<!tpu.dma_semaphore, #tpu.memory_space<semaphore_mem>>, %arg16: memref<!tpu.dma_semaphore, #tpu.memory_space<semaphore_mem>>, %arg17: memref<10112x128xf32, #tpu.memory_space<vmem_shared>>) attributes {dimension_semantics = [#tpu.dimension_semantics<core_parallel>, #tpu.dimension_semantics<subcore_parallel>], iteration_bounds = array<i64: 2, 16>, scalar_prefetch = 0 : i64, scratch_operands = 11 : i64, tpu.core_type = #tpu.core_type<sc_vector_subcore>, window_params = [{transform_indices = #map}, {transform_indices = #map1}, {transform_indices = #map2}, {transform_indices = #map2}, {transform_indices = #map3}]} {
    %dma_start3A = arith.constant 0 : i32
    %dma_start3A_0 = arith.constant 0 : i32
    %dma_start3A_1 = arith.constant 0 : i32
    %dma_start3A_2 = arith.constant 0 : i32
    %dma_start3A_3 = arith.constant 0 : i32
    %dma_start3A_4 = tpu.memref_slice %arg7[%dma_start3A_0, %dma_start3A_2, %dma_start3A_3] : memref<2x10x100xi32, #tpu.memory_space<vmem>> -> memref<1x10x100xi32, #tpu.memory_space<vmem>>
    %dma_start3A_5 = tpu.memref_squeeze %dma_start3A_4 : memref<1x10x100xi32, #tpu.memory_space<vmem>> -> memref<10x100xi32, #tpu.memory_space<vmem>>
    %dma_start3A_6 = arith.constant 0 : i32
    %dma_start3A_7 = arith.constant 0 : i32
    %dma_start3A_8 = tpu.memref_slice %arg2[%arg0, %arg1, %dma_start3A, %dma_start3A_6, %dma_start3A_7] : memref<2x16x10x10x100xi32, #tpu.memory_space<hbm>> -> memref<1x1x1x10x100xi32, #tpu.memory_space<hbm>>
    %dma_start3A_9 = tpu.memref_squeeze %dma_start3A_8 : memref<1x1x1x10x100xi32, #tpu.memory_space<hbm>> -> memref<10x100xi32, #tpu.memory_space<hbm>>
    %dma_start3A_10 = tpu.memref_slice %arg11[%dma_start3A_1] : memref<2x!tpu.dma_semaphore, #tpu.memory_space<semaphore_mem>> -> memref<1x!tpu.dma_semaphore, #tpu.memory_space<semaphore_mem>>
    %dma_start3A_11 = tpu.memref_squeeze %dma_start3A_10 : memref<1x!tpu.dma_semaphore, #tpu.memory_space<semaphore_mem>> -> memref<!tpu.dma_semaphore, #tpu.memory_space<semaphore_mem>>
    %dma_start3A_12 = arith.constant 0 : i32
    %dma_start3A_13 = arith.constant 0 : i32
    %dma_start3A_14 = tpu.memref_slice %arg7[%dma_start3A_0, %dma_start3A_12, %dma_start3A_13] : memref<2x10x100xi32, #tpu.memory_space<vmem>> -> memref<1x10x100xi32, #tpu.memory_space<vmem>>
    %dma_start3A_15 = tpu.memref_squeeze %dma_start3A_14 : memref<1x10x100xi32, #tpu.memory_space<vmem>> -> memref<10x100xi32, #tpu.memory_space<vmem>>
    %dma_start3A_16 = arith.constant 0 : i32
    %dma_start3A_17 = arith.constant 0 : i32
    %dma_start3A_18 = tpu.memref_slice %arg2[%arg0, %arg1, %dma_start3A, %dma_start3A_16, %dma_start3A_17] : memref<2x16x10x10x100xi32, #tpu.memory_space<hbm>> -> memref<1x1x1x10x100xi32, #tpu.memory_space<hbm>>
    %dma_start3A_19 = tpu.memref_squeeze %dma_start3A_18 : memref<1x1x1x10x100xi32, #tpu.memory_space<hbm>> -> memref<10x100xi32, #tpu.memory_space<hbm>>
    tpu.enqueue_dma source(%dma_start3A_19 : memref<10x100xi32, #tpu.memory_space<hbm>>) target(%dma_start3A_15 : memref<10x100xi32, #tpu.memory_space<vmem>>) target_semaphore(%dma_start3A_11 : memref<!tpu.dma_semaphore, #tpu.memory_space<semaphore_mem>>)
    %dma_start3A_20 = arith.constant 0 : i32
    %dma_start3A_21 = arith.constant 0 : i32
    %dma_start3A_22 = arith.constant 0 : i32
    %dma_start3A_23 = arith.constant 0 : i32
    %dma_start3A_24 = arith.constant 0 : i32
    %dma_start3A_25 = tpu.memref_slice %arg8[%dma_start3A_21, %dma_start3A_23, %dma_start3A_24] : memref<2x10x100xi32, #tpu.memory_space<vmem>> -> memref<1x10x100xi32, #tpu.memory_space<vmem>>
    %dma_start3A_26 = tpu.memref_squeeze %dma_start3A_25 : memref<1x10x100xi32, #tpu.memory_space<vmem>> -> memref<10x100xi32, #tpu.memory_space<vmem>>
    %dma_start3A_27 = arith.constant 0 : i32
    %dma_start3A_28 = arith.constant 0 : i32
    %dma_start3A_29 = tpu.memref_slice %arg3[%arg1, %dma_start3A_20, %dma_start3A_27, %dma_start3A_28] : memref<16x10x10x100xi32, #tpu.memory_space<hbm>> -> memref<1x1x10x100xi32, #tpu.memory_space<hbm>>
    %dma_start3A_30 = tpu.memref_squeeze %dma_start3A_29 : memref<1x1x10x100xi32, #tpu.memory_space<hbm>> -> memref<10x100xi32, #tpu.memory_space<hbm>>
    %dma_start3A_31 = tpu.memref_slice %arg12[%dma_start3A_22] : memref<2x!tpu.dma_semaphore, #tpu.memory_space<semaphore_mem>> -> memref<1x!tpu.dma_semaphore, #tpu.memory_space<semaphore_mem>>
    %dma_start3A_32 = tpu.memref_squeeze %dma_start3A_31 : memref<1x!tpu.dma_semaphore, #tpu.memory_space<semaphore_mem>> -> memref<!tpu.dma_semaphore, #tpu.memory_space<semaphore_mem>>
    %dma_start3A_33 = arith.constant 0 : i32
    %dma_start3A_34 = arith.constant 0 : i32
    %dma_start3A_35 = tpu.memref_slice %arg8[%dma_start3A_21, %dma_start3A_33, %dma_start3A_34] : memref<2x10x100xi32, #tpu.memory_space<vmem>> -> memref<1x10x100xi32, #tpu.memory_space<vmem>>
    %dma_start3A_36 = tpu.memref_squeeze %dma_start3A_35 : memref<1x10x100xi32, #tpu.memory_space<vmem>> -> memref<10x100xi32, #tpu.memory_space<vmem>>
    %dma_start3A_37 = arith.constant 0 : i32
    %dma_start3A_38 = arith.constant 0 : i32
    %dma_start3A_39 = tpu.memref_slice %arg3[%arg1, %dma_start3A_20, %dma_start3A_37, %dma_start3A_38] : memref<16x10x10x100xi32, #tpu.memory_space<hbm>> -> memref<1x1x10x100xi32, #tpu.memory_space<hbm>>
    %dma_start3A_40 = tpu.memref_squeeze %dma_start3A_39 : memref<1x1x10x100xi32, #tpu.memory_space<hbm>> -> memref<10x100xi32, #tpu.memory_space<hbm>>
    tpu.enqueue_dma source(%dma_start3A_40 : memref<10x100xi32, #tpu.memory_space<hbm>>) target(%dma_start3A_36 : memref<10x100xi32, #tpu.memory_space<vmem>>) target_semaphore(%dma_start3A_32 : memref<!tpu.dma_semaphore, #tpu.memory_space<semaphore_mem>>)
    %mul3A = arith.constant 632 : i32
    %mul3A_41 = arith.muli %arg1, %mul3A : i32
    "tpu.region"() ({
      %run_scoped3A = tpu.sem_alloc : memref<!tpu.dma_semaphore, #tpu.memory_space<semaphore_mem>>
      %dma_start3A_125 = arith.constant 0 : i32
      %dma_start3A_126 = tpu.memref_slice %arg17[%mul3A_41, %dma_start3A_125] : memref<10112x128xf32, #tpu.memory_space<vmem_shared>> -> memref<632x128xf32, #tpu.memory_space<vmem_shared>>
      tpu.enqueue_dma source(%arg5 : memref<632x128xf32, #tpu.memory_space<hbm>>) target(%dma_start3A_126 : memref<632x128xf32, #tpu.memory_space<vmem_shared>>) target_semaphore(%run_scoped3A : memref<!tpu.dma_semaphore, #tpu.memory_space<semaphore_mem>>)
      %dma_wait3A_127 = arith.constant 0 : i32
      %dma_wait3A_128 = tpu.memref_slice %arg17[%mul3A_41, %dma_wait3A_127] : memref<10112x128xf32, #tpu.memory_space<vmem_shared>> -> memref<632x128xf32, #tpu.memory_space<vmem_shared>>
      tpu.wait_dma2 semaphore(%run_scoped3A : memref<!tpu.dma_semaphore, #tpu.memory_space<semaphore_mem>>) src(%arg5 : memref<632x128xf32, #tpu.memory_space<hbm>>) dst(%dma_wait3A_128 : memref<632x128xf32, #tpu.memory_space<vmem_shared>>)
      tpu.yield
    }) : () -> ()
    %barrier3A = arith.constant 0 : index
    tpu.barrier barrier_id(%barrier3A)
    %dma_wait3A = arith.constant 0 : i32
    %dma_wait3A_42 = arith.constant 0 : i32
    %dma_wait3A_43 = arith.constant 0 : i32
    %dma_wait3A_44 = arith.constant 0 : i32
    %dma_wait3A_45 = arith.constant 0 : i32
    %dma_wait3A_46 = tpu.memref_slice %arg7[%dma_wait3A_42, %dma_wait3A_44, %dma_wait3A_45] : memref<2x10x100xi32, #tpu.memory_space<vmem>> -> memref<1x10x100xi32, #tpu.memory_space<vmem>>
    %dma_wait3A_47 = tpu.memref_squeeze %dma_wait3A_46 : memref<1x10x100xi32, #tpu.memory_space<vmem>> -> memref<10x100xi32, #tpu.memory_space<vmem>>
    %dma_wait3A_48 = arith.constant 0 : i32
    %dma_wait3A_49 = arith.constant 0 : i32
    %dma_wait3A_50 = tpu.memref_slice %arg2[%arg0, %arg1, %dma_wait3A, %dma_wait3A_48, %dma_wait3A_49] : memref<2x16x10x10x100xi32, #tpu.memory_space<hbm>> -> memref<1x1x1x10x100xi32, #tpu.memory_space<hbm>>
    %dma_wait3A_51 = tpu.memref_squeeze %dma_wait3A_50 : memref<1x1x1x10x100xi32, #tpu.memory_space<hbm>> -> memref<10x100xi32, #tpu.memory_space<hbm>>
    %dma_wait3A_52 = tpu.memref_slice %arg11[%dma_wait3A_43] : memref<2x!tpu.dma_semaphore, #tpu.memory_space<semaphore_mem>> -> memref<1x!tpu.dma_semaphore, #tpu.memory_space<semaphore_mem>>
    %dma_wait3A_53 = tpu.memref_squeeze %dma_wait3A_52 : memref<1x!tpu.dma_semaphore, #tpu.memory_space<semaphore_mem>> -> memref<!tpu.dma_semaphore, #tpu.memory_space<semaphore_mem>>
    %dma_wait3A_54 = arith.constant 0 : i32
    %dma_wait3A_55 = arith.constant 0 : i32
    %dma_wait3A_56 = tpu.memref_slice %arg7[%dma_wait3A_42, %dma_wait3A_54, %dma_wait3A_55] : memref<2x10x100xi32, #tpu.memory_space<vmem>> -> memref<1x10x100xi32, #tpu.memory_space<vmem>>
    %dma_wait3A_57 = tpu.memref_squeeze %dma_wait3A_56 : memref<1x10x100xi32, #tpu.memory_space<vmem>> -> memref<10x100xi32, #tpu.memory_space<vmem>>
    %dma_wait3A_58 = arith.constant 0 : i32
    %dma_wait3A_59 = arith.constant 0 : i32
    %dma_wait3A_60 = tpu.memref_slice %arg2[%arg0, %arg1, %dma_wait3A, %dma_wait3A_58, %dma_wait3A_59] : memref<2x16x10x10x100xi32, #tpu.memory_space<hbm>> -> memref<1x1x1x10x100xi32, #tpu.memory_space<hbm>>
    %dma_wait3A_61 = tpu.memref_squeeze %dma_wait3A_60 : memref<1x1x1x10x100xi32, #tpu.memory_space<hbm>> -> memref<10x100xi32, #tpu.memory_space<hbm>>
    tpu.wait_dma2 semaphore(%dma_wait3A_53 : memref<!tpu.dma_semaphore, #tpu.memory_space<semaphore_mem>>) src(%dma_wait3A_61 : memref<10x100xi32, #tpu.memory_space<hbm>>) dst(%dma_wait3A_57 : memref<10x100xi32, #tpu.memory_space<vmem>>)
    %dma_wait3A_62 = arith.constant 0 : i32
    %dma_wait3A_63 = arith.constant 0 : i32
    %dma_wait3A_64 = arith.constant 0 : i32
    %dma_wait3A_65 = arith.constant 0 : i32
    %dma_wait3A_66 = arith.constant 0 : i32
    %dma_wait3A_67 = tpu.memref_slice %arg8[%dma_wait3A_63, %dma_wait3A_65, %dma_wait3A_66] : memref<2x10x100xi32, #tpu.memory_space<vmem>> -> memref<1x10x100xi32, #tpu.memory_space<vmem>>
    %dma_wait3A_68 = tpu.memref_squeeze %dma_wait3A_67 : memref<1x10x100xi32, #tpu.memory_space<vmem>> -> memref<10x100xi32, #tpu.memory_space<vmem>>
    %dma_wait3A_69 = arith.constant 0 : i32
    %dma_wait3A_70 = arith.constant 0 : i32
    %dma_wait3A_71 = tpu.memref_slice %arg3[%arg1, %dma_wait3A_62, %dma_wait3A_69, %dma_wait3A_70] : memref<16x10x10x100xi32, #tpu.memory_space<hbm>> -> memref<1x1x10x100xi32, #tpu.memory_space<hbm>>
    %dma_wait3A_72 = tpu.memref_squeeze %dma_wait3A_71 : memref<1x1x10x100xi32, #tpu.memory_space<hbm>> -> memref<10x100xi32, #tpu.memory_space<hbm>>
    %dma_wait3A_73 = tpu.memref_slice %arg12[%dma_wait3A_64] : memref<2x!tpu.dma_semaphore, #tpu.memory_space<semaphore_mem>> -> memref<1x!tpu.dma_semaphore, #tpu.memory_space<semaphore_mem>>
    %dma_wait3A_74 = tpu.memref_squeeze %dma_wait3A_73 : memref<1x!tpu.dma_semaphore, #tpu.memory_space<semaphore_mem>> -> memref<!tpu.dma_semaphore, #tpu.memory_space<semaphore_mem>>
    %dma_wait3A_75 = arith.constant 0 : i32
    %dma_wait3A_76 = arith.constant 0 : i32
    %dma_wait3A_77 = tpu.memref_slice %arg8[%dma_wait3A_63, %dma_wait3A_75, %dma_wait3A_76] : memref<2x10x100xi32, #tpu.memory_space<vmem>> -> memref<1x10x100xi32, #tpu.memory_space<vmem>>
    %dma_wait3A_78 = tpu.memref_squeeze %dma_wait3A_77 : memref<1x10x100xi32, #tpu.memory_space<vmem>> -> memref<10x100xi32, #tpu.memory_space<vmem>>
    %dma_wait3A_79 = arith.constant 0 : i32
    %dma_wait3A_80 = arith.constant 0 : i32
    %dma_wait3A_81 = tpu.memref_slice %arg3[%arg1, %dma_wait3A_62, %dma_wait3A_79, %dma_wait3A_80] : memref<16x10x10x100xi32, #tpu.memory_space<hbm>> -> memref<1x1x10x100xi32, #tpu.memory_space<hbm>>
    %dma_wait3A_82 = tpu.memref_squeeze %dma_wait3A_81 : memref<1x1x10x100xi32, #tpu.memory_space<hbm>> -> memref<10x100xi32, #tpu.memory_space<hbm>>
    tpu.wait_dma2 semaphore(%dma_wait3A_74 : memref<!tpu.dma_semaphore, #tpu.memory_space<semaphore_mem>>) src(%dma_wait3A_82 : memref<10x100xi32, #tpu.memory_space<hbm>>) dst(%dma_wait3A_78 : memref<10x100xi32, #tpu.memory_space<vmem>>)
    %dma_start3A_83 = arith.constant 0 : i32
    %dma_start3A_84 = arith.constant 0 : i32
    %dma_start3A_85 = arith.constant 0 : i32
    %dma_start3A_86 = tpu.memref_slice %arg7[%dma_start3A_83, %dma_start3A_84, %dma_start3A_85] : memref<2x10x100xi32, #tpu.memory_space<vmem>> -> memref<1x1x100xi32, #tpu.memory_space<vmem>>
    %dma_start3A_87 = tpu.memref_squeeze %dma_start3A_86 : memref<1x1x100xi32, #tpu.memory_space<vmem>> -> memref<100xi32, #tpu.memory_space<vmem>>
    %dma_start3A_88 = arith.constant 0 : i32
    %dma_start3A_89 = arith.constant 0 : i32
    %dma_start3A_90 = tpu.memref_slice %arg4[%dma_start3A_88, %dma_start3A_89] : memref<20000x128xf32, #tpu.memory_space<hbm>> -> memref<20000x128xf32, #tpu.memory_space<hbm>>
    tpu.enqueue_indirect_dma source(%dma_start3A_90 : memref<20000x128xf32, #tpu.memory_space<hbm>>) target(%arg9 : memref<100x128xf32, #tpu.memory_space<vmem>>) offsets(%dma_start3A_87 : memref<100xi32, #tpu.memory_space<vmem>>) semaphore(%arg13 : memref<!tpu.dma_semaphore, #tpu.memory_space<semaphore_mem>>)
    %dma_start3A_91 = arith.constant 0 : i32
    %dma_start3A_92 = arith.constant 1 : i32
    %dma_start3A_93 = arith.constant 0 : i32
    %dma_start3A_94 = tpu.memref_slice %arg7[%dma_start3A_91, %dma_start3A_92, %dma_start3A_93] : memref<2x10x100xi32, #tpu.memory_space<vmem>> -> memref<1x1x100xi32, #tpu.memory_space<vmem>>
    %dma_start3A_95 = tpu.memref_squeeze %dma_start3A_94 : memref<1x1x100xi32, #tpu.memory_space<vmem>> -> memref<100xi32, #tpu.memory_space<vmem>>
    %dma_start3A_96 = arith.constant 0 : i32
    %dma_start3A_97 = arith.constant 0 : i32
    %dma_start3A_98 = tpu.memref_slice %arg4[%dma_start3A_96, %dma_start3A_97] : memref<20000x128xf32, #tpu.memory_space<hbm>> -> memref<20000x128xf32, #tpu.memory_space<hbm>>
    tpu.enqueue_indirect_dma source(%dma_start3A_98 : memref<20000x128xf32, #tpu.memory_space<hbm>>) target(%arg10 : memref<100x128xf32, #tpu.memory_space<vmem>>) offsets(%dma_start3A_95 : memref<100xi32, #tpu.memory_space<vmem>>) semaphore(%arg14 : memref<!tpu.dma_semaphore, #tpu.memory_space<semaphore_mem>>)
    %scan3A = arith.constant 0 : i32
    %scan3A_99 = arith.constant 0 : i32
    %scan3A_100 = arith.constant 10 : i32
    %scan3A_101 = arith.addi %scan3A_99, %scan3A_100 : i32
    %scan3A_102 = arith.constant 1 : i32
    scf.for %scan3A_125 = %scan3A_99 to %scan3A_101 step %scan3A_102  : i32 {
      %rem3A = arith.constant 2 : i32
      %rem3A_126 = arith.remsi %scan3A_125, %rem3A : i32
      %sub3A = arith.constant 1 : i32
      %sub3A_127 = arith.subi %sub3A, %rem3A_126 : i32
      %add3A = arith.constant 1 : i32
      %add3A_128 = arith.addi %scan3A_125, %add3A : i32
      %lt3A = arith.constant 10 : i32
      %lt3A_129 = arith.cmpi slt, %add3A_128, %lt3A : i32
      %convert_element_type3A = arith.extui %lt3A_129 : i1 to i32
      %cond3A = arith.constant 0 : i32
      %cond3A_130 = arith.cmpi ne, %convert_element_type3A, %cond3A : i32
      scf.if %cond3A_130 {
        %add3A_394 = arith.constant 1 : i32
        %add3A_395 = arith.addi %scan3A_125, %add3A_394 : i32
        %dma_start3A_396 = arith.constant 0 : i32
        %dma_start3A_397 = arith.constant 0 : i32
        %dma_start3A_398 = tpu.memref_slice %arg7[%sub3A_127, %dma_start3A_396, %dma_start3A_397] : memref<2x10x100xi32, #tpu.memory_space<vmem>> -> memref<1x10x100xi32, #tpu.memory_space<vmem>>
        %dma_start3A_399 = tpu.memref_squeeze %dma_start3A_398 : memref<1x10x100xi32, #tpu.memory_space<vmem>> -> memref<10x100xi32, #tpu.memory_space<vmem>>
        %dma_start3A_400 = arith.constant 0 : i32
        %dma_start3A_401 = arith.constant 0 : i32
        %dma_start3A_402 = tpu.memref_slice %arg2[%arg0, %arg1, %add3A_395, %dma_start3A_400, %dma_start3A_401] : memref<2x16x10x10x100xi32, #tpu.memory_space<hbm>> -> memref<1x1x1x10x100xi32, #tpu.memory_space<hbm>>
        %dma_start3A_403 = tpu.memref_squeeze %dma_start3A_402 : memref<1x1x1x10x100xi32, #tpu.memory_space<hbm>> -> memref<10x100xi32, #tpu.memory_space<hbm>>
        %dma_start3A_404 = tpu.memref_slice %arg11[%sub3A_127] : memref<2x!tpu.dma_semaphore, #tpu.memory_space<semaphore_mem>> -> memref<1x!tpu.dma_semaphore, #tpu.memory_space<semaphore_mem>>
        %dma_start3A_405 = tpu.memref_squeeze %dma_start3A_404 : memref<1x!tpu.dma_semaphore, #tpu.memory_space<semaphore_mem>> -> memref<!tpu.dma_semaphore, #tpu.memory_space<semaphore_mem>>
        %dma_start3A_406 = arith.constant 0 : i32
        %dma_start3A_407 = arith.constant 0 : i32
        %dma_start3A_408 = tpu.memref_slice %arg7[%sub3A_127, %dma_start3A_406, %dma_start3A_407] : memref<2x10x100xi32, #tpu.memory_space<vmem>> -> memref<1x10x100xi32, #tpu.memory_space<vmem>>
        %dma_start3A_409 = tpu.memref_squeeze %dma_start3A_408 : memref<1x10x100xi32, #tpu.memory_space<vmem>> -> memref<10x100xi32, #tpu.memory_space<vmem>>
        %dma_start3A_410 = arith.constant 0 : i32
        %dma_start3A_411 = arith.constant 0 : i32
        %dma_start3A_412 = tpu.memref_slice %arg2[%arg0, %arg1, %add3A_395, %dma_start3A_410, %dma_start3A_411] : memref<2x16x10x10x100xi32, #tpu.memory_space<hbm>> -> memref<1x1x1x10x100xi32, #tpu.memory_space<hbm>>
        %dma_start3A_413 = tpu.memref_squeeze %dma_start3A_412 : memref<1x1x1x10x100xi32, #tpu.memory_space<hbm>> -> memref<10x100xi32, #tpu.memory_space<hbm>>
        tpu.enqueue_dma source(%dma_start3A_413 : memref<10x100xi32, #tpu.memory_space<hbm>>) target(%dma_start3A_409 : memref<10x100xi32, #tpu.memory_space<vmem>>) target_semaphore(%dma_start3A_405 : memref<!tpu.dma_semaphore, #tpu.memory_space<semaphore_mem>>)
        %add3A_414 = arith.constant 1 : i32
        %add3A_415 = arith.addi %scan3A_125, %add3A_414 : i32
        %dma_start3A_416 = arith.constant 0 : i32
        %dma_start3A_417 = arith.constant 0 : i32
        %dma_start3A_418 = tpu.memref_slice %arg8[%sub3A_127, %dma_start3A_416, %dma_start3A_417] : memref<2x10x100xi32, #tpu.memory_space<vmem>> -> memref<1x10x100xi32, #tpu.memory_space<vmem>>
        %dma_start3A_419 = tpu.memref_squeeze %dma_start3A_418 : memref<1x10x100xi32, #tpu.memory_space<vmem>> -> memref<10x100xi32, #tpu.memory_space<vmem>>
        %dma_start3A_420 = arith.constant 0 : i32
        %dma_start3A_421 = arith.constant 0 : i32
        %dma_start3A_422 = tpu.memref_slice %arg3[%arg1, %add3A_415, %dma_start3A_420, %dma_start3A_421] : memref<16x10x10x100xi32, #tpu.memory_space<hbm>> -> memref<1x1x10x100xi32, #tpu.memory_space<hbm>>
        %dma_start3A_423 = tpu.memref_squeeze %dma_start3A_422 : memref<1x1x10x100xi32, #tpu.memory_space<hbm>> -> memref<10x100xi32, #tpu.memory_space<hbm>>
        %dma_start3A_424 = tpu.memref_slice %arg12[%sub3A_127] : memref<2x!tpu.dma_semaphore, #tpu.memory_space<semaphore_mem>> -> memref<1x!tpu.dma_semaphore, #tpu.memory_space<semaphore_mem>>
        %dma_start3A_425 = tpu.memref_squeeze %dma_start3A_424 : memref<1x!tpu.dma_semaphore, #tpu.memory_space<semaphore_mem>> -> memref<!tpu.dma_semaphore, #tpu.memory_space<semaphore_mem>>
        %dma_start3A_426 = arith.constant 0 : i32
        %dma_start3A_427 = arith.constant 0 : i32
        %dma_start3A_428 = tpu.memref_slice %arg8[%sub3A_127, %dma_start3A_426, %dma_start3A_427] : memref<2x10x100xi32, #tpu.memory_space<vmem>> -> memref<1x10x100xi32, #tpu.memory_space<vmem>>
        %dma_start3A_429 = tpu.memref_squeeze %dma_start3A_428 : memref<1x10x100xi32, #tpu.memory_space<vmem>> -> memref<10x100xi32, #tpu.memory_space<vmem>>
        %dma_start3A_430 = arith.constant 0 : i32
        %dma_start3A_431 = arith.constant 0 : i32
        %dma_start3A_432 = tpu.memref_slice %arg3[%arg1, %add3A_415, %dma_start3A_430, %dma_start3A_431] : memref<16x10x10x100xi32, #tpu.memory_space<hbm>> -> memref<1x1x10x100xi32, #tpu.memory_space<hbm>>
        %dma_start3A_433 = tpu.memref_squeeze %dma_start3A_432 : memref<1x1x10x100xi32, #tpu.memory_space<hbm>> -> memref<10x100xi32, #tpu.memory_space<hbm>>
        tpu.enqueue_dma source(%dma_start3A_433 : memref<10x100xi32, #tpu.memory_space<hbm>>) target(%dma_start3A_429 : memref<10x100xi32, #tpu.memory_space<vmem>>) target_semaphore(%dma_start3A_425 : memref<!tpu.dma_semaphore, #tpu.memory_space<semaphore_mem>>)
      } else {
      }
      %gt3A = arith.constant 0 : i32
      %gt3A_131 = arith.cmpi sgt, %scan3A_125, %gt3A : i32
      %convert_element_type3A_132 = arith.extui %gt3A_131 : i1 to i32
      %cond3A_133 = arith.constant 0 : i32
      %cond3A_134 = arith.cmpi ne, %convert_element_type3A_132, %cond3A_133 : i32
      scf.if %cond3A_134 {
        %dma_wait3A_394 = arith.constant 0 : i32
        %dma_wait3A_395 = arith.constant 0 : i32
        %dma_wait3A_396 = tpu.memref_slice %arg8[%rem3A_126, %dma_wait3A_394, %dma_wait3A_395] : memref<2x10x100xi32, #tpu.memory_space<vmem>> -> memref<1x10x100xi32, #tpu.memory_space<vmem>>
        %dma_wait3A_397 = tpu.memref_squeeze %dma_wait3A_396 : memref<1x10x100xi32, #tpu.memory_space<vmem>> -> memref<10x100xi32, #tpu.memory_space<vmem>>
        %dma_wait3A_398 = arith.constant 0 : i32
        %dma_wait3A_399 = arith.constant 0 : i32
        %dma_wait3A_400 = tpu.memref_slice %arg3[%arg1, %scan3A_125, %dma_wait3A_398, %dma_wait3A_399] : memref<16x10x10x100xi32, #tpu.memory_space<hbm>> -> memref<1x1x10x100xi32, #tpu.memory_space<hbm>>
        %dma_wait3A_401 = tpu.memref_squeeze %dma_wait3A_400 : memref<1x1x10x100xi32, #tpu.memory_space<hbm>> -> memref<10x100xi32, #tpu.memory_space<hbm>>
        %dma_wait3A_402 = tpu.memref_slice %arg12[%rem3A_126] : memref<2x!tpu.dma_semaphore, #tpu.memory_space<semaphore_mem>> -> memref<1x!tpu.dma_semaphore, #tpu.memory_space<semaphore_mem>>
        %dma_wait3A_403 = tpu.memref_squeeze %dma_wait3A_402 : memref<1x!tpu.dma_semaphore, #tpu.memory_space<semaphore_mem>> -> memref<!tpu.dma_semaphore, #tpu.memory_space<semaphore_mem>>
        %dma_wait3A_404 = arith.constant 0 : i32
        %dma_wait3A_405 = arith.constant 0 : i32
        %dma_wait3A_406 = tpu.memref_slice %arg8[%rem3A_126, %dma_wait3A_404, %dma_wait3A_405] : memref<2x10x100xi32, #tpu.memory_space<vmem>> -> memref<1x10x100xi32, #tpu.memory_space<vmem>>
        %dma_wait3A_407 = tpu.memref_squeeze %dma_wait3A_406 : memref<1x10x100xi32, #tpu.memory_space<vmem>> -> memref<10x100xi32, #tpu.memory_space<vmem>>
        %dma_wait3A_408 = arith.constant 0 : i32
        %dma_wait3A_409 = arith.constant 0 : i32
        %dma_wait3A_410 = tpu.memref_slice %arg3[%arg1, %scan3A_125, %dma_wait3A_408, %dma_wait3A_409] : memref<16x10x10x100xi32, #tpu.memory_space<hbm>> -> memref<1x1x10x100xi32, #tpu.memory_space<hbm>>
        %dma_wait3A_411 = tpu.memref_squeeze %dma_wait3A_410 : memref<1x1x10x100xi32, #tpu.memory_space<hbm>> -> memref<10x100xi32, #tpu.memory_space<hbm>>
        tpu.wait_dma2 semaphore(%dma_wait3A_403 : memref<!tpu.dma_semaphore, #tpu.memory_space<semaphore_mem>>) src(%dma_wait3A_411 : memref<10x100xi32, #tpu.memory_space<hbm>>) dst(%dma_wait3A_407 : memref<10x100xi32, #tpu.memory_space<vmem>>)
      } else {
      }
      %dma_wait3A_135 = arith.constant 0 : i32
      %dma_wait3A_136 = arith.constant 0 : i32
      %dma_wait3A_137 = tpu.memref_slice %arg7[%rem3A_126, %dma_wait3A_135, %dma_wait3A_136] : memref<2x10x100xi32, #tpu.memory_space<vmem>> -> memref<1x1x100xi32, #tpu.memory_space<vmem>>
      %dma_wait3A_138 = tpu.memref_squeeze %dma_wait3A_137 : memref<1x1x100xi32, #tpu.memory_space<vmem>> -> memref<100xi32, #tpu.memory_space<vmem>>
      %dma_wait3A_139 = arith.constant 0 : i32
      %dma_wait3A_140 = arith.constant 0 : i32
      %dma_wait3A_141 = tpu.memref_slice %arg4[%dma_wait3A_139, %dma_wait3A_140] : memref<20000x128xf32, #tpu.memory_space<hbm>> -> memref<20000x128xf32, #tpu.memory_space<hbm>>
      tpu.wait_indirect_dma semaphore(%arg13 : memref<!tpu.dma_semaphore, #tpu.memory_space<semaphore_mem>>) src(%dma_wait3A_141 : memref<20000x128xf32, #tpu.memory_space<hbm>>) dst(%arg9 : memref<100x128xf32, #tpu.memory_space<vmem>>)
      %dma_start3A_142 = arith.constant 0 : i32
      %dma_start3A_143 = arith.constant 0 : i32
      %dma_start3A_144 = tpu.memref_slice %arg8[%rem3A_126, %dma_start3A_142, %dma_start3A_143] : memref<2x10x100xi32, #tpu.memory_space<vmem>> -> memref<1x1x100xi32, #tpu.memory_space<vmem>>
      %dma_start3A_145 = tpu.memref_squeeze %dma_start3A_144 : memref<1x1x100xi32, #tpu.memory_space<vmem>> -> memref<100xi32, #tpu.memory_space<vmem>>
      %dma_start3A_146 = arith.constant 0 : i32
      %dma_start3A_147 = arith.constant 0 : i32
      %dma_start3A_148 = tpu.memref_slice %arg17[%dma_start3A_146, %dma_start3A_147] : memref<10112x128xf32, #tpu.memory_space<vmem_shared>> -> memref<10112x128xf32, #tpu.memory_space<vmem_shared>>
      tpu.enqueue_indirect_dma source(%arg9 : memref<100x128xf32, #tpu.memory_space<vmem>>) target(%dma_start3A_148 : memref<10112x128xf32, #tpu.memory_space<vmem_shared>>) offsets(%dma_start3A_145 : memref<100xi32, #tpu.memory_space<vmem>>) semaphore(%arg15 : memref<!tpu.dma_semaphore, #tpu.memory_space<semaphore_mem>>) {add = true}
      %dma_wait3A_149 = arith.constant 1 : i32
      %dma_wait3A_150 = arith.constant 0 : i32
      %dma_wait3A_151 = tpu.memref_slice %arg7[%rem3A_126, %dma_wait3A_149, %dma_wait3A_150] : memref<2x10x100xi32, #tpu.memory_space<vmem>> -> memref<1x1x100xi32, #tpu.memory_space<vmem>>
      %dma_wait3A_152 = tpu.memref_squeeze %dma_wait3A_151 : memref<1x1x100xi32, #tpu.memory_space<vmem>> -> memref<100xi32, #tpu.memory_space<vmem>>
      %dma_wait3A_153 = arith.constant 0 : i32
      %dma_wait3A_154 = arith.constant 0 : i32
      %dma_wait3A_155 = tpu.memref_slice %arg4[%dma_wait3A_153, %dma_wait3A_154] : memref<20000x128xf32, #tpu.memory_space<hbm>> -> memref<20000x128xf32, #tpu.memory_space<hbm>>
      tpu.wait_indirect_dma semaphore(%arg14 : memref<!tpu.dma_semaphore, #tpu.memory_space<semaphore_mem>>) src(%dma_wait3A_155 : memref<20000x128xf32, #tpu.memory_space<hbm>>) dst(%arg10 : memref<100x128xf32, #tpu.memory_space<vmem>>)
      %dma_start3A_156 = arith.constant 1 : i32
      %dma_start3A_157 = arith.constant 0 : i32
      %dma_start3A_158 = tpu.memref_slice %arg8[%rem3A_126, %dma_start3A_156, %dma_start3A_157] : memref<2x10x100xi32, #tpu.memory_space<vmem>> -> memref<1x1x100xi32, #tpu.memory_space<vmem>>
      %dma_start3A_159 = tpu.memref_squeeze %dma_start3A_158 : memref<1x1x100xi32, #tpu.memory_space<vmem>> -> memref<100xi32, #tpu.memory_space<vmem>>
      %dma_start3A_160 = arith.constant 0 : i32
      %dma_start3A_161 = arith.constant 0 : i32
      %dma_start3A_162 = tpu.memref_slice %arg17[%dma_start3A_160, %dma_start3A_161] : memref<10112x128xf32, #tpu.memory_space<vmem_shared>> -> memref<10112x128xf32, #tpu.memory_space<vmem_shared>>
      tpu.enqueue_indirect_dma source(%arg10 : memref<100x128xf32, #tpu.memory_space<vmem>>) target(%dma_start3A_162 : memref<10112x128xf32, #tpu.memory_space<vmem_shared>>) offsets(%dma_start3A_159 : memref<100xi32, #tpu.memory_space<vmem>>) semaphore(%arg16 : memref<!tpu.dma_semaphore, #tpu.memory_space<semaphore_mem>>) {add = true}
      %dma_wait3A_163 = arith.constant 0 : i32
      %dma_wait3A_164 = arith.constant 0 : i32
      %dma_wait3A_165 = tpu.memref_slice %arg8[%rem3A_126, %dma_wait3A_163, %dma_wait3A_164] : memref<2x10x100xi32, #tpu.memory_space<vmem>> -> memref<1x1x100xi32, #tpu.memory_space<vmem>>
      %dma_wait3A_166 = tpu.memref_squeeze %dma_wait3A_165 : memref<1x1x100xi32, #tpu.memory_space<vmem>> -> memref<100xi32, #tpu.memory_space<vmem>>
      %dma_wait3A_167 = arith.constant 0 : i32
      %dma_wait3A_168 = arith.constant 0 : i32
      %dma_wait3A_169 = tpu.memref_slice %arg17[%dma_wait3A_167, %dma_wait3A_168] : memref<10112x128xf32, #tpu.memory_space<vmem_shared>> -> memref<10112x128xf32, #tpu.memory_space<vmem_shared>>
      tpu.wait_indirect_dma semaphore(%arg15 : memref<!tpu.dma_semaphore, #tpu.memory_space<semaphore_mem>>) src(%arg9 : memref<100x128xf32, #tpu.memory_space<vmem>>) dst(%dma_wait3A_169 : memref<10112x128xf32, #tpu.memory_space<vmem_shared>>)
      %dma_start3A_170 = arith.constant 2 : i32
      %dma_start3A_171 = arith.constant 0 : i32
      %dma_start3A_172 = tpu.memref_slice %arg7[%rem3A_126, %dma_start3A_170, %dma_start3A_171] : memref<2x10x100xi32, #tpu.memory_space<vmem>> -> memref<1x1x100xi32, #tpu.memory_space<vmem>>
      %dma_start3A_173 = tpu.memref_squeeze %dma_start3A_172 : memref<1x1x100xi32, #tpu.memory_space<vmem>> -> memref<100xi32, #tpu.memory_space<vmem>>
      %dma_start3A_174 = arith.constant 0 : i32
      %dma_start3A_175 = arith.constant 0 : i32
      %dma_start3A_176 = tpu.memref_slice %arg4[%dma_start3A_174, %dma_start3A_175] : memref<20000x128xf32, #tpu.memory_space<hbm>> -> memref<20000x128xf32, #tpu.memory_space<hbm>>
      tpu.enqueue_indirect_dma source(%dma_start3A_176 : memref<20000x128xf32, #tpu.memory_space<hbm>>) target(%arg9 : memref<100x128xf32, #tpu.memory_space<vmem>>) offsets(%dma_start3A_173 : memref<100xi32, #tpu.memory_space<vmem>>) semaphore(%arg13 : memref<!tpu.dma_semaphore, #tpu.memory_space<semaphore_mem>>)
      %dma_wait3A_177 = arith.constant 1 : i32
      %dma_wait3A_178 = arith.constant 0 : i32
      %dma_wait3A_179 = tpu.memref_slice %arg8[%rem3A_126, %dma_wait3A_177, %dma_wait3A_178] : memref<2x10x100xi32, #tpu.memory_space<vmem>> -> memref<1x1x100xi32, #tpu.memory_space<vmem>>
      %dma_wait3A_180 = tpu.memref_squeeze %dma_wait3A_179 : memref<1x1x100xi32, #tpu.memory_space<vmem>> -> memref<100xi32, #tpu.memory_space<vmem>>
      %dma_wait3A_181 = arith.constant 0 : i32
      %dma_wait3A_182 = arith.constant 0 : i32
      %dma_wait3A_183 = tpu.memref_slice %arg17[%dma_wait3A_181, %dma_wait3A_182] : memref<10112x128xf32, #tpu.memory_space<vmem_shared>> -> memref<10112x128xf32, #tpu.memory_space<vmem_shared>>
      tpu.wait_indirect_dma semaphore(%arg16 : memref<!tpu.dma_semaphore, #tpu.memory_space<semaphore_mem>>) src(%arg10 : memref<100x128xf32, #tpu.memory_space<vmem>>) dst(%dma_wait3A_183 : memref<10112x128xf32, #tpu.memory_space<vmem_shared>>)
      %dma_start3A_184 = arith.constant 3 : i32
      %dma_start3A_185 = arith.constant 0 : i32
      %dma_start3A_186 = tpu.memref_slice %arg7[%rem3A_126, %dma_start3A_184, %dma_start3A_185] : memref<2x10x100xi32, #tpu.memory_space<vmem>> -> memref<1x1x100xi32, #tpu.memory_space<vmem>>
      %dma_start3A_187 = tpu.memref_squeeze %dma_start3A_186 : memref<1x1x100xi32, #tpu.memory_space<vmem>> -> memref<100xi32, #tpu.memory_space<vmem>>
      %dma_start3A_188 = arith.constant 0 : i32
      %dma_start3A_189 = arith.constant 0 : i32
      %dma_start3A_190 = tpu.memref_slice %arg4[%dma_start3A_188, %dma_start3A_189] : memref<20000x128xf32, #tpu.memory_space<hbm>> -> memref<20000x128xf32, #tpu.memory_space<hbm>>
      tpu.enqueue_indirect_dma source(%dma_start3A_190 : memref<20000x128xf32, #tpu.memory_space<hbm>>) target(%arg10 : memref<100x128xf32, #tpu.memory_space<vmem>>) offsets(%dma_start3A_187 : memref<100xi32, #tpu.memory_space<vmem>>) semaphore(%arg14 : memref<!tpu.dma_semaphore, #tpu.memory_space<semaphore_mem>>)
      %dma_wait3A_191 = arith.constant 2 : i32
      %dma_wait3A_192 = arith.constant 0 : i32
      %dma_wait3A_193 = tpu.memref_slice %arg7[%rem3A_126, %dma_wait3A_191, %dma_wait3A_192] : memref<2x10x100xi32, #tpu.memory_space<vmem>> -> memref<1x1x100xi32, #tpu.memory_space<vmem>>
      %dma_wait3A_194 = tpu.memref_squeeze %dma_wait3A_193 : memref<1x1x100xi32, #tpu.memory_space<vmem>> -> memref<100xi32, #tpu.memory_space<vmem>>
      %dma_wait3A_195 = arith.constant 0 : i32
      %dma_wait3A_196 = arith.constant 0 : i32
      %dma_wait3A_197 = tpu.memref_slice %arg4[%dma_wait3A_195, %dma_wait3A_196] : memref<20000x128xf32, #tpu.memory_space<hbm>> -> memref<20000x128xf32, #tpu.memory_space<hbm>>
      tpu.wait_indirect_dma semaphore(%arg13 : memref<!tpu.dma_semaphore, #tpu.memory_space<semaphore_mem>>) src(%dma_wait3A_197 : memref<20000x128xf32, #tpu.memory_space<hbm>>) dst(%arg9 : memref<100x128xf32, #tpu.memory_space<vmem>>)
      %dma_start3A_198 = arith.constant 2 : i32
      %dma_start3A_199 = arith.constant 0 : i32
      %dma_start3A_200 = tpu.memref_slice %arg8[%rem3A_126, %dma_start3A_198, %dma_start3A_199] : memref<2x10x100xi32, #tpu.memory_space<vmem>> -> memref<1x1x100xi32, #tpu.memory_space<vmem>>
      %dma_start3A_201 = tpu.memref_squeeze %dma_start3A_200 : memref<1x1x100xi32, #tpu.memory_space<vmem>> -> memref<100xi32, #tpu.memory_space<vmem>>
      %dma_start3A_202 = arith.constant 0 : i32
      %dma_start3A_203 = arith.constant 0 : i32
      %dma_start3A_204 = tpu.memref_slice %arg17[%dma_start3A_202, %dma_start3A_203] : memref<10112x128xf32, #tpu.memory_space<vmem_shared>> -> memref<10112x128xf32, #tpu.memory_space<vmem_shared>>
      tpu.enqueue_indirect_dma source(%arg9 : memref<100x128xf32, #tpu.memory_space<vmem>>) target(%dma_start3A_204 : memref<10112x128xf32, #tpu.memory_space<vmem_shared>>) offsets(%dma_start3A_201 : memref<100xi32, #tpu.memory_space<vmem>>) semaphore(%arg15 : memref<!tpu.dma_semaphore, #tpu.memory_space<semaphore_mem>>) {add = true}
      %dma_wait3A_205 = arith.constant 3 : i32
      %dma_wait3A_206 = arith.constant 0 : i32
      %dma_wait3A_207 = tpu.memref_slice %arg7[%rem3A_126, %dma_wait3A_205, %dma_wait3A_206] : memref<2x10x100xi32, #tpu.memory_space<vmem>> -> memref<1x1x100xi32, #tpu.memory_space<vmem>>
      %dma_wait3A_208 = tpu.memref_squeeze %dma_wait3A_207 : memref<1x1x100xi32, #tpu.memory_space<vmem>> -> memref<100xi32, #tpu.memory_space<vmem>>
      %dma_wait3A_209 = arith.constant 0 : i32
      %dma_wait3A_210 = arith.constant 0 : i32
      %dma_wait3A_211 = tpu.memref_slice %arg4[%dma_wait3A_209, %dma_wait3A_210] : memref<20000x128xf32, #tpu.memory_space<hbm>> -> memref<20000x128xf32, #tpu.memory_space<hbm>>
      tpu.wait_indirect_dma semaphore(%arg14 : memref<!tpu.dma_semaphore, #tpu.memory_space<semaphore_mem>>) src(%dma_wait3A_211 : memref<20000x128xf32, #tpu.memory_space<hbm>>) dst(%arg10 : memref<100x128xf32, #tpu.memory_space<vmem>>)
      %dma_start3A_212 = arith.constant 3 : i32
      %dma_start3A_213 = arith.constant 0 : i32
      %dma_start3A_214 = tpu.memref_slice %arg8[%rem3A_126, %dma_start3A_212, %dma_start3A_213] : memref<2x10x100xi32, #tpu.memory_space<vmem>> -> memref<1x1x100xi32, #tpu.memory_space<vmem>>
      %dma_start3A_215 = tpu.memref_squeeze %dma_start3A_214 : memref<1x1x100xi32, #tpu.memory_space<vmem>> -> memref<100xi32, #tpu.memory_space<vmem>>
      %dma_start3A_216 = arith.constant 0 : i32
      %dma_start3A_217 = arith.constant 0 : i32
      %dma_start3A_218 = tpu.memref_slice %arg17[%dma_start3A_216, %dma_start3A_217] : memref<10112x128xf32, #tpu.memory_space<vmem_shared>> -> memref<10112x128xf32, #tpu.memory_space<vmem_shared>>
      tpu.enqueue_indirect_dma source(%arg10 : memref<100x128xf32, #tpu.memory_space<vmem>>) target(%dma_start3A_218 : memref<10112x128xf32, #tpu.memory_space<vmem_shared>>) offsets(%dma_start3A_215 : memref<100xi32, #tpu.memory_space<vmem>>) semaphore(%arg16 : memref<!tpu.dma_semaphore, #tpu.memory_space<semaphore_mem>>) {add = true}
      %dma_wait3A_219 = arith.constant 2 : i32
      %dma_wait3A_220 = arith.constant 0 : i32
      %dma_wait3A_221 = tpu.memref_slice %arg8[%rem3A_126, %dma_wait3A_219, %dma_wait3A_220] : memref<2x10x100xi32, #tpu.memory_space<vmem>> -> memref<1x1x100xi32, #tpu.memory_space<vmem>>
      %dma_wait3A_222 = tpu.memref_squeeze %dma_wait3A_221 : memref<1x1x100xi32, #tpu.memory_space<vmem>> -> memref<100xi32, #tpu.memory_space<vmem>>
      %dma_wait3A_223 = arith.constant 0 : i32
      %dma_wait3A_224 = arith.constant 0 : i32
      %dma_wait3A_225 = tpu.memref_slice %arg17[%dma_wait3A_223, %dma_wait3A_224] : memref<10112x128xf32, #tpu.memory_space<vmem_shared>> -> memref<10112x128xf32, #tpu.memory_space<vmem_shared>>
      tpu.wait_indirect_dma semaphore(%arg15 : memref<!tpu.dma_semaphore, #tpu.memory_space<semaphore_mem>>) src(%arg9 : memref<100x128xf32, #tpu.memory_space<vmem>>) dst(%dma_wait3A_225 : memref<10112x128xf32, #tpu.memory_space<vmem_shared>>)
      %dma_start3A_226 = arith.constant 4 : i32
      %dma_start3A_227 = arith.constant 0 : i32
      %dma_start3A_228 = tpu.memref_slice %arg7[%rem3A_126, %dma_start3A_226, %dma_start3A_227] : memref<2x10x100xi32, #tpu.memory_space<vmem>> -> memref<1x1x100xi32, #tpu.memory_space<vmem>>
      %dma_start3A_229 = tpu.memref_squeeze %dma_start3A_228 : memref<1x1x100xi32, #tpu.memory_space<vmem>> -> memref<100xi32, #tpu.memory_space<vmem>>
      %dma_start3A_230 = arith.constant 0 : i32
      %dma_start3A_231 = arith.constant 0 : i32
      %dma_start3A_232 = tpu.memref_slice %arg4[%dma_start3A_230, %dma_start3A_231] : memref<20000x128xf32, #tpu.memory_space<hbm>> -> memref<20000x128xf32, #tpu.memory_space<hbm>>
      tpu.enqueue_indirect_dma source(%dma_start3A_232 : memref<20000x128xf32, #tpu.memory_space<hbm>>) target(%arg9 : memref<100x128xf32, #tpu.memory_space<vmem>>) offsets(%dma_start3A_229 : memref<100xi32, #tpu.memory_space<vmem>>) semaphore(%arg13 : memref<!tpu.dma_semaphore, #tpu.memory_space<semaphore_mem>>)
      %dma_wait3A_233 = arith.constant 3 : i32
      %dma_wait3A_234 = arith.constant 0 : i32
      %dma_wait3A_235 = tpu.memref_slice %arg8[%rem3A_126, %dma_wait3A_233, %dma_wait3A_234] : memref<2x10x100xi32, #tpu.memory_space<vmem>> -> memref<1x1x100xi32, #tpu.memory_space<vmem>>
      %dma_wait3A_236 = tpu.memref_squeeze %dma_wait3A_235 : memref<1x1x100xi32, #tpu.memory_space<vmem>> -> memref<100xi32, #tpu.memory_space<vmem>>
      %dma_wait3A_237 = arith.constant 0 : i32
      %dma_wait3A_238 = arith.constant 0 : i32
      %dma_wait3A_239 = tpu.memref_slice %arg17[%dma_wait3A_237, %dma_wait3A_238] : memref<10112x128xf32, #tpu.memory_space<vmem_shared>> -> memref<10112x128xf32, #tpu.memory_space<vmem_shared>>
      tpu.wait_indirect_dma semaphore(%arg16 : memref<!tpu.dma_semaphore, #tpu.memory_space<semaphore_mem>>) src(%arg10 : memref<100x128xf32, #tpu.memory_space<vmem>>) dst(%dma_wait3A_239 : memref<10112x128xf32, #tpu.memory_space<vmem_shared>>)
      %dma_start3A_240 = arith.constant 5 : i32
      %dma_start3A_241 = arith.constant 0 : i32
      %dma_start3A_242 = tpu.memref_slice %arg7[%rem3A_126, %dma_start3A_240, %dma_start3A_241] : memref<2x10x100xi32, #tpu.memory_space<vmem>> -> memref<1x1x100xi32, #tpu.memory_space<vmem>>
      %dma_start3A_243 = tpu.memref_squeeze %dma_start3A_242 : memref<1x1x100xi32, #tpu.memory_space<vmem>> -> memref<100xi32, #tpu.memory_space<vmem>>
      %dma_start3A_244 = arith.constant 0 : i32
      %dma_start3A_245 = arith.constant 0 : i32
      %dma_start3A_246 = tpu.memref_slice %arg4[%dma_start3A_244, %dma_start3A_245] : memref<20000x128xf32, #tpu.memory_space<hbm>> -> memref<20000x128xf32, #tpu.memory_space<hbm>>
      tpu.enqueue_indirect_dma source(%dma_start3A_246 : memref<20000x128xf32, #tpu.memory_space<hbm>>) target(%arg10 : memref<100x128xf32, #tpu.memory_space<vmem>>) offsets(%dma_start3A_243 : memref<100xi32, #tpu.memory_space<vmem>>) semaphore(%arg14 : memref<!tpu.dma_semaphore, #tpu.memory_space<semaphore_mem>>)
      %dma_wait3A_247 = arith.constant 4 : i32
      %dma_wait3A_248 = arith.constant 0 : i32
      %dma_wait3A_249 = tpu.memref_slice %arg7[%rem3A_126, %dma_wait3A_247, %dma_wait3A_248] : memref<2x10x100xi32, #tpu.memory_space<vmem>> -> memref<1x1x100xi32, #tpu.memory_space<vmem>>
      %dma_wait3A_250 = tpu.memref_squeeze %dma_wait3A_249 : memref<1x1x100xi32, #tpu.memory_space<vmem>> -> memref<100xi32, #tpu.memory_space<vmem>>
      %dma_wait3A_251 = arith.constant 0 : i32
      %dma_wait3A_252 = arith.constant 0 : i32
      %dma_wait3A_253 = tpu.memref_slice %arg4[%dma_wait3A_251, %dma_wait3A_252] : memref<20000x128xf32, #tpu.memory_space<hbm>> -> memref<20000x128xf32, #tpu.memory_space<hbm>>
      tpu.wait_indirect_dma semaphore(%arg13 : memref<!tpu.dma_semaphore, #tpu.memory_space<semaphore_mem>>) src(%dma_wait3A_253 : memref<20000x128xf32, #tpu.memory_space<hbm>>) dst(%arg9 : memref<100x128xf32, #tpu.memory_space<vmem>>)
      %dma_start3A_254 = arith.constant 4 : i32
      %dma_start3A_255 = arith.constant 0 : i32
      %dma_start3A_256 = tpu.memref_slice %arg8[%rem3A_126, %dma_start3A_254, %dma_start3A_255] : memref<2x10x100xi32, #tpu.memory_space<vmem>> -> memref<1x1x100xi32, #tpu.memory_space<vmem>>
      %dma_start3A_257 = tpu.memref_squeeze %dma_start3A_256 : memref<1x1x100xi32, #tpu.memory_space<vmem>> -> memref<100xi32, #tpu.memory_space<vmem>>
      %dma_start3A_258 = arith.constant 0 : i32
      %dma_start3A_259 = arith.constant 0 : i32
      %dma_start3A_260 = tpu.memref_slice %arg17[%dma_start3A_258, %dma_start3A_259] : memref<10112x128xf32, #tpu.memory_space<vmem_shared>> -> memref<10112x128xf32, #tpu.memory_space<vmem_shared>>
      tpu.enqueue_indirect_dma source(%arg9 : memref<100x128xf32, #tpu.memory_space<vmem>>) target(%dma_start3A_260 : memref<10112x128xf32, #tpu.memory_space<vmem_shared>>) offsets(%dma_start3A_257 : memref<100xi32, #tpu.memory_space<vmem>>) semaphore(%arg15 : memref<!tpu.dma_semaphore, #tpu.memory_space<semaphore_mem>>) {add = true}
      %dma_wait3A_261 = arith.constant 5 : i32
      %dma_wait3A_262 = arith.constant 0 : i32
      %dma_wait3A_263 = tpu.memref_slice %arg7[%rem3A_126, %dma_wait3A_261, %dma_wait3A_262] : memref<2x10x100xi32, #tpu.memory_space<vmem>> -> memref<1x1x100xi32, #tpu.memory_space<vmem>>
      %dma_wait3A_264 = tpu.memref_squeeze %dma_wait3A_263 : memref<1x1x100xi32, #tpu.memory_space<vmem>> -> memref<100xi32, #tpu.memory_space<vmem>>
      %dma_wait3A_265 = arith.constant 0 : i32
      %dma_wait3A_266 = arith.constant 0 : i32
      %dma_wait3A_267 = tpu.memref_slice %arg4[%dma_wait3A_265, %dma_wait3A_266] : memref<20000x128xf32, #tpu.memory_space<hbm>> -> memref<20000x128xf32, #tpu.memory_space<hbm>>
      tpu.wait_indirect_dma semaphore(%arg14 : memref<!tpu.dma_semaphore, #tpu.memory_space<semaphore_mem>>) src(%dma_wait3A_267 : memref<20000x128xf32, #tpu.memory_space<hbm>>) dst(%arg10 : memref<100x128xf32, #tpu.memory_space<vmem>>)
      %dma_start3A_268 = arith.constant 5 : i32
      %dma_start3A_269 = arith.constant 0 : i32
      %dma_start3A_270 = tpu.memref_slice %arg8[%rem3A_126, %dma_start3A_268, %dma_start3A_269] : memref<2x10x100xi32, #tpu.memory_space<vmem>> -> memref<1x1x100xi32, #tpu.memory_space<vmem>>
      %dma_start3A_271 = tpu.memref_squeeze %dma_start3A_270 : memref<1x1x100xi32, #tpu.memory_space<vmem>> -> memref<100xi32, #tpu.memory_space<vmem>>
      %dma_start3A_272 = arith.constant 0 : i32
      %dma_start3A_273 = arith.constant 0 : i32
      %dma_start3A_274 = tpu.memref_slice %arg17[%dma_start3A_272, %dma_start3A_273] : memref<10112x128xf32, #tpu.memory_space<vmem_shared>> -> memref<10112x128xf32, #tpu.memory_space<vmem_shared>>
      tpu.enqueue_indirect_dma source(%arg10 : memref<100x128xf32, #tpu.memory_space<vmem>>) target(%dma_start3A_274 : memref<10112x128xf32, #tpu.memory_space<vmem_shared>>) offsets(%dma_start3A_271 : memref<100xi32, #tpu.memory_space<vmem>>) semaphore(%arg16 : memref<!tpu.dma_semaphore, #tpu.memory_space<semaphore_mem>>) {add = true}
      %dma_wait3A_275 = arith.constant 4 : i32
      %dma_wait3A_276 = arith.constant 0 : i32
      %dma_wait3A_277 = tpu.memref_slice %arg8[%rem3A_126, %dma_wait3A_275, %dma_wait3A_276] : memref<2x10x100xi32, #tpu.memory_space<vmem>> -> memref<1x1x100xi32, #tpu.memory_space<vmem>>
      %dma_wait3A_278 = tpu.memref_squeeze %dma_wait3A_277 : memref<1x1x100xi32, #tpu.memory_space<vmem>> -> memref<100xi32, #tpu.memory_space<vmem>>
      %dma_wait3A_279 = arith.constant 0 : i32
      %dma_wait3A_280 = arith.constant 0 : i32
      %dma_wait3A_281 = tpu.memref_slice %arg17[%dma_wait3A_279, %dma_wait3A_280] : memref<10112x128xf32, #tpu.memory_space<vmem_shared>> -> memref<10112x128xf32, #tpu.memory_space<vmem_shared>>
      tpu.wait_indirect_dma semaphore(%arg15 : memref<!tpu.dma_semaphore, #tpu.memory_space<semaphore_mem>>) src(%arg9 : memref<100x128xf32, #tpu.memory_space<vmem>>) dst(%dma_wait3A_281 : memref<10112x128xf32, #tpu.memory_space<vmem_shared>>)
      %dma_start3A_282 = arith.constant 6 : i32
      %dma_start3A_283 = arith.constant 0 : i32
      %dma_start3A_284 = tpu.memref_slice %arg7[%rem3A_126, %dma_start3A_282, %dma_start3A_283] : memref<2x10x100xi32, #tpu.memory_space<vmem>> -> memref<1x1x100xi32, #tpu.memory_space<vmem>>
      %dma_start3A_285 = tpu.memref_squeeze %dma_start3A_284 : memref<1x1x100xi32, #tpu.memory_space<vmem>> -> memref<100xi32, #tpu.memory_space<vmem>>
      %dma_start3A_286 = arith.constant 0 : i32
      %dma_start3A_287 = arith.constant 0 : i32
      %dma_start3A_288 = tpu.memref_slice %arg4[%dma_start3A_286, %dma_start3A_287] : memref<20000x128xf32, #tpu.memory_space<hbm>> -> memref<20000x128xf32, #tpu.memory_space<hbm>>
      tpu.enqueue_indirect_dma source(%dma_start3A_288 : memref<20000x128xf32, #tpu.memory_space<hbm>>) target(%arg9 : memref<100x128xf32, #tpu.memory_space<vmem>>) offsets(%dma_start3A_285 : memref<100xi32, #tpu.memory_space<vmem>>) semaphore(%arg13 : memref<!tpu.dma_semaphore, #tpu.memory_space<semaphore_mem>>)
      %dma_wait3A_289 = arith.constant 5 : i32
      %dma_wait3A_290 = arith.constant 0 : i32
      %dma_wait3A_291 = tpu.memref_slice %arg8[%rem3A_126, %dma_wait3A_289, %dma_wait3A_290] : memref<2x10x100xi32, #tpu.memory_space<vmem>> -> memref<1x1x100xi32, #tpu.memory_space<vmem>>
      %dma_wait3A_292 = tpu.memref_squeeze %dma_wait3A_291 : memref<1x1x100xi32, #tpu.memory_space<vmem>> -> memref<100xi32, #tpu.memory_space<vmem>>
      %dma_wait3A_293 = arith.constant 0 : i32
      %dma_wait3A_294 = arith.constant 0 : i32
      %dma_wait3A_295 = tpu.memref_slice %arg17[%dma_wait3A_293, %dma_wait3A_294] : memref<10112x128xf32, #tpu.memory_space<vmem_shared>> -> memref<10112x128xf32, #tpu.memory_space<vmem_shared>>
      tpu.wait_indirect_dma semaphore(%arg16 : memref<!tpu.dma_semaphore, #tpu.memory_space<semaphore_mem>>) src(%arg10 : memref<100x128xf32, #tpu.memory_space<vmem>>) dst(%dma_wait3A_295 : memref<10112x128xf32, #tpu.memory_space<vmem_shared>>)
      %dma_start3A_296 = arith.constant 7 : i32
      %dma_start3A_297 = arith.constant 0 : i32
      %dma_start3A_298 = tpu.memref_slice %arg7[%rem3A_126, %dma_start3A_296, %dma_start3A_297] : memref<2x10x100xi32, #tpu.memory_space<vmem>> -> memref<1x1x100xi32, #tpu.memory_space<vmem>>
      %dma_start3A_299 = tpu.memref_squeeze %dma_start3A_298 : memref<1x1x100xi32, #tpu.memory_space<vmem>> -> memref<100xi32, #tpu.memory_space<vmem>>
      %dma_start3A_300 = arith.constant 0 : i32
      %dma_start3A_301 = arith.constant 0 : i32
      %dma_start3A_302 = tpu.memref_slice %arg4[%dma_start3A_300, %dma_start3A_301] : memref<20000x128xf32, #tpu.memory_space<hbm>> -> memref<20000x128xf32, #tpu.memory_space<hbm>>
      tpu.enqueue_indirect_dma source(%dma_start3A_302 : memref<20000x128xf32, #tpu.memory_space<hbm>>) target(%arg10 : memref<100x128xf32, #tpu.memory_space<vmem>>) offsets(%dma_start3A_299 : memref<100xi32, #tpu.memory_space<vmem>>) semaphore(%arg14 : memref<!tpu.dma_semaphore, #tpu.memory_space<semaphore_mem>>)
      %dma_wait3A_303 = arith.constant 6 : i32
      %dma_wait3A_304 = arith.constant 0 : i32
      %dma_wait3A_305 = tpu.memref_slice %arg7[%rem3A_126, %dma_wait3A_303, %dma_wait3A_304] : memref<2x10x100xi32, #tpu.memory_space<vmem>> -> memref<1x1x100xi32, #tpu.memory_space<vmem>>
      %dma_wait3A_306 = tpu.memref_squeeze %dma_wait3A_305 : memref<1x1x100xi32, #tpu.memory_space<vmem>> -> memref<100xi32, #tpu.memory_space<vmem>>
      %dma_wait3A_307 = arith.constant 0 : i32
      %dma_wait3A_308 = arith.constant 0 : i32
      %dma_wait3A_309 = tpu.memref_slice %arg4[%dma_wait3A_307, %dma_wait3A_308] : memref<20000x128xf32, #tpu.memory_space<hbm>> -> memref<20000x128xf32, #tpu.memory_space<hbm>>
      tpu.wait_indirect_dma semaphore(%arg13 : memref<!tpu.dma_semaphore, #tpu.memory_space<semaphore_mem>>) src(%dma_wait3A_309 : memref<20000x128xf32, #tpu.memory_space<hbm>>) dst(%arg9 : memref<100x128xf32, #tpu.memory_space<vmem>>)
      %dma_start3A_310 = arith.constant 6 : i32
      %dma_start3A_311 = arith.constant 0 : i32
      %dma_start3A_312 = tpu.memref_slice %arg8[%rem3A_126, %dma_start3A_310, %dma_start3A_311] : memref<2x10x100xi32, #tpu.memory_space<vmem>> -> memref<1x1x100xi32, #tpu.memory_space<vmem>>
      %dma_start3A_313 = tpu.memref_squeeze %dma_start3A_312 : memref<1x1x100xi32, #tpu.memory_space<vmem>> -> memref<100xi32, #tpu.memory_space<vmem>>
      %dma_start3A_314 = arith.constant 0 : i32
      %dma_start3A_315 = arith.constant 0 : i32
      %dma_start3A_316 = tpu.memref_slice %arg17[%dma_start3A_314, %dma_start3A_315] : memref<10112x128xf32, #tpu.memory_space<vmem_shared>> -> memref<10112x128xf32, #tpu.memory_space<vmem_shared>>
      tpu.enqueue_indirect_dma source(%arg9 : memref<100x128xf32, #tpu.memory_space<vmem>>) target(%dma_start3A_316 : memref<10112x128xf32, #tpu.memory_space<vmem_shared>>) offsets(%dma_start3A_313 : memref<100xi32, #tpu.memory_space<vmem>>) semaphore(%arg15 : memref<!tpu.dma_semaphore, #tpu.memory_space<semaphore_mem>>) {add = true}
      %dma_wait3A_317 = arith.constant 7 : i32
      %dma_wait3A_318 = arith.constant 0 : i32
      %dma_wait3A_319 = tpu.memref_slice %arg7[%rem3A_126, %dma_wait3A_317, %dma_wait3A_318] : memref<2x10x100xi32, #tpu.memory_space<vmem>> -> memref<1x1x100xi32, #tpu.memory_space<vmem>>
      %dma_wait3A_320 = tpu.memref_squeeze %dma_wait3A_319 : memref<1x1x100xi32, #tpu.memory_space<vmem>> -> memref<100xi32, #tpu.memory_space<vmem>>
      %dma_wait3A_321 = arith.constant 0 : i32
      %dma_wait3A_322 = arith.constant 0 : i32
      %dma_wait3A_323 = tpu.memref_slice %arg4[%dma_wait3A_321, %dma_wait3A_322] : memref<20000x128xf32, #tpu.memory_space<hbm>> -> memref<20000x128xf32, #tpu.memory_space<hbm>>
      tpu.wait_indirect_dma semaphore(%arg14 : memref<!tpu.dma_semaphore, #tpu.memory_space<semaphore_mem>>) src(%dma_wait3A_323 : memref<20000x128xf32, #tpu.memory_space<hbm>>) dst(%arg10 : memref<100x128xf32, #tpu.memory_space<vmem>>)
      %dma_start3A_324 = arith.constant 7 : i32
      %dma_start3A_325 = arith.constant 0 : i32
      %dma_start3A_326 = tpu.memref_slice %arg8[%rem3A_126, %dma_start3A_324, %dma_start3A_325] : memref<2x10x100xi32, #tpu.memory_space<vmem>> -> memref<1x1x100xi32, #tpu.memory_space<vmem>>
      %dma_start3A_327 = tpu.memref_squeeze %dma_start3A_326 : memref<1x1x100xi32, #tpu.memory_space<vmem>> -> memref<100xi32, #tpu.memory_space<vmem>>
      %dma_start3A_328 = arith.constant 0 : i32
      %dma_start3A_329 = arith.constant 0 : i32
      %dma_start3A_330 = tpu.memref_slice %arg17[%dma_start3A_328, %dma_start3A_329] : memref<10112x128xf32, #tpu.memory_space<vmem_shared>> -> memref<10112x128xf32, #tpu.memory_space<vmem_shared>>
      tpu.enqueue_indirect_dma source(%arg10 : memref<100x128xf32, #tpu.memory_space<vmem>>) target(%dma_start3A_330 : memref<10112x128xf32, #tpu.memory_space<vmem_shared>>) offsets(%dma_start3A_327 : memref<100xi32, #tpu.memory_space<vmem>>) semaphore(%arg16 : memref<!tpu.dma_semaphore, #tpu.memory_space<semaphore_mem>>) {add = true}
      %dma_wait3A_331 = arith.constant 6 : i32
      %dma_wait3A_332 = arith.constant 0 : i32
      %dma_wait3A_333 = tpu.memref_slice %arg8[%rem3A_126, %dma_wait3A_331, %dma_wait3A_332] : memref<2x10x100xi32, #tpu.memory_space<vmem>> -> memref<1x1x100xi32, #tpu.memory_space<vmem>>
      %dma_wait3A_334 = tpu.memref_squeeze %dma_wait3A_333 : memref<1x1x100xi32, #tpu.memory_space<vmem>> -> memref<100xi32, #tpu.memory_space<vmem>>
      %dma_wait3A_335 = arith.constant 0 : i32
      %dma_wait3A_336 = arith.constant 0 : i32
      %dma_wait3A_337 = tpu.memref_slice %arg17[%dma_wait3A_335, %dma_wait3A_336] : memref<10112x128xf32, #tpu.memory_space<vmem_shared>> -> memref<10112x128xf32, #tpu.memory_space<vmem_shared>>
      tpu.wait_indirect_dma semaphore(%arg15 : memref<!tpu.dma_semaphore, #tpu.memory_space<semaphore_mem>>) src(%arg9 : memref<100x128xf32, #tpu.memory_space<vmem>>) dst(%dma_wait3A_337 : memref<10112x128xf32, #tpu.memory_space<vmem_shared>>)
      %dma_start3A_338 = arith.constant 8 : i32
      %dma_start3A_339 = arith.constant 0 : i32
      %dma_start3A_340 = tpu.memref_slice %arg7[%rem3A_126, %dma_start3A_338, %dma_start3A_339] : memref<2x10x100xi32, #tpu.memory_space<vmem>> -> memref<1x1x100xi32, #tpu.memory_space<vmem>>
      %dma_start3A_341 = tpu.memref_squeeze %dma_start3A_340 : memref<1x1x100xi32, #tpu.memory_space<vmem>> -> memref<100xi32, #tpu.memory_space<vmem>>
      %dma_start3A_342 = arith.constant 0 : i32
      %dma_start3A_343 = arith.constant 0 : i32
      %dma_start3A_344 = tpu.memref_slice %arg4[%dma_start3A_342, %dma_start3A_343] : memref<20000x128xf32, #tpu.memory_space<hbm>> -> memref<20000x128xf32, #tpu.memory_space<hbm>>
      tpu.enqueue_indirect_dma source(%dma_start3A_344 : memref<20000x128xf32, #tpu.memory_space<hbm>>) target(%arg9 : memref<100x128xf32, #tpu.memory_space<vmem>>) offsets(%dma_start3A_341 : memref<100xi32, #tpu.memory_space<vmem>>) semaphore(%arg13 : memref<!tpu.dma_semaphore, #tpu.memory_space<semaphore_mem>>)
      %dma_wait3A_345 = arith.constant 7 : i32
      %dma_wait3A_346 = arith.constant 0 : i32
      %dma_wait3A_347 = tpu.memref_slice %arg8[%rem3A_126, %dma_wait3A_345, %dma_wait3A_346] : memref<2x10x100xi32, #tpu.memory_space<vmem>> -> memref<1x1x100xi32, #tpu.memory_space<vmem>>
      %dma_wait3A_348 = tpu.memref_squeeze %dma_wait3A_347 : memref<1x1x100xi32, #tpu.memory_space<vmem>> -> memref<100xi32, #tpu.memory_space<vmem>>
      %dma_wait3A_349 = arith.constant 0 : i32
      %dma_wait3A_350 = arith.constant 0 : i32
      %dma_wait3A_351 = tpu.memref_slice %arg17[%dma_wait3A_349, %dma_wait3A_350] : memref<10112x128xf32, #tpu.memory_space<vmem_shared>> -> memref<10112x128xf32, #tpu.memory_space<vmem_shared>>
      tpu.wait_indirect_dma semaphore(%arg16 : memref<!tpu.dma_semaphore, #tpu.memory_space<semaphore_mem>>) src(%arg10 : memref<100x128xf32, #tpu.memory_space<vmem>>) dst(%dma_wait3A_351 : memref<10112x128xf32, #tpu.memory_space<vmem_shared>>)
      %dma_start3A_352 = arith.constant 9 : i32
      %dma_start3A_353 = arith.constant 0 : i32
      %dma_start3A_354 = tpu.memref_slice %arg7[%rem3A_126, %dma_start3A_352, %dma_start3A_353] : memref<2x10x100xi32, #tpu.memory_space<vmem>> -> memref<1x1x100xi32, #tpu.memory_space<vmem>>
      %dma_start3A_355 = tpu.memref_squeeze %dma_start3A_354 : memref<1x1x100xi32, #tpu.memory_space<vmem>> -> memref<100xi32, #tpu.memory_space<vmem>>
      %dma_start3A_356 = arith.constant 0 : i32
      %dma_start3A_357 = arith.constant 0 : i32
      %dma_start3A_358 = tpu.memref_slice %arg4[%dma_start3A_356, %dma_start3A_357] : memref<20000x128xf32, #tpu.memory_space<hbm>> -> memref<20000x128xf32, #tpu.memory_space<hbm>>
      tpu.enqueue_indirect_dma source(%dma_start3A_358 : memref<20000x128xf32, #tpu.memory_space<hbm>>) target(%arg10 : memref<100x128xf32, #tpu.memory_space<vmem>>) offsets(%dma_start3A_355 : memref<100xi32, #tpu.memory_space<vmem>>) semaphore(%arg14 : memref<!tpu.dma_semaphore, #tpu.memory_space<semaphore_mem>>)
      %dma_wait3A_359 = arith.constant 8 : i32
      %dma_wait3A_360 = arith.constant 0 : i32
      %dma_wait3A_361 = tpu.memref_slice %arg7[%rem3A_126, %dma_wait3A_359, %dma_wait3A_360] : memref<2x10x100xi32, #tpu.memory_space<vmem>> -> memref<1x1x100xi32, #tpu.memory_space<vmem>>
      %dma_wait3A_362 = tpu.memref_squeeze %dma_wait3A_361 : memref<1x1x100xi32, #tpu.memory_space<vmem>> -> memref<100xi32, #tpu.memory_space<vmem>>
      %dma_wait3A_363 = arith.constant 0 : i32
      %dma_wait3A_364 = arith.constant 0 : i32
      %dma_wait3A_365 = tpu.memref_slice %arg4[%dma_wait3A_363, %dma_wait3A_364] : memref<20000x128xf32, #tpu.memory_space<hbm>> -> memref<20000x128xf32, #tpu.memory_space<hbm>>
      tpu.wait_indirect_dma semaphore(%arg13 : memref<!tpu.dma_semaphore, #tpu.memory_space<semaphore_mem>>) src(%dma_wait3A_365 : memref<20000x128xf32, #tpu.memory_space<hbm>>) dst(%arg9 : memref<100x128xf32, #tpu.memory_space<vmem>>)
      %dma_start3A_366 = arith.constant 8 : i32
      %dma_start3A_367 = arith.constant 0 : i32
      %dma_start3A_368 = tpu.memref_slice %arg8[%rem3A_126, %dma_start3A_366, %dma_start3A_367] : memref<2x10x100xi32, #tpu.memory_space<vmem>> -> memref<1x1x100xi32, #tpu.memory_space<vmem>>
      %dma_start3A_369 = tpu.memref_squeeze %dma_start3A_368 : memref<1x1x100xi32, #tpu.memory_space<vmem>> -> memref<100xi32, #tpu.memory_space<vmem>>
      %dma_start3A_370 = arith.constant 0 : i32
      %dma_start3A_371 = arith.constant 0 : i32
      %dma_start3A_372 = tpu.memref_slice %arg17[%dma_start3A_370, %dma_start3A_371] : memref<10112x128xf32, #tpu.memory_space<vmem_shared>> -> memref<10112x128xf32, #tpu.memory_space<vmem_shared>>
      tpu.enqueue_indirect_dma source(%arg9 : memref<100x128xf32, #tpu.memory_space<vmem>>) target(%dma_start3A_372 : memref<10112x128xf32, #tpu.memory_space<vmem_shared>>) offsets(%dma_start3A_369 : memref<100xi32, #tpu.memory_space<vmem>>) semaphore(%arg15 : memref<!tpu.dma_semaphore, #tpu.memory_space<semaphore_mem>>) {add = true}
      %dma_wait3A_373 = arith.constant 9 : i32
      %dma_wait3A_374 = arith.constant 0 : i32
      %dma_wait3A_375 = tpu.memref_slice %arg7[%rem3A_126, %dma_wait3A_373, %dma_wait3A_374] : memref<2x10x100xi32, #tpu.memory_space<vmem>> -> memref<1x1x100xi32, #tpu.memory_space<vmem>>
      %dma_wait3A_376 = tpu.memref_squeeze %dma_wait3A_375 : memref<1x1x100xi32, #tpu.memory_space<vmem>> -> memref<100xi32, #tpu.memory_space<vmem>>
      %dma_wait3A_377 = arith.constant 0 : i32
      %dma_wait3A_378 = arith.constant 0 : i32
      %dma_wait3A_379 = tpu.memref_slice %arg4[%dma_wait3A_377, %dma_wait3A_378] : memref<20000x128xf32, #tpu.memory_space<hbm>> -> memref<20000x128xf32, #tpu.memory_space<hbm>>
      tpu.wait_indirect_dma semaphore(%arg14 : memref<!tpu.dma_semaphore, #tpu.memory_space<semaphore_mem>>) src(%dma_wait3A_379 : memref<20000x128xf32, #tpu.memory_space<hbm>>) dst(%arg10 : memref<100x128xf32, #tpu.memory_space<vmem>>)
      %dma_start3A_380 = arith.constant 9 : i32
      %dma_start3A_381 = arith.constant 0 : i32
      %dma_start3A_382 = tpu.memref_slice %arg8[%rem3A_126, %dma_start3A_380, %dma_start3A_381] : memref<2x10x100xi32, #tpu.memory_space<vmem>> -> memref<1x1x100xi32, #tpu.memory_space<vmem>>
      %dma_start3A_383 = tpu.memref_squeeze %dma_start3A_382 : memref<1x1x100xi32, #tpu.memory_space<vmem>> -> memref<100xi32, #tpu.memory_space<vmem>>
      %dma_start3A_384 = arith.constant 0 : i32
      %dma_start3A_385 = arith.constant 0 : i32
      %dma_start3A_386 = tpu.memref_slice %arg17[%dma_start3A_384, %dma_start3A_385] : memref<10112x128xf32, #tpu.memory_space<vmem_shared>> -> memref<10112x128xf32, #tpu.memory_space<vmem_shared>>
      tpu.enqueue_indirect_dma source(%arg10 : memref<100x128xf32, #tpu.memory_space<vmem>>) target(%dma_start3A_386 : memref<10112x128xf32, #tpu.memory_space<vmem_shared>>) offsets(%dma_start3A_383 : memref<100xi32, #tpu.memory_space<vmem>>) semaphore(%arg16 : memref<!tpu.dma_semaphore, #tpu.memory_space<semaphore_mem>>) {add = true}
      %add3A_387 = arith.constant 1 : i32
      %add3A_388 = arith.addi %scan3A_125, %add3A_387 : i32
      %lt3A_389 = arith.constant 10 : i32
      %lt3A_390 = arith.cmpi slt, %add3A_388, %lt3A_389 : i32
      %convert_element_type3A_391 = arith.extui %lt3A_390 : i1 to i32
      %cond3A_392 = arith.constant 0 : i32
      %cond3A_393 = arith.cmpi ne, %convert_element_type3A_391, %cond3A_392 : i32
      scf.if %cond3A_393 {
        %add3A_394 = arith.constant 1 : i32
        %add3A_395 = arith.addi %scan3A_125, %add3A_394 : i32
        %dma_wait3A_396 = arith.constant 0 : i32
        %dma_wait3A_397 = arith.constant 0 : i32
        %dma_wait3A_398 = tpu.memref_slice %arg7[%sub3A_127, %dma_wait3A_396, %dma_wait3A_397] : memref<2x10x100xi32, #tpu.memory_space<vmem>> -> memref<1x10x100xi32, #tpu.memory_space<vmem>>
        %dma_wait3A_399 = tpu.memref_squeeze %dma_wait3A_398 : memref<1x10x100xi32, #tpu.memory_space<vmem>> -> memref<10x100xi32, #tpu.memory_space<vmem>>
        %dma_wait3A_400 = arith.constant 0 : i32
        %dma_wait3A_401 = arith.constant 0 : i32
        %dma_wait3A_402 = tpu.memref_slice %arg2[%arg0, %arg1, %add3A_395, %dma_wait3A_400, %dma_wait3A_401] : memref<2x16x10x10x100xi32, #tpu.memory_space<hbm>> -> memref<1x1x1x10x100xi32, #tpu.memory_space<hbm>>
        %dma_wait3A_403 = tpu.memref_squeeze %dma_wait3A_402 : memref<1x1x1x10x100xi32, #tpu.memory_space<hbm>> -> memref<10x100xi32, #tpu.memory_space<hbm>>
        %dma_wait3A_404 = tpu.memref_slice %arg11[%sub3A_127] : memref<2x!tpu.dma_semaphore, #tpu.memory_space<semaphore_mem>> -> memref<1x!tpu.dma_semaphore, #tpu.memory_space<semaphore_mem>>
        %dma_wait3A_405 = tpu.memref_squeeze %dma_wait3A_404 : memref<1x!tpu.dma_semaphore, #tpu.memory_space<semaphore_mem>> -> memref<!tpu.dma_semaphore, #tpu.memory_space<semaphore_mem>>
        %dma_wait3A_406 = arith.constant 0 : i32
        %dma_wait3A_407 = arith.constant 0 : i32
        %dma_wait3A_408 = tpu.memref_slice %arg7[%sub3A_127, %dma_wait3A_406, %dma_wait3A_407] : memref<2x10x100xi32, #tpu.memory_space<vmem>> -> memref<1x10x100xi32, #tpu.memory_space<vmem>>
        %dma_wait3A_409 = tpu.memref_squeeze %dma_wait3A_408 : memref<1x10x100xi32, #tpu.memory_space<vmem>> -> memref<10x100xi32, #tpu.memory_space<vmem>>
        %dma_wait3A_410 = arith.constant 0 : i32
        %dma_wait3A_411 = arith.constant 0 : i32
        %dma_wait3A_412 = tpu.memref_slice %arg2[%arg0, %arg1, %add3A_395, %dma_wait3A_410, %dma_wait3A_411] : memref<2x16x10x10x100xi32, #tpu.memory_space<hbm>> -> memref<1x1x1x10x100xi32, #tpu.memory_space<hbm>>
        %dma_wait3A_413 = tpu.memref_squeeze %dma_wait3A_412 : memref<1x1x1x10x100xi32, #tpu.memory_space<hbm>> -> memref<10x100xi32, #tpu.memory_space<hbm>>
        tpu.wait_dma2 semaphore(%dma_wait3A_405 : memref<!tpu.dma_semaphore, #tpu.memory_space<semaphore_mem>>) src(%dma_wait3A_413 : memref<10x100xi32, #tpu.memory_space<hbm>>) dst(%dma_wait3A_409 : memref<10x100xi32, #tpu.memory_space<vmem>>)
        %dma_wait3A_414 = arith.constant 8 : i32
        %dma_wait3A_415 = arith.constant 0 : i32
        %dma_wait3A_416 = tpu.memref_slice %arg8[%rem3A_126, %dma_wait3A_414, %dma_wait3A_415] : memref<2x10x100xi32, #tpu.memory_space<vmem>> -> memref<1x1x100xi32, #tpu.memory_space<vmem>>
        %dma_wait3A_417 = tpu.memref_squeeze %dma_wait3A_416 : memref<1x1x100xi32, #tpu.memory_space<vmem>> -> memref<100xi32, #tpu.memory_space<vmem>>
        %dma_wait3A_418 = arith.constant 0 : i32
        %dma_wait3A_419 = arith.constant 0 : i32
        %dma_wait3A_420 = tpu.memref_slice %arg17[%dma_wait3A_418, %dma_wait3A_419] : memref<10112x128xf32, #tpu.memory_space<vmem_shared>> -> memref<10112x128xf32, #tpu.memory_space<vmem_shared>>
        tpu.wait_indirect_dma semaphore(%arg15 : memref<!tpu.dma_semaphore, #tpu.memory_space<semaphore_mem>>) src(%arg9 : memref<100x128xf32, #tpu.memory_space<vmem>>) dst(%dma_wait3A_420 : memref<10112x128xf32, #tpu.memory_space<vmem_shared>>)
        %dma_start3A_421 = arith.constant 0 : i32
        %dma_start3A_422 = arith.constant 0 : i32
        %dma_start3A_423 = tpu.memref_slice %arg7[%sub3A_127, %dma_start3A_421, %dma_start3A_422] : memref<2x10x100xi32, #tpu.memory_space<vmem>> -> memref<1x1x100xi32, #tpu.memory_space<vmem>>
        %dma_start3A_424 = tpu.memref_squeeze %dma_start3A_423 : memref<1x1x100xi32, #tpu.memory_space<vmem>> -> memref<100xi32, #tpu.memory_space<vmem>>
        %dma_start3A_425 = arith.constant 0 : i32
        %dma_start3A_426 = arith.constant 0 : i32
        %dma_start3A_427 = tpu.memref_slice %arg4[%dma_start3A_425, %dma_start3A_426] : memref<20000x128xf32, #tpu.memory_space<hbm>> -> memref<20000x128xf32, #tpu.memory_space<hbm>>
        tpu.enqueue_indirect_dma source(%dma_start3A_427 : memref<20000x128xf32, #tpu.memory_space<hbm>>) target(%arg9 : memref<100x128xf32, #tpu.memory_space<vmem>>) offsets(%dma_start3A_424 : memref<100xi32, #tpu.memory_space<vmem>>) semaphore(%arg13 : memref<!tpu.dma_semaphore, #tpu.memory_space<semaphore_mem>>)
        %dma_wait3A_428 = arith.constant 9 : i32
        %dma_wait3A_429 = arith.constant 0 : i32
        %dma_wait3A_430 = tpu.memref_slice %arg8[%rem3A_126, %dma_wait3A_428, %dma_wait3A_429] : memref<2x10x100xi32, #tpu.memory_space<vmem>> -> memref<1x1x100xi32, #tpu.memory_space<vmem>>
        %dma_wait3A_431 = tpu.memref_squeeze %dma_wait3A_430 : memref<1x1x100xi32, #tpu.memory_space<vmem>> -> memref<100xi32, #tpu.memory_space<vmem>>
        %dma_wait3A_432 = arith.constant 0 : i32
        %dma_wait3A_433 = arith.constant 0 : i32
        %dma_wait3A_434 = tpu.memref_slice %arg17[%dma_wait3A_432, %dma_wait3A_433] : memref<10112x128xf32, #tpu.memory_space<vmem_shared>> -> memref<10112x128xf32, #tpu.memory_space<vmem_shared>>
        tpu.wait_indirect_dma semaphore(%arg16 : memref<!tpu.dma_semaphore, #tpu.memory_space<semaphore_mem>>) src(%arg10 : memref<100x128xf32, #tpu.memory_space<vmem>>) dst(%dma_wait3A_434 : memref<10112x128xf32, #tpu.memory_space<vmem_shared>>)
        %dma_start3A_435 = arith.constant 1 : i32
        %dma_start3A_436 = arith.constant 0 : i32
        %dma_start3A_437 = tpu.memref_slice %arg7[%sub3A_127, %dma_start3A_435, %dma_start3A_436] : memref<2x10x100xi32, #tpu.memory_space<vmem>> -> memref<1x1x100xi32, #tpu.memory_space<vmem>>
        %dma_start3A_438 = tpu.memref_squeeze %dma_start3A_437 : memref<1x1x100xi32, #tpu.memory_space<vmem>> -> memref<100xi32, #tpu.memory_space<vmem>>
        %dma_start3A_439 = arith.constant 0 : i32
        %dma_start3A_440 = arith.constant 0 : i32
        %dma_start3A_441 = tpu.memref_slice %arg4[%dma_start3A_439, %dma_start3A_440] : memref<20000x128xf32, #tpu.memory_space<hbm>> -> memref<20000x128xf32, #tpu.memory_space<hbm>>
        tpu.enqueue_indirect_dma source(%dma_start3A_441 : memref<20000x128xf32, #tpu.memory_space<hbm>>) target(%arg10 : memref<100x128xf32, #tpu.memory_space<vmem>>) offsets(%dma_start3A_438 : memref<100xi32, #tpu.memory_space<vmem>>) semaphore(%arg14 : memref<!tpu.dma_semaphore, #tpu.memory_space<semaphore_mem>>)
      } else {
      }
    }
    %scan3A_103 = arith.constant 10 : i32
    %dma_wait3A_104 = arith.constant 0 : i32
    %dma_wait3A_105 = arith.constant 0 : i32
    %dma_wait3A_106 = arith.constant 0 : i32
    %dma_wait3A_107 = tpu.memref_slice %arg8[%dma_wait3A_104, %dma_wait3A_105, %dma_wait3A_106] : memref<2x10x100xi32, #tpu.memory_space<vmem>> -> memref<1x1x100xi32, #tpu.memory_space<vmem>>
    %dma_wait3A_108 = tpu.memref_squeeze %dma_wait3A_107 : memref<1x1x100xi32, #tpu.memory_space<vmem>> -> memref<100xi32, #tpu.memory_space<vmem>>
    %dma_wait3A_109 = arith.constant 0 : i32
    %dma_wait3A_110 = arith.constant 0 : i32
    %dma_wait3A_111 = tpu.memref_slice %arg17[%dma_wait3A_109, %dma_wait3A_110] : memref<10112x128xf32, #tpu.memory_space<vmem_shared>> -> memref<10112x128xf32, #tpu.memory_space<vmem_shared>>
    tpu.wait_indirect_dma semaphore(%arg15 : memref<!tpu.dma_semaphore, #tpu.memory_space<semaphore_mem>>) src(%arg9 : memref<100x128xf32, #tpu.memory_space<vmem>>) dst(%dma_wait3A_111 : memref<10112x128xf32, #tpu.memory_space<vmem_shared>>)
    %dma_wait3A_112 = arith.constant 0 : i32
    %dma_wait3A_113 = arith.constant 1 : i32
    %dma_wait3A_114 = arith.constant 0 : i32
    %dma_wait3A_115 = tpu.memref_slice %arg8[%dma_wait3A_112, %dma_wait3A_113, %dma_wait3A_114] : memref<2x10x100xi32, #tpu.memory_space<vmem>> -> memref<1x1x100xi32, #tpu.memory_space<vmem>>
    %dma_wait3A_116 = tpu.memref_squeeze %dma_wait3A_115 : memref<1x1x100xi32, #tpu.memory_space<vmem>> -> memref<100xi32, #tpu.memory_space<vmem>>
    %dma_wait3A_117 = arith.constant 0 : i32
    %dma_wait3A_118 = arith.constant 0 : i32
    %dma_wait3A_119 = tpu.memref_slice %arg17[%dma_wait3A_117, %dma_wait3A_118] : memref<10112x128xf32, #tpu.memory_space<vmem_shared>> -> memref<10112x128xf32, #tpu.memory_space<vmem_shared>>
    tpu.wait_indirect_dma semaphore(%arg16 : memref<!tpu.dma_semaphore, #tpu.memory_space<semaphore_mem>>) src(%arg10 : memref<100x128xf32, #tpu.memory_space<vmem>>) dst(%dma_wait3A_119 : memref<10112x128xf32, #tpu.memory_space<vmem_shared>>)
    %barrier3A_120 = arith.constant 0 : index
    tpu.barrier barrier_id(%barrier3A_120)
    %mul3A_121 = arith.constant 632 : i32
    %mul3A_122 = arith.muli %arg1, %mul3A_121 : i32
    %mul3A_123 = arith.constant 632 : i32
    %mul3A_124 = arith.muli %arg1, %mul3A_123 : i32
    "tpu.region"() ({
      %run_scoped3A = tpu.sem_alloc : memref<!tpu.dma_semaphore, #tpu.memory_space<semaphore_mem>>
      %dma_start3A_125 = arith.constant 0 : i32
      %dma_start3A_126 = tpu.memref_slice %arg6[%arg0, %mul3A_124, %dma_start3A_125] : memref<2x10112x128xf32, #tpu.memory_space<hbm>> -> memref<1x632x128xf32, #tpu.memory_space<hbm>>
      %dma_start3A_127 = tpu.memref_squeeze %dma_start3A_126 : memref<1x632x128xf32, #tpu.memory_space<hbm>> -> memref<632x128xf32, #tpu.memory_space<hbm>>
      %dma_start3A_128 = arith.constant 0 : i32
      %dma_start3A_129 = tpu.memref_slice %arg17[%mul3A_122, %dma_start3A_128] : memref<10112x128xf32, #tpu.memory_space<vmem_shared>> -> memref<632x128xf32, #tpu.memory_space<vmem_shared>>
      tpu.enqueue_dma source(%dma_start3A_129 : memref<632x128xf32, #tpu.memory_space<vmem_shared>>) target(%dma_start3A_127 : memref<632x128xf32, #tpu.memory_space<hbm>>) target_semaphore(%run_scoped3A : memref<!tpu.dma_semaphore, #tpu.memory_space<semaphore_mem>>)
      %dma_wait3A_130 = arith.constant 0 : i32
      %dma_wait3A_131 = tpu.memref_slice %arg6[%arg0, %mul3A_124, %dma_wait3A_130] : memref<2x10112x128xf32, #tpu.memory_space<hbm>> -> memref<1x632x128xf32, #tpu.memory_space<hbm>>
      %dma_wait3A_132 = tpu.memref_squeeze %dma_wait3A_131 : memref<1x632x128xf32, #tpu.memory_space<hbm>> -> memref<632x128xf32, #tpu.memory_space<hbm>>
      %dma_wait3A_133 = arith.constant 0 : i32
      %dma_wait3A_134 = tpu.memref_slice %arg17[%mul3A_122, %dma_wait3A_133] : memref<10112x128xf32, #tpu.memory_space<vmem_shared>> -> memref<632x128xf32, #tpu.memory_space<vmem_shared>>
      tpu.wait_dma2 semaphore(%run_scoped3A : memref<!tpu.dma_semaphore, #tpu.memory_space<semaphore_mem>>) src(%dma_wait3A_134 : memref<632x128xf32, #tpu.memory_space<vmem_shared>>) dst(%dma_wait3A_132 : memref<632x128xf32, #tpu.memory_space<hbm>>)
      tpu.yield
    }) : () -> ()
    return
  }
}

#map = affine_map<(d0, d1) -> (0, 0, 0, 0)>
#map1 = affine_map<(d0, d1) -> (0, 0)>
#map2 = affine_map<(d0, d1) -> (0, 0, 0)>
module attributes {stable_mosaic.version = 14 : i64} {
  func.func @_t_pass(%arg0: i32, %arg1: i32, %arg2: memref<2x16x50x100xi32, #tpu.memory_space<hbm>>, %arg3: memref<2x16x50x100xi32, #tpu.memory_space<hbm>>, %arg4: memref<10000x128xf32, #tpu.memory_space<hbm>>, %arg5: memref<632x128xf32, #tpu.memory_space<hbm>>, %arg6: memref<2x10112x128xf32, #tpu.memory_space<hbm>>, %arg7: memref<50x100xi32, #tpu.memory_space<vmem>>, %arg8: memref<50x100xi32, #tpu.memory_space<vmem>>, %arg9: memref<100x128xf32, #tpu.memory_space<vmem>>, %arg10: memref<100x128xf32, #tpu.memory_space<vmem>>, %arg11: memref<!tpu.dma_semaphore, #tpu.memory_space<semaphore_mem>>, %arg12: memref<!tpu.dma_semaphore, #tpu.memory_space<semaphore_mem>>, %arg13: memref<!tpu.dma_semaphore, #tpu.memory_space<semaphore_mem>>, %arg14: memref<!tpu.dma_semaphore, #tpu.memory_space<semaphore_mem>>, %arg15: memref<10112x128xf32, #tpu.memory_space<vmem_shared>>) attributes {dimension_semantics = [#tpu.dimension_semantics<core_parallel>, #tpu.dimension_semantics<subcore_parallel>], iteration_bounds = array<i64: 2, 16>, scalar_prefetch = 0 : i64, scratch_operands = 9 : i64, tpu.core_type = #tpu.core_type<sc_vector_subcore>, window_params = [{transform_indices = #map}, {transform_indices = #map}, {transform_indices = #map1}, {transform_indices = #map1}, {transform_indices = #map2}]} {
    "tpu.region"() ({
      %run_scoped3A = tpu.sem_alloc : memref<!tpu.dma_semaphore, #tpu.memory_space<semaphore_mem>>
      %dma_start3A_37 = arith.constant 0 : i32
      %dma_start3A_38 = arith.constant 0 : i32
      %dma_start3A_39 = tpu.memref_slice %arg2[%arg0, %arg1, %dma_start3A_37, %dma_start3A_38] : memref<2x16x50x100xi32, #tpu.memory_space<hbm>> -> memref<1x1x50x100xi32, #tpu.memory_space<hbm>>
      %dma_start3A_40 = tpu.memref_squeeze %dma_start3A_39 : memref<1x1x50x100xi32, #tpu.memory_space<hbm>> -> memref<50x100xi32, #tpu.memory_space<hbm>>
      %dma_start3A_41 = arith.constant 0 : i32
      %dma_start3A_42 = arith.constant 0 : i32
      %dma_start3A_43 = tpu.memref_slice %arg2[%arg0, %arg1, %dma_start3A_41, %dma_start3A_42] : memref<2x16x50x100xi32, #tpu.memory_space<hbm>> -> memref<1x1x50x100xi32, #tpu.memory_space<hbm>>
      %dma_start3A_44 = tpu.memref_squeeze %dma_start3A_43 : memref<1x1x50x100xi32, #tpu.memory_space<hbm>> -> memref<50x100xi32, #tpu.memory_space<hbm>>
      tpu.enqueue_dma source(%dma_start3A_44 : memref<50x100xi32, #tpu.memory_space<hbm>>) target(%arg7 : memref<50x100xi32, #tpu.memory_space<vmem>>) target_semaphore(%run_scoped3A : memref<!tpu.dma_semaphore, #tpu.memory_space<semaphore_mem>>)
      %dma_wait3A_45 = arith.constant 0 : i32
      %dma_wait3A_46 = arith.constant 0 : i32
      %dma_wait3A_47 = tpu.memref_slice %arg2[%arg0, %arg1, %dma_wait3A_45, %dma_wait3A_46] : memref<2x16x50x100xi32, #tpu.memory_space<hbm>> -> memref<1x1x50x100xi32, #tpu.memory_space<hbm>>
      %dma_wait3A_48 = tpu.memref_squeeze %dma_wait3A_47 : memref<1x1x50x100xi32, #tpu.memory_space<hbm>> -> memref<50x100xi32, #tpu.memory_space<hbm>>
      %dma_wait3A_49 = arith.constant 0 : i32
      %dma_wait3A_50 = arith.constant 0 : i32
      %dma_wait3A_51 = tpu.memref_slice %arg2[%arg0, %arg1, %dma_wait3A_49, %dma_wait3A_50] : memref<2x16x50x100xi32, #tpu.memory_space<hbm>> -> memref<1x1x50x100xi32, #tpu.memory_space<hbm>>
      %dma_wait3A_52 = tpu.memref_squeeze %dma_wait3A_51 : memref<1x1x50x100xi32, #tpu.memory_space<hbm>> -> memref<50x100xi32, #tpu.memory_space<hbm>>
      tpu.wait_dma2 semaphore(%run_scoped3A : memref<!tpu.dma_semaphore, #tpu.memory_space<semaphore_mem>>) src(%dma_wait3A_52 : memref<50x100xi32, #tpu.memory_space<hbm>>) dst(%arg7 : memref<50x100xi32, #tpu.memory_space<vmem>>)
      tpu.yield
    }) : () -> ()
    "tpu.region"() ({
      %run_scoped3A = tpu.sem_alloc : memref<!tpu.dma_semaphore, #tpu.memory_space<semaphore_mem>>
      %dma_start3A_37 = arith.constant 0 : i32
      %dma_start3A_38 = arith.constant 0 : i32
      %dma_start3A_39 = tpu.memref_slice %arg3[%arg0, %arg1, %dma_start3A_37, %dma_start3A_38] : memref<2x16x50x100xi32, #tpu.memory_space<hbm>> -> memref<1x1x50x100xi32, #tpu.memory_space<hbm>>
      %dma_start3A_40 = tpu.memref_squeeze %dma_start3A_39 : memref<1x1x50x100xi32, #tpu.memory_space<hbm>> -> memref<50x100xi32, #tpu.memory_space<hbm>>
      %dma_start3A_41 = arith.constant 0 : i32
      %dma_start3A_42 = arith.constant 0 : i32
      %dma_start3A_43 = tpu.memref_slice %arg3[%arg0, %arg1, %dma_start3A_41, %dma_start3A_42] : memref<2x16x50x100xi32, #tpu.memory_space<hbm>> -> memref<1x1x50x100xi32, #tpu.memory_space<hbm>>
      %dma_start3A_44 = tpu.memref_squeeze %dma_start3A_43 : memref<1x1x50x100xi32, #tpu.memory_space<hbm>> -> memref<50x100xi32, #tpu.memory_space<hbm>>
      tpu.enqueue_dma source(%dma_start3A_44 : memref<50x100xi32, #tpu.memory_space<hbm>>) target(%arg8 : memref<50x100xi32, #tpu.memory_space<vmem>>) target_semaphore(%run_scoped3A : memref<!tpu.dma_semaphore, #tpu.memory_space<semaphore_mem>>)
      %dma_wait3A_45 = arith.constant 0 : i32
      %dma_wait3A_46 = arith.constant 0 : i32
      %dma_wait3A_47 = tpu.memref_slice %arg3[%arg0, %arg1, %dma_wait3A_45, %dma_wait3A_46] : memref<2x16x50x100xi32, #tpu.memory_space<hbm>> -> memref<1x1x50x100xi32, #tpu.memory_space<hbm>>
      %dma_wait3A_48 = tpu.memref_squeeze %dma_wait3A_47 : memref<1x1x50x100xi32, #tpu.memory_space<hbm>> -> memref<50x100xi32, #tpu.memory_space<hbm>>
      %dma_wait3A_49 = arith.constant 0 : i32
      %dma_wait3A_50 = arith.constant 0 : i32
      %dma_wait3A_51 = tpu.memref_slice %arg3[%arg0, %arg1, %dma_wait3A_49, %dma_wait3A_50] : memref<2x16x50x100xi32, #tpu.memory_space<hbm>> -> memref<1x1x50x100xi32, #tpu.memory_space<hbm>>
      %dma_wait3A_52 = tpu.memref_squeeze %dma_wait3A_51 : memref<1x1x50x100xi32, #tpu.memory_space<hbm>> -> memref<50x100xi32, #tpu.memory_space<hbm>>
      tpu.wait_dma2 semaphore(%run_scoped3A : memref<!tpu.dma_semaphore, #tpu.memory_space<semaphore_mem>>) src(%dma_wait3A_52 : memref<50x100xi32, #tpu.memory_space<hbm>>) dst(%arg8 : memref<50x100xi32, #tpu.memory_space<vmem>>)
      tpu.yield
    }) : () -> ()
    %mul3A = arith.constant 632 : i32
    %mul3A_0 = arith.muli %arg1, %mul3A : i32
    "tpu.region"() ({
      %run_scoped3A = tpu.sem_alloc : memref<!tpu.dma_semaphore, #tpu.memory_space<semaphore_mem>>
      %dma_start3A_37 = arith.constant 0 : i32
      %dma_start3A_38 = tpu.memref_slice %arg15[%mul3A_0, %dma_start3A_37] : memref<10112x128xf32, #tpu.memory_space<vmem_shared>> -> memref<632x128xf32, #tpu.memory_space<vmem_shared>>
      tpu.enqueue_dma source(%arg5 : memref<632x128xf32, #tpu.memory_space<hbm>>) target(%dma_start3A_38 : memref<632x128xf32, #tpu.memory_space<vmem_shared>>) target_semaphore(%run_scoped3A : memref<!tpu.dma_semaphore, #tpu.memory_space<semaphore_mem>>)
      %dma_wait3A_39 = arith.constant 0 : i32
      %dma_wait3A_40 = tpu.memref_slice %arg15[%mul3A_0, %dma_wait3A_39] : memref<10112x128xf32, #tpu.memory_space<vmem_shared>> -> memref<632x128xf32, #tpu.memory_space<vmem_shared>>
      tpu.wait_dma2 semaphore(%run_scoped3A : memref<!tpu.dma_semaphore, #tpu.memory_space<semaphore_mem>>) src(%arg5 : memref<632x128xf32, #tpu.memory_space<hbm>>) dst(%dma_wait3A_40 : memref<632x128xf32, #tpu.memory_space<vmem_shared>>)
      tpu.yield
    }) : () -> ()
    %barrier3A = arith.constant 0 : index
    tpu.barrier barrier_id(%barrier3A)
    %dma_start3A = arith.constant 0 : i32
    %dma_start3A_1 = arith.constant 0 : i32
    %dma_start3A_2 = tpu.memref_slice %arg7[%dma_start3A, %dma_start3A_1] : memref<50x100xi32, #tpu.memory_space<vmem>> -> memref<1x100xi32, #tpu.memory_space<vmem>>
    %dma_start3A_3 = tpu.memref_squeeze %dma_start3A_2 : memref<1x100xi32, #tpu.memory_space<vmem>> -> memref<100xi32, #tpu.memory_space<vmem>>
    %dma_start3A_4 = arith.constant 0 : i32
    %dma_start3A_5 = arith.constant 0 : i32
    %dma_start3A_6 = tpu.memref_slice %arg4[%dma_start3A_4, %dma_start3A_5] : memref<10000x128xf32, #tpu.memory_space<hbm>> -> memref<10000x128xf32, #tpu.memory_space<hbm>>
    tpu.enqueue_indirect_dma source(%dma_start3A_6 : memref<10000x128xf32, #tpu.memory_space<hbm>>) target(%arg9 : memref<100x128xf32, #tpu.memory_space<vmem>>) offsets(%dma_start3A_3 : memref<100xi32, #tpu.memory_space<vmem>>) semaphore(%arg11 : memref<!tpu.dma_semaphore, #tpu.memory_space<semaphore_mem>>)
    %dma_start3A_7 = arith.constant 1 : i32
    %dma_start3A_8 = arith.constant 0 : i32
    %dma_start3A_9 = tpu.memref_slice %arg7[%dma_start3A_7, %dma_start3A_8] : memref<50x100xi32, #tpu.memory_space<vmem>> -> memref<1x100xi32, #tpu.memory_space<vmem>>
    %dma_start3A_10 = tpu.memref_squeeze %dma_start3A_9 : memref<1x100xi32, #tpu.memory_space<vmem>> -> memref<100xi32, #tpu.memory_space<vmem>>
    %dma_start3A_11 = arith.constant 0 : i32
    %dma_start3A_12 = arith.constant 0 : i32
    %dma_start3A_13 = tpu.memref_slice %arg4[%dma_start3A_11, %dma_start3A_12] : memref<10000x128xf32, #tpu.memory_space<hbm>> -> memref<10000x128xf32, #tpu.memory_space<hbm>>
    tpu.enqueue_indirect_dma source(%dma_start3A_13 : memref<10000x128xf32, #tpu.memory_space<hbm>>) target(%arg10 : memref<100x128xf32, #tpu.memory_space<vmem>>) offsets(%dma_start3A_10 : memref<100xi32, #tpu.memory_space<vmem>>) semaphore(%arg12 : memref<!tpu.dma_semaphore, #tpu.memory_space<semaphore_mem>>)
    %scan3A = arith.constant 0 : i32
    %scan3A_14 = arith.constant 0 : i32
    %scan3A_15 = arith.constant 25 : i32
    %scan3A_16 = arith.addi %scan3A_14, %scan3A_15 : i32
    %scan3A_17 = arith.constant 1 : i32
    scf.for %scan3A_37 = %scan3A_14 to %scan3A_16 step %scan3A_17  : i32 {
      %mul3A_38 = arith.constant 2 : i32
      %mul3A_39 = arith.muli %scan3A_37, %mul3A_38 : i32
      %add3A = arith.constant 1 : i32
      %add3A_40 = arith.addi %mul3A_39, %add3A : i32
      %dma_wait3A_41 = arith.constant 0 : i32
      %dma_wait3A_42 = tpu.memref_slice %arg7[%mul3A_39, %dma_wait3A_41] : memref<50x100xi32, #tpu.memory_space<vmem>> -> memref<1x100xi32, #tpu.memory_space<vmem>>
      %dma_wait3A_43 = tpu.memref_squeeze %dma_wait3A_42 : memref<1x100xi32, #tpu.memory_space<vmem>> -> memref<100xi32, #tpu.memory_space<vmem>>
      %dma_wait3A_44 = arith.constant 0 : i32
      %dma_wait3A_45 = arith.constant 0 : i32
      %dma_wait3A_46 = tpu.memref_slice %arg4[%dma_wait3A_44, %dma_wait3A_45] : memref<10000x128xf32, #tpu.memory_space<hbm>> -> memref<10000x128xf32, #tpu.memory_space<hbm>>
      tpu.wait_indirect_dma semaphore(%arg11 : memref<!tpu.dma_semaphore, #tpu.memory_space<semaphore_mem>>) src(%dma_wait3A_46 : memref<10000x128xf32, #tpu.memory_space<hbm>>) dst(%arg9 : memref<100x128xf32, #tpu.memory_space<vmem>>)
      %dma_start3A_47 = arith.constant 0 : i32
      %dma_start3A_48 = tpu.memref_slice %arg8[%mul3A_39, %dma_start3A_47] : memref<50x100xi32, #tpu.memory_space<vmem>> -> memref<1x100xi32, #tpu.memory_space<vmem>>
      %dma_start3A_49 = tpu.memref_squeeze %dma_start3A_48 : memref<1x100xi32, #tpu.memory_space<vmem>> -> memref<100xi32, #tpu.memory_space<vmem>>
      %dma_start3A_50 = arith.constant 0 : i32
      %dma_start3A_51 = arith.constant 0 : i32
      %dma_start3A_52 = tpu.memref_slice %arg15[%dma_start3A_50, %dma_start3A_51] : memref<10112x128xf32, #tpu.memory_space<vmem_shared>> -> memref<10112x128xf32, #tpu.memory_space<vmem_shared>>
      tpu.enqueue_indirect_dma source(%arg9 : memref<100x128xf32, #tpu.memory_space<vmem>>) target(%dma_start3A_52 : memref<10112x128xf32, #tpu.memory_space<vmem_shared>>) offsets(%dma_start3A_49 : memref<100xi32, #tpu.memory_space<vmem>>) semaphore(%arg13 : memref<!tpu.dma_semaphore, #tpu.memory_space<semaphore_mem>>) {add = true}
      %dma_wait3A_53 = arith.constant 0 : i32
      %dma_wait3A_54 = tpu.memref_slice %arg7[%add3A_40, %dma_wait3A_53] : memref<50x100xi32, #tpu.memory_space<vmem>> -> memref<1x100xi32, #tpu.memory_space<vmem>>
      %dma_wait3A_55 = tpu.memref_squeeze %dma_wait3A_54 : memref<1x100xi32, #tpu.memory_space<vmem>> -> memref<100xi32, #tpu.memory_space<vmem>>
      %dma_wait3A_56 = arith.constant 0 : i32
      %dma_wait3A_57 = arith.constant 0 : i32
      %dma_wait3A_58 = tpu.memref_slice %arg4[%dma_wait3A_56, %dma_wait3A_57] : memref<10000x128xf32, #tpu.memory_space<hbm>> -> memref<10000x128xf32, #tpu.memory_space<hbm>>
      tpu.wait_indirect_dma semaphore(%arg12 : memref<!tpu.dma_semaphore, #tpu.memory_space<semaphore_mem>>) src(%dma_wait3A_58 : memref<10000x128xf32, #tpu.memory_space<hbm>>) dst(%arg10 : memref<100x128xf32, #tpu.memory_space<vmem>>)
      %dma_start3A_59 = arith.constant 0 : i32
      %dma_start3A_60 = tpu.memref_slice %arg8[%add3A_40, %dma_start3A_59] : memref<50x100xi32, #tpu.memory_space<vmem>> -> memref<1x100xi32, #tpu.memory_space<vmem>>
      %dma_start3A_61 = tpu.memref_squeeze %dma_start3A_60 : memref<1x100xi32, #tpu.memory_space<vmem>> -> memref<100xi32, #tpu.memory_space<vmem>>
      %dma_start3A_62 = arith.constant 0 : i32
      %dma_start3A_63 = arith.constant 0 : i32
      %dma_start3A_64 = tpu.memref_slice %arg15[%dma_start3A_62, %dma_start3A_63] : memref<10112x128xf32, #tpu.memory_space<vmem_shared>> -> memref<10112x128xf32, #tpu.memory_space<vmem_shared>>
      tpu.enqueue_indirect_dma source(%arg10 : memref<100x128xf32, #tpu.memory_space<vmem>>) target(%dma_start3A_64 : memref<10112x128xf32, #tpu.memory_space<vmem_shared>>) offsets(%dma_start3A_61 : memref<100xi32, #tpu.memory_space<vmem>>) semaphore(%arg14 : memref<!tpu.dma_semaphore, #tpu.memory_space<semaphore_mem>>) {add = true}
      %lt3A = arith.constant 24 : i32
      %lt3A_65 = arith.cmpi slt, %scan3A_37, %lt3A : i32
      %convert_element_type3A = arith.extui %lt3A_65 : i1 to i32
      %cond3A = arith.constant 0 : i32
      %cond3A_66 = arith.cmpi ne, %convert_element_type3A, %cond3A : i32
      scf.if %cond3A_66 {
        %dma_wait3A_67 = arith.constant 0 : i32
        %dma_wait3A_68 = tpu.memref_slice %arg8[%mul3A_39, %dma_wait3A_67] : memref<50x100xi32, #tpu.memory_space<vmem>> -> memref<1x100xi32, #tpu.memory_space<vmem>>
        %dma_wait3A_69 = tpu.memref_squeeze %dma_wait3A_68 : memref<1x100xi32, #tpu.memory_space<vmem>> -> memref<100xi32, #tpu.memory_space<vmem>>
        %dma_wait3A_70 = arith.constant 0 : i32
        %dma_wait3A_71 = arith.constant 0 : i32
        %dma_wait3A_72 = tpu.memref_slice %arg15[%dma_wait3A_70, %dma_wait3A_71] : memref<10112x128xf32, #tpu.memory_space<vmem_shared>> -> memref<10112x128xf32, #tpu.memory_space<vmem_shared>>
        tpu.wait_indirect_dma semaphore(%arg13 : memref<!tpu.dma_semaphore, #tpu.memory_space<semaphore_mem>>) src(%arg9 : memref<100x128xf32, #tpu.memory_space<vmem>>) dst(%dma_wait3A_72 : memref<10112x128xf32, #tpu.memory_space<vmem_shared>>)
        %add3A_73 = arith.constant 2 : i32
        %add3A_74 = arith.addi %mul3A_39, %add3A_73 : i32
        %dma_start3A_75 = arith.constant 0 : i32
        %dma_start3A_76 = tpu.memref_slice %arg7[%add3A_74, %dma_start3A_75] : memref<50x100xi32, #tpu.memory_space<vmem>> -> memref<1x100xi32, #tpu.memory_space<vmem>>
        %dma_start3A_77 = tpu.memref_squeeze %dma_start3A_76 : memref<1x100xi32, #tpu.memory_space<vmem>> -> memref<100xi32, #tpu.memory_space<vmem>>
        %dma_start3A_78 = arith.constant 0 : i32
        %dma_start3A_79 = arith.constant 0 : i32
        %dma_start3A_80 = tpu.memref_slice %arg4[%dma_start3A_78, %dma_start3A_79] : memref<10000x128xf32, #tpu.memory_space<hbm>> -> memref<10000x128xf32, #tpu.memory_space<hbm>>
        tpu.enqueue_indirect_dma source(%dma_start3A_80 : memref<10000x128xf32, #tpu.memory_space<hbm>>) target(%arg9 : memref<100x128xf32, #tpu.memory_space<vmem>>) offsets(%dma_start3A_77 : memref<100xi32, #tpu.memory_space<vmem>>) semaphore(%arg11 : memref<!tpu.dma_semaphore, #tpu.memory_space<semaphore_mem>>)
        %dma_wait3A_81 = arith.constant 0 : i32
        %dma_wait3A_82 = tpu.memref_slice %arg8[%add3A_40, %dma_wait3A_81] : memref<50x100xi32, #tpu.memory_space<vmem>> -> memref<1x100xi32, #tpu.memory_space<vmem>>
        %dma_wait3A_83 = tpu.memref_squeeze %dma_wait3A_82 : memref<1x100xi32, #tpu.memory_space<vmem>> -> memref<100xi32, #tpu.memory_space<vmem>>
        %dma_wait3A_84 = arith.constant 0 : i32
        %dma_wait3A_85 = arith.constant 0 : i32
        %dma_wait3A_86 = tpu.memref_slice %arg15[%dma_wait3A_84, %dma_wait3A_85] : memref<10112x128xf32, #tpu.memory_space<vmem_shared>> -> memref<10112x128xf32, #tpu.memory_space<vmem_shared>>
        tpu.wait_indirect_dma semaphore(%arg14 : memref<!tpu.dma_semaphore, #tpu.memory_space<semaphore_mem>>) src(%arg10 : memref<100x128xf32, #tpu.memory_space<vmem>>) dst(%dma_wait3A_86 : memref<10112x128xf32, #tpu.memory_space<vmem_shared>>)
        %add3A_87 = arith.constant 2 : i32
        %add3A_88 = arith.addi %add3A_40, %add3A_87 : i32
        %dma_start3A_89 = arith.constant 0 : i32
        %dma_start3A_90 = tpu.memref_slice %arg7[%add3A_88, %dma_start3A_89] : memref<50x100xi32, #tpu.memory_space<vmem>> -> memref<1x100xi32, #tpu.memory_space<vmem>>
        %dma_start3A_91 = tpu.memref_squeeze %dma_start3A_90 : memref<1x100xi32, #tpu.memory_space<vmem>> -> memref<100xi32, #tpu.memory_space<vmem>>
        %dma_start3A_92 = arith.constant 0 : i32
        %dma_start3A_93 = arith.constant 0 : i32
        %dma_start3A_94 = tpu.memref_slice %arg4[%dma_start3A_92, %dma_start3A_93] : memref<10000x128xf32, #tpu.memory_space<hbm>> -> memref<10000x128xf32, #tpu.memory_space<hbm>>
        tpu.enqueue_indirect_dma source(%dma_start3A_94 : memref<10000x128xf32, #tpu.memory_space<hbm>>) target(%arg10 : memref<100x128xf32, #tpu.memory_space<vmem>>) offsets(%dma_start3A_91 : memref<100xi32, #tpu.memory_space<vmem>>) semaphore(%arg12 : memref<!tpu.dma_semaphore, #tpu.memory_space<semaphore_mem>>)
      } else {
      }
    }
    %scan3A_18 = arith.constant 25 : i32
    %dma_wait3A = arith.constant 48 : i32
    %dma_wait3A_19 = arith.constant 0 : i32
    %dma_wait3A_20 = tpu.memref_slice %arg8[%dma_wait3A, %dma_wait3A_19] : memref<50x100xi32, #tpu.memory_space<vmem>> -> memref<1x100xi32, #tpu.memory_space<vmem>>
    %dma_wait3A_21 = tpu.memref_squeeze %dma_wait3A_20 : memref<1x100xi32, #tpu.memory_space<vmem>> -> memref<100xi32, #tpu.memory_space<vmem>>
    %dma_wait3A_22 = arith.constant 0 : i32
    %dma_wait3A_23 = arith.constant 0 : i32
    %dma_wait3A_24 = tpu.memref_slice %arg15[%dma_wait3A_22, %dma_wait3A_23] : memref<10112x128xf32, #tpu.memory_space<vmem_shared>> -> memref<10112x128xf32, #tpu.memory_space<vmem_shared>>
    tpu.wait_indirect_dma semaphore(%arg13 : memref<!tpu.dma_semaphore, #tpu.memory_space<semaphore_mem>>) src(%arg9 : memref<100x128xf32, #tpu.memory_space<vmem>>) dst(%dma_wait3A_24 : memref<10112x128xf32, #tpu.memory_space<vmem_shared>>)
    %dma_wait3A_25 = arith.constant 49 : i32
    %dma_wait3A_26 = arith.constant 0 : i32
    %dma_wait3A_27 = tpu.memref_slice %arg8[%dma_wait3A_25, %dma_wait3A_26] : memref<50x100xi32, #tpu.memory_space<vmem>> -> memref<1x100xi32, #tpu.memory_space<vmem>>
    %dma_wait3A_28 = tpu.memref_squeeze %dma_wait3A_27 : memref<1x100xi32, #tpu.memory_space<vmem>> -> memref<100xi32, #tpu.memory_space<vmem>>
    %dma_wait3A_29 = arith.constant 0 : i32
    %dma_wait3A_30 = arith.constant 0 : i32
    %dma_wait3A_31 = tpu.memref_slice %arg15[%dma_wait3A_29, %dma_wait3A_30] : memref<10112x128xf32, #tpu.memory_space<vmem_shared>> -> memref<10112x128xf32, #tpu.memory_space<vmem_shared>>
    tpu.wait_indirect_dma semaphore(%arg14 : memref<!tpu.dma_semaphore, #tpu.memory_space<semaphore_mem>>) src(%arg10 : memref<100x128xf32, #tpu.memory_space<vmem>>) dst(%dma_wait3A_31 : memref<10112x128xf32, #tpu.memory_space<vmem_shared>>)
    %barrier3A_32 = arith.constant 0 : index
    tpu.barrier barrier_id(%barrier3A_32)
    %mul3A_33 = arith.constant 632 : i32
    %mul3A_34 = arith.muli %arg1, %mul3A_33 : i32
    %mul3A_35 = arith.constant 632 : i32
    %mul3A_36 = arith.muli %arg1, %mul3A_35 : i32
    "tpu.region"() ({
      %run_scoped3A = tpu.sem_alloc : memref<!tpu.dma_semaphore, #tpu.memory_space<semaphore_mem>>
      %dma_start3A_37 = arith.constant 0 : i32
      %dma_start3A_38 = tpu.memref_slice %arg6[%arg0, %mul3A_36, %dma_start3A_37] : memref<2x10112x128xf32, #tpu.memory_space<hbm>> -> memref<1x632x128xf32, #tpu.memory_space<hbm>>
      %dma_start3A_39 = tpu.memref_squeeze %dma_start3A_38 : memref<1x632x128xf32, #tpu.memory_space<hbm>> -> memref<632x128xf32, #tpu.memory_space<hbm>>
      %dma_start3A_40 = arith.constant 0 : i32
      %dma_start3A_41 = tpu.memref_slice %arg15[%mul3A_34, %dma_start3A_40] : memref<10112x128xf32, #tpu.memory_space<vmem_shared>> -> memref<632x128xf32, #tpu.memory_space<vmem_shared>>
      tpu.enqueue_dma source(%dma_start3A_41 : memref<632x128xf32, #tpu.memory_space<vmem_shared>>) target(%dma_start3A_39 : memref<632x128xf32, #tpu.memory_space<hbm>>) target_semaphore(%run_scoped3A : memref<!tpu.dma_semaphore, #tpu.memory_space<semaphore_mem>>)
      %dma_wait3A_42 = arith.constant 0 : i32
      %dma_wait3A_43 = tpu.memref_slice %arg6[%arg0, %mul3A_36, %dma_wait3A_42] : memref<2x10112x128xf32, #tpu.memory_space<hbm>> -> memref<1x632x128xf32, #tpu.memory_space<hbm>>
      %dma_wait3A_44 = tpu.memref_squeeze %dma_wait3A_43 : memref<1x632x128xf32, #tpu.memory_space<hbm>> -> memref<632x128xf32, #tpu.memory_space<hbm>>
      %dma_wait3A_45 = arith.constant 0 : i32
      %dma_wait3A_46 = tpu.memref_slice %arg15[%mul3A_34, %dma_wait3A_45] : memref<10112x128xf32, #tpu.memory_space<vmem_shared>> -> memref<632x128xf32, #tpu.memory_space<vmem_shared>>
      tpu.wait_dma2 semaphore(%run_scoped3A : memref<!tpu.dma_semaphore, #tpu.memory_space<semaphore_mem>>) src(%dma_wait3A_46 : memref<632x128xf32, #tpu.memory_space<vmem_shared>>) dst(%dma_wait3A_44 : memref<632x128xf32, #tpu.memory_space<hbm>>)
      tpu.yield
    }) : () -> ()
    return
  }
}

#map = affine_map<(d0, d1) -> (0, 0, 0, 0)>
#map1 = affine_map<(d0, d1) -> (0, 0)>
#map2 = affine_map<(d0, d1) -> (0, 0, 0)>
module attributes {stable_mosaic.version = 14 : i64} {
  func.func @_deg_pass(%arg0: i32, %arg1: i32, %arg2: memref<2x16x50x100xi32, #tpu.memory_space<hbm>>, %arg3: memref<100x128xf32, #tpu.memory_space<hbm>>, %arg4: memref<632x128xf32, #tpu.memory_space<hbm>>, %arg5: memref<2x10112x128xf32, #tpu.memory_space<hbm>>, %arg6: memref<50x100xi32, #tpu.memory_space<vmem>>, %arg7: memref<100x128xf32, #tpu.memory_space<vmem>>, %arg8: memref<!tpu.dma_semaphore, #tpu.memory_space<semaphore_mem>>, %arg9: memref<!tpu.dma_semaphore, #tpu.memory_space<semaphore_mem>>, %arg10: memref<10112x128xf32, #tpu.memory_space<vmem_shared>>) attributes {dimension_semantics = [#tpu.dimension_semantics<core_parallel>, #tpu.dimension_semantics<subcore_parallel>], iteration_bounds = array<i64: 2, 16>, scalar_prefetch = 0 : i64, scratch_operands = 5 : i64, tpu.core_type = #tpu.core_type<sc_vector_subcore>, window_params = [{transform_indices = #map}, {transform_indices = #map1}, {transform_indices = #map1}, {transform_indices = #map2}]} {
    "tpu.region"() ({
      %run_scoped3A = tpu.sem_alloc : memref<!tpu.dma_semaphore, #tpu.memory_space<semaphore_mem>>
      %dma_start3A = arith.constant 0 : i32
      %dma_start3A_24 = arith.constant 0 : i32
      %dma_start3A_25 = tpu.memref_slice %arg2[%arg0, %arg1, %dma_start3A, %dma_start3A_24] : memref<2x16x50x100xi32, #tpu.memory_space<hbm>> -> memref<1x1x50x100xi32, #tpu.memory_space<hbm>>
      %dma_start3A_26 = tpu.memref_squeeze %dma_start3A_25 : memref<1x1x50x100xi32, #tpu.memory_space<hbm>> -> memref<50x100xi32, #tpu.memory_space<hbm>>
      %dma_start3A_27 = arith.constant 0 : i32
      %dma_start3A_28 = arith.constant 0 : i32
      %dma_start3A_29 = tpu.memref_slice %arg2[%arg0, %arg1, %dma_start3A_27, %dma_start3A_28] : memref<2x16x50x100xi32, #tpu.memory_space<hbm>> -> memref<1x1x50x100xi32, #tpu.memory_space<hbm>>
      %dma_start3A_30 = tpu.memref_squeeze %dma_start3A_29 : memref<1x1x50x100xi32, #tpu.memory_space<hbm>> -> memref<50x100xi32, #tpu.memory_space<hbm>>
      tpu.enqueue_dma source(%dma_start3A_30 : memref<50x100xi32, #tpu.memory_space<hbm>>) target(%arg6 : memref<50x100xi32, #tpu.memory_space<vmem>>) target_semaphore(%run_scoped3A : memref<!tpu.dma_semaphore, #tpu.memory_space<semaphore_mem>>)
      %dma_wait3A_31 = arith.constant 0 : i32
      %dma_wait3A_32 = arith.constant 0 : i32
      %dma_wait3A_33 = tpu.memref_slice %arg2[%arg0, %arg1, %dma_wait3A_31, %dma_wait3A_32] : memref<2x16x50x100xi32, #tpu.memory_space<hbm>> -> memref<1x1x50x100xi32, #tpu.memory_space<hbm>>
      %dma_wait3A_34 = tpu.memref_squeeze %dma_wait3A_33 : memref<1x1x50x100xi32, #tpu.memory_space<hbm>> -> memref<50x100xi32, #tpu.memory_space<hbm>>
      %dma_wait3A_35 = arith.constant 0 : i32
      %dma_wait3A_36 = arith.constant 0 : i32
      %dma_wait3A_37 = tpu.memref_slice %arg2[%arg0, %arg1, %dma_wait3A_35, %dma_wait3A_36] : memref<2x16x50x100xi32, #tpu.memory_space<hbm>> -> memref<1x1x50x100xi32, #tpu.memory_space<hbm>>
      %dma_wait3A_38 = tpu.memref_squeeze %dma_wait3A_37 : memref<1x1x50x100xi32, #tpu.memory_space<hbm>> -> memref<50x100xi32, #tpu.memory_space<hbm>>
      tpu.wait_dma2 semaphore(%run_scoped3A : memref<!tpu.dma_semaphore, #tpu.memory_space<semaphore_mem>>) src(%dma_wait3A_38 : memref<50x100xi32, #tpu.memory_space<hbm>>) dst(%arg6 : memref<50x100xi32, #tpu.memory_space<vmem>>)
      tpu.yield
    }) : () -> ()
    "tpu.region"() ({
      %run_scoped3A = tpu.sem_alloc : memref<!tpu.dma_semaphore, #tpu.memory_space<semaphore_mem>>
      tpu.enqueue_dma source(%arg3 : memref<100x128xf32, #tpu.memory_space<hbm>>) target(%arg7 : memref<100x128xf32, #tpu.memory_space<vmem>>) target_semaphore(%run_scoped3A : memref<!tpu.dma_semaphore, #tpu.memory_space<semaphore_mem>>)
      tpu.wait_dma2 semaphore(%run_scoped3A : memref<!tpu.dma_semaphore, #tpu.memory_space<semaphore_mem>>) src(%arg3 : memref<100x128xf32, #tpu.memory_space<hbm>>) dst(%arg7 : memref<100x128xf32, #tpu.memory_space<vmem>>)
      tpu.yield
    }) : () -> ()
    %mul3A = arith.constant 632 : i32
    %mul3A_0 = arith.muli %arg1, %mul3A : i32
    "tpu.region"() ({
      %run_scoped3A = tpu.sem_alloc : memref<!tpu.dma_semaphore, #tpu.memory_space<semaphore_mem>>
      %dma_start3A = arith.constant 0 : i32
      %dma_start3A_24 = tpu.memref_slice %arg10[%mul3A_0, %dma_start3A] : memref<10112x128xf32, #tpu.memory_space<vmem_shared>> -> memref<632x128xf32, #tpu.memory_space<vmem_shared>>
      tpu.enqueue_dma source(%arg4 : memref<632x128xf32, #tpu.memory_space<hbm>>) target(%dma_start3A_24 : memref<632x128xf32, #tpu.memory_space<vmem_shared>>) target_semaphore(%run_scoped3A : memref<!tpu.dma_semaphore, #tpu.memory_space<semaphore_mem>>)
      %dma_wait3A_25 = arith.constant 0 : i32
      %dma_wait3A_26 = tpu.memref_slice %arg10[%mul3A_0, %dma_wait3A_25] : memref<10112x128xf32, #tpu.memory_space<vmem_shared>> -> memref<632x128xf32, #tpu.memory_space<vmem_shared>>
      tpu.wait_dma2 semaphore(%run_scoped3A : memref<!tpu.dma_semaphore, #tpu.memory_space<semaphore_mem>>) src(%arg4 : memref<632x128xf32, #tpu.memory_space<hbm>>) dst(%dma_wait3A_26 : memref<632x128xf32, #tpu.memory_space<vmem_shared>>)
      tpu.yield
    }) : () -> ()
    %barrier3A = arith.constant 0 : index
    tpu.barrier barrier_id(%barrier3A)
    %scan3A = arith.constant 0 : i32
    %scan3A_1 = arith.constant 0 : i32
    %scan3A_2 = arith.constant 25 : i32
    %scan3A_3 = arith.addi %scan3A_1, %scan3A_2 : i32
    %scan3A_4 = arith.constant 1 : i32
    scf.for %scan3A_24 = %scan3A_1 to %scan3A_3 step %scan3A_4  : i32 {
      %mul3A_25 = arith.constant 2 : i32
      %mul3A_26 = arith.muli %scan3A_24, %mul3A_25 : i32
      %add3A = arith.constant 1 : i32
      %add3A_27 = arith.addi %mul3A_26, %add3A : i32
      %gt3A = arith.constant 0 : i32
      %gt3A_28 = arith.cmpi sgt, %scan3A_24, %gt3A : i32
      %convert_element_type3A = arith.extui %gt3A_28 : i1 to i32
      %cond3A = arith.constant 0 : i32
      %cond3A_29 = arith.cmpi ne, %convert_element_type3A, %cond3A : i32
      scf.if %cond3A_29 {
        %dma_wait3A_41 = arith.constant 0 : i32
        %dma_wait3A_42 = tpu.memref_slice %arg6[%mul3A_26, %dma_wait3A_41] : memref<50x100xi32, #tpu.memory_space<vmem>> -> memref<1x100xi32, #tpu.memory_space<vmem>>
        %dma_wait3A_43 = tpu.memref_squeeze %dma_wait3A_42 : memref<1x100xi32, #tpu.memory_space<vmem>> -> memref<100xi32, #tpu.memory_space<vmem>>
        %dma_wait3A_44 = arith.constant 0 : i32
        %dma_wait3A_45 = arith.constant 0 : i32
        %dma_wait3A_46 = tpu.memref_slice %arg10[%dma_wait3A_44, %dma_wait3A_45] : memref<10112x128xf32, #tpu.memory_space<vmem_shared>> -> memref<10112x128xf32, #tpu.memory_space<vmem_shared>>
        tpu.wait_indirect_dma semaphore(%arg8 : memref<!tpu.dma_semaphore, #tpu.memory_space<semaphore_mem>>) src(%arg7 : memref<100x128xf32, #tpu.memory_space<vmem>>) dst(%dma_wait3A_46 : memref<10112x128xf32, #tpu.memory_space<vmem_shared>>)
        %dma_wait3A_47 = arith.constant 0 : i32
        %dma_wait3A_48 = tpu.memref_slice %arg6[%add3A_27, %dma_wait3A_47] : memref<50x100xi32, #tpu.memory_space<vmem>> -> memref<1x100xi32, #tpu.memory_space<vmem>>
        %dma_wait3A_49 = tpu.memref_squeeze %dma_wait3A_48 : memref<1x100xi32, #tpu.memory_space<vmem>> -> memref<100xi32, #tpu.memory_space<vmem>>
        %dma_wait3A_50 = arith.constant 0 : i32
        %dma_wait3A_51 = arith.constant 0 : i32
        %dma_wait3A_52 = tpu.memref_slice %arg10[%dma_wait3A_50, %dma_wait3A_51] : memref<10112x128xf32, #tpu.memory_space<vmem_shared>> -> memref<10112x128xf32, #tpu.memory_space<vmem_shared>>
        tpu.wait_indirect_dma semaphore(%arg9 : memref<!tpu.dma_semaphore, #tpu.memory_space<semaphore_mem>>) src(%arg7 : memref<100x128xf32, #tpu.memory_space<vmem>>) dst(%dma_wait3A_52 : memref<10112x128xf32, #tpu.memory_space<vmem_shared>>)
      } else {
      }
      %dma_start3A = arith.constant 0 : i32
      %dma_start3A_30 = tpu.memref_slice %arg6[%mul3A_26, %dma_start3A] : memref<50x100xi32, #tpu.memory_space<vmem>> -> memref<1x100xi32, #tpu.memory_space<vmem>>
      %dma_start3A_31 = tpu.memref_squeeze %dma_start3A_30 : memref<1x100xi32, #tpu.memory_space<vmem>> -> memref<100xi32, #tpu.memory_space<vmem>>
      %dma_start3A_32 = arith.constant 0 : i32
      %dma_start3A_33 = arith.constant 0 : i32
      %dma_start3A_34 = tpu.memref_slice %arg10[%dma_start3A_32, %dma_start3A_33] : memref<10112x128xf32, #tpu.memory_space<vmem_shared>> -> memref<10112x128xf32, #tpu.memory_space<vmem_shared>>
      tpu.enqueue_indirect_dma source(%arg7 : memref<100x128xf32, #tpu.memory_space<vmem>>) target(%dma_start3A_34 : memref<10112x128xf32, #tpu.memory_space<vmem_shared>>) offsets(%dma_start3A_31 : memref<100xi32, #tpu.memory_space<vmem>>) semaphore(%arg8 : memref<!tpu.dma_semaphore, #tpu.memory_space<semaphore_mem>>) {add = true}
      %dma_start3A_35 = arith.constant 0 : i32
      %dma_start3A_36 = tpu.memref_slice %arg6[%add3A_27, %dma_start3A_35] : memref<50x100xi32, #tpu.memory_space<vmem>> -> memref<1x100xi32, #tpu.memory_space<vmem>>
      %dma_start3A_37 = tpu.memref_squeeze %dma_start3A_36 : memref<1x100xi32, #tpu.memory_space<vmem>> -> memref<100xi32, #tpu.memory_space<vmem>>
      %dma_start3A_38 = arith.constant 0 : i32
      %dma_start3A_39 = arith.constant 0 : i32
      %dma_start3A_40 = tpu.memref_slice %arg10[%dma_start3A_38, %dma_start3A_39] : memref<10112x128xf32, #tpu.memory_space<vmem_shared>> -> memref<10112x128xf32, #tpu.memory_space<vmem_shared>>
      tpu.enqueue_indirect_dma source(%arg7 : memref<100x128xf32, #tpu.memory_space<vmem>>) target(%dma_start3A_40 : memref<10112x128xf32, #tpu.memory_space<vmem_shared>>) offsets(%dma_start3A_37 : memref<100xi32, #tpu.memory_space<vmem>>) semaphore(%arg9 : memref<!tpu.dma_semaphore, #tpu.memory_space<semaphore_mem>>) {add = true}
    }
    %scan3A_5 = arith.constant 25 : i32
    %dma_wait3A = arith.constant 48 : i32
    %dma_wait3A_6 = arith.constant 0 : i32
    %dma_wait3A_7 = tpu.memref_slice %arg6[%dma_wait3A, %dma_wait3A_6] : memref<50x100xi32, #tpu.memory_space<vmem>> -> memref<1x100xi32, #tpu.memory_space<vmem>>
    %dma_wait3A_8 = tpu.memref_squeeze %dma_wait3A_7 : memref<1x100xi32, #tpu.memory_space<vmem>> -> memref<100xi32, #tpu.memory_space<vmem>>
    %dma_wait3A_9 = arith.constant 0 : i32
    %dma_wait3A_10 = arith.constant 0 : i32
    %dma_wait3A_11 = tpu.memref_slice %arg10[%dma_wait3A_9, %dma_wait3A_10] : memref<10112x128xf32, #tpu.memory_space<vmem_shared>> -> memref<10112x128xf32, #tpu.memory_space<vmem_shared>>
    tpu.wait_indirect_dma semaphore(%arg8 : memref<!tpu.dma_semaphore, #tpu.memory_space<semaphore_mem>>) src(%arg7 : memref<100x128xf32, #tpu.memory_space<vmem>>) dst(%dma_wait3A_11 : memref<10112x128xf32, #tpu.memory_space<vmem_shared>>)
    %dma_wait3A_12 = arith.constant 49 : i32
    %dma_wait3A_13 = arith.constant 0 : i32
    %dma_wait3A_14 = tpu.memref_slice %arg6[%dma_wait3A_12, %dma_wait3A_13] : memref<50x100xi32, #tpu.memory_space<vmem>> -> memref<1x100xi32, #tpu.memory_space<vmem>>
    %dma_wait3A_15 = tpu.memref_squeeze %dma_wait3A_14 : memref<1x100xi32, #tpu.memory_space<vmem>> -> memref<100xi32, #tpu.memory_space<vmem>>
    %dma_wait3A_16 = arith.constant 0 : i32
    %dma_wait3A_17 = arith.constant 0 : i32
    %dma_wait3A_18 = tpu.memref_slice %arg10[%dma_wait3A_16, %dma_wait3A_17] : memref<10112x128xf32, #tpu.memory_space<vmem_shared>> -> memref<10112x128xf32, #tpu.memory_space<vmem_shared>>
    tpu.wait_indirect_dma semaphore(%arg9 : memref<!tpu.dma_semaphore, #tpu.memory_space<semaphore_mem>>) src(%arg7 : memref<100x128xf32, #tpu.memory_space<vmem>>) dst(%dma_wait3A_18 : memref<10112x128xf32, #tpu.memory_space<vmem_shared>>)
    %barrier3A_19 = arith.constant 0 : index
    tpu.barrier barrier_id(%barrier3A_19)
    %mul3A_20 = arith.constant 632 : i32
    %mul3A_21 = arith.muli %arg1, %mul3A_20 : i32
    %mul3A_22 = arith.constant 632 : i32
    %mul3A_23 = arith.muli %arg1, %mul3A_22 : i32
    "tpu.region"() ({
      %run_scoped3A = tpu.sem_alloc : memref<!tpu.dma_semaphore, #tpu.memory_space<semaphore_mem>>
      %dma_start3A = arith.constant 0 : i32
      %dma_start3A_24 = tpu.memref_slice %arg5[%arg0, %mul3A_23, %dma_start3A] : memref<2x10112x128xf32, #tpu.memory_space<hbm>> -> memref<1x632x128xf32, #tpu.memory_space<hbm>>
      %dma_start3A_25 = tpu.memref_squeeze %dma_start3A_24 : memref<1x632x128xf32, #tpu.memory_space<hbm>> -> memref<632x128xf32, #tpu.memory_space<hbm>>
      %dma_start3A_26 = arith.constant 0 : i32
      %dma_start3A_27 = tpu.memref_slice %arg10[%mul3A_21, %dma_start3A_26] : memref<10112x128xf32, #tpu.memory_space<vmem_shared>> -> memref<632x128xf32, #tpu.memory_space<vmem_shared>>
      tpu.enqueue_dma source(%dma_start3A_27 : memref<632x128xf32, #tpu.memory_space<vmem_shared>>) target(%dma_start3A_25 : memref<632x128xf32, #tpu.memory_space<hbm>>) target_semaphore(%run_scoped3A : memref<!tpu.dma_semaphore, #tpu.memory_space<semaphore_mem>>)
      %dma_wait3A_28 = arith.constant 0 : i32
      %dma_wait3A_29 = tpu.memref_slice %arg5[%arg0, %mul3A_23, %dma_wait3A_28] : memref<2x10112x128xf32, #tpu.memory_space<hbm>> -> memref<1x632x128xf32, #tpu.memory_space<hbm>>
      %dma_wait3A_30 = tpu.memref_squeeze %dma_wait3A_29 : memref<1x632x128xf32, #tpu.memory_space<hbm>> -> memref<632x128xf32, #tpu.memory_space<hbm>>
      %dma_wait3A_31 = arith.constant 0 : i32
      %dma_wait3A_32 = tpu.memref_slice %arg10[%mul3A_21, %dma_wait3A_31] : memref<10112x128xf32, #tpu.memory_space<vmem_shared>> -> memref<632x128xf32, #tpu.memory_space<vmem_shared>>
      tpu.wait_dma2 semaphore(%run_scoped3A : memref<!tpu.dma_semaphore, #tpu.memory_space<semaphore_mem>>) src(%dma_wait3A_32 : memref<632x128xf32, #tpu.memory_space<vmem_shared>>) dst(%dma_wait3A_30 : memref<632x128xf32, #tpu.memory_space<hbm>>)
      tpu.yield
    }) : () -> ()
    return
  }
}

#map = affine_map<(d0, d1) -> (0, 0, 0, 0, 0)>
#map1 = affine_map<(d0, d1) -> (0, 0, 0, 0)>
#map2 = affine_map<(d0, d1) -> (0, 0)>
#map3 = affine_map<(d0, d1) -> (0, 0, 0)>
module attributes {stable_mosaic.version = 14 : i64} {
  func.func @_row_pass(%arg0: i32, %arg1: i32, %arg2: memref<2x16x10x10x100xi32, #tpu.memory_space<hbm>>, %arg3: memref<16x10x10x100xi32, #tpu.memory_space<hbm>>, %arg4: memref<20000x128xf32, #tpu.memory_space<hbm>>, %arg5: memref<632x128xf32, #tpu.memory_space<hbm>>, %arg6: memref<2x10112x128xf32, #tpu.memory_space<hbm>>, %arg7: memref<2x10x100xi32, #tpu.memory_space<vmem>>, %arg8: memref<2x10x100xi32, #tpu.memory_space<vmem>>, %arg9: memref<100x128xf32, #tpu.memory_space<vmem>>, %arg10: memref<100x128xf32, #tpu.memory_space<vmem>>, %arg11: memref<2x!tpu.dma_semaphore, #tpu.memory_space<semaphore_mem>>, %arg12: memref<2x!tpu.dma_semaphore, #tpu.memory_space<semaphore_mem>>, %arg13: memref<!tpu.dma_semaphore, #tpu.memory_space<semaphore_mem>>, %arg14: memref<!tpu.dma_semaphore, #tpu.memory_space<semaphore_mem>>, %arg15: memref<!tpu.dma_semaphore, #tpu.memory_space<semaphore_mem>>, %arg16: memref<!tpu.dma_semaphore, #tpu.memory_space<semaphore_mem>>, %arg17: memref<10112x128xf32, #tpu.memory_space<vmem_shared>>) attributes {dimension_semantics = [#tpu.dimension_semantics<core_parallel>, #tpu.dimension_semantics<subcore_parallel>], iteration_bounds = array<i64: 2, 16>, scalar_prefetch = 0 : i64, scratch_operands = 11 : i64, tpu.core_type = #tpu.core_type<sc_vector_subcore>, window_params = [{transform_indices = #map}, {transform_indices = #map1}, {transform_indices = #map2}, {transform_indices = #map2}, {transform_indices = #map3}]} {
    %dma_start3A = arith.constant 0 : i32
    %dma_start3A_0 = arith.constant 0 : i32
    %dma_start3A_1 = arith.constant 0 : i32
    %dma_start3A_2 = arith.constant 0 : i32
    %dma_start3A_3 = arith.constant 0 : i32
    %dma_start3A_4 = tpu.memref_slice %arg7[%dma_start3A_0, %dma_start3A_2, %dma_start3A_3] : memref<2x10x100xi32, #tpu.memory_space<vmem>> -> memref<1x10x100xi32, #tpu.memory_space<vmem>>
    %dma_start3A_5 = tpu.memref_squeeze %dma_start3A_4 : memref<1x10x100xi32, #tpu.memory_space<vmem>> -> memref<10x100xi32, #tpu.memory_space<vmem>>
    %dma_start3A_6 = arith.constant 0 : i32
    %dma_start3A_7 = arith.constant 0 : i32
    %dma_start3A_8 = tpu.memref_slice %arg2[%arg0, %arg1, %dma_start3A, %dma_start3A_6, %dma_start3A_7] : memref<2x16x10x10x100xi32, #tpu.memory_space<hbm>> -> memref<1x1x1x10x100xi32, #tpu.memory_space<hbm>>
    %dma_start3A_9 = tpu.memref_squeeze %dma_start3A_8 : memref<1x1x1x10x100xi32, #tpu.memory_space<hbm>> -> memref<10x100xi32, #tpu.memory_space<hbm>>
    %dma_start3A_10 = tpu.memref_slice %arg11[%dma_start3A_1] : memref<2x!tpu.dma_semaphore, #tpu.memory_space<semaphore_mem>> -> memref<1x!tpu.dma_semaphore, #tpu.memory_space<semaphore_mem>>
    %dma_start3A_11 = tpu.memref_squeeze %dma_start3A_10 : memref<1x!tpu.dma_semaphore, #tpu.memory_space<semaphore_mem>> -> memref<!tpu.dma_semaphore, #tpu.memory_space<semaphore_mem>>
    %dma_start3A_12 = arith.constant 0 : i32
    %dma_start3A_13 = arith.constant 0 : i32
    %dma_start3A_14 = tpu.memref_slice %arg7[%dma_start3A_0, %dma_start3A_12, %dma_start3A_13] : memref<2x10x100xi32, #tpu.memory_space<vmem>> -> memref<1x10x100xi32, #tpu.memory_space<vmem>>
    %dma_start3A_15 = tpu.memref_squeeze %dma_start3A_14 : memref<1x10x100xi32, #tpu.memory_space<vmem>> -> memref<10x100xi32, #tpu.memory_space<vmem>>
    %dma_start3A_16 = arith.constant 0 : i32
    %dma_start3A_17 = arith.constant 0 : i32
    %dma_start3A_18 = tpu.memref_slice %arg2[%arg0, %arg1, %dma_start3A, %dma_start3A_16, %dma_start3A_17] : memref<2x16x10x10x100xi32, #tpu.memory_space<hbm>> -> memref<1x1x1x10x100xi32, #tpu.memory_space<hbm>>
    %dma_start3A_19 = tpu.memref_squeeze %dma_start3A_18 : memref<1x1x1x10x100xi32, #tpu.memory_space<hbm>> -> memref<10x100xi32, #tpu.memory_space<hbm>>
    tpu.enqueue_dma source(%dma_start3A_19 : memref<10x100xi32, #tpu.memory_space<hbm>>) target(%dma_start3A_15 : memref<10x100xi32, #tpu.memory_space<vmem>>) target_semaphore(%dma_start3A_11 : memref<!tpu.dma_semaphore, #tpu.memory_space<semaphore_mem>>)
    %dma_start3A_20 = arith.constant 0 : i32
    %dma_start3A_21 = arith.constant 0 : i32
    %dma_start3A_22 = arith.constant 0 : i32
    %dma_start3A_23 = arith.constant 0 : i32
    %dma_start3A_24 = arith.constant 0 : i32
    %dma_start3A_25 = tpu.memref_slice %arg8[%dma_start3A_21, %dma_start3A_23, %dma_start3A_24] : memref<2x10x100xi32, #tpu.memory_space<vmem>> -> memref<1x10x100xi32, #tpu.memory_space<vmem>>
    %dma_start3A_26 = tpu.memref_squeeze %dma_start3A_25 : memref<1x10x100xi32, #tpu.memory_space<vmem>> -> memref<10x100xi32, #tpu.memory_space<vmem>>
    %dma_start3A_27 = arith.constant 0 : i32
    %dma_start3A_28 = arith.constant 0 : i32
    %dma_start3A_29 = tpu.memref_slice %arg3[%arg1, %dma_start3A_20, %dma_start3A_27, %dma_start3A_28] : memref<16x10x10x100xi32, #tpu.memory_space<hbm>> -> memref<1x1x10x100xi32, #tpu.memory_space<hbm>>
    %dma_start3A_30 = tpu.memref_squeeze %dma_start3A_29 : memref<1x1x10x100xi32, #tpu.memory_space<hbm>> -> memref<10x100xi32, #tpu.memory_space<hbm>>
    %dma_start3A_31 = tpu.memref_slice %arg12[%dma_start3A_22] : memref<2x!tpu.dma_semaphore, #tpu.memory_space<semaphore_mem>> -> memref<1x!tpu.dma_semaphore, #tpu.memory_space<semaphore_mem>>
    %dma_start3A_32 = tpu.memref_squeeze %dma_start3A_31 : memref<1x!tpu.dma_semaphore, #tpu.memory_space<semaphore_mem>> -> memref<!tpu.dma_semaphore, #tpu.memory_space<semaphore_mem>>
    %dma_start3A_33 = arith.constant 0 : i32
    %dma_start3A_34 = arith.constant 0 : i32
    %dma_start3A_35 = tpu.memref_slice %arg8[%dma_start3A_21, %dma_start3A_33, %dma_start3A_34] : memref<2x10x100xi32, #tpu.memory_space<vmem>> -> memref<1x10x100xi32, #tpu.memory_space<vmem>>
    %dma_start3A_36 = tpu.memref_squeeze %dma_start3A_35 : memref<1x10x100xi32, #tpu.memory_space<vmem>> -> memref<10x100xi32, #tpu.memory_space<vmem>>
    %dma_start3A_37 = arith.constant 0 : i32
    %dma_start3A_38 = arith.constant 0 : i32
    %dma_start3A_39 = tpu.memref_slice %arg3[%arg1, %dma_start3A_20, %dma_start3A_37, %dma_start3A_38] : memref<16x10x10x100xi32, #tpu.memory_space<hbm>> -> memref<1x1x10x100xi32, #tpu.memory_space<hbm>>
    %dma_start3A_40 = tpu.memref_squeeze %dma_start3A_39 : memref<1x1x10x100xi32, #tpu.memory_space<hbm>> -> memref<10x100xi32, #tpu.memory_space<hbm>>
    tpu.enqueue_dma source(%dma_start3A_40 : memref<10x100xi32, #tpu.memory_space<hbm>>) target(%dma_start3A_36 : memref<10x100xi32, #tpu.memory_space<vmem>>) target_semaphore(%dma_start3A_32 : memref<!tpu.dma_semaphore, #tpu.memory_space<semaphore_mem>>)
    %mul3A = arith.constant 632 : i32
    %mul3A_41 = arith.muli %arg1, %mul3A : i32
    "tpu.region"() ({
      %run_scoped3A = tpu.sem_alloc : memref<!tpu.dma_semaphore, #tpu.memory_space<semaphore_mem>>
      %dma_start3A_125 = arith.constant 0 : i32
      %dma_start3A_126 = tpu.memref_slice %arg17[%mul3A_41, %dma_start3A_125] : memref<10112x128xf32, #tpu.memory_space<vmem_shared>> -> memref<632x128xf32, #tpu.memory_space<vmem_shared>>
      tpu.enqueue_dma source(%arg5 : memref<632x128xf32, #tpu.memory_space<hbm>>) target(%dma_start3A_126 : memref<632x128xf32, #tpu.memory_space<vmem_shared>>) target_semaphore(%run_scoped3A : memref<!tpu.dma_semaphore, #tpu.memory_space<semaphore_mem>>)
      %dma_wait3A_127 = arith.constant 0 : i32
      %dma_wait3A_128 = tpu.memref_slice %arg17[%mul3A_41, %dma_wait3A_127] : memref<10112x128xf32, #tpu.memory_space<vmem_shared>> -> memref<632x128xf32, #tpu.memory_space<vmem_shared>>
      tpu.wait_dma2 semaphore(%run_scoped3A : memref<!tpu.dma_semaphore, #tpu.memory_space<semaphore_mem>>) src(%arg5 : memref<632x128xf32, #tpu.memory_space<hbm>>) dst(%dma_wait3A_128 : memref<632x128xf32, #tpu.memory_space<vmem_shared>>)
      tpu.yield
    }) : () -> ()
    %barrier3A = arith.constant 0 : index
    tpu.barrier barrier_id(%barrier3A)
    %dma_wait3A = arith.constant 0 : i32
    %dma_wait3A_42 = arith.constant 0 : i32
    %dma_wait3A_43 = arith.constant 0 : i32
    %dma_wait3A_44 = arith.constant 0 : i32
    %dma_wait3A_45 = arith.constant 0 : i32
    %dma_wait3A_46 = tpu.memref_slice %arg7[%dma_wait3A_42, %dma_wait3A_44, %dma_wait3A_45] : memref<2x10x100xi32, #tpu.memory_space<vmem>> -> memref<1x10x100xi32, #tpu.memory_space<vmem>>
    %dma_wait3A_47 = tpu.memref_squeeze %dma_wait3A_46 : memref<1x10x100xi32, #tpu.memory_space<vmem>> -> memref<10x100xi32, #tpu.memory_space<vmem>>
    %dma_wait3A_48 = arith.constant 0 : i32
    %dma_wait3A_49 = arith.constant 0 : i32
    %dma_wait3A_50 = tpu.memref_slice %arg2[%arg0, %arg1, %dma_wait3A, %dma_wait3A_48, %dma_wait3A_49] : memref<2x16x10x10x100xi32, #tpu.memory_space<hbm>> -> memref<1x1x1x10x100xi32, #tpu.memory_space<hbm>>
    %dma_wait3A_51 = tpu.memref_squeeze %dma_wait3A_50 : memref<1x1x1x10x100xi32, #tpu.memory_space<hbm>> -> memref<10x100xi32, #tpu.memory_space<hbm>>
    %dma_wait3A_52 = tpu.memref_slice %arg11[%dma_wait3A_43] : memref<2x!tpu.dma_semaphore, #tpu.memory_space<semaphore_mem>> -> memref<1x!tpu.dma_semaphore, #tpu.memory_space<semaphore_mem>>
    %dma_wait3A_53 = tpu.memref_squeeze %dma_wait3A_52 : memref<1x!tpu.dma_semaphore, #tpu.memory_space<semaphore_mem>> -> memref<!tpu.dma_semaphore, #tpu.memory_space<semaphore_mem>>
    %dma_wait3A_54 = arith.constant 0 : i32
    %dma_wait3A_55 = arith.constant 0 : i32
    %dma_wait3A_56 = tpu.memref_slice %arg7[%dma_wait3A_42, %dma_wait3A_54, %dma_wait3A_55] : memref<2x10x100xi32, #tpu.memory_space<vmem>> -> memref<1x10x100xi32, #tpu.memory_space<vmem>>
    %dma_wait3A_57 = tpu.memref_squeeze %dma_wait3A_56 : memref<1x10x100xi32, #tpu.memory_space<vmem>> -> memref<10x100xi32, #tpu.memory_space<vmem>>
    %dma_wait3A_58 = arith.constant 0 : i32
    %dma_wait3A_59 = arith.constant 0 : i32
    %dma_wait3A_60 = tpu.memref_slice %arg2[%arg0, %arg1, %dma_wait3A, %dma_wait3A_58, %dma_wait3A_59] : memref<2x16x10x10x100xi32, #tpu.memory_space<hbm>> -> memref<1x1x1x10x100xi32, #tpu.memory_space<hbm>>
    %dma_wait3A_61 = tpu.memref_squeeze %dma_wait3A_60 : memref<1x1x1x10x100xi32, #tpu.memory_space<hbm>> -> memref<10x100xi32, #tpu.memory_space<hbm>>
    tpu.wait_dma2 semaphore(%dma_wait3A_53 : memref<!tpu.dma_semaphore, #tpu.memory_space<semaphore_mem>>) src(%dma_wait3A_61 : memref<10x100xi32, #tpu.memory_space<hbm>>) dst(%dma_wait3A_57 : memref<10x100xi32, #tpu.memory_space<vmem>>)
    %dma_wait3A_62 = arith.constant 0 : i32
    %dma_wait3A_63 = arith.constant 0 : i32
    %dma_wait3A_64 = arith.constant 0 : i32
    %dma_wait3A_65 = arith.constant 0 : i32
    %dma_wait3A_66 = arith.constant 0 : i32
    %dma_wait3A_67 = tpu.memref_slice %arg8[%dma_wait3A_63, %dma_wait3A_65, %dma_wait3A_66] : memref<2x10x100xi32, #tpu.memory_space<vmem>> -> memref<1x10x100xi32, #tpu.memory_space<vmem>>
    %dma_wait3A_68 = tpu.memref_squeeze %dma_wait3A_67 : memref<1x10x100xi32, #tpu.memory_space<vmem>> -> memref<10x100xi32, #tpu.memory_space<vmem>>
    %dma_wait3A_69 = arith.constant 0 : i32
    %dma_wait3A_70 = arith.constant 0 : i32
    %dma_wait3A_71 = tpu.memref_slice %arg3[%arg1, %dma_wait3A_62, %dma_wait3A_69, %dma_wait3A_70] : memref<16x10x10x100xi32, #tpu.memory_space<hbm>> -> memref<1x1x10x100xi32, #tpu.memory_space<hbm>>
    %dma_wait3A_72 = tpu.memref_squeeze %dma_wait3A_71 : memref<1x1x10x100xi32, #tpu.memory_space<hbm>> -> memref<10x100xi32, #tpu.memory_space<hbm>>
    %dma_wait3A_73 = tpu.memref_slice %arg12[%dma_wait3A_64] : memref<2x!tpu.dma_semaphore, #tpu.memory_space<semaphore_mem>> -> memref<1x!tpu.dma_semaphore, #tpu.memory_space<semaphore_mem>>
    %dma_wait3A_74 = tpu.memref_squeeze %dma_wait3A_73 : memref<1x!tpu.dma_semaphore, #tpu.memory_space<semaphore_mem>> -> memref<!tpu.dma_semaphore, #tpu.memory_space<semaphore_mem>>
    %dma_wait3A_75 = arith.constant 0 : i32
    %dma_wait3A_76 = arith.constant 0 : i32
    %dma_wait3A_77 = tpu.memref_slice %arg8[%dma_wait3A_63, %dma_wait3A_75, %dma_wait3A_76] : memref<2x10x100xi32, #tpu.memory_space<vmem>> -> memref<1x10x100xi32, #tpu.memory_space<vmem>>
    %dma_wait3A_78 = tpu.memref_squeeze %dma_wait3A_77 : memref<1x10x100xi32, #tpu.memory_space<vmem>> -> memref<10x100xi32, #tpu.memory_space<vmem>>
    %dma_wait3A_79 = arith.constant 0 : i32
    %dma_wait3A_80 = arith.constant 0 : i32
    %dma_wait3A_81 = tpu.memref_slice %arg3[%arg1, %dma_wait3A_62, %dma_wait3A_79, %dma_wait3A_80] : memref<16x10x10x100xi32, #tpu.memory_space<hbm>> -> memref<1x1x10x100xi32, #tpu.memory_space<hbm>>
    %dma_wait3A_82 = tpu.memref_squeeze %dma_wait3A_81 : memref<1x1x10x100xi32, #tpu.memory_space<hbm>> -> memref<10x100xi32, #tpu.memory_space<hbm>>
    tpu.wait_dma2 semaphore(%dma_wait3A_74 : memref<!tpu.dma_semaphore, #tpu.memory_space<semaphore_mem>>) src(%dma_wait3A_82 : memref<10x100xi32, #tpu.memory_space<hbm>>) dst(%dma_wait3A_78 : memref<10x100xi32, #tpu.memory_space<vmem>>)
    %dma_start3A_83 = arith.constant 0 : i32
    %dma_start3A_84 = arith.constant 0 : i32
    %dma_start3A_85 = arith.constant 0 : i32
    %dma_start3A_86 = tpu.memref_slice %arg7[%dma_start3A_83, %dma_start3A_84, %dma_start3A_85] : memref<2x10x100xi32, #tpu.memory_space<vmem>> -> memref<1x1x100xi32, #tpu.memory_space<vmem>>
    %dma_start3A_87 = tpu.memref_squeeze %dma_start3A_86 : memref<1x1x100xi32, #tpu.memory_space<vmem>> -> memref<100xi32, #tpu.memory_space<vmem>>
    %dma_start3A_88 = arith.constant 0 : i32
    %dma_start3A_89 = arith.constant 0 : i32
    %dma_start3A_90 = tpu.memref_slice %arg4[%dma_start3A_88, %dma_start3A_89] : memref<20000x128xf32, #tpu.memory_space<hbm>> -> memref<20000x128xf32, #tpu.memory_space<hbm>>
    tpu.enqueue_indirect_dma source(%dma_start3A_90 : memref<20000x128xf32, #tpu.memory_space<hbm>>) target(%arg9 : memref<100x128xf32, #tpu.memory_space<vmem>>) offsets(%dma_start3A_87 : memref<100xi32, #tpu.memory_space<vmem>>) semaphore(%arg13 : memref<!tpu.dma_semaphore, #tpu.memory_space<semaphore_mem>>)
    %dma_start3A_91 = arith.constant 0 : i32
    %dma_start3A_92 = arith.constant 1 : i32
    %dma_start3A_93 = arith.constant 0 : i32
    %dma_start3A_94 = tpu.memref_slice %arg7[%dma_start3A_91, %dma_start3A_92, %dma_start3A_93] : memref<2x10x100xi32, #tpu.memory_space<vmem>> -> memref<1x1x100xi32, #tpu.memory_space<vmem>>
    %dma_start3A_95 = tpu.memref_squeeze %dma_start3A_94 : memref<1x1x100xi32, #tpu.memory_space<vmem>> -> memref<100xi32, #tpu.memory_space<vmem>>
    %dma_start3A_96 = arith.constant 0 : i32
    %dma_start3A_97 = arith.constant 0 : i32
    %dma_start3A_98 = tpu.memref_slice %arg4[%dma_start3A_96, %dma_start3A_97] : memref<20000x128xf32, #tpu.memory_space<hbm>> -> memref<20000x128xf32, #tpu.memory_space<hbm>>
    tpu.enqueue_indirect_dma source(%dma_start3A_98 : memref<20000x128xf32, #tpu.memory_space<hbm>>) target(%arg10 : memref<100x128xf32, #tpu.memory_space<vmem>>) offsets(%dma_start3A_95 : memref<100xi32, #tpu.memory_space<vmem>>) semaphore(%arg14 : memref<!tpu.dma_semaphore, #tpu.memory_space<semaphore_mem>>)
    %scan3A = arith.constant 0 : i32
    %scan3A_99 = arith.constant 0 : i32
    %scan3A_100 = arith.constant 10 : i32
    %scan3A_101 = arith.addi %scan3A_99, %scan3A_100 : i32
    %scan3A_102 = arith.constant 1 : i32
    scf.for %scan3A_125 = %scan3A_99 to %scan3A_101 step %scan3A_102  : i32 {
      %rem3A = arith.constant 2 : i32
      %rem3A_126 = arith.remsi %scan3A_125, %rem3A : i32
      %sub3A = arith.constant 1 : i32
      %sub3A_127 = arith.subi %sub3A, %rem3A_126 : i32
      %add3A = arith.constant 1 : i32
      %add3A_128 = arith.addi %scan3A_125, %add3A : i32
      %lt3A = arith.constant 10 : i32
      %lt3A_129 = arith.cmpi slt, %add3A_128, %lt3A : i32
      %convert_element_type3A = arith.extui %lt3A_129 : i1 to i32
      %cond3A = arith.constant 0 : i32
      %cond3A_130 = arith.cmpi ne, %convert_element_type3A, %cond3A : i32
      scf.if %cond3A_130 {
        %add3A_394 = arith.constant 1 : i32
        %add3A_395 = arith.addi %scan3A_125, %add3A_394 : i32
        %dma_start3A_396 = arith.constant 0 : i32
        %dma_start3A_397 = arith.constant 0 : i32
        %dma_start3A_398 = tpu.memref_slice %arg7[%sub3A_127, %dma_start3A_396, %dma_start3A_397] : memref<2x10x100xi32, #tpu.memory_space<vmem>> -> memref<1x10x100xi32, #tpu.memory_space<vmem>>
        %dma_start3A_399 = tpu.memref_squeeze %dma_start3A_398 : memref<1x10x100xi32, #tpu.memory_space<vmem>> -> memref<10x100xi32, #tpu.memory_space<vmem>>
        %dma_start3A_400 = arith.constant 0 : i32
        %dma_start3A_401 = arith.constant 0 : i32
        %dma_start3A_402 = tpu.memref_slice %arg2[%arg0, %arg1, %add3A_395, %dma_start3A_400, %dma_start3A_401] : memref<2x16x10x10x100xi32, #tpu.memory_space<hbm>> -> memref<1x1x1x10x100xi32, #tpu.memory_space<hbm>>
        %dma_start3A_403 = tpu.memref_squeeze %dma_start3A_402 : memref<1x1x1x10x100xi32, #tpu.memory_space<hbm>> -> memref<10x100xi32, #tpu.memory_space<hbm>>
        %dma_start3A_404 = tpu.memref_slice %arg11[%sub3A_127] : memref<2x!tpu.dma_semaphore, #tpu.memory_space<semaphore_mem>> -> memref<1x!tpu.dma_semaphore, #tpu.memory_space<semaphore_mem>>
        %dma_start3A_405 = tpu.memref_squeeze %dma_start3A_404 : memref<1x!tpu.dma_semaphore, #tpu.memory_space<semaphore_mem>> -> memref<!tpu.dma_semaphore, #tpu.memory_space<semaphore_mem>>
        %dma_start3A_406 = arith.constant 0 : i32
        %dma_start3A_407 = arith.constant 0 : i32
        %dma_start3A_408 = tpu.memref_slice %arg7[%sub3A_127, %dma_start3A_406, %dma_start3A_407] : memref<2x10x100xi32, #tpu.memory_space<vmem>> -> memref<1x10x100xi32, #tpu.memory_space<vmem>>
        %dma_start3A_409 = tpu.memref_squeeze %dma_start3A_408 : memref<1x10x100xi32, #tpu.memory_space<vmem>> -> memref<10x100xi32, #tpu.memory_space<vmem>>
        %dma_start3A_410 = arith.constant 0 : i32
        %dma_start3A_411 = arith.constant 0 : i32
        %dma_start3A_412 = tpu.memref_slice %arg2[%arg0, %arg1, %add3A_395, %dma_start3A_410, %dma_start3A_411] : memref<2x16x10x10x100xi32, #tpu.memory_space<hbm>> -> memref<1x1x1x10x100xi32, #tpu.memory_space<hbm>>
        %dma_start3A_413 = tpu.memref_squeeze %dma_start3A_412 : memref<1x1x1x10x100xi32, #tpu.memory_space<hbm>> -> memref<10x100xi32, #tpu.memory_space<hbm>>
        tpu.enqueue_dma source(%dma_start3A_413 : memref<10x100xi32, #tpu.memory_space<hbm>>) target(%dma_start3A_409 : memref<10x100xi32, #tpu.memory_space<vmem>>) target_semaphore(%dma_start3A_405 : memref<!tpu.dma_semaphore, #tpu.memory_space<semaphore_mem>>)
        %add3A_414 = arith.constant 1 : i32
        %add3A_415 = arith.addi %scan3A_125, %add3A_414 : i32
        %dma_start3A_416 = arith.constant 0 : i32
        %dma_start3A_417 = arith.constant 0 : i32
        %dma_start3A_418 = tpu.memref_slice %arg8[%sub3A_127, %dma_start3A_416, %dma_start3A_417] : memref<2x10x100xi32, #tpu.memory_space<vmem>> -> memref<1x10x100xi32, #tpu.memory_space<vmem>>
        %dma_start3A_419 = tpu.memref_squeeze %dma_start3A_418 : memref<1x10x100xi32, #tpu.memory_space<vmem>> -> memref<10x100xi32, #tpu.memory_space<vmem>>
        %dma_start3A_420 = arith.constant 0 : i32
        %dma_start3A_421 = arith.constant 0 : i32
        %dma_start3A_422 = tpu.memref_slice %arg3[%arg1, %add3A_415, %dma_start3A_420, %dma_start3A_421] : memref<16x10x10x100xi32, #tpu.memory_space<hbm>> -> memref<1x1x10x100xi32, #tpu.memory_space<hbm>>
        %dma_start3A_423 = tpu.memref_squeeze %dma_start3A_422 : memref<1x1x10x100xi32, #tpu.memory_space<hbm>> -> memref<10x100xi32, #tpu.memory_space<hbm>>
        %dma_start3A_424 = tpu.memref_slice %arg12[%sub3A_127] : memref<2x!tpu.dma_semaphore, #tpu.memory_space<semaphore_mem>> -> memref<1x!tpu.dma_semaphore, #tpu.memory_space<semaphore_mem>>
        %dma_start3A_425 = tpu.memref_squeeze %dma_start3A_424 : memref<1x!tpu.dma_semaphore, #tpu.memory_space<semaphore_mem>> -> memref<!tpu.dma_semaphore, #tpu.memory_space<semaphore_mem>>
        %dma_start3A_426 = arith.constant 0 : i32
        %dma_start3A_427 = arith.constant 0 : i32
        %dma_start3A_428 = tpu.memref_slice %arg8[%sub3A_127, %dma_start3A_426, %dma_start3A_427] : memref<2x10x100xi32, #tpu.memory_space<vmem>> -> memref<1x10x100xi32, #tpu.memory_space<vmem>>
        %dma_start3A_429 = tpu.memref_squeeze %dma_start3A_428 : memref<1x10x100xi32, #tpu.memory_space<vmem>> -> memref<10x100xi32, #tpu.memory_space<vmem>>
        %dma_start3A_430 = arith.constant 0 : i32
        %dma_start3A_431 = arith.constant 0 : i32
        %dma_start3A_432 = tpu.memref_slice %arg3[%arg1, %add3A_415, %dma_start3A_430, %dma_start3A_431] : memref<16x10x10x100xi32, #tpu.memory_space<hbm>> -> memref<1x1x10x100xi32, #tpu.memory_space<hbm>>
        %dma_start3A_433 = tpu.memref_squeeze %dma_start3A_432 : memref<1x1x10x100xi32, #tpu.memory_space<hbm>> -> memref<10x100xi32, #tpu.memory_space<hbm>>
        tpu.enqueue_dma source(%dma_start3A_433 : memref<10x100xi32, #tpu.memory_space<hbm>>) target(%dma_start3A_429 : memref<10x100xi32, #tpu.memory_space<vmem>>) target_semaphore(%dma_start3A_425 : memref<!tpu.dma_semaphore, #tpu.memory_space<semaphore_mem>>)
      } else {
      }
      %gt3A = arith.constant 0 : i32
      %gt3A_131 = arith.cmpi sgt, %scan3A_125, %gt3A : i32
      %convert_element_type3A_132 = arith.extui %gt3A_131 : i1 to i32
      %cond3A_133 = arith.constant 0 : i32
      %cond3A_134 = arith.cmpi ne, %convert_element_type3A_132, %cond3A_133 : i32
      scf.if %cond3A_134 {
        %dma_wait3A_394 = arith.constant 0 : i32
        %dma_wait3A_395 = arith.constant 0 : i32
        %dma_wait3A_396 = tpu.memref_slice %arg8[%rem3A_126, %dma_wait3A_394, %dma_wait3A_395] : memref<2x10x100xi32, #tpu.memory_space<vmem>> -> memref<1x10x100xi32, #tpu.memory_space<vmem>>
        %dma_wait3A_397 = tpu.memref_squeeze %dma_wait3A_396 : memref<1x10x100xi32, #tpu.memory_space<vmem>> -> memref<10x100xi32, #tpu.memory_space<vmem>>
        %dma_wait3A_398 = arith.constant 0 : i32
        %dma_wait3A_399 = arith.constant 0 : i32
        %dma_wait3A_400 = tpu.memref_slice %arg3[%arg1, %scan3A_125, %dma_wait3A_398, %dma_wait3A_399] : memref<16x10x10x100xi32, #tpu.memory_space<hbm>> -> memref<1x1x10x100xi32, #tpu.memory_space<hbm>>
        %dma_wait3A_401 = tpu.memref_squeeze %dma_wait3A_400 : memref<1x1x10x100xi32, #tpu.memory_space<hbm>> -> memref<10x100xi32, #tpu.memory_space<hbm>>
        %dma_wait3A_402 = tpu.memref_slice %arg12[%rem3A_126] : memref<2x!tpu.dma_semaphore, #tpu.memory_space<semaphore_mem>> -> memref<1x!tpu.dma_semaphore, #tpu.memory_space<semaphore_mem>>
        %dma_wait3A_403 = tpu.memref_squeeze %dma_wait3A_402 : memref<1x!tpu.dma_semaphore, #tpu.memory_space<semaphore_mem>> -> memref<!tpu.dma_semaphore, #tpu.memory_space<semaphore_mem>>
        %dma_wait3A_404 = arith.constant 0 : i32
        %dma_wait3A_405 = arith.constant 0 : i32
        %dma_wait3A_406 = tpu.memref_slice %arg8[%rem3A_126, %dma_wait3A_404, %dma_wait3A_405] : memref<2x10x100xi32, #tpu.memory_space<vmem>> -> memref<1x10x100xi32, #tpu.memory_space<vmem>>
        %dma_wait3A_407 = tpu.memref_squeeze %dma_wait3A_406 : memref<1x10x100xi32, #tpu.memory_space<vmem>> -> memref<10x100xi32, #tpu.memory_space<vmem>>
        %dma_wait3A_408 = arith.constant 0 : i32
        %dma_wait3A_409 = arith.constant 0 : i32
        %dma_wait3A_410 = tpu.memref_slice %arg3[%arg1, %scan3A_125, %dma_wait3A_408, %dma_wait3A_409] : memref<16x10x10x100xi32, #tpu.memory_space<hbm>> -> memref<1x1x10x100xi32, #tpu.memory_space<hbm>>
        %dma_wait3A_411 = tpu.memref_squeeze %dma_wait3A_410 : memref<1x1x10x100xi32, #tpu.memory_space<hbm>> -> memref<10x100xi32, #tpu.memory_space<hbm>>
        tpu.wait_dma2 semaphore(%dma_wait3A_403 : memref<!tpu.dma_semaphore, #tpu.memory_space<semaphore_mem>>) src(%dma_wait3A_411 : memref<10x100xi32, #tpu.memory_space<hbm>>) dst(%dma_wait3A_407 : memref<10x100xi32, #tpu.memory_space<vmem>>)
      } else {
      }
      %dma_wait3A_135 = arith.constant 0 : i32
      %dma_wait3A_136 = arith.constant 0 : i32
      %dma_wait3A_137 = tpu.memref_slice %arg7[%rem3A_126, %dma_wait3A_135, %dma_wait3A_136] : memref<2x10x100xi32, #tpu.memory_space<vmem>> -> memref<1x1x100xi32, #tpu.memory_space<vmem>>
      %dma_wait3A_138 = tpu.memref_squeeze %dma_wait3A_137 : memref<1x1x100xi32, #tpu.memory_space<vmem>> -> memref<100xi32, #tpu.memory_space<vmem>>
      %dma_wait3A_139 = arith.constant 0 : i32
      %dma_wait3A_140 = arith.constant 0 : i32
      %dma_wait3A_141 = tpu.memref_slice %arg4[%dma_wait3A_139, %dma_wait3A_140] : memref<20000x128xf32, #tpu.memory_space<hbm>> -> memref<20000x128xf32, #tpu.memory_space<hbm>>
      tpu.wait_indirect_dma semaphore(%arg13 : memref<!tpu.dma_semaphore, #tpu.memory_space<semaphore_mem>>) src(%dma_wait3A_141 : memref<20000x128xf32, #tpu.memory_space<hbm>>) dst(%arg9 : memref<100x128xf32, #tpu.memory_space<vmem>>)
      %dma_start3A_142 = arith.constant 0 : i32
      %dma_start3A_143 = arith.constant 0 : i32
      %dma_start3A_144 = tpu.memref_slice %arg8[%rem3A_126, %dma_start3A_142, %dma_start3A_143] : memref<2x10x100xi32, #tpu.memory_space<vmem>> -> memref<1x1x100xi32, #tpu.memory_space<vmem>>
      %dma_start3A_145 = tpu.memref_squeeze %dma_start3A_144 : memref<1x1x100xi32, #tpu.memory_space<vmem>> -> memref<100xi32, #tpu.memory_space<vmem>>
      %dma_start3A_146 = arith.constant 0 : i32
      %dma_start3A_147 = arith.constant 0 : i32
      %dma_start3A_148 = tpu.memref_slice %arg17[%dma_start3A_146, %dma_start3A_147] : memref<10112x128xf32, #tpu.memory_space<vmem_shared>> -> memref<10112x128xf32, #tpu.memory_space<vmem_shared>>
      tpu.enqueue_indirect_dma source(%arg9 : memref<100x128xf32, #tpu.memory_space<vmem>>) target(%dma_start3A_148 : memref<10112x128xf32, #tpu.memory_space<vmem_shared>>) offsets(%dma_start3A_145 : memref<100xi32, #tpu.memory_space<vmem>>) semaphore(%arg15 : memref<!tpu.dma_semaphore, #tpu.memory_space<semaphore_mem>>) {add = true}
      %dma_wait3A_149 = arith.constant 1 : i32
      %dma_wait3A_150 = arith.constant 0 : i32
      %dma_wait3A_151 = tpu.memref_slice %arg7[%rem3A_126, %dma_wait3A_149, %dma_wait3A_150] : memref<2x10x100xi32, #tpu.memory_space<vmem>> -> memref<1x1x100xi32, #tpu.memory_space<vmem>>
      %dma_wait3A_152 = tpu.memref_squeeze %dma_wait3A_151 : memref<1x1x100xi32, #tpu.memory_space<vmem>> -> memref<100xi32, #tpu.memory_space<vmem>>
      %dma_wait3A_153 = arith.constant 0 : i32
      %dma_wait3A_154 = arith.constant 0 : i32
      %dma_wait3A_155 = tpu.memref_slice %arg4[%dma_wait3A_153, %dma_wait3A_154] : memref<20000x128xf32, #tpu.memory_space<hbm>> -> memref<20000x128xf32, #tpu.memory_space<hbm>>
      tpu.wait_indirect_dma semaphore(%arg14 : memref<!tpu.dma_semaphore, #tpu.memory_space<semaphore_mem>>) src(%dma_wait3A_155 : memref<20000x128xf32, #tpu.memory_space<hbm>>) dst(%arg10 : memref<100x128xf32, #tpu.memory_space<vmem>>)
      %dma_start3A_156 = arith.constant 1 : i32
      %dma_start3A_157 = arith.constant 0 : i32
      %dma_start3A_158 = tpu.memref_slice %arg8[%rem3A_126, %dma_start3A_156, %dma_start3A_157] : memref<2x10x100xi32, #tpu.memory_space<vmem>> -> memref<1x1x100xi32, #tpu.memory_space<vmem>>
      %dma_start3A_159 = tpu.memref_squeeze %dma_start3A_158 : memref<1x1x100xi32, #tpu.memory_space<vmem>> -> memref<100xi32, #tpu.memory_space<vmem>>
      %dma_start3A_160 = arith.constant 0 : i32
      %dma_start3A_161 = arith.constant 0 : i32
      %dma_start3A_162 = tpu.memref_slice %arg17[%dma_start3A_160, %dma_start3A_161] : memref<10112x128xf32, #tpu.memory_space<vmem_shared>> -> memref<10112x128xf32, #tpu.memory_space<vmem_shared>>
      tpu.enqueue_indirect_dma source(%arg10 : memref<100x128xf32, #tpu.memory_space<vmem>>) target(%dma_start3A_162 : memref<10112x128xf32, #tpu.memory_space<vmem_shared>>) offsets(%dma_start3A_159 : memref<100xi32, #tpu.memory_space<vmem>>) semaphore(%arg16 : memref<!tpu.dma_semaphore, #tpu.memory_space<semaphore_mem>>) {add = true}
      %dma_wait3A_163 = arith.constant 0 : i32
      %dma_wait3A_164 = arith.constant 0 : i32
      %dma_wait3A_165 = tpu.memref_slice %arg8[%rem3A_126, %dma_wait3A_163, %dma_wait3A_164] : memref<2x10x100xi32, #tpu.memory_space<vmem>> -> memref<1x1x100xi32, #tpu.memory_space<vmem>>
      %dma_wait3A_166 = tpu.memref_squeeze %dma_wait3A_165 : memref<1x1x100xi32, #tpu.memory_space<vmem>> -> memref<100xi32, #tpu.memory_space<vmem>>
      %dma_wait3A_167 = arith.constant 0 : i32
      %dma_wait3A_168 = arith.constant 0 : i32
      %dma_wait3A_169 = tpu.memref_slice %arg17[%dma_wait3A_167, %dma_wait3A_168] : memref<10112x128xf32, #tpu.memory_space<vmem_shared>> -> memref<10112x128xf32, #tpu.memory_space<vmem_shared>>
      tpu.wait_indirect_dma semaphore(%arg15 : memref<!tpu.dma_semaphore, #tpu.memory_space<semaphore_mem>>) src(%arg9 : memref<100x128xf32, #tpu.memory_space<vmem>>) dst(%dma_wait3A_169 : memref<10112x128xf32, #tpu.memory_space<vmem_shared>>)
      %dma_start3A_170 = arith.constant 2 : i32
      %dma_start3A_171 = arith.constant 0 : i32
      %dma_start3A_172 = tpu.memref_slice %arg7[%rem3A_126, %dma_start3A_170, %dma_start3A_171] : memref<2x10x100xi32, #tpu.memory_space<vmem>> -> memref<1x1x100xi32, #tpu.memory_space<vmem>>
      %dma_start3A_173 = tpu.memref_squeeze %dma_start3A_172 : memref<1x1x100xi32, #tpu.memory_space<vmem>> -> memref<100xi32, #tpu.memory_space<vmem>>
      %dma_start3A_174 = arith.constant 0 : i32
      %dma_start3A_175 = arith.constant 0 : i32
      %dma_start3A_176 = tpu.memref_slice %arg4[%dma_start3A_174, %dma_start3A_175] : memref<20000x128xf32, #tpu.memory_space<hbm>> -> memref<20000x128xf32, #tpu.memory_space<hbm>>
      tpu.enqueue_indirect_dma source(%dma_start3A_176 : memref<20000x128xf32, #tpu.memory_space<hbm>>) target(%arg9 : memref<100x128xf32, #tpu.memory_space<vmem>>) offsets(%dma_start3A_173 : memref<100xi32, #tpu.memory_space<vmem>>) semaphore(%arg13 : memref<!tpu.dma_semaphore, #tpu.memory_space<semaphore_mem>>)
      %dma_wait3A_177 = arith.constant 1 : i32
      %dma_wait3A_178 = arith.constant 0 : i32
      %dma_wait3A_179 = tpu.memref_slice %arg8[%rem3A_126, %dma_wait3A_177, %dma_wait3A_178] : memref<2x10x100xi32, #tpu.memory_space<vmem>> -> memref<1x1x100xi32, #tpu.memory_space<vmem>>
      %dma_wait3A_180 = tpu.memref_squeeze %dma_wait3A_179 : memref<1x1x100xi32, #tpu.memory_space<vmem>> -> memref<100xi32, #tpu.memory_space<vmem>>
      %dma_wait3A_181 = arith.constant 0 : i32
      %dma_wait3A_182 = arith.constant 0 : i32
      %dma_wait3A_183 = tpu.memref_slice %arg17[%dma_wait3A_181, %dma_wait3A_182] : memref<10112x128xf32, #tpu.memory_space<vmem_shared>> -> memref<10112x128xf32, #tpu.memory_space<vmem_shared>>
      tpu.wait_indirect_dma semaphore(%arg16 : memref<!tpu.dma_semaphore, #tpu.memory_space<semaphore_mem>>) src(%arg10 : memref<100x128xf32, #tpu.memory_space<vmem>>) dst(%dma_wait3A_183 : memref<10112x128xf32, #tpu.memory_space<vmem_shared>>)
      %dma_start3A_184 = arith.constant 3 : i32
      %dma_start3A_185 = arith.constant 0 : i32
      %dma_start3A_186 = tpu.memref_slice %arg7[%rem3A_126, %dma_start3A_184, %dma_start3A_185] : memref<2x10x100xi32, #tpu.memory_space<vmem>> -> memref<1x1x100xi32, #tpu.memory_space<vmem>>
      %dma_start3A_187 = tpu.memref_squeeze %dma_start3A_186 : memref<1x1x100xi32, #tpu.memory_space<vmem>> -> memref<100xi32, #tpu.memory_space<vmem>>
      %dma_start3A_188 = arith.constant 0 : i32
      %dma_start3A_189 = arith.constant 0 : i32
      %dma_start3A_190 = tpu.memref_slice %arg4[%dma_start3A_188, %dma_start3A_189] : memref<20000x128xf32, #tpu.memory_space<hbm>> -> memref<20000x128xf32, #tpu.memory_space<hbm>>
      tpu.enqueue_indirect_dma source(%dma_start3A_190 : memref<20000x128xf32, #tpu.memory_space<hbm>>) target(%arg10 : memref<100x128xf32, #tpu.memory_space<vmem>>) offsets(%dma_start3A_187 : memref<100xi32, #tpu.memory_space<vmem>>) semaphore(%arg14 : memref<!tpu.dma_semaphore, #tpu.memory_space<semaphore_mem>>)
      %dma_wait3A_191 = arith.constant 2 : i32
      %dma_wait3A_192 = arith.constant 0 : i32
      %dma_wait3A_193 = tpu.memref_slice %arg7[%rem3A_126, %dma_wait3A_191, %dma_wait3A_192] : memref<2x10x100xi32, #tpu.memory_space<vmem>> -> memref<1x1x100xi32, #tpu.memory_space<vmem>>
      %dma_wait3A_194 = tpu.memref_squeeze %dma_wait3A_193 : memref<1x1x100xi32, #tpu.memory_space<vmem>> -> memref<100xi32, #tpu.memory_space<vmem>>
      %dma_wait3A_195 = arith.constant 0 : i32
      %dma_wait3A_196 = arith.constant 0 : i32
      %dma_wait3A_197 = tpu.memref_slice %arg4[%dma_wait3A_195, %dma_wait3A_196] : memref<20000x128xf32, #tpu.memory_space<hbm>> -> memref<20000x128xf32, #tpu.memory_space<hbm>>
      tpu.wait_indirect_dma semaphore(%arg13 : memref<!tpu.dma_semaphore, #tpu.memory_space<semaphore_mem>>) src(%dma_wait3A_197 : memref<20000x128xf32, #tpu.memory_space<hbm>>) dst(%arg9 : memref<100x128xf32, #tpu.memory_space<vmem>>)
      %dma_start3A_198 = arith.constant 2 : i32
      %dma_start3A_199 = arith.constant 0 : i32
      %dma_start3A_200 = tpu.memref_slice %arg8[%rem3A_126, %dma_start3A_198, %dma_start3A_199] : memref<2x10x100xi32, #tpu.memory_space<vmem>> -> memref<1x1x100xi32, #tpu.memory_space<vmem>>
      %dma_start3A_201 = tpu.memref_squeeze %dma_start3A_200 : memref<1x1x100xi32, #tpu.memory_space<vmem>> -> memref<100xi32, #tpu.memory_space<vmem>>
      %dma_start3A_202 = arith.constant 0 : i32
      %dma_start3A_203 = arith.constant 0 : i32
      %dma_start3A_204 = tpu.memref_slice %arg17[%dma_start3A_202, %dma_start3A_203] : memref<10112x128xf32, #tpu.memory_space<vmem_shared>> -> memref<10112x128xf32, #tpu.memory_space<vmem_shared>>
      tpu.enqueue_indirect_dma source(%arg9 : memref<100x128xf32, #tpu.memory_space<vmem>>) target(%dma_start3A_204 : memref<10112x128xf32, #tpu.memory_space<vmem_shared>>) offsets(%dma_start3A_201 : memref<100xi32, #tpu.memory_space<vmem>>) semaphore(%arg15 : memref<!tpu.dma_semaphore, #tpu.memory_space<semaphore_mem>>) {add = true}
      %dma_wait3A_205 = arith.constant 3 : i32
      %dma_wait3A_206 = arith.constant 0 : i32
      %dma_wait3A_207 = tpu.memref_slice %arg7[%rem3A_126, %dma_wait3A_205, %dma_wait3A_206] : memref<2x10x100xi32, #tpu.memory_space<vmem>> -> memref<1x1x100xi32, #tpu.memory_space<vmem>>
      %dma_wait3A_208 = tpu.memref_squeeze %dma_wait3A_207 : memref<1x1x100xi32, #tpu.memory_space<vmem>> -> memref<100xi32, #tpu.memory_space<vmem>>
      %dma_wait3A_209 = arith.constant 0 : i32
      %dma_wait3A_210 = arith.constant 0 : i32
      %dma_wait3A_211 = tpu.memref_slice %arg4[%dma_wait3A_209, %dma_wait3A_210] : memref<20000x128xf32, #tpu.memory_space<hbm>> -> memref<20000x128xf32, #tpu.memory_space<hbm>>
      tpu.wait_indirect_dma semaphore(%arg14 : memref<!tpu.dma_semaphore, #tpu.memory_space<semaphore_mem>>) src(%dma_wait3A_211 : memref<20000x128xf32, #tpu.memory_space<hbm>>) dst(%arg10 : memref<100x128xf32, #tpu.memory_space<vmem>>)
      %dma_start3A_212 = arith.constant 3 : i32
      %dma_start3A_213 = arith.constant 0 : i32
      %dma_start3A_214 = tpu.memref_slice %arg8[%rem3A_126, %dma_start3A_212, %dma_start3A_213] : memref<2x10x100xi32, #tpu.memory_space<vmem>> -> memref<1x1x100xi32, #tpu.memory_space<vmem>>
      %dma_start3A_215 = tpu.memref_squeeze %dma_start3A_214 : memref<1x1x100xi32, #tpu.memory_space<vmem>> -> memref<100xi32, #tpu.memory_space<vmem>>
      %dma_start3A_216 = arith.constant 0 : i32
      %dma_start3A_217 = arith.constant 0 : i32
      %dma_start3A_218 = tpu.memref_slice %arg17[%dma_start3A_216, %dma_start3A_217] : memref<10112x128xf32, #tpu.memory_space<vmem_shared>> -> memref<10112x128xf32, #tpu.memory_space<vmem_shared>>
      tpu.enqueue_indirect_dma source(%arg10 : memref<100x128xf32, #tpu.memory_space<vmem>>) target(%dma_start3A_218 : memref<10112x128xf32, #tpu.memory_space<vmem_shared>>) offsets(%dma_start3A_215 : memref<100xi32, #tpu.memory_space<vmem>>) semaphore(%arg16 : memref<!tpu.dma_semaphore, #tpu.memory_space<semaphore_mem>>) {add = true}
      %dma_wait3A_219 = arith.constant 2 : i32
      %dma_wait3A_220 = arith.constant 0 : i32
      %dma_wait3A_221 = tpu.memref_slice %arg8[%rem3A_126, %dma_wait3A_219, %dma_wait3A_220] : memref<2x10x100xi32, #tpu.memory_space<vmem>> -> memref<1x1x100xi32, #tpu.memory_space<vmem>>
      %dma_wait3A_222 = tpu.memref_squeeze %dma_wait3A_221 : memref<1x1x100xi32, #tpu.memory_space<vmem>> -> memref<100xi32, #tpu.memory_space<vmem>>
      %dma_wait3A_223 = arith.constant 0 : i32
      %dma_wait3A_224 = arith.constant 0 : i32
      %dma_wait3A_225 = tpu.memref_slice %arg17[%dma_wait3A_223, %dma_wait3A_224] : memref<10112x128xf32, #tpu.memory_space<vmem_shared>> -> memref<10112x128xf32, #tpu.memory_space<vmem_shared>>
      tpu.wait_indirect_dma semaphore(%arg15 : memref<!tpu.dma_semaphore, #tpu.memory_space<semaphore_mem>>) src(%arg9 : memref<100x128xf32, #tpu.memory_space<vmem>>) dst(%dma_wait3A_225 : memref<10112x128xf32, #tpu.memory_space<vmem_shared>>)
      %dma_start3A_226 = arith.constant 4 : i32
      %dma_start3A_227 = arith.constant 0 : i32
      %dma_start3A_228 = tpu.memref_slice %arg7[%rem3A_126, %dma_start3A_226, %dma_start3A_227] : memref<2x10x100xi32, #tpu.memory_space<vmem>> -> memref<1x1x100xi32, #tpu.memory_space<vmem>>
      %dma_start3A_229 = tpu.memref_squeeze %dma_start3A_228 : memref<1x1x100xi32, #tpu.memory_space<vmem>> -> memref<100xi32, #tpu.memory_space<vmem>>
      %dma_start3A_230 = arith.constant 0 : i32
      %dma_start3A_231 = arith.constant 0 : i32
      %dma_start3A_232 = tpu.memref_slice %arg4[%dma_start3A_230, %dma_start3A_231] : memref<20000x128xf32, #tpu.memory_space<hbm>> -> memref<20000x128xf32, #tpu.memory_space<hbm>>
      tpu.enqueue_indirect_dma source(%dma_start3A_232 : memref<20000x128xf32, #tpu.memory_space<hbm>>) target(%arg9 : memref<100x128xf32, #tpu.memory_space<vmem>>) offsets(%dma_start3A_229 : memref<100xi32, #tpu.memory_space<vmem>>) semaphore(%arg13 : memref<!tpu.dma_semaphore, #tpu.memory_space<semaphore_mem>>)
      %dma_wait3A_233 = arith.constant 3 : i32
      %dma_wait3A_234 = arith.constant 0 : i32
      %dma_wait3A_235 = tpu.memref_slice %arg8[%rem3A_126, %dma_wait3A_233, %dma_wait3A_234] : memref<2x10x100xi32, #tpu.memory_space<vmem>> -> memref<1x1x100xi32, #tpu.memory_space<vmem>>
      %dma_wait3A_236 = tpu.memref_squeeze %dma_wait3A_235 : memref<1x1x100xi32, #tpu.memory_space<vmem>> -> memref<100xi32, #tpu.memory_space<vmem>>
      %dma_wait3A_237 = arith.constant 0 : i32
      %dma_wait3A_238 = arith.constant 0 : i32
      %dma_wait3A_239 = tpu.memref_slice %arg17[%dma_wait3A_237, %dma_wait3A_238] : memref<10112x128xf32, #tpu.memory_space<vmem_shared>> -> memref<10112x128xf32, #tpu.memory_space<vmem_shared>>
      tpu.wait_indirect_dma semaphore(%arg16 : memref<!tpu.dma_semaphore, #tpu.memory_space<semaphore_mem>>) src(%arg10 : memref<100x128xf32, #tpu.memory_space<vmem>>) dst(%dma_wait3A_239 : memref<10112x128xf32, #tpu.memory_space<vmem_shared>>)
      %dma_start3A_240 = arith.constant 5 : i32
      %dma_start3A_241 = arith.constant 0 : i32
      %dma_start3A_242 = tpu.memref_slice %arg7[%rem3A_126, %dma_start3A_240, %dma_start3A_241] : memref<2x10x100xi32, #tpu.memory_space<vmem>> -> memref<1x1x100xi32, #tpu.memory_space<vmem>>
      %dma_start3A_243 = tpu.memref_squeeze %dma_start3A_242 : memref<1x1x100xi32, #tpu.memory_space<vmem>> -> memref<100xi32, #tpu.memory_space<vmem>>
      %dma_start3A_244 = arith.constant 0 : i32
      %dma_start3A_245 = arith.constant 0 : i32
      %dma_start3A_246 = tpu.memref_slice %arg4[%dma_start3A_244, %dma_start3A_245] : memref<20000x128xf32, #tpu.memory_space<hbm>> -> memref<20000x128xf32, #tpu.memory_space<hbm>>
      tpu.enqueue_indirect_dma source(%dma_start3A_246 : memref<20000x128xf32, #tpu.memory_space<hbm>>) target(%arg10 : memref<100x128xf32, #tpu.memory_space<vmem>>) offsets(%dma_start3A_243 : memref<100xi32, #tpu.memory_space<vmem>>) semaphore(%arg14 : memref<!tpu.dma_semaphore, #tpu.memory_space<semaphore_mem>>)
      %dma_wait3A_247 = arith.constant 4 : i32
      %dma_wait3A_248 = arith.constant 0 : i32
      %dma_wait3A_249 = tpu.memref_slice %arg7[%rem3A_126, %dma_wait3A_247, %dma_wait3A_248] : memref<2x10x100xi32, #tpu.memory_space<vmem>> -> memref<1x1x100xi32, #tpu.memory_space<vmem>>
      %dma_wait3A_250 = tpu.memref_squeeze %dma_wait3A_249 : memref<1x1x100xi32, #tpu.memory_space<vmem>> -> memref<100xi32, #tpu.memory_space<vmem>>
      %dma_wait3A_251 = arith.constant 0 : i32
      %dma_wait3A_252 = arith.constant 0 : i32
      %dma_wait3A_253 = tpu.memref_slice %arg4[%dma_wait3A_251, %dma_wait3A_252] : memref<20000x128xf32, #tpu.memory_space<hbm>> -> memref<20000x128xf32, #tpu.memory_space<hbm>>
      tpu.wait_indirect_dma semaphore(%arg13 : memref<!tpu.dma_semaphore, #tpu.memory_space<semaphore_mem>>) src(%dma_wait3A_253 : memref<20000x128xf32, #tpu.memory_space<hbm>>) dst(%arg9 : memref<100x128xf32, #tpu.memory_space<vmem>>)
      %dma_start3A_254 = arith.constant 4 : i32
      %dma_start3A_255 = arith.constant 0 : i32
      %dma_start3A_256 = tpu.memref_slice %arg8[%rem3A_126, %dma_start3A_254, %dma_start3A_255] : memref<2x10x100xi32, #tpu.memory_space<vmem>> -> memref<1x1x100xi32, #tpu.memory_space<vmem>>
      %dma_start3A_257 = tpu.memref_squeeze %dma_start3A_256 : memref<1x1x100xi32, #tpu.memory_space<vmem>> -> memref<100xi32, #tpu.memory_space<vmem>>
      %dma_start3A_258 = arith.constant 0 : i32
      %dma_start3A_259 = arith.constant 0 : i32
      %dma_start3A_260 = tpu.memref_slice %arg17[%dma_start3A_258, %dma_start3A_259] : memref<10112x128xf32, #tpu.memory_space<vmem_shared>> -> memref<10112x128xf32, #tpu.memory_space<vmem_shared>>
      tpu.enqueue_indirect_dma source(%arg9 : memref<100x128xf32, #tpu.memory_space<vmem>>) target(%dma_start3A_260 : memref<10112x128xf32, #tpu.memory_space<vmem_shared>>) offsets(%dma_start3A_257 : memref<100xi32, #tpu.memory_space<vmem>>) semaphore(%arg15 : memref<!tpu.dma_semaphore, #tpu.memory_space<semaphore_mem>>) {add = true}
      %dma_wait3A_261 = arith.constant 5 : i32
      %dma_wait3A_262 = arith.constant 0 : i32
      %dma_wait3A_263 = tpu.memref_slice %arg7[%rem3A_126, %dma_wait3A_261, %dma_wait3A_262] : memref<2x10x100xi32, #tpu.memory_space<vmem>> -> memref<1x1x100xi32, #tpu.memory_space<vmem>>
      %dma_wait3A_264 = tpu.memref_squeeze %dma_wait3A_263 : memref<1x1x100xi32, #tpu.memory_space<vmem>> -> memref<100xi32, #tpu.memory_space<vmem>>
      %dma_wait3A_265 = arith.constant 0 : i32
      %dma_wait3A_266 = arith.constant 0 : i32
      %dma_wait3A_267 = tpu.memref_slice %arg4[%dma_wait3A_265, %dma_wait3A_266] : memref<20000x128xf32, #tpu.memory_space<hbm>> -> memref<20000x128xf32, #tpu.memory_space<hbm>>
      tpu.wait_indirect_dma semaphore(%arg14 : memref<!tpu.dma_semaphore, #tpu.memory_space<semaphore_mem>>) src(%dma_wait3A_267 : memref<20000x128xf32, #tpu.memory_space<hbm>>) dst(%arg10 : memref<100x128xf32, #tpu.memory_space<vmem>>)
      %dma_start3A_268 = arith.constant 5 : i32
      %dma_start3A_269 = arith.constant 0 : i32
      %dma_start3A_270 = tpu.memref_slice %arg8[%rem3A_126, %dma_start3A_268, %dma_start3A_269] : memref<2x10x100xi32, #tpu.memory_space<vmem>> -> memref<1x1x100xi32, #tpu.memory_space<vmem>>
      %dma_start3A_271 = tpu.memref_squeeze %dma_start3A_270 : memref<1x1x100xi32, #tpu.memory_space<vmem>> -> memref<100xi32, #tpu.memory_space<vmem>>
      %dma_start3A_272 = arith.constant 0 : i32
      %dma_start3A_273 = arith.constant 0 : i32
      %dma_start3A_274 = tpu.memref_slice %arg17[%dma_start3A_272, %dma_start3A_273] : memref<10112x128xf32, #tpu.memory_space<vmem_shared>> -> memref<10112x128xf32, #tpu.memory_space<vmem_shared>>
      tpu.enqueue_indirect_dma source(%arg10 : memref<100x128xf32, #tpu.memory_space<vmem>>) target(%dma_start3A_274 : memref<10112x128xf32, #tpu.memory_space<vmem_shared>>) offsets(%dma_start3A_271 : memref<100xi32, #tpu.memory_space<vmem>>) semaphore(%arg16 : memref<!tpu.dma_semaphore, #tpu.memory_space<semaphore_mem>>) {add = true}
      %dma_wait3A_275 = arith.constant 4 : i32
      %dma_wait3A_276 = arith.constant 0 : i32
      %dma_wait3A_277 = tpu.memref_slice %arg8[%rem3A_126, %dma_wait3A_275, %dma_wait3A_276] : memref<2x10x100xi32, #tpu.memory_space<vmem>> -> memref<1x1x100xi32, #tpu.memory_space<vmem>>
      %dma_wait3A_278 = tpu.memref_squeeze %dma_wait3A_277 : memref<1x1x100xi32, #tpu.memory_space<vmem>> -> memref<100xi32, #tpu.memory_space<vmem>>
      %dma_wait3A_279 = arith.constant 0 : i32
      %dma_wait3A_280 = arith.constant 0 : i32
      %dma_wait3A_281 = tpu.memref_slice %arg17[%dma_wait3A_279, %dma_wait3A_280] : memref<10112x128xf32, #tpu.memory_space<vmem_shared>> -> memref<10112x128xf32, #tpu.memory_space<vmem_shared>>
      tpu.wait_indirect_dma semaphore(%arg15 : memref<!tpu.dma_semaphore, #tpu.memory_space<semaphore_mem>>) src(%arg9 : memref<100x128xf32, #tpu.memory_space<vmem>>) dst(%dma_wait3A_281 : memref<10112x128xf32, #tpu.memory_space<vmem_shared>>)
      %dma_start3A_282 = arith.constant 6 : i32
      %dma_start3A_283 = arith.constant 0 : i32
      %dma_start3A_284 = tpu.memref_slice %arg7[%rem3A_126, %dma_start3A_282, %dma_start3A_283] : memref<2x10x100xi32, #tpu.memory_space<vmem>> -> memref<1x1x100xi32, #tpu.memory_space<vmem>>
      %dma_start3A_285 = tpu.memref_squeeze %dma_start3A_284 : memref<1x1x100xi32, #tpu.memory_space<vmem>> -> memref<100xi32, #tpu.memory_space<vmem>>
      %dma_start3A_286 = arith.constant 0 : i32
      %dma_start3A_287 = arith.constant 0 : i32
      %dma_start3A_288 = tpu.memref_slice %arg4[%dma_start3A_286, %dma_start3A_287] : memref<20000x128xf32, #tpu.memory_space<hbm>> -> memref<20000x128xf32, #tpu.memory_space<hbm>>
      tpu.enqueue_indirect_dma source(%dma_start3A_288 : memref<20000x128xf32, #tpu.memory_space<hbm>>) target(%arg9 : memref<100x128xf32, #tpu.memory_space<vmem>>) offsets(%dma_start3A_285 : memref<100xi32, #tpu.memory_space<vmem>>) semaphore(%arg13 : memref<!tpu.dma_semaphore, #tpu.memory_space<semaphore_mem>>)
      %dma_wait3A_289 = arith.constant 5 : i32
      %dma_wait3A_290 = arith.constant 0 : i32
      %dma_wait3A_291 = tpu.memref_slice %arg8[%rem3A_126, %dma_wait3A_289, %dma_wait3A_290] : memref<2x10x100xi32, #tpu.memory_space<vmem>> -> memref<1x1x100xi32, #tpu.memory_space<vmem>>
      %dma_wait3A_292 = tpu.memref_squeeze %dma_wait3A_291 : memref<1x1x100xi32, #tpu.memory_space<vmem>> -> memref<100xi32, #tpu.memory_space<vmem>>
      %dma_wait3A_293 = arith.constant 0 : i32
      %dma_wait3A_294 = arith.constant 0 : i32
      %dma_wait3A_295 = tpu.memref_slice %arg17[%dma_wait3A_293, %dma_wait3A_294] : memref<10112x128xf32, #tpu.memory_space<vmem_shared>> -> memref<10112x128xf32, #tpu.memory_space<vmem_shared>>
      tpu.wait_indirect_dma semaphore(%arg16 : memref<!tpu.dma_semaphore, #tpu.memory_space<semaphore_mem>>) src(%arg10 : memref<100x128xf32, #tpu.memory_space<vmem>>) dst(%dma_wait3A_295 : memref<10112x128xf32, #tpu.memory_space<vmem_shared>>)
      %dma_start3A_296 = arith.constant 7 : i32
      %dma_start3A_297 = arith.constant 0 : i32
      %dma_start3A_298 = tpu.memref_slice %arg7[%rem3A_126, %dma_start3A_296, %dma_start3A_297] : memref<2x10x100xi32, #tpu.memory_space<vmem>> -> memref<1x1x100xi32, #tpu.memory_space<vmem>>
      %dma_start3A_299 = tpu.memref_squeeze %dma_start3A_298 : memref<1x1x100xi32, #tpu.memory_space<vmem>> -> memref<100xi32, #tpu.memory_space<vmem>>
      %dma_start3A_300 = arith.constant 0 : i32
      %dma_start3A_301 = arith.constant 0 : i32
      %dma_start3A_302 = tpu.memref_slice %arg4[%dma_start3A_300, %dma_start3A_301] : memref<20000x128xf32, #tpu.memory_space<hbm>> -> memref<20000x128xf32, #tpu.memory_space<hbm>>
      tpu.enqueue_indirect_dma source(%dma_start3A_302 : memref<20000x128xf32, #tpu.memory_space<hbm>>) target(%arg10 : memref<100x128xf32, #tpu.memory_space<vmem>>) offsets(%dma_start3A_299 : memref<100xi32, #tpu.memory_space<vmem>>) semaphore(%arg14 : memref<!tpu.dma_semaphore, #tpu.memory_space<semaphore_mem>>)
      %dma_wait3A_303 = arith.constant 6 : i32
      %dma_wait3A_304 = arith.constant 0 : i32
      %dma_wait3A_305 = tpu.memref_slice %arg7[%rem3A_126, %dma_wait3A_303, %dma_wait3A_304] : memref<2x10x100xi32, #tpu.memory_space<vmem>> -> memref<1x1x100xi32, #tpu.memory_space<vmem>>
      %dma_wait3A_306 = tpu.memref_squeeze %dma_wait3A_305 : memref<1x1x100xi32, #tpu.memory_space<vmem>> -> memref<100xi32, #tpu.memory_space<vmem>>
      %dma_wait3A_307 = arith.constant 0 : i32
      %dma_wait3A_308 = arith.constant 0 : i32
      %dma_wait3A_309 = tpu.memref_slice %arg4[%dma_wait3A_307, %dma_wait3A_308] : memref<20000x128xf32, #tpu.memory_space<hbm>> -> memref<20000x128xf32, #tpu.memory_space<hbm>>
      tpu.wait_indirect_dma semaphore(%arg13 : memref<!tpu.dma_semaphore, #tpu.memory_space<semaphore_mem>>) src(%dma_wait3A_309 : memref<20000x128xf32, #tpu.memory_space<hbm>>) dst(%arg9 : memref<100x128xf32, #tpu.memory_space<vmem>>)
      %dma_start3A_310 = arith.constant 6 : i32
      %dma_start3A_311 = arith.constant 0 : i32
      %dma_start3A_312 = tpu.memref_slice %arg8[%rem3A_126, %dma_start3A_310, %dma_start3A_311] : memref<2x10x100xi32, #tpu.memory_space<vmem>> -> memref<1x1x100xi32, #tpu.memory_space<vmem>>
      %dma_start3A_313 = tpu.memref_squeeze %dma_start3A_312 : memref<1x1x100xi32, #tpu.memory_space<vmem>> -> memref<100xi32, #tpu.memory_space<vmem>>
      %dma_start3A_314 = arith.constant 0 : i32
      %dma_start3A_315 = arith.constant 0 : i32
      %dma_start3A_316 = tpu.memref_slice %arg17[%dma_start3A_314, %dma_start3A_315] : memref<10112x128xf32, #tpu.memory_space<vmem_shared>> -> memref<10112x128xf32, #tpu.memory_space<vmem_shared>>
      tpu.enqueue_indirect_dma source(%arg9 : memref<100x128xf32, #tpu.memory_space<vmem>>) target(%dma_start3A_316 : memref<10112x128xf32, #tpu.memory_space<vmem_shared>>) offsets(%dma_start3A_313 : memref<100xi32, #tpu.memory_space<vmem>>) semaphore(%arg15 : memref<!tpu.dma_semaphore, #tpu.memory_space<semaphore_mem>>) {add = true}
      %dma_wait3A_317 = arith.constant 7 : i32
      %dma_wait3A_318 = arith.constant 0 : i32
      %dma_wait3A_319 = tpu.memref_slice %arg7[%rem3A_126, %dma_wait3A_317, %dma_wait3A_318] : memref<2x10x100xi32, #tpu.memory_space<vmem>> -> memref<1x1x100xi32, #tpu.memory_space<vmem>>
      %dma_wait3A_320 = tpu.memref_squeeze %dma_wait3A_319 : memref<1x1x100xi32, #tpu.memory_space<vmem>> -> memref<100xi32, #tpu.memory_space<vmem>>
      %dma_wait3A_321 = arith.constant 0 : i32
      %dma_wait3A_322 = arith.constant 0 : i32
      %dma_wait3A_323 = tpu.memref_slice %arg4[%dma_wait3A_321, %dma_wait3A_322] : memref<20000x128xf32, #tpu.memory_space<hbm>> -> memref<20000x128xf32, #tpu.memory_space<hbm>>
      tpu.wait_indirect_dma semaphore(%arg14 : memref<!tpu.dma_semaphore, #tpu.memory_space<semaphore_mem>>) src(%dma_wait3A_323 : memref<20000x128xf32, #tpu.memory_space<hbm>>) dst(%arg10 : memref<100x128xf32, #tpu.memory_space<vmem>>)
      %dma_start3A_324 = arith.constant 7 : i32
      %dma_start3A_325 = arith.constant 0 : i32
      %dma_start3A_326 = tpu.memref_slice %arg8[%rem3A_126, %dma_start3A_324, %dma_start3A_325] : memref<2x10x100xi32, #tpu.memory_space<vmem>> -> memref<1x1x100xi32, #tpu.memory_space<vmem>>
      %dma_start3A_327 = tpu.memref_squeeze %dma_start3A_326 : memref<1x1x100xi32, #tpu.memory_space<vmem>> -> memref<100xi32, #tpu.memory_space<vmem>>
      %dma_start3A_328 = arith.constant 0 : i32
      %dma_start3A_329 = arith.constant 0 : i32
      %dma_start3A_330 = tpu.memref_slice %arg17[%dma_start3A_328, %dma_start3A_329] : memref<10112x128xf32, #tpu.memory_space<vmem_shared>> -> memref<10112x128xf32, #tpu.memory_space<vmem_shared>>
      tpu.enqueue_indirect_dma source(%arg10 : memref<100x128xf32, #tpu.memory_space<vmem>>) target(%dma_start3A_330 : memref<10112x128xf32, #tpu.memory_space<vmem_shared>>) offsets(%dma_start3A_327 : memref<100xi32, #tpu.memory_space<vmem>>) semaphore(%arg16 : memref<!tpu.dma_semaphore, #tpu.memory_space<semaphore_mem>>) {add = true}
      %dma_wait3A_331 = arith.constant 6 : i32
      %dma_wait3A_332 = arith.constant 0 : i32
      %dma_wait3A_333 = tpu.memref_slice %arg8[%rem3A_126, %dma_wait3A_331, %dma_wait3A_332] : memref<2x10x100xi32, #tpu.memory_space<vmem>> -> memref<1x1x100xi32, #tpu.memory_space<vmem>>
      %dma_wait3A_334 = tpu.memref_squeeze %dma_wait3A_333 : memref<1x1x100xi32, #tpu.memory_space<vmem>> -> memref<100xi32, #tpu.memory_space<vmem>>
      %dma_wait3A_335 = arith.constant 0 : i32
      %dma_wait3A_336 = arith.constant 0 : i32
      %dma_wait3A_337 = tpu.memref_slice %arg17[%dma_wait3A_335, %dma_wait3A_336] : memref<10112x128xf32, #tpu.memory_space<vmem_shared>> -> memref<10112x128xf32, #tpu.memory_space<vmem_shared>>
      tpu.wait_indirect_dma semaphore(%arg15 : memref<!tpu.dma_semaphore, #tpu.memory_space<semaphore_mem>>) src(%arg9 : memref<100x128xf32, #tpu.memory_space<vmem>>) dst(%dma_wait3A_337 : memref<10112x128xf32, #tpu.memory_space<vmem_shared>>)
      %dma_start3A_338 = arith.constant 8 : i32
      %dma_start3A_339 = arith.constant 0 : i32
      %dma_start3A_340 = tpu.memref_slice %arg7[%rem3A_126, %dma_start3A_338, %dma_start3A_339] : memref<2x10x100xi32, #tpu.memory_space<vmem>> -> memref<1x1x100xi32, #tpu.memory_space<vmem>>
      %dma_start3A_341 = tpu.memref_squeeze %dma_start3A_340 : memref<1x1x100xi32, #tpu.memory_space<vmem>> -> memref<100xi32, #tpu.memory_space<vmem>>
      %dma_start3A_342 = arith.constant 0 : i32
      %dma_start3A_343 = arith.constant 0 : i32
      %dma_start3A_344 = tpu.memref_slice %arg4[%dma_start3A_342, %dma_start3A_343] : memref<20000x128xf32, #tpu.memory_space<hbm>> -> memref<20000x128xf32, #tpu.memory_space<hbm>>
      tpu.enqueue_indirect_dma source(%dma_start3A_344 : memref<20000x128xf32, #tpu.memory_space<hbm>>) target(%arg9 : memref<100x128xf32, #tpu.memory_space<vmem>>) offsets(%dma_start3A_341 : memref<100xi32, #tpu.memory_space<vmem>>) semaphore(%arg13 : memref<!tpu.dma_semaphore, #tpu.memory_space<semaphore_mem>>)
      %dma_wait3A_345 = arith.constant 7 : i32
      %dma_wait3A_346 = arith.constant 0 : i32
      %dma_wait3A_347 = tpu.memref_slice %arg8[%rem3A_126, %dma_wait3A_345, %dma_wait3A_346] : memref<2x10x100xi32, #tpu.memory_space<vmem>> -> memref<1x1x100xi32, #tpu.memory_space<vmem>>
      %dma_wait3A_348 = tpu.memref_squeeze %dma_wait3A_347 : memref<1x1x100xi32, #tpu.memory_space<vmem>> -> memref<100xi32, #tpu.memory_space<vmem>>
      %dma_wait3A_349 = arith.constant 0 : i32
      %dma_wait3A_350 = arith.constant 0 : i32
      %dma_wait3A_351 = tpu.memref_slice %arg17[%dma_wait3A_349, %dma_wait3A_350] : memref<10112x128xf32, #tpu.memory_space<vmem_shared>> -> memref<10112x128xf32, #tpu.memory_space<vmem_shared>>
      tpu.wait_indirect_dma semaphore(%arg16 : memref<!tpu.dma_semaphore, #tpu.memory_space<semaphore_mem>>) src(%arg10 : memref<100x128xf32, #tpu.memory_space<vmem>>) dst(%dma_wait3A_351 : memref<10112x128xf32, #tpu.memory_space<vmem_shared>>)
      %dma_start3A_352 = arith.constant 9 : i32
      %dma_start3A_353 = arith.constant 0 : i32
      %dma_start3A_354 = tpu.memref_slice %arg7[%rem3A_126, %dma_start3A_352, %dma_start3A_353] : memref<2x10x100xi32, #tpu.memory_space<vmem>> -> memref<1x1x100xi32, #tpu.memory_space<vmem>>
      %dma_start3A_355 = tpu.memref_squeeze %dma_start3A_354 : memref<1x1x100xi32, #tpu.memory_space<vmem>> -> memref<100xi32, #tpu.memory_space<vmem>>
      %dma_start3A_356 = arith.constant 0 : i32
      %dma_start3A_357 = arith.constant 0 : i32
      %dma_start3A_358 = tpu.memref_slice %arg4[%dma_start3A_356, %dma_start3A_357] : memref<20000x128xf32, #tpu.memory_space<hbm>> -> memref<20000x128xf32, #tpu.memory_space<hbm>>
      tpu.enqueue_indirect_dma source(%dma_start3A_358 : memref<20000x128xf32, #tpu.memory_space<hbm>>) target(%arg10 : memref<100x128xf32, #tpu.memory_space<vmem>>) offsets(%dma_start3A_355 : memref<100xi32, #tpu.memory_space<vmem>>) semaphore(%arg14 : memref<!tpu.dma_semaphore, #tpu.memory_space<semaphore_mem>>)
      %dma_wait3A_359 = arith.constant 8 : i32
      %dma_wait3A_360 = arith.constant 0 : i32
      %dma_wait3A_361 = tpu.memref_slice %arg7[%rem3A_126, %dma_wait3A_359, %dma_wait3A_360] : memref<2x10x100xi32, #tpu.memory_space<vmem>> -> memref<1x1x100xi32, #tpu.memory_space<vmem>>
      %dma_wait3A_362 = tpu.memref_squeeze %dma_wait3A_361 : memref<1x1x100xi32, #tpu.memory_space<vmem>> -> memref<100xi32, #tpu.memory_space<vmem>>
      %dma_wait3A_363 = arith.constant 0 : i32
      %dma_wait3A_364 = arith.constant 0 : i32
      %dma_wait3A_365 = tpu.memref_slice %arg4[%dma_wait3A_363, %dma_wait3A_364] : memref<20000x128xf32, #tpu.memory_space<hbm>> -> memref<20000x128xf32, #tpu.memory_space<hbm>>
      tpu.wait_indirect_dma semaphore(%arg13 : memref<!tpu.dma_semaphore, #tpu.memory_space<semaphore_mem>>) src(%dma_wait3A_365 : memref<20000x128xf32, #tpu.memory_space<hbm>>) dst(%arg9 : memref<100x128xf32, #tpu.memory_space<vmem>>)
      %dma_start3A_366 = arith.constant 8 : i32
      %dma_start3A_367 = arith.constant 0 : i32
      %dma_start3A_368 = tpu.memref_slice %arg8[%rem3A_126, %dma_start3A_366, %dma_start3A_367] : memref<2x10x100xi32, #tpu.memory_space<vmem>> -> memref<1x1x100xi32, #tpu.memory_space<vmem>>
      %dma_start3A_369 = tpu.memref_squeeze %dma_start3A_368 : memref<1x1x100xi32, #tpu.memory_space<vmem>> -> memref<100xi32, #tpu.memory_space<vmem>>
      %dma_start3A_370 = arith.constant 0 : i32
      %dma_start3A_371 = arith.constant 0 : i32
      %dma_start3A_372 = tpu.memref_slice %arg17[%dma_start3A_370, %dma_start3A_371] : memref<10112x128xf32, #tpu.memory_space<vmem_shared>> -> memref<10112x128xf32, #tpu.memory_space<vmem_shared>>
      tpu.enqueue_indirect_dma source(%arg9 : memref<100x128xf32, #tpu.memory_space<vmem>>) target(%dma_start3A_372 : memref<10112x128xf32, #tpu.memory_space<vmem_shared>>) offsets(%dma_start3A_369 : memref<100xi32, #tpu.memory_space<vmem>>) semaphore(%arg15 : memref<!tpu.dma_semaphore, #tpu.memory_space<semaphore_mem>>) {add = true}
      %dma_wait3A_373 = arith.constant 9 : i32
      %dma_wait3A_374 = arith.constant 0 : i32
      %dma_wait3A_375 = tpu.memref_slice %arg7[%rem3A_126, %dma_wait3A_373, %dma_wait3A_374] : memref<2x10x100xi32, #tpu.memory_space<vmem>> -> memref<1x1x100xi32, #tpu.memory_space<vmem>>
      %dma_wait3A_376 = tpu.memref_squeeze %dma_wait3A_375 : memref<1x1x100xi32, #tpu.memory_space<vmem>> -> memref<100xi32, #tpu.memory_space<vmem>>
      %dma_wait3A_377 = arith.constant 0 : i32
      %dma_wait3A_378 = arith.constant 0 : i32
      %dma_wait3A_379 = tpu.memref_slice %arg4[%dma_wait3A_377, %dma_wait3A_378] : memref<20000x128xf32, #tpu.memory_space<hbm>> -> memref<20000x128xf32, #tpu.memory_space<hbm>>
      tpu.wait_indirect_dma semaphore(%arg14 : memref<!tpu.dma_semaphore, #tpu.memory_space<semaphore_mem>>) src(%dma_wait3A_379 : memref<20000x128xf32, #tpu.memory_space<hbm>>) dst(%arg10 : memref<100x128xf32, #tpu.memory_space<vmem>>)
      %dma_start3A_380 = arith.constant 9 : i32
      %dma_start3A_381 = arith.constant 0 : i32
      %dma_start3A_382 = tpu.memref_slice %arg8[%rem3A_126, %dma_start3A_380, %dma_start3A_381] : memref<2x10x100xi32, #tpu.memory_space<vmem>> -> memref<1x1x100xi32, #tpu.memory_space<vmem>>
      %dma_start3A_383 = tpu.memref_squeeze %dma_start3A_382 : memref<1x1x100xi32, #tpu.memory_space<vmem>> -> memref<100xi32, #tpu.memory_space<vmem>>
      %dma_start3A_384 = arith.constant 0 : i32
      %dma_start3A_385 = arith.constant 0 : i32
      %dma_start3A_386 = tpu.memref_slice %arg17[%dma_start3A_384, %dma_start3A_385] : memref<10112x128xf32, #tpu.memory_space<vmem_shared>> -> memref<10112x128xf32, #tpu.memory_space<vmem_shared>>
      tpu.enqueue_indirect_dma source(%arg10 : memref<100x128xf32, #tpu.memory_space<vmem>>) target(%dma_start3A_386 : memref<10112x128xf32, #tpu.memory_space<vmem_shared>>) offsets(%dma_start3A_383 : memref<100xi32, #tpu.memory_space<vmem>>) semaphore(%arg16 : memref<!tpu.dma_semaphore, #tpu.memory_space<semaphore_mem>>) {add = true}
      %add3A_387 = arith.constant 1 : i32
      %add3A_388 = arith.addi %scan3A_125, %add3A_387 : i32
      %lt3A_389 = arith.constant 10 : i32
      %lt3A_390 = arith.cmpi slt, %add3A_388, %lt3A_389 : i32
      %convert_element_type3A_391 = arith.extui %lt3A_390 : i1 to i32
      %cond3A_392 = arith.constant 0 : i32
      %cond3A_393 = arith.cmpi ne, %convert_element_type3A_391, %cond3A_392 : i32
      scf.if %cond3A_393 {
        %add3A_394 = arith.constant 1 : i32
        %add3A_395 = arith.addi %scan3A_125, %add3A_394 : i32
        %dma_wait3A_396 = arith.constant 0 : i32
        %dma_wait3A_397 = arith.constant 0 : i32
        %dma_wait3A_398 = tpu.memref_slice %arg7[%sub3A_127, %dma_wait3A_396, %dma_wait3A_397] : memref<2x10x100xi32, #tpu.memory_space<vmem>> -> memref<1x10x100xi32, #tpu.memory_space<vmem>>
        %dma_wait3A_399 = tpu.memref_squeeze %dma_wait3A_398 : memref<1x10x100xi32, #tpu.memory_space<vmem>> -> memref<10x100xi32, #tpu.memory_space<vmem>>
        %dma_wait3A_400 = arith.constant 0 : i32
        %dma_wait3A_401 = arith.constant 0 : i32
        %dma_wait3A_402 = tpu.memref_slice %arg2[%arg0, %arg1, %add3A_395, %dma_wait3A_400, %dma_wait3A_401] : memref<2x16x10x10x100xi32, #tpu.memory_space<hbm>> -> memref<1x1x1x10x100xi32, #tpu.memory_space<hbm>>
        %dma_wait3A_403 = tpu.memref_squeeze %dma_wait3A_402 : memref<1x1x1x10x100xi32, #tpu.memory_space<hbm>> -> memref<10x100xi32, #tpu.memory_space<hbm>>
        %dma_wait3A_404 = tpu.memref_slice %arg11[%sub3A_127] : memref<2x!tpu.dma_semaphore, #tpu.memory_space<semaphore_mem>> -> memref<1x!tpu.dma_semaphore, #tpu.memory_space<semaphore_mem>>
        %dma_wait3A_405 = tpu.memref_squeeze %dma_wait3A_404 : memref<1x!tpu.dma_semaphore, #tpu.memory_space<semaphore_mem>> -> memref<!tpu.dma_semaphore, #tpu.memory_space<semaphore_mem>>
        %dma_wait3A_406 = arith.constant 0 : i32
        %dma_wait3A_407 = arith.constant 0 : i32
        %dma_wait3A_408 = tpu.memref_slice %arg7[%sub3A_127, %dma_wait3A_406, %dma_wait3A_407] : memref<2x10x100xi32, #tpu.memory_space<vmem>> -> memref<1x10x100xi32, #tpu.memory_space<vmem>>
        %dma_wait3A_409 = tpu.memref_squeeze %dma_wait3A_408 : memref<1x10x100xi32, #tpu.memory_space<vmem>> -> memref<10x100xi32, #tpu.memory_space<vmem>>
        %dma_wait3A_410 = arith.constant 0 : i32
        %dma_wait3A_411 = arith.constant 0 : i32
        %dma_wait3A_412 = tpu.memref_slice %arg2[%arg0, %arg1, %add3A_395, %dma_wait3A_410, %dma_wait3A_411] : memref<2x16x10x10x100xi32, #tpu.memory_space<hbm>> -> memref<1x1x1x10x100xi32, #tpu.memory_space<hbm>>
        %dma_wait3A_413 = tpu.memref_squeeze %dma_wait3A_412 : memref<1x1x1x10x100xi32, #tpu.memory_space<hbm>> -> memref<10x100xi32, #tpu.memory_space<hbm>>
        tpu.wait_dma2 semaphore(%dma_wait3A_405 : memref<!tpu.dma_semaphore, #tpu.memory_space<semaphore_mem>>) src(%dma_wait3A_413 : memref<10x100xi32, #tpu.memory_space<hbm>>) dst(%dma_wait3A_409 : memref<10x100xi32, #tpu.memory_space<vmem>>)
        %dma_wait3A_414 = arith.constant 8 : i32
        %dma_wait3A_415 = arith.constant 0 : i32
        %dma_wait3A_416 = tpu.memref_slice %arg8[%rem3A_126, %dma_wait3A_414, %dma_wait3A_415] : memref<2x10x100xi32, #tpu.memory_space<vmem>> -> memref<1x1x100xi32, #tpu.memory_space<vmem>>
        %dma_wait3A_417 = tpu.memref_squeeze %dma_wait3A_416 : memref<1x1x100xi32, #tpu.memory_space<vmem>> -> memref<100xi32, #tpu.memory_space<vmem>>
        %dma_wait3A_418 = arith.constant 0 : i32
        %dma_wait3A_419 = arith.constant 0 : i32
        %dma_wait3A_420 = tpu.memref_slice %arg17[%dma_wait3A_418, %dma_wait3A_419] : memref<10112x128xf32, #tpu.memory_space<vmem_shared>> -> memref<10112x128xf32, #tpu.memory_space<vmem_shared>>
        tpu.wait_indirect_dma semaphore(%arg15 : memref<!tpu.dma_semaphore, #tpu.memory_space<semaphore_mem>>) src(%arg9 : memref<100x128xf32, #tpu.memory_space<vmem>>) dst(%dma_wait3A_420 : memref<10112x128xf32, #tpu.memory_space<vmem_shared>>)
        %dma_start3A_421 = arith.constant 0 : i32
        %dma_start3A_422 = arith.constant 0 : i32
        %dma_start3A_423 = tpu.memref_slice %arg7[%sub3A_127, %dma_start3A_421, %dma_start3A_422] : memref<2x10x100xi32, #tpu.memory_space<vmem>> -> memref<1x1x100xi32, #tpu.memory_space<vmem>>
        %dma_start3A_424 = tpu.memref_squeeze %dma_start3A_423 : memref<1x1x100xi32, #tpu.memory_space<vmem>> -> memref<100xi32, #tpu.memory_space<vmem>>
        %dma_start3A_425 = arith.constant 0 : i32
        %dma_start3A_426 = arith.constant 0 : i32
        %dma_start3A_427 = tpu.memref_slice %arg4[%dma_start3A_425, %dma_start3A_426] : memref<20000x128xf32, #tpu.memory_space<hbm>> -> memref<20000x128xf32, #tpu.memory_space<hbm>>
        tpu.enqueue_indirect_dma source(%dma_start3A_427 : memref<20000x128xf32, #tpu.memory_space<hbm>>) target(%arg9 : memref<100x128xf32, #tpu.memory_space<vmem>>) offsets(%dma_start3A_424 : memref<100xi32, #tpu.memory_space<vmem>>) semaphore(%arg13 : memref<!tpu.dma_semaphore, #tpu.memory_space<semaphore_mem>>)
        %dma_wait3A_428 = arith.constant 9 : i32
        %dma_wait3A_429 = arith.constant 0 : i32
        %dma_wait3A_430 = tpu.memref_slice %arg8[%rem3A_126, %dma_wait3A_428, %dma_wait3A_429] : memref<2x10x100xi32, #tpu.memory_space<vmem>> -> memref<1x1x100xi32, #tpu.memory_space<vmem>>
        %dma_wait3A_431 = tpu.memref_squeeze %dma_wait3A_430 : memref<1x1x100xi32, #tpu.memory_space<vmem>> -> memref<100xi32, #tpu.memory_space<vmem>>
        %dma_wait3A_432 = arith.constant 0 : i32
        %dma_wait3A_433 = arith.constant 0 : i32
        %dma_wait3A_434 = tpu.memref_slice %arg17[%dma_wait3A_432, %dma_wait3A_433] : memref<10112x128xf32, #tpu.memory_space<vmem_shared>> -> memref<10112x128xf32, #tpu.memory_space<vmem_shared>>
        tpu.wait_indirect_dma semaphore(%arg16 : memref<!tpu.dma_semaphore, #tpu.memory_space<semaphore_mem>>) src(%arg10 : memref<100x128xf32, #tpu.memory_space<vmem>>) dst(%dma_wait3A_434 : memref<10112x128xf32, #tpu.memory_space<vmem_shared>>)
        %dma_start3A_435 = arith.constant 1 : i32
        %dma_start3A_436 = arith.constant 0 : i32
        %dma_start3A_437 = tpu.memref_slice %arg7[%sub3A_127, %dma_start3A_435, %dma_start3A_436] : memref<2x10x100xi32, #tpu.memory_space<vmem>> -> memref<1x1x100xi32, #tpu.memory_space<vmem>>
        %dma_start3A_438 = tpu.memref_squeeze %dma_start3A_437 : memref<1x1x100xi32, #tpu.memory_space<vmem>> -> memref<100xi32, #tpu.memory_space<vmem>>
        %dma_start3A_439 = arith.constant 0 : i32
        %dma_start3A_440 = arith.constant 0 : i32
        %dma_start3A_441 = tpu.memref_slice %arg4[%dma_start3A_439, %dma_start3A_440] : memref<20000x128xf32, #tpu.memory_space<hbm>> -> memref<20000x128xf32, #tpu.memory_space<hbm>>
        tpu.enqueue_indirect_dma source(%dma_start3A_441 : memref<20000x128xf32, #tpu.memory_space<hbm>>) target(%arg10 : memref<100x128xf32, #tpu.memory_space<vmem>>) offsets(%dma_start3A_438 : memref<100xi32, #tpu.memory_space<vmem>>) semaphore(%arg14 : memref<!tpu.dma_semaphore, #tpu.memory_space<semaphore_mem>>)
      } else {
      }
    }
    %scan3A_103 = arith.constant 10 : i32
    %dma_wait3A_104 = arith.constant 0 : i32
    %dma_wait3A_105 = arith.constant 0 : i32
    %dma_wait3A_106 = arith.constant 0 : i32
    %dma_wait3A_107 = tpu.memref_slice %arg8[%dma_wait3A_104, %dma_wait3A_105, %dma_wait3A_106] : memref<2x10x100xi32, #tpu.memory_space<vmem>> -> memref<1x1x100xi32, #tpu.memory_space<vmem>>
    %dma_wait3A_108 = tpu.memref_squeeze %dma_wait3A_107 : memref<1x1x100xi32, #tpu.memory_space<vmem>> -> memref<100xi32, #tpu.memory_space<vmem>>
    %dma_wait3A_109 = arith.constant 0 : i32
    %dma_wait3A_110 = arith.constant 0 : i32
    %dma_wait3A_111 = tpu.memref_slice %arg17[%dma_wait3A_109, %dma_wait3A_110] : memref<10112x128xf32, #tpu.memory_space<vmem_shared>> -> memref<10112x128xf32, #tpu.memory_space<vmem_shared>>
    tpu.wait_indirect_dma semaphore(%arg15 : memref<!tpu.dma_semaphore, #tpu.memory_space<semaphore_mem>>) src(%arg9 : memref<100x128xf32, #tpu.memory_space<vmem>>) dst(%dma_wait3A_111 : memref<10112x128xf32, #tpu.memory_space<vmem_shared>>)
    %dma_wait3A_112 = arith.constant 0 : i32
    %dma_wait3A_113 = arith.constant 1 : i32
    %dma_wait3A_114 = arith.constant 0 : i32
    %dma_wait3A_115 = tpu.memref_slice %arg8[%dma_wait3A_112, %dma_wait3A_113, %dma_wait3A_114] : memref<2x10x100xi32, #tpu.memory_space<vmem>> -> memref<1x1x100xi32, #tpu.memory_space<vmem>>
    %dma_wait3A_116 = tpu.memref_squeeze %dma_wait3A_115 : memref<1x1x100xi32, #tpu.memory_space<vmem>> -> memref<100xi32, #tpu.memory_space<vmem>>
    %dma_wait3A_117 = arith.constant 0 : i32
    %dma_wait3A_118 = arith.constant 0 : i32
    %dma_wait3A_119 = tpu.memref_slice %arg17[%dma_wait3A_117, %dma_wait3A_118] : memref<10112x128xf32, #tpu.memory_space<vmem_shared>> -> memref<10112x128xf32, #tpu.memory_space<vmem_shared>>
    tpu.wait_indirect_dma semaphore(%arg16 : memref<!tpu.dma_semaphore, #tpu.memory_space<semaphore_mem>>) src(%arg10 : memref<100x128xf32, #tpu.memory_space<vmem>>) dst(%dma_wait3A_119 : memref<10112x128xf32, #tpu.memory_space<vmem_shared>>)
    %barrier3A_120 = arith.constant 0 : index
    tpu.barrier barrier_id(%barrier3A_120)
    %mul3A_121 = arith.constant 632 : i32
    %mul3A_122 = arith.muli %arg1, %mul3A_121 : i32
    %mul3A_123 = arith.constant 632 : i32
    %mul3A_124 = arith.muli %arg1, %mul3A_123 : i32
    "tpu.region"() ({
      %run_scoped3A = tpu.sem_alloc : memref<!tpu.dma_semaphore, #tpu.memory_space<semaphore_mem>>
      %dma_start3A_125 = arith.constant 0 : i32
      %dma_start3A_126 = tpu.memref_slice %arg6[%arg0, %mul3A_124, %dma_start3A_125] : memref<2x10112x128xf32, #tpu.memory_space<hbm>> -> memref<1x632x128xf32, #tpu.memory_space<hbm>>
      %dma_start3A_127 = tpu.memref_squeeze %dma_start3A_126 : memref<1x632x128xf32, #tpu.memory_space<hbm>> -> memref<632x128xf32, #tpu.memory_space<hbm>>
      %dma_start3A_128 = arith.constant 0 : i32
      %dma_start3A_129 = tpu.memref_slice %arg17[%mul3A_122, %dma_start3A_128] : memref<10112x128xf32, #tpu.memory_space<vmem_shared>> -> memref<632x128xf32, #tpu.memory_space<vmem_shared>>
      tpu.enqueue_dma source(%dma_start3A_129 : memref<632x128xf32, #tpu.memory_space<vmem_shared>>) target(%dma_start3A_127 : memref<632x128xf32, #tpu.memory_space<hbm>>) target_semaphore(%run_scoped3A : memref<!tpu.dma_semaphore, #tpu.memory_space<semaphore_mem>>)
      %dma_wait3A_130 = arith.constant 0 : i32
      %dma_wait3A_131 = tpu.memref_slice %arg6[%arg0, %mul3A_124, %dma_wait3A_130] : memref<2x10112x128xf32, #tpu.memory_space<hbm>> -> memref<1x632x128xf32, #tpu.memory_space<hbm>>
      %dma_wait3A_132 = tpu.memref_squeeze %dma_wait3A_131 : memref<1x632x128xf32, #tpu.memory_space<hbm>> -> memref<632x128xf32, #tpu.memory_space<hbm>>
      %dma_wait3A_133 = arith.constant 0 : i32
      %dma_wait3A_134 = tpu.memref_slice %arg17[%mul3A_122, %dma_wait3A_133] : memref<10112x128xf32, #tpu.memory_space<vmem_shared>> -> memref<632x128xf32, #tpu.memory_space<vmem_shared>>
      tpu.wait_dma2 semaphore(%run_scoped3A : memref<!tpu.dma_semaphore, #tpu.memory_space<semaphore_mem>>) src(%dma_wait3A_134 : memref<632x128xf32, #tpu.memory_space<vmem_shared>>) dst(%dma_wait3A_132 : memref<632x128xf32, #tpu.memory_space<hbm>>)
      tpu.yield
    }) : () -> ()
    return
  }
}

#map = affine_map<(d0, d1) -> (0, 0, 0, 0, 0)>
#map1 = affine_map<(d0, d1) -> (0, 0, 0, 0)>
#map2 = affine_map<(d0, d1) -> (0, 0)>
#map3 = affine_map<(d0, d1) -> (0, 0, 0)>
module attributes {stable_mosaic.version = 14 : i64} {
  func.func @_row_pass(%arg0: i32, %arg1: i32, %arg2: memref<2x16x10x10x100xi32, #tpu.memory_space<hbm>>, %arg3: memref<16x10x10x100xi32, #tpu.memory_space<hbm>>, %arg4: memref<20000x128xf32, #tpu.memory_space<hbm>>, %arg5: memref<632x128xf32, #tpu.memory_space<hbm>>, %arg6: memref<2x10112x128xf32, #tpu.memory_space<hbm>>, %arg7: memref<2x10x100xi32, #tpu.memory_space<vmem>>, %arg8: memref<2x10x100xi32, #tpu.memory_space<vmem>>, %arg9: memref<100x128xf32, #tpu.memory_space<vmem>>, %arg10: memref<100x128xf32, #tpu.memory_space<vmem>>, %arg11: memref<2x!tpu.dma_semaphore, #tpu.memory_space<semaphore_mem>>, %arg12: memref<2x!tpu.dma_semaphore, #tpu.memory_space<semaphore_mem>>, %arg13: memref<!tpu.dma_semaphore, #tpu.memory_space<semaphore_mem>>, %arg14: memref<!tpu.dma_semaphore, #tpu.memory_space<semaphore_mem>>, %arg15: memref<!tpu.dma_semaphore, #tpu.memory_space<semaphore_mem>>, %arg16: memref<!tpu.dma_semaphore, #tpu.memory_space<semaphore_mem>>, %arg17: memref<10112x128xf32, #tpu.memory_space<vmem_shared>>) attributes {dimension_semantics = [#tpu.dimension_semantics<core_parallel>, #tpu.dimension_semantics<subcore_parallel>], iteration_bounds = array<i64: 2, 16>, scalar_prefetch = 0 : i64, scratch_operands = 11 : i64, tpu.core_type = #tpu.core_type<sc_vector_subcore>, window_params = [{transform_indices = #map}, {transform_indices = #map1}, {transform_indices = #map2}, {transform_indices = #map2}, {transform_indices = #map3}]} {
    %dma_start3A = arith.constant 0 : i32
    %dma_start3A_0 = arith.constant 0 : i32
    %dma_start3A_1 = arith.constant 0 : i32
    %dma_start3A_2 = arith.constant 0 : i32
    %dma_start3A_3 = arith.constant 0 : i32
    %dma_start3A_4 = tpu.memref_slice %arg7[%dma_start3A_0, %dma_start3A_2, %dma_start3A_3] : memref<2x10x100xi32, #tpu.memory_space<vmem>> -> memref<1x10x100xi32, #tpu.memory_space<vmem>>
    %dma_start3A_5 = tpu.memref_squeeze %dma_start3A_4 : memref<1x10x100xi32, #tpu.memory_space<vmem>> -> memref<10x100xi32, #tpu.memory_space<vmem>>
    %dma_start3A_6 = arith.constant 0 : i32
    %dma_start3A_7 = arith.constant 0 : i32
    %dma_start3A_8 = tpu.memref_slice %arg2[%arg0, %arg1, %dma_start3A, %dma_start3A_6, %dma_start3A_7] : memref<2x16x10x10x100xi32, #tpu.memory_space<hbm>> -> memref<1x1x1x10x100xi32, #tpu.memory_space<hbm>>
    %dma_start3A_9 = tpu.memref_squeeze %dma_start3A_8 : memref<1x1x1x10x100xi32, #tpu.memory_space<hbm>> -> memref<10x100xi32, #tpu.memory_space<hbm>>
    %dma_start3A_10 = tpu.memref_slice %arg11[%dma_start3A_1] : memref<2x!tpu.dma_semaphore, #tpu.memory_space<semaphore_mem>> -> memref<1x!tpu.dma_semaphore, #tpu.memory_space<semaphore_mem>>
    %dma_start3A_11 = tpu.memref_squeeze %dma_start3A_10 : memref<1x!tpu.dma_semaphore, #tpu.memory_space<semaphore_mem>> -> memref<!tpu.dma_semaphore, #tpu.memory_space<semaphore_mem>>
    %dma_start3A_12 = arith.constant 0 : i32
    %dma_start3A_13 = arith.constant 0 : i32
    %dma_start3A_14 = tpu.memref_slice %arg7[%dma_start3A_0, %dma_start3A_12, %dma_start3A_13] : memref<2x10x100xi32, #tpu.memory_space<vmem>> -> memref<1x10x100xi32, #tpu.memory_space<vmem>>
    %dma_start3A_15 = tpu.memref_squeeze %dma_start3A_14 : memref<1x10x100xi32, #tpu.memory_space<vmem>> -> memref<10x100xi32, #tpu.memory_space<vmem>>
    %dma_start3A_16 = arith.constant 0 : i32
    %dma_start3A_17 = arith.constant 0 : i32
    %dma_start3A_18 = tpu.memref_slice %arg2[%arg0, %arg1, %dma_start3A, %dma_start3A_16, %dma_start3A_17] : memref<2x16x10x10x100xi32, #tpu.memory_space<hbm>> -> memref<1x1x1x10x100xi32, #tpu.memory_space<hbm>>
    %dma_start3A_19 = tpu.memref_squeeze %dma_start3A_18 : memref<1x1x1x10x100xi32, #tpu.memory_space<hbm>> -> memref<10x100xi32, #tpu.memory_space<hbm>>
    tpu.enqueue_dma source(%dma_start3A_19 : memref<10x100xi32, #tpu.memory_space<hbm>>) target(%dma_start3A_15 : memref<10x100xi32, #tpu.memory_space<vmem>>) target_semaphore(%dma_start3A_11 : memref<!tpu.dma_semaphore, #tpu.memory_space<semaphore_mem>>)
    %dma_start3A_20 = arith.constant 0 : i32
    %dma_start3A_21 = arith.constant 0 : i32
    %dma_start3A_22 = arith.constant 0 : i32
    %dma_start3A_23 = arith.constant 0 : i32
    %dma_start3A_24 = arith.constant 0 : i32
    %dma_start3A_25 = tpu.memref_slice %arg8[%dma_start3A_21, %dma_start3A_23, %dma_start3A_24] : memref<2x10x100xi32, #tpu.memory_space<vmem>> -> memref<1x10x100xi32, #tpu.memory_space<vmem>>
    %dma_start3A_26 = tpu.memref_squeeze %dma_start3A_25 : memref<1x10x100xi32, #tpu.memory_space<vmem>> -> memref<10x100xi32, #tpu.memory_space<vmem>>
    %dma_start3A_27 = arith.constant 0 : i32
    %dma_start3A_28 = arith.constant 0 : i32
    %dma_start3A_29 = tpu.memref_slice %arg3[%arg1, %dma_start3A_20, %dma_start3A_27, %dma_start3A_28] : memref<16x10x10x100xi32, #tpu.memory_space<hbm>> -> memref<1x1x10x100xi32, #tpu.memory_space<hbm>>
    %dma_start3A_30 = tpu.memref_squeeze %dma_start3A_29 : memref<1x1x10x100xi32, #tpu.memory_space<hbm>> -> memref<10x100xi32, #tpu.memory_space<hbm>>
    %dma_start3A_31 = tpu.memref_slice %arg12[%dma_start3A_22] : memref<2x!tpu.dma_semaphore, #tpu.memory_space<semaphore_mem>> -> memref<1x!tpu.dma_semaphore, #tpu.memory_space<semaphore_mem>>
    %dma_start3A_32 = tpu.memref_squeeze %dma_start3A_31 : memref<1x!tpu.dma_semaphore, #tpu.memory_space<semaphore_mem>> -> memref<!tpu.dma_semaphore, #tpu.memory_space<semaphore_mem>>
    %dma_start3A_33 = arith.constant 0 : i32
    %dma_start3A_34 = arith.constant 0 : i32
    %dma_start3A_35 = tpu.memref_slice %arg8[%dma_start3A_21, %dma_start3A_33, %dma_start3A_34] : memref<2x10x100xi32, #tpu.memory_space<vmem>> -> memref<1x10x100xi32, #tpu.memory_space<vmem>>
    %dma_start3A_36 = tpu.memref_squeeze %dma_start3A_35 : memref<1x10x100xi32, #tpu.memory_space<vmem>> -> memref<10x100xi32, #tpu.memory_space<vmem>>
    %dma_start3A_37 = arith.constant 0 : i32
    %dma_start3A_38 = arith.constant 0 : i32
    %dma_start3A_39 = tpu.memref_slice %arg3[%arg1, %dma_start3A_20, %dma_start3A_37, %dma_start3A_38] : memref<16x10x10x100xi32, #tpu.memory_space<hbm>> -> memref<1x1x10x100xi32, #tpu.memory_space<hbm>>
    %dma_start3A_40 = tpu.memref_squeeze %dma_start3A_39 : memref<1x1x10x100xi32, #tpu.memory_space<hbm>> -> memref<10x100xi32, #tpu.memory_space<hbm>>
    tpu.enqueue_dma source(%dma_start3A_40 : memref<10x100xi32, #tpu.memory_space<hbm>>) target(%dma_start3A_36 : memref<10x100xi32, #tpu.memory_space<vmem>>) target_semaphore(%dma_start3A_32 : memref<!tpu.dma_semaphore, #tpu.memory_space<semaphore_mem>>)
    %mul3A = arith.constant 632 : i32
    %mul3A_41 = arith.muli %arg1, %mul3A : i32
    "tpu.region"() ({
      %run_scoped3A = tpu.sem_alloc : memref<!tpu.dma_semaphore, #tpu.memory_space<semaphore_mem>>
      %dma_start3A_125 = arith.constant 0 : i32
      %dma_start3A_126 = tpu.memref_slice %arg17[%mul3A_41, %dma_start3A_125] : memref<10112x128xf32, #tpu.memory_space<vmem_shared>> -> memref<632x128xf32, #tpu.memory_space<vmem_shared>>
      tpu.enqueue_dma source(%arg5 : memref<632x128xf32, #tpu.memory_space<hbm>>) target(%dma_start3A_126 : memref<632x128xf32, #tpu.memory_space<vmem_shared>>) target_semaphore(%run_scoped3A : memref<!tpu.dma_semaphore, #tpu.memory_space<semaphore_mem>>)
      %dma_wait3A_127 = arith.constant 0 : i32
      %dma_wait3A_128 = tpu.memref_slice %arg17[%mul3A_41, %dma_wait3A_127] : memref<10112x128xf32, #tpu.memory_space<vmem_shared>> -> memref<632x128xf32, #tpu.memory_space<vmem_shared>>
      tpu.wait_dma2 semaphore(%run_scoped3A : memref<!tpu.dma_semaphore, #tpu.memory_space<semaphore_mem>>) src(%arg5 : memref<632x128xf32, #tpu.memory_space<hbm>>) dst(%dma_wait3A_128 : memref<632x128xf32, #tpu.memory_space<vmem_shared>>)
      tpu.yield
    }) : () -> ()
    %barrier3A = arith.constant 0 : index
    tpu.barrier barrier_id(%barrier3A)
    %dma_wait3A = arith.constant 0 : i32
    %dma_wait3A_42 = arith.constant 0 : i32
    %dma_wait3A_43 = arith.constant 0 : i32
    %dma_wait3A_44 = arith.constant 0 : i32
    %dma_wait3A_45 = arith.constant 0 : i32
    %dma_wait3A_46 = tpu.memref_slice %arg7[%dma_wait3A_42, %dma_wait3A_44, %dma_wait3A_45] : memref<2x10x100xi32, #tpu.memory_space<vmem>> -> memref<1x10x100xi32, #tpu.memory_space<vmem>>
    %dma_wait3A_47 = tpu.memref_squeeze %dma_wait3A_46 : memref<1x10x100xi32, #tpu.memory_space<vmem>> -> memref<10x100xi32, #tpu.memory_space<vmem>>
    %dma_wait3A_48 = arith.constant 0 : i32
    %dma_wait3A_49 = arith.constant 0 : i32
    %dma_wait3A_50 = tpu.memref_slice %arg2[%arg0, %arg1, %dma_wait3A, %dma_wait3A_48, %dma_wait3A_49] : memref<2x16x10x10x100xi32, #tpu.memory_space<hbm>> -> memref<1x1x1x10x100xi32, #tpu.memory_space<hbm>>
    %dma_wait3A_51 = tpu.memref_squeeze %dma_wait3A_50 : memref<1x1x1x10x100xi32, #tpu.memory_space<hbm>> -> memref<10x100xi32, #tpu.memory_space<hbm>>
    %dma_wait3A_52 = tpu.memref_slice %arg11[%dma_wait3A_43] : memref<2x!tpu.dma_semaphore, #tpu.memory_space<semaphore_mem>> -> memref<1x!tpu.dma_semaphore, #tpu.memory_space<semaphore_mem>>
    %dma_wait3A_53 = tpu.memref_squeeze %dma_wait3A_52 : memref<1x!tpu.dma_semaphore, #tpu.memory_space<semaphore_mem>> -> memref<!tpu.dma_semaphore, #tpu.memory_space<semaphore_mem>>
    %dma_wait3A_54 = arith.constant 0 : i32
    %dma_wait3A_55 = arith.constant 0 : i32
    %dma_wait3A_56 = tpu.memref_slice %arg7[%dma_wait3A_42, %dma_wait3A_54, %dma_wait3A_55] : memref<2x10x100xi32, #tpu.memory_space<vmem>> -> memref<1x10x100xi32, #tpu.memory_space<vmem>>
    %dma_wait3A_57 = tpu.memref_squeeze %dma_wait3A_56 : memref<1x10x100xi32, #tpu.memory_space<vmem>> -> memref<10x100xi32, #tpu.memory_space<vmem>>
    %dma_wait3A_58 = arith.constant 0 : i32
    %dma_wait3A_59 = arith.constant 0 : i32
    %dma_wait3A_60 = tpu.memref_slice %arg2[%arg0, %arg1, %dma_wait3A, %dma_wait3A_58, %dma_wait3A_59] : memref<2x16x10x10x100xi32, #tpu.memory_space<hbm>> -> memref<1x1x1x10x100xi32, #tpu.memory_space<hbm>>
    %dma_wait3A_61 = tpu.memref_squeeze %dma_wait3A_60 : memref<1x1x1x10x100xi32, #tpu.memory_space<hbm>> -> memref<10x100xi32, #tpu.memory_space<hbm>>
    tpu.wait_dma2 semaphore(%dma_wait3A_53 : memref<!tpu.dma_semaphore, #tpu.memory_space<semaphore_mem>>) src(%dma_wait3A_61 : memref<10x100xi32, #tpu.memory_space<hbm>>) dst(%dma_wait3A_57 : memref<10x100xi32, #tpu.memory_space<vmem>>)
    %dma_wait3A_62 = arith.constant 0 : i32
    %dma_wait3A_63 = arith.constant 0 : i32
    %dma_wait3A_64 = arith.constant 0 : i32
    %dma_wait3A_65 = arith.constant 0 : i32
    %dma_wait3A_66 = arith.constant 0 : i32
    %dma_wait3A_67 = tpu.memref_slice %arg8[%dma_wait3A_63, %dma_wait3A_65, %dma_wait3A_66] : memref<2x10x100xi32, #tpu.memory_space<vmem>> -> memref<1x10x100xi32, #tpu.memory_space<vmem>>
    %dma_wait3A_68 = tpu.memref_squeeze %dma_wait3A_67 : memref<1x10x100xi32, #tpu.memory_space<vmem>> -> memref<10x100xi32, #tpu.memory_space<vmem>>
    %dma_wait3A_69 = arith.constant 0 : i32
    %dma_wait3A_70 = arith.constant 0 : i32
    %dma_wait3A_71 = tpu.memref_slice %arg3[%arg1, %dma_wait3A_62, %dma_wait3A_69, %dma_wait3A_70] : memref<16x10x10x100xi32, #tpu.memory_space<hbm>> -> memref<1x1x10x100xi32, #tpu.memory_space<hbm>>
    %dma_wait3A_72 = tpu.memref_squeeze %dma_wait3A_71 : memref<1x1x10x100xi32, #tpu.memory_space<hbm>> -> memref<10x100xi32, #tpu.memory_space<hbm>>
    %dma_wait3A_73 = tpu.memref_slice %arg12[%dma_wait3A_64] : memref<2x!tpu.dma_semaphore, #tpu.memory_space<semaphore_mem>> -> memref<1x!tpu.dma_semaphore, #tpu.memory_space<semaphore_mem>>
    %dma_wait3A_74 = tpu.memref_squeeze %dma_wait3A_73 : memref<1x!tpu.dma_semaphore, #tpu.memory_space<semaphore_mem>> -> memref<!tpu.dma_semaphore, #tpu.memory_space<semaphore_mem>>
    %dma_wait3A_75 = arith.constant 0 : i32
    %dma_wait3A_76 = arith.constant 0 : i32
    %dma_wait3A_77 = tpu.memref_slice %arg8[%dma_wait3A_63, %dma_wait3A_75, %dma_wait3A_76] : memref<2x10x100xi32, #tpu.memory_space<vmem>> -> memref<1x10x100xi32, #tpu.memory_space<vmem>>
    %dma_wait3A_78 = tpu.memref_squeeze %dma_wait3A_77 : memref<1x10x100xi32, #tpu.memory_space<vmem>> -> memref<10x100xi32, #tpu.memory_space<vmem>>
    %dma_wait3A_79 = arith.constant 0 : i32
    %dma_wait3A_80 = arith.constant 0 : i32
    %dma_wait3A_81 = tpu.memref_slice %arg3[%arg1, %dma_wait3A_62, %dma_wait3A_79, %dma_wait3A_80] : memref<16x10x10x100xi32, #tpu.memory_space<hbm>> -> memref<1x1x10x100xi32, #tpu.memory_space<hbm>>
    %dma_wait3A_82 = tpu.memref_squeeze %dma_wait3A_81 : memref<1x1x10x100xi32, #tpu.memory_space<hbm>> -> memref<10x100xi32, #tpu.memory_space<hbm>>
    tpu.wait_dma2 semaphore(%dma_wait3A_74 : memref<!tpu.dma_semaphore, #tpu.memory_space<semaphore_mem>>) src(%dma_wait3A_82 : memref<10x100xi32, #tpu.memory_space<hbm>>) dst(%dma_wait3A_78 : memref<10x100xi32, #tpu.memory_space<vmem>>)
    %dma_start3A_83 = arith.constant 0 : i32
    %dma_start3A_84 = arith.constant 0 : i32
    %dma_start3A_85 = arith.constant 0 : i32
    %dma_start3A_86 = tpu.memref_slice %arg7[%dma_start3A_83, %dma_start3A_84, %dma_start3A_85] : memref<2x10x100xi32, #tpu.memory_space<vmem>> -> memref<1x1x100xi32, #tpu.memory_space<vmem>>
    %dma_start3A_87 = tpu.memref_squeeze %dma_start3A_86 : memref<1x1x100xi32, #tpu.memory_space<vmem>> -> memref<100xi32, #tpu.memory_space<vmem>>
    %dma_start3A_88 = arith.constant 0 : i32
    %dma_start3A_89 = arith.constant 0 : i32
    %dma_start3A_90 = tpu.memref_slice %arg4[%dma_start3A_88, %dma_start3A_89] : memref<20000x128xf32, #tpu.memory_space<hbm>> -> memref<20000x128xf32, #tpu.memory_space<hbm>>
    tpu.enqueue_indirect_dma source(%dma_start3A_90 : memref<20000x128xf32, #tpu.memory_space<hbm>>) target(%arg9 : memref<100x128xf32, #tpu.memory_space<vmem>>) offsets(%dma_start3A_87 : memref<100xi32, #tpu.memory_space<vmem>>) semaphore(%arg13 : memref<!tpu.dma_semaphore, #tpu.memory_space<semaphore_mem>>)
    %dma_start3A_91 = arith.constant 0 : i32
    %dma_start3A_92 = arith.constant 1 : i32
    %dma_start3A_93 = arith.constant 0 : i32
    %dma_start3A_94 = tpu.memref_slice %arg7[%dma_start3A_91, %dma_start3A_92, %dma_start3A_93] : memref<2x10x100xi32, #tpu.memory_space<vmem>> -> memref<1x1x100xi32, #tpu.memory_space<vmem>>
    %dma_start3A_95 = tpu.memref_squeeze %dma_start3A_94 : memref<1x1x100xi32, #tpu.memory_space<vmem>> -> memref<100xi32, #tpu.memory_space<vmem>>
    %dma_start3A_96 = arith.constant 0 : i32
    %dma_start3A_97 = arith.constant 0 : i32
    %dma_start3A_98 = tpu.memref_slice %arg4[%dma_start3A_96, %dma_start3A_97] : memref<20000x128xf32, #tpu.memory_space<hbm>> -> memref<20000x128xf32, #tpu.memory_space<hbm>>
    tpu.enqueue_indirect_dma source(%dma_start3A_98 : memref<20000x128xf32, #tpu.memory_space<hbm>>) target(%arg10 : memref<100x128xf32, #tpu.memory_space<vmem>>) offsets(%dma_start3A_95 : memref<100xi32, #tpu.memory_space<vmem>>) semaphore(%arg14 : memref<!tpu.dma_semaphore, #tpu.memory_space<semaphore_mem>>)
    %scan3A = arith.constant 0 : i32
    %scan3A_99 = arith.constant 0 : i32
    %scan3A_100 = arith.constant 10 : i32
    %scan3A_101 = arith.addi %scan3A_99, %scan3A_100 : i32
    %scan3A_102 = arith.constant 1 : i32
    scf.for %scan3A_125 = %scan3A_99 to %scan3A_101 step %scan3A_102  : i32 {
      %rem3A = arith.constant 2 : i32
      %rem3A_126 = arith.remsi %scan3A_125, %rem3A : i32
      %sub3A = arith.constant 1 : i32
      %sub3A_127 = arith.subi %sub3A, %rem3A_126 : i32
      %add3A = arith.constant 1 : i32
      %add3A_128 = arith.addi %scan3A_125, %add3A : i32
      %lt3A = arith.constant 10 : i32
      %lt3A_129 = arith.cmpi slt, %add3A_128, %lt3A : i32
      %convert_element_type3A = arith.extui %lt3A_129 : i1 to i32
      %cond3A = arith.constant 0 : i32
      %cond3A_130 = arith.cmpi ne, %convert_element_type3A, %cond3A : i32
      scf.if %cond3A_130 {
        %add3A_394 = arith.constant 1 : i32
        %add3A_395 = arith.addi %scan3A_125, %add3A_394 : i32
        %dma_start3A_396 = arith.constant 0 : i32
        %dma_start3A_397 = arith.constant 0 : i32
        %dma_start3A_398 = tpu.memref_slice %arg7[%sub3A_127, %dma_start3A_396, %dma_start3A_397] : memref<2x10x100xi32, #tpu.memory_space<vmem>> -> memref<1x10x100xi32, #tpu.memory_space<vmem>>
        %dma_start3A_399 = tpu.memref_squeeze %dma_start3A_398 : memref<1x10x100xi32, #tpu.memory_space<vmem>> -> memref<10x100xi32, #tpu.memory_space<vmem>>
        %dma_start3A_400 = arith.constant 0 : i32
        %dma_start3A_401 = arith.constant 0 : i32
        %dma_start3A_402 = tpu.memref_slice %arg2[%arg0, %arg1, %add3A_395, %dma_start3A_400, %dma_start3A_401] : memref<2x16x10x10x100xi32, #tpu.memory_space<hbm>> -> memref<1x1x1x10x100xi32, #tpu.memory_space<hbm>>
        %dma_start3A_403 = tpu.memref_squeeze %dma_start3A_402 : memref<1x1x1x10x100xi32, #tpu.memory_space<hbm>> -> memref<10x100xi32, #tpu.memory_space<hbm>>
        %dma_start3A_404 = tpu.memref_slice %arg11[%sub3A_127] : memref<2x!tpu.dma_semaphore, #tpu.memory_space<semaphore_mem>> -> memref<1x!tpu.dma_semaphore, #tpu.memory_space<semaphore_mem>>
        %dma_start3A_405 = tpu.memref_squeeze %dma_start3A_404 : memref<1x!tpu.dma_semaphore, #tpu.memory_space<semaphore_mem>> -> memref<!tpu.dma_semaphore, #tpu.memory_space<semaphore_mem>>
        %dma_start3A_406 = arith.constant 0 : i32
        %dma_start3A_407 = arith.constant 0 : i32
        %dma_start3A_408 = tpu.memref_slice %arg7[%sub3A_127, %dma_start3A_406, %dma_start3A_407] : memref<2x10x100xi32, #tpu.memory_space<vmem>> -> memref<1x10x100xi32, #tpu.memory_space<vmem>>
        %dma_start3A_409 = tpu.memref_squeeze %dma_start3A_408 : memref<1x10x100xi32, #tpu.memory_space<vmem>> -> memref<10x100xi32, #tpu.memory_space<vmem>>
        %dma_start3A_410 = arith.constant 0 : i32
        %dma_start3A_411 = arith.constant 0 : i32
        %dma_start3A_412 = tpu.memref_slice %arg2[%arg0, %arg1, %add3A_395, %dma_start3A_410, %dma_start3A_411] : memref<2x16x10x10x100xi32, #tpu.memory_space<hbm>> -> memref<1x1x1x10x100xi32, #tpu.memory_space<hbm>>
        %dma_start3A_413 = tpu.memref_squeeze %dma_start3A_412 : memref<1x1x1x10x100xi32, #tpu.memory_space<hbm>> -> memref<10x100xi32, #tpu.memory_space<hbm>>
        tpu.enqueue_dma source(%dma_start3A_413 : memref<10x100xi32, #tpu.memory_space<hbm>>) target(%dma_start3A_409 : memref<10x100xi32, #tpu.memory_space<vmem>>) target_semaphore(%dma_start3A_405 : memref<!tpu.dma_semaphore, #tpu.memory_space<semaphore_mem>>)
        %add3A_414 = arith.constant 1 : i32
        %add3A_415 = arith.addi %scan3A_125, %add3A_414 : i32
        %dma_start3A_416 = arith.constant 0 : i32
        %dma_start3A_417 = arith.constant 0 : i32
        %dma_start3A_418 = tpu.memref_slice %arg8[%sub3A_127, %dma_start3A_416, %dma_start3A_417] : memref<2x10x100xi32, #tpu.memory_space<vmem>> -> memref<1x10x100xi32, #tpu.memory_space<vmem>>
        %dma_start3A_419 = tpu.memref_squeeze %dma_start3A_418 : memref<1x10x100xi32, #tpu.memory_space<vmem>> -> memref<10x100xi32, #tpu.memory_space<vmem>>
        %dma_start3A_420 = arith.constant 0 : i32
        %dma_start3A_421 = arith.constant 0 : i32
        %dma_start3A_422 = tpu.memref_slice %arg3[%arg1, %add3A_415, %dma_start3A_420, %dma_start3A_421] : memref<16x10x10x100xi32, #tpu.memory_space<hbm>> -> memref<1x1x10x100xi32, #tpu.memory_space<hbm>>
        %dma_start3A_423 = tpu.memref_squeeze %dma_start3A_422 : memref<1x1x10x100xi32, #tpu.memory_space<hbm>> -> memref<10x100xi32, #tpu.memory_space<hbm>>
        %dma_start3A_424 = tpu.memref_slice %arg12[%sub3A_127] : memref<2x!tpu.dma_semaphore, #tpu.memory_space<semaphore_mem>> -> memref<1x!tpu.dma_semaphore, #tpu.memory_space<semaphore_mem>>
        %dma_start3A_425 = tpu.memref_squeeze %dma_start3A_424 : memref<1x!tpu.dma_semaphore, #tpu.memory_space<semaphore_mem>> -> memref<!tpu.dma_semaphore, #tpu.memory_space<semaphore_mem>>
        %dma_start3A_426 = arith.constant 0 : i32
        %dma_start3A_427 = arith.constant 0 : i32
        %dma_start3A_428 = tpu.memref_slice %arg8[%sub3A_127, %dma_start3A_426, %dma_start3A_427] : memref<2x10x100xi32, #tpu.memory_space<vmem>> -> memref<1x10x100xi32, #tpu.memory_space<vmem>>
        %dma_start3A_429 = tpu.memref_squeeze %dma_start3A_428 : memref<1x10x100xi32, #tpu.memory_space<vmem>> -> memref<10x100xi32, #tpu.memory_space<vmem>>
        %dma_start3A_430 = arith.constant 0 : i32
        %dma_start3A_431 = arith.constant 0 : i32
        %dma_start3A_432 = tpu.memref_slice %arg3[%arg1, %add3A_415, %dma_start3A_430, %dma_start3A_431] : memref<16x10x10x100xi32, #tpu.memory_space<hbm>> -> memref<1x1x10x100xi32, #tpu.memory_space<hbm>>
        %dma_start3A_433 = tpu.memref_squeeze %dma_start3A_432 : memref<1x1x10x100xi32, #tpu.memory_space<hbm>> -> memref<10x100xi32, #tpu.memory_space<hbm>>
        tpu.enqueue_dma source(%dma_start3A_433 : memref<10x100xi32, #tpu.memory_space<hbm>>) target(%dma_start3A_429 : memref<10x100xi32, #tpu.memory_space<vmem>>) target_semaphore(%dma_start3A_425 : memref<!tpu.dma_semaphore, #tpu.memory_space<semaphore_mem>>)
      } else {
      }
      %gt3A = arith.constant 0 : i32
      %gt3A_131 = arith.cmpi sgt, %scan3A_125, %gt3A : i32
      %convert_element_type3A_132 = arith.extui %gt3A_131 : i1 to i32
      %cond3A_133 = arith.constant 0 : i32
      %cond3A_134 = arith.cmpi ne, %convert_element_type3A_132, %cond3A_133 : i32
      scf.if %cond3A_134 {
        %dma_wait3A_394 = arith.constant 0 : i32
        %dma_wait3A_395 = arith.constant 0 : i32
        %dma_wait3A_396 = tpu.memref_slice %arg8[%rem3A_126, %dma_wait3A_394, %dma_wait3A_395] : memref<2x10x100xi32, #tpu.memory_space<vmem>> -> memref<1x10x100xi32, #tpu.memory_space<vmem>>
        %dma_wait3A_397 = tpu.memref_squeeze %dma_wait3A_396 : memref<1x10x100xi32, #tpu.memory_space<vmem>> -> memref<10x100xi32, #tpu.memory_space<vmem>>
        %dma_wait3A_398 = arith.constant 0 : i32
        %dma_wait3A_399 = arith.constant 0 : i32
        %dma_wait3A_400 = tpu.memref_slice %arg3[%arg1, %scan3A_125, %dma_wait3A_398, %dma_wait3A_399] : memref<16x10x10x100xi32, #tpu.memory_space<hbm>> -> memref<1x1x10x100xi32, #tpu.memory_space<hbm>>
        %dma_wait3A_401 = tpu.memref_squeeze %dma_wait3A_400 : memref<1x1x10x100xi32, #tpu.memory_space<hbm>> -> memref<10x100xi32, #tpu.memory_space<hbm>>
        %dma_wait3A_402 = tpu.memref_slice %arg12[%rem3A_126] : memref<2x!tpu.dma_semaphore, #tpu.memory_space<semaphore_mem>> -> memref<1x!tpu.dma_semaphore, #tpu.memory_space<semaphore_mem>>
        %dma_wait3A_403 = tpu.memref_squeeze %dma_wait3A_402 : memref<1x!tpu.dma_semaphore, #tpu.memory_space<semaphore_mem>> -> memref<!tpu.dma_semaphore, #tpu.memory_space<semaphore_mem>>
        %dma_wait3A_404 = arith.constant 0 : i32
        %dma_wait3A_405 = arith.constant 0 : i32
        %dma_wait3A_406 = tpu.memref_slice %arg8[%rem3A_126, %dma_wait3A_404, %dma_wait3A_405] : memref<2x10x100xi32, #tpu.memory_space<vmem>> -> memref<1x10x100xi32, #tpu.memory_space<vmem>>
        %dma_wait3A_407 = tpu.memref_squeeze %dma_wait3A_406 : memref<1x10x100xi32, #tpu.memory_space<vmem>> -> memref<10x100xi32, #tpu.memory_space<vmem>>
        %dma_wait3A_408 = arith.constant 0 : i32
        %dma_wait3A_409 = arith.constant 0 : i32
        %dma_wait3A_410 = tpu.memref_slice %arg3[%arg1, %scan3A_125, %dma_wait3A_408, %dma_wait3A_409] : memref<16x10x10x100xi32, #tpu.memory_space<hbm>> -> memref<1x1x10x100xi32, #tpu.memory_space<hbm>>
        %dma_wait3A_411 = tpu.memref_squeeze %dma_wait3A_410 : memref<1x1x10x100xi32, #tpu.memory_space<hbm>> -> memref<10x100xi32, #tpu.memory_space<hbm>>
        tpu.wait_dma2 semaphore(%dma_wait3A_403 : memref<!tpu.dma_semaphore, #tpu.memory_space<semaphore_mem>>) src(%dma_wait3A_411 : memref<10x100xi32, #tpu.memory_space<hbm>>) dst(%dma_wait3A_407 : memref<10x100xi32, #tpu.memory_space<vmem>>)
      } else {
      }
      %dma_wait3A_135 = arith.constant 0 : i32
      %dma_wait3A_136 = arith.constant 0 : i32
      %dma_wait3A_137 = tpu.memref_slice %arg7[%rem3A_126, %dma_wait3A_135, %dma_wait3A_136] : memref<2x10x100xi32, #tpu.memory_space<vmem>> -> memref<1x1x100xi32, #tpu.memory_space<vmem>>
      %dma_wait3A_138 = tpu.memref_squeeze %dma_wait3A_137 : memref<1x1x100xi32, #tpu.memory_space<vmem>> -> memref<100xi32, #tpu.memory_space<vmem>>
      %dma_wait3A_139 = arith.constant 0 : i32
      %dma_wait3A_140 = arith.constant 0 : i32
      %dma_wait3A_141 = tpu.memref_slice %arg4[%dma_wait3A_139, %dma_wait3A_140] : memref<20000x128xf32, #tpu.memory_space<hbm>> -> memref<20000x128xf32, #tpu.memory_space<hbm>>
      tpu.wait_indirect_dma semaphore(%arg13 : memref<!tpu.dma_semaphore, #tpu.memory_space<semaphore_mem>>) src(%dma_wait3A_141 : memref<20000x128xf32, #tpu.memory_space<hbm>>) dst(%arg9 : memref<100x128xf32, #tpu.memory_space<vmem>>)
      %dma_start3A_142 = arith.constant 0 : i32
      %dma_start3A_143 = arith.constant 0 : i32
      %dma_start3A_144 = tpu.memref_slice %arg8[%rem3A_126, %dma_start3A_142, %dma_start3A_143] : memref<2x10x100xi32, #tpu.memory_space<vmem>> -> memref<1x1x100xi32, #tpu.memory_space<vmem>>
      %dma_start3A_145 = tpu.memref_squeeze %dma_start3A_144 : memref<1x1x100xi32, #tpu.memory_space<vmem>> -> memref<100xi32, #tpu.memory_space<vmem>>
      %dma_start3A_146 = arith.constant 0 : i32
      %dma_start3A_147 = arith.constant 0 : i32
      %dma_start3A_148 = tpu.memref_slice %arg17[%dma_start3A_146, %dma_start3A_147] : memref<10112x128xf32, #tpu.memory_space<vmem_shared>> -> memref<10112x128xf32, #tpu.memory_space<vmem_shared>>
      tpu.enqueue_indirect_dma source(%arg9 : memref<100x128xf32, #tpu.memory_space<vmem>>) target(%dma_start3A_148 : memref<10112x128xf32, #tpu.memory_space<vmem_shared>>) offsets(%dma_start3A_145 : memref<100xi32, #tpu.memory_space<vmem>>) semaphore(%arg15 : memref<!tpu.dma_semaphore, #tpu.memory_space<semaphore_mem>>) {add = true}
      %dma_wait3A_149 = arith.constant 1 : i32
      %dma_wait3A_150 = arith.constant 0 : i32
      %dma_wait3A_151 = tpu.memref_slice %arg7[%rem3A_126, %dma_wait3A_149, %dma_wait3A_150] : memref<2x10x100xi32, #tpu.memory_space<vmem>> -> memref<1x1x100xi32, #tpu.memory_space<vmem>>
      %dma_wait3A_152 = tpu.memref_squeeze %dma_wait3A_151 : memref<1x1x100xi32, #tpu.memory_space<vmem>> -> memref<100xi32, #tpu.memory_space<vmem>>
      %dma_wait3A_153 = arith.constant 0 : i32
      %dma_wait3A_154 = arith.constant 0 : i32
      %dma_wait3A_155 = tpu.memref_slice %arg4[%dma_wait3A_153, %dma_wait3A_154] : memref<20000x128xf32, #tpu.memory_space<hbm>> -> memref<20000x128xf32, #tpu.memory_space<hbm>>
      tpu.wait_indirect_dma semaphore(%arg14 : memref<!tpu.dma_semaphore, #tpu.memory_space<semaphore_mem>>) src(%dma_wait3A_155 : memref<20000x128xf32, #tpu.memory_space<hbm>>) dst(%arg10 : memref<100x128xf32, #tpu.memory_space<vmem>>)
      %dma_start3A_156 = arith.constant 1 : i32
      %dma_start3A_157 = arith.constant 0 : i32
      %dma_start3A_158 = tpu.memref_slice %arg8[%rem3A_126, %dma_start3A_156, %dma_start3A_157] : memref<2x10x100xi32, #tpu.memory_space<vmem>> -> memref<1x1x100xi32, #tpu.memory_space<vmem>>
      %dma_start3A_159 = tpu.memref_squeeze %dma_start3A_158 : memref<1x1x100xi32, #tpu.memory_space<vmem>> -> memref<100xi32, #tpu.memory_space<vmem>>
      %dma_start3A_160 = arith.constant 0 : i32
      %dma_start3A_161 = arith.constant 0 : i32
      %dma_start3A_162 = tpu.memref_slice %arg17[%dma_start3A_160, %dma_start3A_161] : memref<10112x128xf32, #tpu.memory_space<vmem_shared>> -> memref<10112x128xf32, #tpu.memory_space<vmem_shared>>
      tpu.enqueue_indirect_dma source(%arg10 : memref<100x128xf32, #tpu.memory_space<vmem>>) target(%dma_start3A_162 : memref<10112x128xf32, #tpu.memory_space<vmem_shared>>) offsets(%dma_start3A_159 : memref<100xi32, #tpu.memory_space<vmem>>) semaphore(%arg16 : memref<!tpu.dma_semaphore, #tpu.memory_space<semaphore_mem>>) {add = true}
      %dma_wait3A_163 = arith.constant 0 : i32
      %dma_wait3A_164 = arith.constant 0 : i32
      %dma_wait3A_165 = tpu.memref_slice %arg8[%rem3A_126, %dma_wait3A_163, %dma_wait3A_164] : memref<2x10x100xi32, #tpu.memory_space<vmem>> -> memref<1x1x100xi32, #tpu.memory_space<vmem>>
      %dma_wait3A_166 = tpu.memref_squeeze %dma_wait3A_165 : memref<1x1x100xi32, #tpu.memory_space<vmem>> -> memref<100xi32, #tpu.memory_space<vmem>>
      %dma_wait3A_167 = arith.constant 0 : i32
      %dma_wait3A_168 = arith.constant 0 : i32
      %dma_wait3A_169 = tpu.memref_slice %arg17[%dma_wait3A_167, %dma_wait3A_168] : memref<10112x128xf32, #tpu.memory_space<vmem_shared>> -> memref<10112x128xf32, #tpu.memory_space<vmem_shared>>
      tpu.wait_indirect_dma semaphore(%arg15 : memref<!tpu.dma_semaphore, #tpu.memory_space<semaphore_mem>>) src(%arg9 : memref<100x128xf32, #tpu.memory_space<vmem>>) dst(%dma_wait3A_169 : memref<10112x128xf32, #tpu.memory_space<vmem_shared>>)
      %dma_start3A_170 = arith.constant 2 : i32
      %dma_start3A_171 = arith.constant 0 : i32
      %dma_start3A_172 = tpu.memref_slice %arg7[%rem3A_126, %dma_start3A_170, %dma_start3A_171] : memref<2x10x100xi32, #tpu.memory_space<vmem>> -> memref<1x1x100xi32, #tpu.memory_space<vmem>>
      %dma_start3A_173 = tpu.memref_squeeze %dma_start3A_172 : memref<1x1x100xi32, #tpu.memory_space<vmem>> -> memref<100xi32, #tpu.memory_space<vmem>>
      %dma_start3A_174 = arith.constant 0 : i32
      %dma_start3A_175 = arith.constant 0 : i32
      %dma_start3A_176 = tpu.memref_slice %arg4[%dma_start3A_174, %dma_start3A_175] : memref<20000x128xf32, #tpu.memory_space<hbm>> -> memref<20000x128xf32, #tpu.memory_space<hbm>>
      tpu.enqueue_indirect_dma source(%dma_start3A_176 : memref<20000x128xf32, #tpu.memory_space<hbm>>) target(%arg9 : memref<100x128xf32, #tpu.memory_space<vmem>>) offsets(%dma_start3A_173 : memref<100xi32, #tpu.memory_space<vmem>>) semaphore(%arg13 : memref<!tpu.dma_semaphore, #tpu.memory_space<semaphore_mem>>)
      %dma_wait3A_177 = arith.constant 1 : i32
      %dma_wait3A_178 = arith.constant 0 : i32
      %dma_wait3A_179 = tpu.memref_slice %arg8[%rem3A_126, %dma_wait3A_177, %dma_wait3A_178] : memref<2x10x100xi32, #tpu.memory_space<vmem>> -> memref<1x1x100xi32, #tpu.memory_space<vmem>>
      %dma_wait3A_180 = tpu.memref_squeeze %dma_wait3A_179 : memref<1x1x100xi32, #tpu.memory_space<vmem>> -> memref<100xi32, #tpu.memory_space<vmem>>
      %dma_wait3A_181 = arith.constant 0 : i32
      %dma_wait3A_182 = arith.constant 0 : i32
      %dma_wait3A_183 = tpu.memref_slice %arg17[%dma_wait3A_181, %dma_wait3A_182] : memref<10112x128xf32, #tpu.memory_space<vmem_shared>> -> memref<10112x128xf32, #tpu.memory_space<vmem_shared>>
      tpu.wait_indirect_dma semaphore(%arg16 : memref<!tpu.dma_semaphore, #tpu.memory_space<semaphore_mem>>) src(%arg10 : memref<100x128xf32, #tpu.memory_space<vmem>>) dst(%dma_wait3A_183 : memref<10112x128xf32, #tpu.memory_space<vmem_shared>>)
      %dma_start3A_184 = arith.constant 3 : i32
      %dma_start3A_185 = arith.constant 0 : i32
      %dma_start3A_186 = tpu.memref_slice %arg7[%rem3A_126, %dma_start3A_184, %dma_start3A_185] : memref<2x10x100xi32, #tpu.memory_space<vmem>> -> memref<1x1x100xi32, #tpu.memory_space<vmem>>
      %dma_start3A_187 = tpu.memref_squeeze %dma_start3A_186 : memref<1x1x100xi32, #tpu.memory_space<vmem>> -> memref<100xi32, #tpu.memory_space<vmem>>
      %dma_start3A_188 = arith.constant 0 : i32
      %dma_start3A_189 = arith.constant 0 : i32
      %dma_start3A_190 = tpu.memref_slice %arg4[%dma_start3A_188, %dma_start3A_189] : memref<20000x128xf32, #tpu.memory_space<hbm>> -> memref<20000x128xf32, #tpu.memory_space<hbm>>
      tpu.enqueue_indirect_dma source(%dma_start3A_190 : memref<20000x128xf32, #tpu.memory_space<hbm>>) target(%arg10 : memref<100x128xf32, #tpu.memory_space<vmem>>) offsets(%dma_start3A_187 : memref<100xi32, #tpu.memory_space<vmem>>) semaphore(%arg14 : memref<!tpu.dma_semaphore, #tpu.memory_space<semaphore_mem>>)
      %dma_wait3A_191 = arith.constant 2 : i32
      %dma_wait3A_192 = arith.constant 0 : i32
      %dma_wait3A_193 = tpu.memref_slice %arg7[%rem3A_126, %dma_wait3A_191, %dma_wait3A_192] : memref<2x10x100xi32, #tpu.memory_space<vmem>> -> memref<1x1x100xi32, #tpu.memory_space<vmem>>
      %dma_wait3A_194 = tpu.memref_squeeze %dma_wait3A_193 : memref<1x1x100xi32, #tpu.memory_space<vmem>> -> memref<100xi32, #tpu.memory_space<vmem>>
      %dma_wait3A_195 = arith.constant 0 : i32
      %dma_wait3A_196 = arith.constant 0 : i32
      %dma_wait3A_197 = tpu.memref_slice %arg4[%dma_wait3A_195, %dma_wait3A_196] : memref<20000x128xf32, #tpu.memory_space<hbm>> -> memref<20000x128xf32, #tpu.memory_space<hbm>>
      tpu.wait_indirect_dma semaphore(%arg13 : memref<!tpu.dma_semaphore, #tpu.memory_space<semaphore_mem>>) src(%dma_wait3A_197 : memref<20000x128xf32, #tpu.memory_space<hbm>>) dst(%arg9 : memref<100x128xf32, #tpu.memory_space<vmem>>)
      %dma_start3A_198 = arith.constant 2 : i32
      %dma_start3A_199 = arith.constant 0 : i32
      %dma_start3A_200 = tpu.memref_slice %arg8[%rem3A_126, %dma_start3A_198, %dma_start3A_199] : memref<2x10x100xi32, #tpu.memory_space<vmem>> -> memref<1x1x100xi32, #tpu.memory_space<vmem>>
      %dma_start3A_201 = tpu.memref_squeeze %dma_start3A_200 : memref<1x1x100xi32, #tpu.memory_space<vmem>> -> memref<100xi32, #tpu.memory_space<vmem>>
      %dma_start3A_202 = arith.constant 0 : i32
      %dma_start3A_203 = arith.constant 0 : i32
      %dma_start3A_204 = tpu.memref_slice %arg17[%dma_start3A_202, %dma_start3A_203] : memref<10112x128xf32, #tpu.memory_space<vmem_shared>> -> memref<10112x128xf32, #tpu.memory_space<vmem_shared>>
      tpu.enqueue_indirect_dma source(%arg9 : memref<100x128xf32, #tpu.memory_space<vmem>>) target(%dma_start3A_204 : memref<10112x128xf32, #tpu.memory_space<vmem_shared>>) offsets(%dma_start3A_201 : memref<100xi32, #tpu.memory_space<vmem>>) semaphore(%arg15 : memref<!tpu.dma_semaphore, #tpu.memory_space<semaphore_mem>>) {add = true}
      %dma_wait3A_205 = arith.constant 3 : i32
      %dma_wait3A_206 = arith.constant 0 : i32
      %dma_wait3A_207 = tpu.memref_slice %arg7[%rem3A_126, %dma_wait3A_205, %dma_wait3A_206] : memref<2x10x100xi32, #tpu.memory_space<vmem>> -> memref<1x1x100xi32, #tpu.memory_space<vmem>>
      %dma_wait3A_208 = tpu.memref_squeeze %dma_wait3A_207 : memref<1x1x100xi32, #tpu.memory_space<vmem>> -> memref<100xi32, #tpu.memory_space<vmem>>
      %dma_wait3A_209 = arith.constant 0 : i32
      %dma_wait3A_210 = arith.constant 0 : i32
      %dma_wait3A_211 = tpu.memref_slice %arg4[%dma_wait3A_209, %dma_wait3A_210] : memref<20000x128xf32, #tpu.memory_space<hbm>> -> memref<20000x128xf32, #tpu.memory_space<hbm>>
      tpu.wait_indirect_dma semaphore(%arg14 : memref<!tpu.dma_semaphore, #tpu.memory_space<semaphore_mem>>) src(%dma_wait3A_211 : memref<20000x128xf32, #tpu.memory_space<hbm>>) dst(%arg10 : memref<100x128xf32, #tpu.memory_space<vmem>>)
      %dma_start3A_212 = arith.constant 3 : i32
      %dma_start3A_213 = arith.constant 0 : i32
      %dma_start3A_214 = tpu.memref_slice %arg8[%rem3A_126, %dma_start3A_212, %dma_start3A_213] : memref<2x10x100xi32, #tpu.memory_space<vmem>> -> memref<1x1x100xi32, #tpu.memory_space<vmem>>
      %dma_start3A_215 = tpu.memref_squeeze %dma_start3A_214 : memref<1x1x100xi32, #tpu.memory_space<vmem>> -> memref<100xi32, #tpu.memory_space<vmem>>
      %dma_start3A_216 = arith.constant 0 : i32
      %dma_start3A_217 = arith.constant 0 : i32
      %dma_start3A_218 = tpu.memref_slice %arg17[%dma_start3A_216, %dma_start3A_217] : memref<10112x128xf32, #tpu.memory_space<vmem_shared>> -> memref<10112x128xf32, #tpu.memory_space<vmem_shared>>
      tpu.enqueue_indirect_dma source(%arg10 : memref<100x128xf32, #tpu.memory_space<vmem>>) target(%dma_start3A_218 : memref<10112x128xf32, #tpu.memory_space<vmem_shared>>) offsets(%dma_start3A_215 : memref<100xi32, #tpu.memory_space<vmem>>) semaphore(%arg16 : memref<!tpu.dma_semaphore, #tpu.memory_space<semaphore_mem>>) {add = true}
      %dma_wait3A_219 = arith.constant 2 : i32
      %dma_wait3A_220 = arith.constant 0 : i32
      %dma_wait3A_221 = tpu.memref_slice %arg8[%rem3A_126, %dma_wait3A_219, %dma_wait3A_220] : memref<2x10x100xi32, #tpu.memory_space<vmem>> -> memref<1x1x100xi32, #tpu.memory_space<vmem>>
      %dma_wait3A_222 = tpu.memref_squeeze %dma_wait3A_221 : memref<1x1x100xi32, #tpu.memory_space<vmem>> -> memref<100xi32, #tpu.memory_space<vmem>>
      %dma_wait3A_223 = arith.constant 0 : i32
      %dma_wait3A_224 = arith.constant 0 : i32
      %dma_wait3A_225 = tpu.memref_slice %arg17[%dma_wait3A_223, %dma_wait3A_224] : memref<10112x128xf32, #tpu.memory_space<vmem_shared>> -> memref<10112x128xf32, #tpu.memory_space<vmem_shared>>
      tpu.wait_indirect_dma semaphore(%arg15 : memref<!tpu.dma_semaphore, #tpu.memory_space<semaphore_mem>>) src(%arg9 : memref<100x128xf32, #tpu.memory_space<vmem>>) dst(%dma_wait3A_225 : memref<10112x128xf32, #tpu.memory_space<vmem_shared>>)
      %dma_start3A_226 = arith.constant 4 : i32
      %dma_start3A_227 = arith.constant 0 : i32
      %dma_start3A_228 = tpu.memref_slice %arg7[%rem3A_126, %dma_start3A_226, %dma_start3A_227] : memref<2x10x100xi32, #tpu.memory_space<vmem>> -> memref<1x1x100xi32, #tpu.memory_space<vmem>>
      %dma_start3A_229 = tpu.memref_squeeze %dma_start3A_228 : memref<1x1x100xi32, #tpu.memory_space<vmem>> -> memref<100xi32, #tpu.memory_space<vmem>>
      %dma_start3A_230 = arith.constant 0 : i32
      %dma_start3A_231 = arith.constant 0 : i32
      %dma_start3A_232 = tpu.memref_slice %arg4[%dma_start3A_230, %dma_start3A_231] : memref<20000x128xf32, #tpu.memory_space<hbm>> -> memref<20000x128xf32, #tpu.memory_space<hbm>>
      tpu.enqueue_indirect_dma source(%dma_start3A_232 : memref<20000x128xf32, #tpu.memory_space<hbm>>) target(%arg9 : memref<100x128xf32, #tpu.memory_space<vmem>>) offsets(%dma_start3A_229 : memref<100xi32, #tpu.memory_space<vmem>>) semaphore(%arg13 : memref<!tpu.dma_semaphore, #tpu.memory_space<semaphore_mem>>)
      %dma_wait3A_233 = arith.constant 3 : i32
      %dma_wait3A_234 = arith.constant 0 : i32
      %dma_wait3A_235 = tpu.memref_slice %arg8[%rem3A_126, %dma_wait3A_233, %dma_wait3A_234] : memref<2x10x100xi32, #tpu.memory_space<vmem>> -> memref<1x1x100xi32, #tpu.memory_space<vmem>>
      %dma_wait3A_236 = tpu.memref_squeeze %dma_wait3A_235 : memref<1x1x100xi32, #tpu.memory_space<vmem>> -> memref<100xi32, #tpu.memory_space<vmem>>
      %dma_wait3A_237 = arith.constant 0 : i32
      %dma_wait3A_238 = arith.constant 0 : i32
      %dma_wait3A_239 = tpu.memref_slice %arg17[%dma_wait3A_237, %dma_wait3A_238] : memref<10112x128xf32, #tpu.memory_space<vmem_shared>> -> memref<10112x128xf32, #tpu.memory_space<vmem_shared>>
      tpu.wait_indirect_dma semaphore(%arg16 : memref<!tpu.dma_semaphore, #tpu.memory_space<semaphore_mem>>) src(%arg10 : memref<100x128xf32, #tpu.memory_space<vmem>>) dst(%dma_wait3A_239 : memref<10112x128xf32, #tpu.memory_space<vmem_shared>>)
      %dma_start3A_240 = arith.constant 5 : i32
      %dma_start3A_241 = arith.constant 0 : i32
      %dma_start3A_242 = tpu.memref_slice %arg7[%rem3A_126, %dma_start3A_240, %dma_start3A_241] : memref<2x10x100xi32, #tpu.memory_space<vmem>> -> memref<1x1x100xi32, #tpu.memory_space<vmem>>
      %dma_start3A_243 = tpu.memref_squeeze %dma_start3A_242 : memref<1x1x100xi32, #tpu.memory_space<vmem>> -> memref<100xi32, #tpu.memory_space<vmem>>
      %dma_start3A_244 = arith.constant 0 : i32
      %dma_start3A_245 = arith.constant 0 : i32
      %dma_start3A_246 = tpu.memref_slice %arg4[%dma_start3A_244, %dma_start3A_245] : memref<20000x128xf32, #tpu.memory_space<hbm>> -> memref<20000x128xf32, #tpu.memory_space<hbm>>
      tpu.enqueue_indirect_dma source(%dma_start3A_246 : memref<20000x128xf32, #tpu.memory_space<hbm>>) target(%arg10 : memref<100x128xf32, #tpu.memory_space<vmem>>) offsets(%dma_start3A_243 : memref<100xi32, #tpu.memory_space<vmem>>) semaphore(%arg14 : memref<!tpu.dma_semaphore, #tpu.memory_space<semaphore_mem>>)
      %dma_wait3A_247 = arith.constant 4 : i32
      %dma_wait3A_248 = arith.constant 0 : i32
      %dma_wait3A_249 = tpu.memref_slice %arg7[%rem3A_126, %dma_wait3A_247, %dma_wait3A_248] : memref<2x10x100xi32, #tpu.memory_space<vmem>> -> memref<1x1x100xi32, #tpu.memory_space<vmem>>
      %dma_wait3A_250 = tpu.memref_squeeze %dma_wait3A_249 : memref<1x1x100xi32, #tpu.memory_space<vmem>> -> memref<100xi32, #tpu.memory_space<vmem>>
      %dma_wait3A_251 = arith.constant 0 : i32
      %dma_wait3A_252 = arith.constant 0 : i32
      %dma_wait3A_253 = tpu.memref_slice %arg4[%dma_wait3A_251, %dma_wait3A_252] : memref<20000x128xf32, #tpu.memory_space<hbm>> -> memref<20000x128xf32, #tpu.memory_space<hbm>>
      tpu.wait_indirect_dma semaphore(%arg13 : memref<!tpu.dma_semaphore, #tpu.memory_space<semaphore_mem>>) src(%dma_wait3A_253 : memref<20000x128xf32, #tpu.memory_space<hbm>>) dst(%arg9 : memref<100x128xf32, #tpu.memory_space<vmem>>)
      %dma_start3A_254 = arith.constant 4 : i32
      %dma_start3A_255 = arith.constant 0 : i32
      %dma_start3A_256 = tpu.memref_slice %arg8[%rem3A_126, %dma_start3A_254, %dma_start3A_255] : memref<2x10x100xi32, #tpu.memory_space<vmem>> -> memref<1x1x100xi32, #tpu.memory_space<vmem>>
      %dma_start3A_257 = tpu.memref_squeeze %dma_start3A_256 : memref<1x1x100xi32, #tpu.memory_space<vmem>> -> memref<100xi32, #tpu.memory_space<vmem>>
      %dma_start3A_258 = arith.constant 0 : i32
      %dma_start3A_259 = arith.constant 0 : i32
      %dma_start3A_260 = tpu.memref_slice %arg17[%dma_start3A_258, %dma_start3A_259] : memref<10112x128xf32, #tpu.memory_space<vmem_shared>> -> memref<10112x128xf32, #tpu.memory_space<vmem_shared>>
      tpu.enqueue_indirect_dma source(%arg9 : memref<100x128xf32, #tpu.memory_space<vmem>>) target(%dma_start3A_260 : memref<10112x128xf32, #tpu.memory_space<vmem_shared>>) offsets(%dma_start3A_257 : memref<100xi32, #tpu.memory_space<vmem>>) semaphore(%arg15 : memref<!tpu.dma_semaphore, #tpu.memory_space<semaphore_mem>>) {add = true}
      %dma_wait3A_261 = arith.constant 5 : i32
      %dma_wait3A_262 = arith.constant 0 : i32
      %dma_wait3A_263 = tpu.memref_slice %arg7[%rem3A_126, %dma_wait3A_261, %dma_wait3A_262] : memref<2x10x100xi32, #tpu.memory_space<vmem>> -> memref<1x1x100xi32, #tpu.memory_space<vmem>>
      %dma_wait3A_264 = tpu.memref_squeeze %dma_wait3A_263 : memref<1x1x100xi32, #tpu.memory_space<vmem>> -> memref<100xi32, #tpu.memory_space<vmem>>
      %dma_wait3A_265 = arith.constant 0 : i32
      %dma_wait3A_266 = arith.constant 0 : i32
      %dma_wait3A_267 = tpu.memref_slice %arg4[%dma_wait3A_265, %dma_wait3A_266] : memref<20000x128xf32, #tpu.memory_space<hbm>> -> memref<20000x128xf32, #tpu.memory_space<hbm>>
      tpu.wait_indirect_dma semaphore(%arg14 : memref<!tpu.dma_semaphore, #tpu.memory_space<semaphore_mem>>) src(%dma_wait3A_267 : memref<20000x128xf32, #tpu.memory_space<hbm>>) dst(%arg10 : memref<100x128xf32, #tpu.memory_space<vmem>>)
      %dma_start3A_268 = arith.constant 5 : i32
      %dma_start3A_269 = arith.constant 0 : i32
      %dma_start3A_270 = tpu.memref_slice %arg8[%rem3A_126, %dma_start3A_268, %dma_start3A_269] : memref<2x10x100xi32, #tpu.memory_space<vmem>> -> memref<1x1x100xi32, #tpu.memory_space<vmem>>
      %dma_start3A_271 = tpu.memref_squeeze %dma_start3A_270 : memref<1x1x100xi32, #tpu.memory_space<vmem>> -> memref<100xi32, #tpu.memory_space<vmem>>
      %dma_start3A_272 = arith.constant 0 : i32
      %dma_start3A_273 = arith.constant 0 : i32
      %dma_start3A_274 = tpu.memref_slice %arg17[%dma_start3A_272, %dma_start3A_273] : memref<10112x128xf32, #tpu.memory_space<vmem_shared>> -> memref<10112x128xf32, #tpu.memory_space<vmem_shared>>
      tpu.enqueue_indirect_dma source(%arg10 : memref<100x128xf32, #tpu.memory_space<vmem>>) target(%dma_start3A_274 : memref<10112x128xf32, #tpu.memory_space<vmem_shared>>) offsets(%dma_start3A_271 : memref<100xi32, #tpu.memory_space<vmem>>) semaphore(%arg16 : memref<!tpu.dma_semaphore, #tpu.memory_space<semaphore_mem>>) {add = true}
      %dma_wait3A_275 = arith.constant 4 : i32
      %dma_wait3A_276 = arith.constant 0 : i32
      %dma_wait3A_277 = tpu.memref_slice %arg8[%rem3A_126, %dma_wait3A_275, %dma_wait3A_276] : memref<2x10x100xi32, #tpu.memory_space<vmem>> -> memref<1x1x100xi32, #tpu.memory_space<vmem>>
      %dma_wait3A_278 = tpu.memref_squeeze %dma_wait3A_277 : memref<1x1x100xi32, #tpu.memory_space<vmem>> -> memref<100xi32, #tpu.memory_space<vmem>>
      %dma_wait3A_279 = arith.constant 0 : i32
      %dma_wait3A_280 = arith.constant 0 : i32
      %dma_wait3A_281 = tpu.memref_slice %arg17[%dma_wait3A_279, %dma_wait3A_280] : memref<10112x128xf32, #tpu.memory_space<vmem_shared>> -> memref<10112x128xf32, #tpu.memory_space<vmem_shared>>
      tpu.wait_indirect_dma semaphore(%arg15 : memref<!tpu.dma_semaphore, #tpu.memory_space<semaphore_mem>>) src(%arg9 : memref<100x128xf32, #tpu.memory_space<vmem>>) dst(%dma_wait3A_281 : memref<10112x128xf32, #tpu.memory_space<vmem_shared>>)
      %dma_start3A_282 = arith.constant 6 : i32
      %dma_start3A_283 = arith.constant 0 : i32
      %dma_start3A_284 = tpu.memref_slice %arg7[%rem3A_126, %dma_start3A_282, %dma_start3A_283] : memref<2x10x100xi32, #tpu.memory_space<vmem>> -> memref<1x1x100xi32, #tpu.memory_space<vmem>>
      %dma_start3A_285 = tpu.memref_squeeze %dma_start3A_284 : memref<1x1x100xi32, #tpu.memory_space<vmem>> -> memref<100xi32, #tpu.memory_space<vmem>>
      %dma_start3A_286 = arith.constant 0 : i32
      %dma_start3A_287 = arith.constant 0 : i32
      %dma_start3A_288 = tpu.memref_slice %arg4[%dma_start3A_286, %dma_start3A_287] : memref<20000x128xf32, #tpu.memory_space<hbm>> -> memref<20000x128xf32, #tpu.memory_space<hbm>>
      tpu.enqueue_indirect_dma source(%dma_start3A_288 : memref<20000x128xf32, #tpu.memory_space<hbm>>) target(%arg9 : memref<100x128xf32, #tpu.memory_space<vmem>>) offsets(%dma_start3A_285 : memref<100xi32, #tpu.memory_space<vmem>>) semaphore(%arg13 : memref<!tpu.dma_semaphore, #tpu.memory_space<semaphore_mem>>)
      %dma_wait3A_289 = arith.constant 5 : i32
      %dma_wait3A_290 = arith.constant 0 : i32
      %dma_wait3A_291 = tpu.memref_slice %arg8[%rem3A_126, %dma_wait3A_289, %dma_wait3A_290] : memref<2x10x100xi32, #tpu.memory_space<vmem>> -> memref<1x1x100xi32, #tpu.memory_space<vmem>>
      %dma_wait3A_292 = tpu.memref_squeeze %dma_wait3A_291 : memref<1x1x100xi32, #tpu.memory_space<vmem>> -> memref<100xi32, #tpu.memory_space<vmem>>
      %dma_wait3A_293 = arith.constant 0 : i32
      %dma_wait3A_294 = arith.constant 0 : i32
      %dma_wait3A_295 = tpu.memref_slice %arg17[%dma_wait3A_293, %dma_wait3A_294] : memref<10112x128xf32, #tpu.memory_space<vmem_shared>> -> memref<10112x128xf32, #tpu.memory_space<vmem_shared>>
      tpu.wait_indirect_dma semaphore(%arg16 : memref<!tpu.dma_semaphore, #tpu.memory_space<semaphore_mem>>) src(%arg10 : memref<100x128xf32, #tpu.memory_space<vmem>>) dst(%dma_wait3A_295 : memref<10112x128xf32, #tpu.memory_space<vmem_shared>>)
      %dma_start3A_296 = arith.constant 7 : i32
      %dma_start3A_297 = arith.constant 0 : i32
      %dma_start3A_298 = tpu.memref_slice %arg7[%rem3A_126, %dma_start3A_296, %dma_start3A_297] : memref<2x10x100xi32, #tpu.memory_space<vmem>> -> memref<1x1x100xi32, #tpu.memory_space<vmem>>
      %dma_start3A_299 = tpu.memref_squeeze %dma_start3A_298 : memref<1x1x100xi32, #tpu.memory_space<vmem>> -> memref<100xi32, #tpu.memory_space<vmem>>
      %dma_start3A_300 = arith.constant 0 : i32
      %dma_start3A_301 = arith.constant 0 : i32
      %dma_start3A_302 = tpu.memref_slice %arg4[%dma_start3A_300, %dma_start3A_301] : memref<20000x128xf32, #tpu.memory_space<hbm>> -> memref<20000x128xf32, #tpu.memory_space<hbm>>
      tpu.enqueue_indirect_dma source(%dma_start3A_302 : memref<20000x128xf32, #tpu.memory_space<hbm>>) target(%arg10 : memref<100x128xf32, #tpu.memory_space<vmem>>) offsets(%dma_start3A_299 : memref<100xi32, #tpu.memory_space<vmem>>) semaphore(%arg14 : memref<!tpu.dma_semaphore, #tpu.memory_space<semaphore_mem>>)
      %dma_wait3A_303 = arith.constant 6 : i32
      %dma_wait3A_304 = arith.constant 0 : i32
      %dma_wait3A_305 = tpu.memref_slice %arg7[%rem3A_126, %dma_wait3A_303, %dma_wait3A_304] : memref<2x10x100xi32, #tpu.memory_space<vmem>> -> memref<1x1x100xi32, #tpu.memory_space<vmem>>
      %dma_wait3A_306 = tpu.memref_squeeze %dma_wait3A_305 : memref<1x1x100xi32, #tpu.memory_space<vmem>> -> memref<100xi32, #tpu.memory_space<vmem>>
      %dma_wait3A_307 = arith.constant 0 : i32
      %dma_wait3A_308 = arith.constant 0 : i32
      %dma_wait3A_309 = tpu.memref_slice %arg4[%dma_wait3A_307, %dma_wait3A_308] : memref<20000x128xf32, #tpu.memory_space<hbm>> -> memref<20000x128xf32, #tpu.memory_space<hbm>>
      tpu.wait_indirect_dma semaphore(%arg13 : memref<!tpu.dma_semaphore, #tpu.memory_space<semaphore_mem>>) src(%dma_wait3A_309 : memref<20000x128xf32, #tpu.memory_space<hbm>>) dst(%arg9 : memref<100x128xf32, #tpu.memory_space<vmem>>)
      %dma_start3A_310 = arith.constant 6 : i32
      %dma_start3A_311 = arith.constant 0 : i32
      %dma_start3A_312 = tpu.memref_slice %arg8[%rem3A_126, %dma_start3A_310, %dma_start3A_311] : memref<2x10x100xi32, #tpu.memory_space<vmem>> -> memref<1x1x100xi32, #tpu.memory_space<vmem>>
      %dma_start3A_313 = tpu.memref_squeeze %dma_start3A_312 : memref<1x1x100xi32, #tpu.memory_space<vmem>> -> memref<100xi32, #tpu.memory_space<vmem>>
      %dma_start3A_314 = arith.constant 0 : i32
      %dma_start3A_315 = arith.constant 0 : i32
      %dma_start3A_316 = tpu.memref_slice %arg17[%dma_start3A_314, %dma_start3A_315] : memref<10112x128xf32, #tpu.memory_space<vmem_shared>> -> memref<10112x128xf32, #tpu.memory_space<vmem_shared>>
      tpu.enqueue_indirect_dma source(%arg9 : memref<100x128xf32, #tpu.memory_space<vmem>>) target(%dma_start3A_316 : memref<10112x128xf32, #tpu.memory_space<vmem_shared>>) offsets(%dma_start3A_313 : memref<100xi32, #tpu.memory_space<vmem>>) semaphore(%arg15 : memref<!tpu.dma_semaphore, #tpu.memory_space<semaphore_mem>>) {add = true}
      %dma_wait3A_317 = arith.constant 7 : i32
      %dma_wait3A_318 = arith.constant 0 : i32
      %dma_wait3A_319 = tpu.memref_slice %arg7[%rem3A_126, %dma_wait3A_317, %dma_wait3A_318] : memref<2x10x100xi32, #tpu.memory_space<vmem>> -> memref<1x1x100xi32, #tpu.memory_space<vmem>>
      %dma_wait3A_320 = tpu.memref_squeeze %dma_wait3A_319 : memref<1x1x100xi32, #tpu.memory_space<vmem>> -> memref<100xi32, #tpu.memory_space<vmem>>
      %dma_wait3A_321 = arith.constant 0 : i32
      %dma_wait3A_322 = arith.constant 0 : i32
      %dma_wait3A_323 = tpu.memref_slice %arg4[%dma_wait3A_321, %dma_wait3A_322] : memref<20000x128xf32, #tpu.memory_space<hbm>> -> memref<20000x128xf32, #tpu.memory_space<hbm>>
      tpu.wait_indirect_dma semaphore(%arg14 : memref<!tpu.dma_semaphore, #tpu.memory_space<semaphore_mem>>) src(%dma_wait3A_323 : memref<20000x128xf32, #tpu.memory_space<hbm>>) dst(%arg10 : memref<100x128xf32, #tpu.memory_space<vmem>>)
      %dma_start3A_324 = arith.constant 7 : i32
      %dma_start3A_325 = arith.constant 0 : i32
      %dma_start3A_326 = tpu.memref_slice %arg8[%rem3A_126, %dma_start3A_324, %dma_start3A_325] : memref<2x10x100xi32, #tpu.memory_space<vmem>> -> memref<1x1x100xi32, #tpu.memory_space<vmem>>
      %dma_start3A_327 = tpu.memref_squeeze %dma_start3A_326 : memref<1x1x100xi32, #tpu.memory_space<vmem>> -> memref<100xi32, #tpu.memory_space<vmem>>
      %dma_start3A_328 = arith.constant 0 : i32
      %dma_start3A_329 = arith.constant 0 : i32
      %dma_start3A_330 = tpu.memref_slice %arg17[%dma_start3A_328, %dma_start3A_329] : memref<10112x128xf32, #tpu.memory_space<vmem_shared>> -> memref<10112x128xf32, #tpu.memory_space<vmem_shared>>
      tpu.enqueue_indirect_dma source(%arg10 : memref<100x128xf32, #tpu.memory_space<vmem>>) target(%dma_start3A_330 : memref<10112x128xf32, #tpu.memory_space<vmem_shared>>) offsets(%dma_start3A_327 : memref<100xi32, #tpu.memory_space<vmem>>) semaphore(%arg16 : memref<!tpu.dma_semaphore, #tpu.memory_space<semaphore_mem>>) {add = true}
      %dma_wait3A_331 = arith.constant 6 : i32
      %dma_wait3A_332 = arith.constant 0 : i32
      %dma_wait3A_333 = tpu.memref_slice %arg8[%rem3A_126, %dma_wait3A_331, %dma_wait3A_332] : memref<2x10x100xi32, #tpu.memory_space<vmem>> -> memref<1x1x100xi32, #tpu.memory_space<vmem>>
      %dma_wait3A_334 = tpu.memref_squeeze %dma_wait3A_333 : memref<1x1x100xi32, #tpu.memory_space<vmem>> -> memref<100xi32, #tpu.memory_space<vmem>>
      %dma_wait3A_335 = arith.constant 0 : i32
      %dma_wait3A_336 = arith.constant 0 : i32
      %dma_wait3A_337 = tpu.memref_slice %arg17[%dma_wait3A_335, %dma_wait3A_336] : memref<10112x128xf32, #tpu.memory_space<vmem_shared>> -> memref<10112x128xf32, #tpu.memory_space<vmem_shared>>
      tpu.wait_indirect_dma semaphore(%arg15 : memref<!tpu.dma_semaphore, #tpu.memory_space<semaphore_mem>>) src(%arg9 : memref<100x128xf32, #tpu.memory_space<vmem>>) dst(%dma_wait3A_337 : memref<10112x128xf32, #tpu.memory_space<vmem_shared>>)
      %dma_start3A_338 = arith.constant 8 : i32
      %dma_start3A_339 = arith.constant 0 : i32
      %dma_start3A_340 = tpu.memref_slice %arg7[%rem3A_126, %dma_start3A_338, %dma_start3A_339] : memref<2x10x100xi32, #tpu.memory_space<vmem>> -> memref<1x1x100xi32, #tpu.memory_space<vmem>>
      %dma_start3A_341 = tpu.memref_squeeze %dma_start3A_340 : memref<1x1x100xi32, #tpu.memory_space<vmem>> -> memref<100xi32, #tpu.memory_space<vmem>>
      %dma_start3A_342 = arith.constant 0 : i32
      %dma_start3A_343 = arith.constant 0 : i32
      %dma_start3A_344 = tpu.memref_slice %arg4[%dma_start3A_342, %dma_start3A_343] : memref<20000x128xf32, #tpu.memory_space<hbm>> -> memref<20000x128xf32, #tpu.memory_space<hbm>>
      tpu.enqueue_indirect_dma source(%dma_start3A_344 : memref<20000x128xf32, #tpu.memory_space<hbm>>) target(%arg9 : memref<100x128xf32, #tpu.memory_space<vmem>>) offsets(%dma_start3A_341 : memref<100xi32, #tpu.memory_space<vmem>>) semaphore(%arg13 : memref<!tpu.dma_semaphore, #tpu.memory_space<semaphore_mem>>)
      %dma_wait3A_345 = arith.constant 7 : i32
      %dma_wait3A_346 = arith.constant 0 : i32
      %dma_wait3A_347 = tpu.memref_slice %arg8[%rem3A_126, %dma_wait3A_345, %dma_wait3A_346] : memref<2x10x100xi32, #tpu.memory_space<vmem>> -> memref<1x1x100xi32, #tpu.memory_space<vmem>>
      %dma_wait3A_348 = tpu.memref_squeeze %dma_wait3A_347 : memref<1x1x100xi32, #tpu.memory_space<vmem>> -> memref<100xi32, #tpu.memory_space<vmem>>
      %dma_wait3A_349 = arith.constant 0 : i32
      %dma_wait3A_350 = arith.constant 0 : i32
      %dma_wait3A_351 = tpu.memref_slice %arg17[%dma_wait3A_349, %dma_wait3A_350] : memref<10112x128xf32, #tpu.memory_space<vmem_shared>> -> memref<10112x128xf32, #tpu.memory_space<vmem_shared>>
      tpu.wait_indirect_dma semaphore(%arg16 : memref<!tpu.dma_semaphore, #tpu.memory_space<semaphore_mem>>) src(%arg10 : memref<100x128xf32, #tpu.memory_space<vmem>>) dst(%dma_wait3A_351 : memref<10112x128xf32, #tpu.memory_space<vmem_shared>>)
      %dma_start3A_352 = arith.constant 9 : i32
      %dma_start3A_353 = arith.constant 0 : i32
      %dma_start3A_354 = tpu.memref_slice %arg7[%rem3A_126, %dma_start3A_352, %dma_start3A_353] : memref<2x10x100xi32, #tpu.memory_space<vmem>> -> memref<1x1x100xi32, #tpu.memory_space<vmem>>
      %dma_start3A_355 = tpu.memref_squeeze %dma_start3A_354 : memref<1x1x100xi32, #tpu.memory_space<vmem>> -> memref<100xi32, #tpu.memory_space<vmem>>
      %dma_start3A_356 = arith.constant 0 : i32
      %dma_start3A_357 = arith.constant 0 : i32
      %dma_start3A_358 = tpu.memref_slice %arg4[%dma_start3A_356, %dma_start3A_357] : memref<20000x128xf32, #tpu.memory_space<hbm>> -> memref<20000x128xf32, #tpu.memory_space<hbm>>
      tpu.enqueue_indirect_dma source(%dma_start3A_358 : memref<20000x128xf32, #tpu.memory_space<hbm>>) target(%arg10 : memref<100x128xf32, #tpu.memory_space<vmem>>) offsets(%dma_start3A_355 : memref<100xi32, #tpu.memory_space<vmem>>) semaphore(%arg14 : memref<!tpu.dma_semaphore, #tpu.memory_space<semaphore_mem>>)
      %dma_wait3A_359 = arith.constant 8 : i32
      %dma_wait3A_360 = arith.constant 0 : i32
      %dma_wait3A_361 = tpu.memref_slice %arg7[%rem3A_126, %dma_wait3A_359, %dma_wait3A_360] : memref<2x10x100xi32, #tpu.memory_space<vmem>> -> memref<1x1x100xi32, #tpu.memory_space<vmem>>
      %dma_wait3A_362 = tpu.memref_squeeze %dma_wait3A_361 : memref<1x1x100xi32, #tpu.memory_space<vmem>> -> memref<100xi32, #tpu.memory_space<vmem>>
      %dma_wait3A_363 = arith.constant 0 : i32
      %dma_wait3A_364 = arith.constant 0 : i32
      %dma_wait3A_365 = tpu.memref_slice %arg4[%dma_wait3A_363, %dma_wait3A_364] : memref<20000x128xf32, #tpu.memory_space<hbm>> -> memref<20000x128xf32, #tpu.memory_space<hbm>>
      tpu.wait_indirect_dma semaphore(%arg13 : memref<!tpu.dma_semaphore, #tpu.memory_space<semaphore_mem>>) src(%dma_wait3A_365 : memref<20000x128xf32, #tpu.memory_space<hbm>>) dst(%arg9 : memref<100x128xf32, #tpu.memory_space<vmem>>)
      %dma_start3A_366 = arith.constant 8 : i32
      %dma_start3A_367 = arith.constant 0 : i32
      %dma_start3A_368 = tpu.memref_slice %arg8[%rem3A_126, %dma_start3A_366, %dma_start3A_367] : memref<2x10x100xi32, #tpu.memory_space<vmem>> -> memref<1x1x100xi32, #tpu.memory_space<vmem>>
      %dma_start3A_369 = tpu.memref_squeeze %dma_start3A_368 : memref<1x1x100xi32, #tpu.memory_space<vmem>> -> memref<100xi32, #tpu.memory_space<vmem>>
      %dma_start3A_370 = arith.constant 0 : i32
      %dma_start3A_371 = arith.constant 0 : i32
      %dma_start3A_372 = tpu.memref_slice %arg17[%dma_start3A_370, %dma_start3A_371] : memref<10112x128xf32, #tpu.memory_space<vmem_shared>> -> memref<10112x128xf32, #tpu.memory_space<vmem_shared>>
      tpu.enqueue_indirect_dma source(%arg9 : memref<100x128xf32, #tpu.memory_space<vmem>>) target(%dma_start3A_372 : memref<10112x128xf32, #tpu.memory_space<vmem_shared>>) offsets(%dma_start3A_369 : memref<100xi32, #tpu.memory_space<vmem>>) semaphore(%arg15 : memref<!tpu.dma_semaphore, #tpu.memory_space<semaphore_mem>>) {add = true}
      %dma_wait3A_373 = arith.constant 9 : i32
      %dma_wait3A_374 = arith.constant 0 : i32
      %dma_wait3A_375 = tpu.memref_slice %arg7[%rem3A_126, %dma_wait3A_373, %dma_wait3A_374] : memref<2x10x100xi32, #tpu.memory_space<vmem>> -> memref<1x1x100xi32, #tpu.memory_space<vmem>>
      %dma_wait3A_376 = tpu.memref_squeeze %dma_wait3A_375 : memref<1x1x100xi32, #tpu.memory_space<vmem>> -> memref<100xi32, #tpu.memory_space<vmem>>
      %dma_wait3A_377 = arith.constant 0 : i32
      %dma_wait3A_378 = arith.constant 0 : i32
      %dma_wait3A_379 = tpu.memref_slice %arg4[%dma_wait3A_377, %dma_wait3A_378] : memref<20000x128xf32, #tpu.memory_space<hbm>> -> memref<20000x128xf32, #tpu.memory_space<hbm>>
      tpu.wait_indirect_dma semaphore(%arg14 : memref<!tpu.dma_semaphore, #tpu.memory_space<semaphore_mem>>) src(%dma_wait3A_379 : memref<20000x128xf32, #tpu.memory_space<hbm>>) dst(%arg10 : memref<100x128xf32, #tpu.memory_space<vmem>>)
      %dma_start3A_380 = arith.constant 9 : i32
      %dma_start3A_381 = arith.constant 0 : i32
      %dma_start3A_382 = tpu.memref_slice %arg8[%rem3A_126, %dma_start3A_380, %dma_start3A_381] : memref<2x10x100xi32, #tpu.memory_space<vmem>> -> memref<1x1x100xi32, #tpu.memory_space<vmem>>
      %dma_start3A_383 = tpu.memref_squeeze %dma_start3A_382 : memref<1x1x100xi32, #tpu.memory_space<vmem>> -> memref<100xi32, #tpu.memory_space<vmem>>
      %dma_start3A_384 = arith.constant 0 : i32
      %dma_start3A_385 = arith.constant 0 : i32
      %dma_start3A_386 = tpu.memref_slice %arg17[%dma_start3A_384, %dma_start3A_385] : memref<10112x128xf32, #tpu.memory_space<vmem_shared>> -> memref<10112x128xf32, #tpu.memory_space<vmem_shared>>
      tpu.enqueue_indirect_dma source(%arg10 : memref<100x128xf32, #tpu.memory_space<vmem>>) target(%dma_start3A_386 : memref<10112x128xf32, #tpu.memory_space<vmem_shared>>) offsets(%dma_start3A_383 : memref<100xi32, #tpu.memory_space<vmem>>) semaphore(%arg16 : memref<!tpu.dma_semaphore, #tpu.memory_space<semaphore_mem>>) {add = true}
      %add3A_387 = arith.constant 1 : i32
      %add3A_388 = arith.addi %scan3A_125, %add3A_387 : i32
      %lt3A_389 = arith.constant 10 : i32
      %lt3A_390 = arith.cmpi slt, %add3A_388, %lt3A_389 : i32
      %convert_element_type3A_391 = arith.extui %lt3A_390 : i1 to i32
      %cond3A_392 = arith.constant 0 : i32
      %cond3A_393 = arith.cmpi ne, %convert_element_type3A_391, %cond3A_392 : i32
      scf.if %cond3A_393 {
        %add3A_394 = arith.constant 1 : i32
        %add3A_395 = arith.addi %scan3A_125, %add3A_394 : i32
        %dma_wait3A_396 = arith.constant 0 : i32
        %dma_wait3A_397 = arith.constant 0 : i32
        %dma_wait3A_398 = tpu.memref_slice %arg7[%sub3A_127, %dma_wait3A_396, %dma_wait3A_397] : memref<2x10x100xi32, #tpu.memory_space<vmem>> -> memref<1x10x100xi32, #tpu.memory_space<vmem>>
        %dma_wait3A_399 = tpu.memref_squeeze %dma_wait3A_398 : memref<1x10x100xi32, #tpu.memory_space<vmem>> -> memref<10x100xi32, #tpu.memory_space<vmem>>
        %dma_wait3A_400 = arith.constant 0 : i32
        %dma_wait3A_401 = arith.constant 0 : i32
        %dma_wait3A_402 = tpu.memref_slice %arg2[%arg0, %arg1, %add3A_395, %dma_wait3A_400, %dma_wait3A_401] : memref<2x16x10x10x100xi32, #tpu.memory_space<hbm>> -> memref<1x1x1x10x100xi32, #tpu.memory_space<hbm>>
        %dma_wait3A_403 = tpu.memref_squeeze %dma_wait3A_402 : memref<1x1x1x10x100xi32, #tpu.memory_space<hbm>> -> memref<10x100xi32, #tpu.memory_space<hbm>>
        %dma_wait3A_404 = tpu.memref_slice %arg11[%sub3A_127] : memref<2x!tpu.dma_semaphore, #tpu.memory_space<semaphore_mem>> -> memref<1x!tpu.dma_semaphore, #tpu.memory_space<semaphore_mem>>
        %dma_wait3A_405 = tpu.memref_squeeze %dma_wait3A_404 : memref<1x!tpu.dma_semaphore, #tpu.memory_space<semaphore_mem>> -> memref<!tpu.dma_semaphore, #tpu.memory_space<semaphore_mem>>
        %dma_wait3A_406 = arith.constant 0 : i32
        %dma_wait3A_407 = arith.constant 0 : i32
        %dma_wait3A_408 = tpu.memref_slice %arg7[%sub3A_127, %dma_wait3A_406, %dma_wait3A_407] : memref<2x10x100xi32, #tpu.memory_space<vmem>> -> memref<1x10x100xi32, #tpu.memory_space<vmem>>
        %dma_wait3A_409 = tpu.memref_squeeze %dma_wait3A_408 : memref<1x10x100xi32, #tpu.memory_space<vmem>> -> memref<10x100xi32, #tpu.memory_space<vmem>>
        %dma_wait3A_410 = arith.constant 0 : i32
        %dma_wait3A_411 = arith.constant 0 : i32
        %dma_wait3A_412 = tpu.memref_slice %arg2[%arg0, %arg1, %add3A_395, %dma_wait3A_410, %dma_wait3A_411] : memref<2x16x10x10x100xi32, #tpu.memory_space<hbm>> -> memref<1x1x1x10x100xi32, #tpu.memory_space<hbm>>
        %dma_wait3A_413 = tpu.memref_squeeze %dma_wait3A_412 : memref<1x1x1x10x100xi32, #tpu.memory_space<hbm>> -> memref<10x100xi32, #tpu.memory_space<hbm>>
        tpu.wait_dma2 semaphore(%dma_wait3A_405 : memref<!tpu.dma_semaphore, #tpu.memory_space<semaphore_mem>>) src(%dma_wait3A_413 : memref<10x100xi32, #tpu.memory_space<hbm>>) dst(%dma_wait3A_409 : memref<10x100xi32, #tpu.memory_space<vmem>>)
        %dma_wait3A_414 = arith.constant 8 : i32
        %dma_wait3A_415 = arith.constant 0 : i32
        %dma_wait3A_416 = tpu.memref_slice %arg8[%rem3A_126, %dma_wait3A_414, %dma_wait3A_415] : memref<2x10x100xi32, #tpu.memory_space<vmem>> -> memref<1x1x100xi32, #tpu.memory_space<vmem>>
        %dma_wait3A_417 = tpu.memref_squeeze %dma_wait3A_416 : memref<1x1x100xi32, #tpu.memory_space<vmem>> -> memref<100xi32, #tpu.memory_space<vmem>>
        %dma_wait3A_418 = arith.constant 0 : i32
        %dma_wait3A_419 = arith.constant 0 : i32
        %dma_wait3A_420 = tpu.memref_slice %arg17[%dma_wait3A_418, %dma_wait3A_419] : memref<10112x128xf32, #tpu.memory_space<vmem_shared>> -> memref<10112x128xf32, #tpu.memory_space<vmem_shared>>
        tpu.wait_indirect_dma semaphore(%arg15 : memref<!tpu.dma_semaphore, #tpu.memory_space<semaphore_mem>>) src(%arg9 : memref<100x128xf32, #tpu.memory_space<vmem>>) dst(%dma_wait3A_420 : memref<10112x128xf32, #tpu.memory_space<vmem_shared>>)
        %dma_start3A_421 = arith.constant 0 : i32
        %dma_start3A_422 = arith.constant 0 : i32
        %dma_start3A_423 = tpu.memref_slice %arg7[%sub3A_127, %dma_start3A_421, %dma_start3A_422] : memref<2x10x100xi32, #tpu.memory_space<vmem>> -> memref<1x1x100xi32, #tpu.memory_space<vmem>>
        %dma_start3A_424 = tpu.memref_squeeze %dma_start3A_423 : memref<1x1x100xi32, #tpu.memory_space<vmem>> -> memref<100xi32, #tpu.memory_space<vmem>>
        %dma_start3A_425 = arith.constant 0 : i32
        %dma_start3A_426 = arith.constant 0 : i32
        %dma_start3A_427 = tpu.memref_slice %arg4[%dma_start3A_425, %dma_start3A_426] : memref<20000x128xf32, #tpu.memory_space<hbm>> -> memref<20000x128xf32, #tpu.memory_space<hbm>>
        tpu.enqueue_indirect_dma source(%dma_start3A_427 : memref<20000x128xf32, #tpu.memory_space<hbm>>) target(%arg9 : memref<100x128xf32, #tpu.memory_space<vmem>>) offsets(%dma_start3A_424 : memref<100xi32, #tpu.memory_space<vmem>>) semaphore(%arg13 : memref<!tpu.dma_semaphore, #tpu.memory_space<semaphore_mem>>)
        %dma_wait3A_428 = arith.constant 9 : i32
        %dma_wait3A_429 = arith.constant 0 : i32
        %dma_wait3A_430 = tpu.memref_slice %arg8[%rem3A_126, %dma_wait3A_428, %dma_wait3A_429] : memref<2x10x100xi32, #tpu.memory_space<vmem>> -> memref<1x1x100xi32, #tpu.memory_space<vmem>>
        %dma_wait3A_431 = tpu.memref_squeeze %dma_wait3A_430 : memref<1x1x100xi32, #tpu.memory_space<vmem>> -> memref<100xi32, #tpu.memory_space<vmem>>
        %dma_wait3A_432 = arith.constant 0 : i32
        %dma_wait3A_433 = arith.constant 0 : i32
        %dma_wait3A_434 = tpu.memref_slice %arg17[%dma_wait3A_432, %dma_wait3A_433] : memref<10112x128xf32, #tpu.memory_space<vmem_shared>> -> memref<10112x128xf32, #tpu.memory_space<vmem_shared>>
        tpu.wait_indirect_dma semaphore(%arg16 : memref<!tpu.dma_semaphore, #tpu.memory_space<semaphore_mem>>) src(%arg10 : memref<100x128xf32, #tpu.memory_space<vmem>>) dst(%dma_wait3A_434 : memref<10112x128xf32, #tpu.memory_space<vmem_shared>>)
        %dma_start3A_435 = arith.constant 1 : i32
        %dma_start3A_436 = arith.constant 0 : i32
        %dma_start3A_437 = tpu.memref_slice %arg7[%sub3A_127, %dma_start3A_435, %dma_start3A_436] : memref<2x10x100xi32, #tpu.memory_space<vmem>> -> memref<1x1x100xi32, #tpu.memory_space<vmem>>
        %dma_start3A_438 = tpu.memref_squeeze %dma_start3A_437 : memref<1x1x100xi32, #tpu.memory_space<vmem>> -> memref<100xi32, #tpu.memory_space<vmem>>
        %dma_start3A_439 = arith.constant 0 : i32
        %dma_start3A_440 = arith.constant 0 : i32
        %dma_start3A_441 = tpu.memref_slice %arg4[%dma_start3A_439, %dma_start3A_440] : memref<20000x128xf32, #tpu.memory_space<hbm>> -> memref<20000x128xf32, #tpu.memory_space<hbm>>
        tpu.enqueue_indirect_dma source(%dma_start3A_441 : memref<20000x128xf32, #tpu.memory_space<hbm>>) target(%arg10 : memref<100x128xf32, #tpu.memory_space<vmem>>) offsets(%dma_start3A_438 : memref<100xi32, #tpu.memory_space<vmem>>) semaphore(%arg14 : memref<!tpu.dma_semaphore, #tpu.memory_space<semaphore_mem>>)
      } else {
      }
    }
    %scan3A_103 = arith.constant 10 : i32
    %dma_wait3A_104 = arith.constant 0 : i32
    %dma_wait3A_105 = arith.constant 0 : i32
    %dma_wait3A_106 = arith.constant 0 : i32
    %dma_wait3A_107 = tpu.memref_slice %arg8[%dma_wait3A_104, %dma_wait3A_105, %dma_wait3A_106] : memref<2x10x100xi32, #tpu.memory_space<vmem>> -> memref<1x1x100xi32, #tpu.memory_space<vmem>>
    %dma_wait3A_108 = tpu.memref_squeeze %dma_wait3A_107 : memref<1x1x100xi32, #tpu.memory_space<vmem>> -> memref<100xi32, #tpu.memory_space<vmem>>
    %dma_wait3A_109 = arith.constant 0 : i32
    %dma_wait3A_110 = arith.constant 0 : i32
    %dma_wait3A_111 = tpu.memref_slice %arg17[%dma_wait3A_109, %dma_wait3A_110] : memref<10112x128xf32, #tpu.memory_space<vmem_shared>> -> memref<10112x128xf32, #tpu.memory_space<vmem_shared>>
    tpu.wait_indirect_dma semaphore(%arg15 : memref<!tpu.dma_semaphore, #tpu.memory_space<semaphore_mem>>) src(%arg9 : memref<100x128xf32, #tpu.memory_space<vmem>>) dst(%dma_wait3A_111 : memref<10112x128xf32, #tpu.memory_space<vmem_shared>>)
    %dma_wait3A_112 = arith.constant 0 : i32
    %dma_wait3A_113 = arith.constant 1 : i32
    %dma_wait3A_114 = arith.constant 0 : i32
    %dma_wait3A_115 = tpu.memref_slice %arg8[%dma_wait3A_112, %dma_wait3A_113, %dma_wait3A_114] : memref<2x10x100xi32, #tpu.memory_space<vmem>> -> memref<1x1x100xi32, #tpu.memory_space<vmem>>
    %dma_wait3A_116 = tpu.memref_squeeze %dma_wait3A_115 : memref<1x1x100xi32, #tpu.memory_space<vmem>> -> memref<100xi32, #tpu.memory_space<vmem>>
    %dma_wait3A_117 = arith.constant 0 : i32
    %dma_wait3A_118 = arith.constant 0 : i32
    %dma_wait3A_119 = tpu.memref_slice %arg17[%dma_wait3A_117, %dma_wait3A_118] : memref<10112x128xf32, #tpu.memory_space<vmem_shared>> -> memref<10112x128xf32, #tpu.memory_space<vmem_shared>>
    tpu.wait_indirect_dma semaphore(%arg16 : memref<!tpu.dma_semaphore, #tpu.memory_space<semaphore_mem>>) src(%arg10 : memref<100x128xf32, #tpu.memory_space<vmem>>) dst(%dma_wait3A_119 : memref<10112x128xf32, #tpu.memory_space<vmem_shared>>)
    %barrier3A_120 = arith.constant 0 : index
    tpu.barrier barrier_id(%barrier3A_120)
    %mul3A_121 = arith.constant 632 : i32
    %mul3A_122 = arith.muli %arg1, %mul3A_121 : i32
    %mul3A_123 = arith.constant 632 : i32
    %mul3A_124 = arith.muli %arg1, %mul3A_123 : i32
    "tpu.region"() ({
      %run_scoped3A = tpu.sem_alloc : memref<!tpu.dma_semaphore, #tpu.memory_space<semaphore_mem>>
      %dma_start3A_125 = arith.constant 0 : i32
      %dma_start3A_126 = tpu.memref_slice %arg6[%arg0, %mul3A_124, %dma_start3A_125] : memref<2x10112x128xf32, #tpu.memory_space<hbm>> -> memref<1x632x128xf32, #tpu.memory_space<hbm>>
      %dma_start3A_127 = tpu.memref_squeeze %dma_start3A_126 : memref<1x632x128xf32, #tpu.memory_space<hbm>> -> memref<632x128xf32, #tpu.memory_space<hbm>>
      %dma_start3A_128 = arith.constant 0 : i32
      %dma_start3A_129 = tpu.memref_slice %arg17[%mul3A_122, %dma_start3A_128] : memref<10112x128xf32, #tpu.memory_space<vmem_shared>> -> memref<632x128xf32, #tpu.memory_space<vmem_shared>>
      tpu.enqueue_dma source(%dma_start3A_129 : memref<632x128xf32, #tpu.memory_space<vmem_shared>>) target(%dma_start3A_127 : memref<632x128xf32, #tpu.memory_space<hbm>>) target_semaphore(%run_scoped3A : memref<!tpu.dma_semaphore, #tpu.memory_space<semaphore_mem>>)
      %dma_wait3A_130 = arith.constant 0 : i32
      %dma_wait3A_131 = tpu.memref_slice %arg6[%arg0, %mul3A_124, %dma_wait3A_130] : memref<2x10112x128xf32, #tpu.memory_space<hbm>> -> memref<1x632x128xf32, #tpu.memory_space<hbm>>
      %dma_wait3A_132 = tpu.memref_squeeze %dma_wait3A_131 : memref<1x632x128xf32, #tpu.memory_space<hbm>> -> memref<632x128xf32, #tpu.memory_space<hbm>>
      %dma_wait3A_133 = arith.constant 0 : i32
      %dma_wait3A_134 = tpu.memref_slice %arg17[%mul3A_122, %dma_wait3A_133] : memref<10112x128xf32, #tpu.memory_space<vmem_shared>> -> memref<632x128xf32, #tpu.memory_space<vmem_shared>>
      tpu.wait_dma2 semaphore(%run_scoped3A : memref<!tpu.dma_semaphore, #tpu.memory_space<semaphore_mem>>) src(%dma_wait3A_134 : memref<632x128xf32, #tpu.memory_space<vmem_shared>>) dst(%dma_wait3A_132 : memref<632x128xf32, #tpu.memory_space<hbm>>)
      tpu.yield
    }) : () -> ()
    return
  }
}

module attributes {stable_mosaic.version = 14 : i64} {
  func.func @_prep_body(%arg0: i32, %arg1: memref<2x400x128xf32, #tpu.memory_space<vmem>>, %arg2: memref<400x256xf32, #tpu.memory_space<vmem>>, %arg3: memref<400x128xf32, #tpu.memory_space<vmem>>, %arg4: memref<2x400x128xf32, #tpu.memory_space<vmem>>) attributes {dimension_semantics = [#tpu.dimension_semantics<arbitrary>], iteration_bounds = array<i64: 25>, scalar_prefetch = 0 : i64, scratch_operands = 0 : i64, tpu.core_type = #tpu.core_type<tc>, window_params = [{transform_indices = @transform_0, window_bounds = array<i64: 2, 400, 128>}, {transform_indices = @transform_1, window_bounds = array<i64: 400, 256>}, {transform_indices = @transform_2, window_bounds = array<i64: 400, 128>}, {transform_indices = @transform_3, window_bounds = array<i64: 2, 400, 128>}]} {
    %get3A = arith.constant 0 : index
    %get3A_0 = arith.constant 0 : index
    %get3A_1 = arith.constant 0 : index
    %get3A_2 = vector.load %arg1[%get3A, %get3A_0, %get3A_1] : memref<2x400x128xf32, #tpu.memory_space<vmem>>, vector<1x400x1xf32>
    %get3A_3 = vector.shape_cast %get3A_2 : vector<1x400x1xf32> to vector<400x1xf32>
    %get3A_4 = arith.constant 1 : index
    %get3A_5 = arith.constant 0 : index
    %get3A_6 = arith.constant 0 : index
    %get3A_7 = vector.load %arg1[%get3A_4, %get3A_5, %get3A_6] : memref<2x400x128xf32, #tpu.memory_space<vmem>>, vector<1x400x1xf32>
    %get3A_8 = vector.shape_cast %get3A_7 : vector<1x400x1xf32> to vector<400x1xf32>
    %add3A = arith.addf %get3A_3, %get3A_8 : vector<400x1xf32>
    %gt3A = arith.constant 0.000000e+00 : f32
    %gt3A_9 = vector.broadcast %gt3A : f32 to vector<400x1xf32>
    %gt3A_10 = arith.cmpf ogt, %add3A, %gt3A_9 : vector<400x1xf32>
    %rsqrt3A = math.rsqrt %add3A : vector<400x1xf32>
    %jit3A = arith.constant 0.000000e+00 : f32
    %broadcast_in_dim3A = vector.broadcast %jit3A : f32 to vector<400x1xf32>
    %select_n3A = arith.select %gt3A_10, %rsqrt3A, %broadcast_in_dim3A : vector<400x1xi1>, vector<400x1xf32>
    %broadcast_in_dim3A_11 = vector.shape_cast %select_n3A : vector<400x1xf32> to vector<400x1xf32>
    %broadcast_in_dim3A_12 = vector.broadcast %broadcast_in_dim3A_11 : vector<400x1xf32> to vector<400x128xf32>
    %swap3A = arith.constant 0 : index
    %swap3A_13 = arith.constant 0 : index
    %swap3A_14 = vector.load %arg3[%swap3A, %swap3A_13] : memref<400x128xf32, #tpu.memory_space<vmem>>, vector<400x128xf32>
    tpu.vector_store %arg3[%swap3A, %swap3A_13], %broadcast_in_dim3A_12 {strides = array<i32>} : memref<400x128xf32, #tpu.memory_space<vmem>>, vector<400x128xf32>,
    %get3A_15 = arith.constant 0 : index
    %get3A_16 = arith.constant 0 : index
    %get3A_17 = vector.load %arg2[%get3A_15, %get3A_16] : memref<400x256xf32, #tpu.memory_space<vmem>>, vector<400x256xf32>
    %mul3A = vector.broadcast %select_n3A : vector<400x1xf32> to vector<400x256xf32>
    %mul3A_18 = arith.mulf %mul3A, %get3A_17 : vector<400x256xf32>
    %slice3A = vector.extract_strided_slice %mul3A_18 {offsets = [0, 0], sizes = [400, 128], strides = [1, 1]} : vector<400x256xf32> to vector<400x128xf32>
    %swap3A_19 = arith.constant 0 : index
    %swap3A_20 = arith.constant 0 : index
    %swap3A_21 = arith.constant 0 : index
    %swap3A_22 = vector.load %arg4[%swap3A_19, %swap3A_20, %swap3A_21] : memref<2x400x128xf32, #tpu.memory_space<vmem>>, vector<1x400x128xf32>
    %swap3A_23 = vector.shape_cast %swap3A_22 : vector<1x400x128xf32> to vector<400x128xf32>
    %swap3A_24 = vector.shape_cast %slice3A : vector<400x128xf32> to vector<1x400x128xf32>
    tpu.vector_store %arg4[%swap3A_19, %swap3A_20, %swap3A_21], %swap3A_24 {strides = array<i32>} : memref<2x400x128xf32, #tpu.memory_space<vmem>>, vector<1x400x128xf32>,
    %slice3A_25 = vector.extract_strided_slice %mul3A_18 {offsets = [0, 128], sizes = [400, 128], strides = [1, 1]} : vector<400x256xf32> to vector<400x128xf32>
    %swap3A_26 = arith.constant 1 : index
    %swap3A_27 = arith.constant 0 : index
    %swap3A_28 = arith.constant 0 : index
    %swap3A_29 = vector.load %arg4[%swap3A_26, %swap3A_27, %swap3A_28] : memref<2x400x128xf32, #tpu.memory_space<vmem>>, vector<1x400x128xf32>
    %swap3A_30 = vector.shape_cast %swap3A_29 : vector<1x400x128xf32> to vector<400x128xf32>
    %swap3A_31 = vector.shape_cast %slice3A_25 : vector<400x128xf32> to vector<1x400x128xf32>
    tpu.vector_store %arg4[%swap3A_26, %swap3A_27, %swap3A_28], %swap3A_31 {strides = array<i32>} : memref<2x400x128xf32, #tpu.memory_space<vmem>>, vector<1x400x128xf32>,
    return
  }
  func.func @transform_0(%arg0: i32) -> (i32, i32, i32) {
    %c0_i32 = arith.constant 0 : i32
    %c0_i32_0 = arith.constant 0 : i32
    %c0_i32_1 = arith.constant 0 : i32
    return %c0_i32, %arg0, %c0_i32_0 : i32, i32, i32
  }
  func.func @transform_1(%arg0: i32) -> (i32, i32) {
    %c0_i32 = arith.constant 0 : i32
    %c0_i32_0 = arith.constant 0 : i32
    return %arg0, %c0_i32 : i32, i32
  }
  func.func @transform_2(%arg0: i32) -> (i32, i32) {
    %c0_i32 = arith.constant 0 : i32
    %c0_i32_0 = arith.constant 0 : i32
    return %arg0, %c0_i32 : i32, i32
  }
  func.func @transform_3(%arg0: i32) -> (i32, i32, i32) {
    %c0_i32 = arith.constant 0 : i32
    %c0_i32_0 = arith.constant 0 : i32
    %c0_i32_1 = arith.constant 0 : i32
    return %c0_i32, %arg0, %c0_i32_0 : i32, i32, i32
  }
}

module attributes {stable_mosaic.version = 14 : i64} {
  func.func @_layer_body(%arg0: i32, %arg1: memref<400x256xf32, #tpu.memory_space<vmem>>, %arg2: memref<2x400x128xf32, #tpu.memory_space<vmem>>, %arg3: memref<400x128xf32, #tpu.memory_space<vmem>>, %arg4: memref<2x400x128xf32, #tpu.memory_space<vmem>>, %arg5: memref<256x256xf32, #tpu.memory_space<vmem>>, %arg6: memref<256x256xf32, #tpu.memory_space<vmem>>, %arg7: memref<1x256xf32, #tpu.memory_space<vmem>>, %arg8: memref<1x256xf32, #tpu.memory_space<vmem>>, %arg9: memref<400x256xf32, #tpu.memory_space<vmem>>, %arg10: memref<2x400x128xf32, #tpu.memory_space<vmem>>) attributes {dimension_semantics = [#tpu.dimension_semantics<arbitrary>], iteration_bounds = array<i64: 25>, scalar_prefetch = 0 : i64, scratch_operands = 0 : i64, tpu.core_type = #tpu.core_type<tc>, window_params = [{transform_indices = @transform_0, window_bounds = array<i64: 400, 256>}, {transform_indices = @transform_1, window_bounds = array<i64: 2, 400, 128>}, {transform_indices = @transform_2, window_bounds = array<i64: 400, 128>}, {transform_indices = @transform_3, window_bounds = array<i64: 2, 400, 128>}, {pipeline_mode = #tpu.pipeline_mode<synchronous>, transform_indices = @transform_4, window_bounds = array<i64: 256, 256>}, {pipeline_mode = #tpu.pipeline_mode<synchronous>, transform_indices = @transform_5, window_bounds = array<i64: 256, 256>}, {pipeline_mode = #tpu.pipeline_mode<synchronous>, transform_indices = @transform_6, window_bounds = array<i64: 1, 256>}, {pipeline_mode = #tpu.pipeline_mode<synchronous>, transform_indices = @transform_7, window_bounds = array<i64: 1, 256>}, {transform_indices = @transform_8, window_bounds = array<i64: 400, 256>}, {transform_indices = @transform_9, window_bounds = array<i64: 2, 400, 128>}]} {
    %get3A = arith.constant 0 : index
    %get3A_0 = arith.constant 0 : index
    %get3A_1 = vector.load %arg3[%get3A, %get3A_0] : memref<400x128xf32, #tpu.memory_space<vmem>>, vector<400x1xf32>
    %get3A_2 = arith.constant 0 : index
    %get3A_3 = arith.constant 0 : index
    %get3A_4 = arith.constant 0 : index
    %get3A_5 = vector.load %arg4[%get3A_2, %get3A_3, %get3A_4] : memref<2x400x128xf32, #tpu.memory_space<vmem>>, vector<1x400x1xf32>
    %get3A_6 = vector.shape_cast %get3A_5 : vector<1x400x1xf32> to vector<400x1xf32>
    %get3A_7 = arith.constant 1 : index
    %get3A_8 = arith.constant 0 : index
    %get3A_9 = arith.constant 0 : index
    %get3A_10 = vector.load %arg4[%get3A_7, %get3A_8, %get3A_9] : memref<2x400x128xf32, #tpu.memory_space<vmem>>, vector<1x400x1xf32>
    %get3A_11 = vector.shape_cast %get3A_10 : vector<1x400x1xf32> to vector<400x1xf32>
    %add3A = arith.addf %get3A_6, %get3A_11 : vector<400x1xf32>
    %mul3A = arith.mulf %get3A_1, %add3A : vector<400x1xf32>
    %get3A_12 = arith.constant 0 : index
    %get3A_13 = arith.constant 0 : index
    %get3A_14 = arith.constant 0 : index
    %get3A_15 = vector.load %arg2[%get3A_12, %get3A_13, %get3A_14] : memref<2x400x128xf32, #tpu.memory_space<vmem>>, vector<1x400x128xf32>
    %get3A_16 = vector.shape_cast %get3A_15 : vector<1x400x128xf32> to vector<400x128xf32>
    %get3A_17 = arith.constant 1 : index
    %get3A_18 = arith.constant 0 : index
    %get3A_19 = arith.constant 0 : index
    %get3A_20 = vector.load %arg2[%get3A_17, %get3A_18, %get3A_19] : memref<2x400x128xf32, #tpu.memory_space<vmem>>, vector<1x400x128xf32>
    %get3A_21 = vector.shape_cast %get3A_20 : vector<1x400x128xf32> to vector<400x128xf32>
    %concatenate3A = tpu.concatenate %get3A_16, %get3A_21 in 1 : vector<400x128xf32>, vector<400x128xf32> -> vector<400x256xf32>
    %get3A_22 = arith.constant 0 : index
    %get3A_23 = arith.constant 0 : index
    %get3A_24 = vector.load %arg1[%get3A_22, %get3A_23] : memref<400x256xf32, #tpu.memory_space<vmem>>, vector<400x256xf32>
    %mul3A_25 = vector.broadcast %get3A_1 : vector<400x1xf32> to vector<400x256xf32>
    %mul3A_26 = arith.mulf %mul3A_25, %concatenate3A : vector<400x256xf32>
    %add3A_27 = arith.addf %mul3A_26, %get3A_24 : vector<400x256xf32>
    %mul3A_28 = arith.mulf %get3A_24, %mul3A_26 : vector<400x256xf32>
    %get3A_29 = arith.constant 0 : index
    %get3A_30 = arith.constant 0 : index
    %get3A_31 = vector.load %arg5[%get3A_29, %get3A_30] : memref<256x256xf32, #tpu.memory_space<vmem>>, vector<256x256xf32>
    %dot_general3A = arith.constant dense<0.000000e+00> : vector<400x256xf32>
    %dot_general3A_32 = tpu.matmul %add3A_27, %get3A_31, %dot_general3A {dimension_numbers = #tpu.dot_dimension_numbers<[1], [0], [0], [1], [0, 0, 1, 1], [], []>, transpose_lhs_hint = false} : vector<400x256xf32>, vector<256x256xf32>, vector<400x256xf32> -> vector<400x256xf32>
    %get3A_33 = arith.constant 0 : index
    %get3A_34 = arith.constant 0 : index
    %get3A_35 = vector.load %arg6[%get3A_33, %get3A_34] : memref<256x256xf32, #tpu.memory_space<vmem>>, vector<256x256xf32>
    %dot_general3A_36 = arith.constant dense<0.000000e+00> : vector<400x256xf32>
    %dot_general3A_37 = tpu.matmul %mul3A_28, %get3A_35, %dot_general3A_36 {dimension_numbers = #tpu.dot_dimension_numbers<[1], [0], [0], [1], [0, 0, 1, 1], [], []>, transpose_lhs_hint = false} : vector<400x256xf32>, vector<256x256xf32>, vector<400x256xf32> -> vector<400x256xf32>
    %add3A_38 = arith.addf %dot_general3A_32, %dot_general3A_37 : vector<400x256xf32>
    %get3A_39 = arith.constant 0 : index
    %get3A_40 = arith.constant 0 : index
    %get3A_41 = vector.load %arg7[%get3A_39, %get3A_40] : memref<1x256xf32, #tpu.memory_space<vmem>>, vector<1x256xf32>
    %get3A_42 = arith.constant 0 : index
    %get3A_43 = arith.constant 0 : index
    %get3A_44 = vector.load %arg8[%get3A_42, %get3A_43] : memref<1x256xf32, #tpu.memory_space<vmem>>, vector<1x256xf32>
    %add3A_45 = arith.addf %get3A_41, %get3A_44 : vector<1x256xf32>
    %mul3A_46 = vector.broadcast %mul3A : vector<400x1xf32> to vector<400x256xf32>
    %mul3A_47 = vector.broadcast %add3A_45 : vector<1x256xf32> to vector<400x256xf32>
    %mul3A_48 = arith.mulf %mul3A_46, %mul3A_47 : vector<400x256xf32>
    %add3A_49 = arith.addf %add3A_38, %mul3A_48 : vector<400x256xf32>
    %get3A_50 = arith.constant 0 : index
    %get3A_51 = arith.constant 0 : index
    %get3A_52 = vector.load %arg7[%get3A_50, %get3A_51] : memref<1x256xf32, #tpu.memory_space<vmem>>, vector<1x256xf32>
    %add3A_53 = vector.broadcast %get3A_52 : vector<1x256xf32> to vector<400x256xf32>
    %add3A_54 = arith.addf %add3A_49, %add3A_53 : vector<400x256xf32>
    %ge3A = arith.constant 0.000000e+00 : f32
    %ge3A_55 = vector.broadcast %ge3A : f32 to vector<400x256xf32>
    %ge3A_56 = arith.cmpf oge, %add3A_54, %ge3A_55 : vector<400x256xf32>
    %mul3A_57 = arith.constant 0.00999999977 : f32
    %mul3A_58 = vector.broadcast %mul3A_57 : f32 to vector<400x256xf32>
    %mul3A_59 = arith.mulf %mul3A_58, %add3A_54 : vector<400x256xf32>
    %select_n3A = arith.select %ge3A_56, %add3A_54, %mul3A_59 : vector<400x256xi1>, vector<400x256xf32>
    %swap3A = arith.constant 0 : index
    %swap3A_60 = arith.constant 0 : index
    %swap3A_61 = vector.load %arg9[%swap3A, %swap3A_60] : memref<400x256xf32, #tpu.memory_space<vmem>>, vector<400x256xf32>
    tpu.vector_store %arg9[%swap3A, %swap3A_60], %select_n3A {strides = array<i32>} : memref<400x256xf32, #tpu.memory_space<vmem>>, vector<400x256xf32>,
    %mul3A_62 = vector.broadcast %get3A_1 : vector<400x1xf32> to vector<400x256xf32>
    %mul3A_63 = arith.mulf %mul3A_62, %select_n3A : vector<400x256xf32>
    %slice3A = vector.extract_strided_slice %mul3A_63 {offsets = [0, 0], sizes = [400, 128], strides = [1, 1]} : vector<400x256xf32> to vector<400x128xf32>
    %swap3A_64 = arith.constant 0 : index
    %swap3A_65 = arith.constant 0 : index
    %swap3A_66 = arith.constant 0 : index
    %swap3A_67 = vector.load %arg10[%swap3A_64, %swap3A_65, %swap3A_66] : memref<2x400x128xf32, #tpu.memory_space<vmem>>, vector<1x400x128xf32>
    %swap3A_68 = vector.shape_cast %swap3A_67 : vector<1x400x128xf32> to vector<400x128xf32>
    %swap3A_69 = vector.shape_cast %slice3A : vector<400x128xf32> to vector<1x400x128xf32>
    tpu.vector_store %arg10[%swap3A_64, %swap3A_65, %swap3A_66], %swap3A_69 {strides = array<i32>} : memref<2x400x128xf32, #tpu.memory_space<vmem>>, vector<1x400x128xf32>,
    %slice3A_70 = vector.extract_strided_slice %mul3A_63 {offsets = [0, 128], sizes = [400, 128], strides = [1, 1]} : vector<400x256xf32> to vector<400x128xf32>
    %swap3A_71 = arith.constant 1 : index
    %swap3A_72 = arith.constant 0 : index
    %swap3A_73 = arith.constant 0 : index
    %swap3A_74 = vector.load %arg10[%swap3A_71, %swap3A_72, %swap3A_73] : memref<2x400x128xf32, #tpu.memory_space<vmem>>, vector<1x400x128xf32>
    %swap3A_75 = vector.shape_cast %swap3A_74 : vector<1x400x128xf32> to vector<400x128xf32>
    %swap3A_76 = vector.shape_cast %slice3A_70 : vector<400x128xf32> to vector<1x400x128xf32>
    tpu.vector_store %arg10[%swap3A_71, %swap3A_72, %swap3A_73], %swap3A_76 {strides = array<i32>} : memref<2x400x128xf32, #tpu.memory_space<vmem>>, vector<1x400x128xf32>,
    return
  }
  func.func @transform_0(%arg0: i32) -> (i32, i32) {
    %c0_i32 = arith.constant 0 : i32
    %c0_i32_0 = arith.constant 0 : i32
    return %arg0, %c0_i32 : i32, i32
  }
  func.func @transform_1(%arg0: i32) -> (i32, i32, i32) {
    %c0_i32 = arith.constant 0 : i32
    %c0_i32_0 = arith.constant 0 : i32
    %c0_i32_1 = arith.constant 0 : i32
    return %c0_i32, %arg0, %c0_i32_0 : i32, i32, i32
  }
  func.func @transform_2(%arg0: i32) -> (i32, i32) {
    %c0_i32 = arith.constant 0 : i32
    %c0_i32_0 = arith.constant 0 : i32
    return %arg0, %c0_i32 : i32, i32
  }
  func.func @transform_3(%arg0: i32) -> (i32, i32, i32) {
    %c0_i32 = arith.constant 0 : i32
    %c0_i32_0 = arith.constant 0 : i32
    %c0_i32_1 = arith.constant 0 : i32
    return %c0_i32, %arg0, %c0_i32_0 : i32, i32, i32
  }
  func.func @transform_4(%arg0: i32) -> (i32, i32) {
    %c0_i32 = arith.constant 0 : i32
    %c0_i32_0 = arith.constant 0 : i32
    %c0_i32_1 = arith.constant 0 : i32
    return %c0_i32, %c0_i32_0 : i32, i32
  }
  func.func @transform_5(%arg0: i32) -> (i32, i32) {
    %c0_i32 = arith.constant 0 : i32
    %c0_i32_0 = arith.constant 0 : i32
    %c0_i32_1 = arith.constant 0 : i32
    return %c0_i32, %c0_i32_0 : i32, i32
  }
  func.func @transform_6(%arg0: i32) -> (i32, i32) {
    %c0_i32 = arith.constant 0 : i32
    %c0_i32_0 = arith.constant 0 : i32
    %c0_i32_1 = arith.constant 0 : i32
    return %c0_i32, %c0_i32_0 : i32, i32
  }
  func.func @transform_7(%arg0: i32) -> (i32, i32) {
    %c0_i32 = arith.constant 0 : i32
    %c0_i32_0 = arith.constant 0 : i32
    %c0_i32_1 = arith.constant 0 : i32
    return %c0_i32, %c0_i32_0 : i32, i32
  }
  func.func @transform_8(%arg0: i32) -> (i32, i32) {
    %c0_i32 = arith.constant 0 : i32
    %c0_i32_0 = arith.constant 0 : i32
    return %arg0, %c0_i32 : i32, i32
  }
  func.func @transform_9(%arg0: i32) -> (i32, i32, i32) {
    %c0_i32 = arith.constant 0 : i32
    %c0_i32_0 = arith.constant 0 : i32
    %c0_i32_1 = arith.constant 0 : i32
    return %c0_i32, %arg0, %c0_i32_0 : i32, i32, i32
  }
}

</mosaic_0001>

<sc_bundles>
// kernel: kernel.11.cloned.1.call-start
scs
__scs_entry_jumppad:
0x0: {  	(pc) =	sbr.rel $0x88, $3  }
0x1: {  	(tag) =	ssettag $0x0;
	lr =	simm.s32 $0x1  }
0x2: {  	[smem:$0x3F9B] =	sst lr;
	_ =	strace $0xD0000000  }
0x3: {  	_ = 	snop  }
0x4: {  	_ = 	snop  }
0x5: {  	_ = 	snop  }
0x6: {  	_ = 	snop  }
0x7: {  	_ = 	snop  }
__scs_overlays_trampoline_lowered:
0x8: {  	[smem:$0x3FAA] =	sst s0  }
0x9: {  	[smem:$0x3FAB] =	sst s1  }
0xa: {  	[smem:$0x3FAC] =	sst s2  }
0xb: {  	[smem:$0x3FAD] =	sst s3  }
0xc: {  	[smem:$0x3FAE] =	sst s4  }
0xd: {  	[smem:$0x3FAF] =	sst s5  }
0xe: {  	[smem:$0x3FB0] =	sst s6  }
0xf: {  	[smem:$0x3FB1] =	sst s7  }
0x10: {  	[smem:$0x3FB2] =	sst s8  }
0x11: {  	[smem:$0x3FB3] =	sst s9;
	s0 =	simm.s32 @!p0 $0x0  }
0x12: {  	s1 =	sld [smem:$0x3F99];
	s0 =	simm.s32 @p0 $0x1  }
0x13: {  	[smem:$0x3FB4] =	sst s0;
	s0 =	simm.s32 @!p1 $0x0  }
0x14: {  	s2 =	sld [smem:$0x3F98];
	s0 =	simm.s32 @p1 $0x1  }
0x15: {  	[smem:$0x3FB5] =	sst s0;
	s0 =	simm.s32 @!p2 $0x0  }
0x16: {  	s3 =	sld [smem:$0x3FDB];
	s0 =	simm.s32 @p2 $0x1  }
0x17: {  	s4 =	simm.s32 $0x1BF5;
	[smem:$0x3FB7] =	sst s0  }
0x18: {  	s0 =	sld [smem:$0x3F9A];
	_ =	swait.ge [sflag:s4], $0x0  }
0x19: {  	s7 =	sld [smem:$0x3F9B]  }
0x1a: {  	s8 =	sadd.s32 $0xFFFFE003, lr  }
0x1b: {  	s9 =	sadd.s32 $0xFFFFFEF7, lr;
	s5 =	simm.s32 $0xFFFFFFFF;
	p2 =	slt.u32 s8, $0xFFFFF086  }
0x1c: {  	p1 =	slt.u32 s9, $0xF7A;
	s5 =	simm.s32 @!p2 $0x0  }
0x1d: {  	s5 =	simm.s32 @p1 $0x1;
	p0 =	seq.s32 s7, s2  }
0x1e: {  	s7 =	smul.u32 @!p0 $0xF7A, s2;
	p2 =	seq.s32 @!p0 s5, $0x0  }
0x1f: {  	s9 =	smul.u32 $0xF7A, s1;
	s8 =	simm.s32 @!p0 $0x1BF5;
	p2 =	por !p2, p0  }
0x20: {  	[sflag:s8] =	ssyncset.s32 @!p0 $0xFFFFF086;
	s6 =	sadd.s32 @!p0 s3, s7;
	s7 =	simm.s32 @!p0 $0x108  }
0x21: {  	s3 =	sadd.s32 s3, s9;
	s6 =	sadd.s32 @!p0 $0x88, s6;
	s7 =	simm.s32 @p2 $0x1082  }
0x22: {  	[simem:s7], [sflag:s8] =	dma.local @!p0 [hbm:s6], $0xF7A  }
0x23: {  	s9 =	sor.u32 $0xD0000000, s2;
	s6 =	simm.s32 $0x108;
	_ =	swait.ge @!p0 [sflag:s8], $0x0  }
0x24: {  	s3 =	sadd.s32 $0x88, s3;
	s6 =	simm.s32 @!p1 $0x1082;
	[sflag:s4] =	ssyncset.s32 $0xFFFFF086  }
0x25: {  	[simem:s6], [sflag:s4] =	dma.local [hbm:s3], $0xF7A  }
0x26: {  	[smem:$0x3F9B] =	sst s1;
	(tag) =	ssettag s2;
	_ =	strace s9  }
0x27: {  	s1 =	sld [smem:$0x3FAB]  }
0x28: {  	s2 =	sld [smem:$0x3FAC]  }
0x29: {  	s4 =	sld [smem:$0x3FAE]  }
0x2a: {  	p0 =	seq.s32 s5, $0x0;
	s5 =	sld [smem:$0x3FAF]  }
0x2b: {  	s6 =	sld [smem:$0x3FB0]  }
0x2c: {  	s7 =	sld [smem:$0x3FB1]  }
0x2d: {  	s3 =	simm.s32 $0x108;
	s8 =	sld [smem:$0x3FB2]  }
0x2e: {  	s3 =	simm.s32 @!p0 $0x1082;
	s9 =	sld [smem:$0x3FB3]  }
0x2f: {  	lr =	sadd.s32 s0, s3;
	s0 =	sld [smem:$0x3FAA]  }
0x30: {  	s3 =	sld [smem:$0x3FAD]  }
0x31: {  	[smem:$0x3FB6] =	sst s10  }
0x32: {  	s10 =	sld [smem:$0x3FB4];
	_ =	sdelay $0x3  }
0x33: {  	p0 =	seq.s32 s10, $0x1;
	s10 =	sld [smem:$0x3FB6];
	_ =	sdelay $0x3  }
0x34: {  	[smem:$0x3FB6] =	sst s10  }
0x35: {  	s10 =	sld [smem:$0x3FB5];
	_ =	sdelay $0x3  }
0x36: {  	p1 =	seq.s32 s10, $0x1;
	s10 =	sld [smem:$0x3FB6];
	_ =	sdelay $0x3  }
0x37: {  	[smem:$0x3FB6] =	sst s10  }
0x38: {  	s10 =	sld [smem:$0x3FB7]  }
0x39: {  	_ = 	snop;
	(pc) =	sbr.ind lr, $3  }
0x3a: {  	_ = 	snop  }
0x3b: {  	_ = 	snop  }
0x3c: {  	p2 =	seq.s32 s10, $0x1;
	s10 =	sld [smem:$0x3FB6]  }
0x3d: {  	_ =	shalt  }
0x3e: {  	_ =	shalt  }
0x3f: {  	_ =	shalt  }
0x40: {  	_ =	shalt  }
0x41: {  	_ =	shalt  }
0x42: {  	_ =	shalt  }
0x43: {  	_ =	shalt  }
0x44: {  	_ =	shalt  }
0x45: {  	_ =	shalt  }
0x46: {  	_ =	shalt  }
0x47: {  	_ =	shalt  }
0x48: {  	_ =	shalt  }
0x49: {  	_ =	shalt  }
0x4a: {  	_ =	shalt  }
0x4b: {  	_ =	shalt  }
0x4c: {  	_ =	shalt  }
0x4d: {  	_ =	shalt  }
0x4e: {  	_ =	shalt  }
0x4f: {  	_ =	shalt  }
0x50: {  	_ =	shalt  }
0x51: {  	_ =	shalt  }
0x52: {  	_ =	shalt  }
0x53: {  	_ =	shalt  }
0x54: {  	_ =	shalt  }
0x55: {  	_ =	shalt  }
0x56: {  	_ =	shalt  }
0x57: {  	_ =	shalt  }
0x58: {  	_ =	shalt  }
0x59: {  	_ =	shalt  }
0x5a: {  	_ =	shalt  }
0x5b: {  	_ =	shalt  }
0x5c: {  	_ =	shalt  }
0x5d: {  	_ =	shalt  }
0x5e: {  	_ =	shalt  }
0x5f: {  	_ =	shalt  }
0x60: {  	_ =	shalt  }
0x61: {  	_ =	shalt  }
0x62: {  	_ =	shalt  }
0x63: {  	_ =	shalt  }
0x64: {  	_ =	shalt  }
0x65: {  	_ =	shalt  }
0x66: {  	_ =	shalt  }
0x67: {  	_ =	shalt  }
0x68: {  	_ =	shalt  }
0x69: {  	_ =	shalt  }
0x6a: {  	_ =	shalt  }
0x6b: {  	_ =	shalt  }
0x6c: {  	_ =	shalt  }
0x6d: {  	_ =	shalt  }
0x6e: {  	_ =	shalt  }
0x6f: {  	_ =	shalt  }
0x70: {  	_ =	shalt  }
0x71: {  	_ =	shalt  }
0x72: {  	_ =	shalt  }
0x73: {  	_ =	shalt  }
0x74: {  	_ =	shalt  }
0x75: {  	_ =	shalt  }
0x76: {  	_ =	shalt  }
0x77: {  	_ =	shalt  }
0x78: {  	_ =	shalt  }
0x79: {  	_ =	shalt  }
0x7a: {  	_ =	shalt  }
0x7b: {  	_ =	shalt  }
0x7c: {  	_ =	shalt  }
0x7d: {  	_ =	shalt  }
0x7e: {  	_ =	shalt  }
0x7f: {  	_ =	shalt  }
0x80: {  	_ =	shalt  }
0x81: {  	_ =	shalt  }
0x82: {  	_ =	shalt  }
0x83: {  	_ =	shalt  }
0x84: {  	_ =	shalt  }
0x85: {  	_ =	shalt  }
0x86: {  	_ =	shalt  }
0x87: {  	_ =	shalt  }
.Lfunc_end0:
.L_simem_size_0:
called_computation_lowered:
.L_overlay_start_0:
0x88: {  	s2 =	sld [smem:$0x3FD9]  }
0x89: {  	s3 =	sld [smem:$0x3FFE];
	_ =	sdelay $0x1  }
0x8a: {  	s1 =	srdreg.scid  }
0x8b: {  	s0 =	sand.u32 $0x1, s1  }
0x8c: {  	s14 =	sshll.u32 s0, $0xA;
	s2 =	sadd.s32 s3, s2  }
0x8d: {  	s2 =	sadd.s32 s2, s14  }
0x8e: {  	[smem:$0x3FC2] =	sst s2  }
0x8f: {  	_ = 	snop  }
0x90: {  	s2 =	sld [smem:$0x3FD0];
	_ =	sdelay $0x2  }
0x91: {  	s15 =	simm.s32 $0xB;
	s4 =	simm.s32 $0x10  }
0x92: {  	[smem:s4], [sflag:s15] =	dma.local [hbm:s2], $0x1  }
0x93: {  	_ =	swait.eq [sflag:s15], $0x1  }
0x94: {  	[sflag:s15] =	ssyncset.done $0x0  }
0x95: {  	s16 =	sld [smem:$0x10];
	[sflag:s15] =	ssyncadd.s32 $0xFFFFFFFF  }
0x96: {  	s17 =	sld [smem:$0x11];
	(tm) =	ssettm $0x1  }
0x97: {  	s18 =	sld [smem:$0x3FFB];
	_ =	sdelay $0x3  }
0x98: {  	_ =	strace s18  }
0x99: {  	s4 =	sld [smem:$0x3FFC];
	_ =	sdelay $0x3  }
0x9a: {  	_ =	strace s4  }
0x9b: {  	s4 =	sld [smem:$0x3FFD];
	_ =	sdelay $0x3  }
0x9c: {  	_ =	strace s4  }
0x9d: {  	_ =	strace $0x8FFFFFFF  }
0x9e: {  	s19 =	sld [smem:$0x3FDB];
	_ =	sdelay $0x1  }
0x9f: {  	s5 =	simm.s32 $_scs_section_size  }
0xa0: {  	s6 =	simm.s32 $_size__tile_overlayer_lowered;
	s7 =	simm.s32 $_tile_overlayer_lowered  }
0xa1: {  	s22 =	simm.s32 $0x1BFF;
	s21 =	sshll.u32 s7, $0x1;
	s4 =	sadd.s32 s5, s19  }
0xa2: {  	s8 =	simm.s32 $0x0;
	s20 =	sshll.u32 s6, $0x1;
	s6 =	sadd.s32 s21, s4  }
0xa3: {  	[timem:s8], [sflag:s22] =	dma.local [hbm:s6], s20  }
0xa4: {  	_ =	swait.ge [sflag:s22], s20  }
0xa5: {  	s5 =	ssub.s32 $0x0, s20;
	[sflag:s22] =	ssyncset.done $0x0  }
0xa6: {  	[sflag:s22] =	ssyncadd.s32 s5;
	_ =	sdelay $0x1  }
0xa7: {  	s23 =	simm.s32 $0x1B8B  }
0xa8: {  	_ =	swait.ge [sflag:s23], $0x1  }
0xa9: {  	[sflag:s23] =	ssyncset.done $0x0  }
0xaa: {  	s25 =	simm.s32 $0x1B8E;
	s24 =	sld [smem:$0x3FFE];
	[sflag:s23] =	ssyncadd.s32 $0xFFFFFFFF  }
0xab: {  	s26 =	simm.s32 $execute0_lowered;
	[smem:$0x3FD2] =	sst s25  }
0xac: {  	s6 =	sshll.u32 s26, $0x1;
	_ =	strace $0x80000046;
	[dreg:$0x1] =	wrdreg $0xFFFFFFFF  }
0xad: {  	s28 =	simm.s32 $_size_execute0_lowered;
	s4 =	sadd.s32 s4, s6;
	[dreg:$0x0] =	wrdreg $0x0  }
0xae: {  	s6 =	sshll.u32 s28, $0x1;
	[dreg:$0x2] =	wrdreg s4  }
0xaf: {  	[dreg:$0x3] =	wrdreg s6  }
0xb0: {  	[dreg:$0x4] =	wrdreg $0xC0  }
0xb1: {  	_ =	task [dreg:s8], $0x5FFFF  }
0xb2: {  	[dreg:$0x1] =	wrdreg $0xFFFFFFFF  }
0xb3: {  	[dreg:$0x0] =	wrdreg $0x60  }
0xb4: {  	[dreg:$0x2] =	wrdreg s24  }
0xb5: {  	[dreg:$0x3] =	wrdreg s16  }
0xb6: {  	[dreg:$0x4] =	wrdreg s17  }
0xb7: {  	[dreg:$0x5] =	wrdreg $0x50000  }
0xb8: {  	[dreg:$0x6] =	wrdreg $0x9  }
0xb9: {  	_ =	task.clear_ibuf [dreg:s8], $0x7FFFF;
	_ =	strace $0x90000046  }
0xba: {  	s29 =	simm.s32 $0x9;
	_ =	strace $0x80000048  }
0xbb: {  	_ =	swait.ge [sflag:s29], $0x1  }
0xbc: {  	[sflag:s29] =	ssyncadd.s32 $0xFFFFFFFF  }
0xbd: {  	_ =	strace $0x90000048  }
0xbe: {  	_ =	sfence  }
0xbf: {  	s30 =	sld [smem:$0x0];
	_ =	sdelay $0x2  }
0xc0: {  	s31 =	sshll.u32 s1, $0xD;
	s1 =	sshrl.u32 s1, $0x2  }
0xc1: {  	s3 =	sand.u32 $0x4000, s31;
	s1 =	sadd.s32 s1, s30  }
0xc2: {  	s0 =	sor.u32 s3, s0;
	s1 =	sshll.u32 s1, $0x11  }
0xc3: {  	s0 =	sor.u32 s1, s0  }
0xc4: {  	s0 =	sadd.s32 $0x8F2B, s0  }
0xc5: {  	[sflag:s0] =	ssyncadd.remote.s32 $0x1  }
0xc6: {  	_ =	sfence.sel $0xFFFF  }
0xc7: {  	[dreg:$0x0] =	wrdreg $0xFFFFFFFF;
	(pc) =	sbr.abs _section_cstart, $3  }
0xc8: {  	[dreg:$0x1] =	wrdreg $0xFFFFFFFF  }
0xc9: {  	_ =	task.clear_ibuf [dreg:s8], $0x2FFFF;
	_ =	strace $0x9FFFFFFF  }
0xca: {  	(tm) =	ssettm $0x7FFFFFFF  }
0xcb: {  	_ =	shalt  }
tec
execute0_lowered:
.L_overlay_start_1:
0x0: {  	(tag) =	ssettag $0x1  }
0x1: {  	s5 =	rddreg [dreg:$0x0]  }
0x2: {  	s0 =	rddreg [dreg:$0x1]  }
0x3: {  	s7 =	rddreg [dreg:$0x2];
	s1 =	srdreg.scid  }
0x4: {  	s3 =	rddreg [dreg:$0x3];
	s2 =	stileid.u32;
	s4 =	simm.s32 $0x0  }
0x5: {  	s14 =	simm.s32 $0x80;
	s15 =	simm.s32 $0x1;
	s9 =	smul.u32 $0x1C00, s2  }
0x6: {  	s16 =	simm.s32 $0x2;
	s17 =	simm.s32 $0x0;
	s10 =	smul.u32 $0x4F000, s2  }
0x7: {  	s6 =	sand.u32 $0x1, s1;
	s1 =	rddreg [dreg:$0x4];
	s11 =	smul.u32 $0x13C00, s2  }
0x8: {  	[smem:$0x7FF] =	sst s4;
	s31 =	sshll.u32 s2, $0x6;
	s8 =	smul.u32 $0x1C000, s6  }
0x9: {  	_ =	strace $0x80000047;
	s29 =	smul.u32 $0x13C000, s6;
	s6 =	ssub.s32 $0x2, s6  }
0xa: {  	s12 =	sshrl.u32 s6, $0x1;
	s10 =	sshrl.u32 s10, $0x2;
	s8 =	sadd.s32 s9, s8  }
0xb: {  	s12 =	ssub.s32 s6, s12;
	s9 =	sadd.s32 s11, s29;
	s13 =	sadd.s32 s10, s3  }
0xc: {  	s10 =	simm.s32 $0x1C00;
	s11 =	sor.u32 $0x1C03, s31;
	s8 =	sshrl.u32 s8, $0x3  }
0xd: {  	s30 =	sshrl.u32 s9, $0x3;
	s9 =	simm.s32 $0x3;
	s8 =	sadd.s32 s8, s5  }
0xe: {  	s5 =	sadd.s32 $0xAE00, s5;
	s7 =	sadd.s32 s7, s30;
	s6 =	sadd.s32 $0x3E00, s8  }
0xf: {  	s8 =	smax.u32 s12, $0x1;
	s12 =	sshrl.u32 s13, $0x3;
	s13 =	simm.s32 $0x64  }
.LBB2_1:
0x10: {  	[tilespmem:s4], [sflag:$0x3] =	stream.linear.gather [hbm4b:s6+s4], $0x1900, $0x38;
	[tilespmem:$0x18C00] =	vst v63  }
0x11: {  	_ =	swait.ge [sflag:s9], $0x1900  }
0x12: {  	[sflag:s9] =	ssyncset.done $0x0  }
0x13: {  	[sflag:s9] =	ssyncadd.s32 $0xFFFFE700  }
0x14: {  	[tilespmem:s10], [sflag:$0x3] =	stream.linear.gather [hbm4b:s0+s4], $0x3200, $0x38;
	[tilespmem:$0x18C00] =	vst v63  }
0x15: {  	_ =	swait.ge [sflag:s9], $0x3200  }
0x16: {  	[sflag:s9] =	ssyncset.done $0x0  }
0x17: {  	[sflag:s9] =	ssyncadd.s32 $0xFFFFCE00  }
0x18: {  	[spmem:s12], [sflag:s11] =	dma.local [hbm:s5], $0x2780  }
0x19: {  	_ =	swait.ge [sflag:s9], $0x2780  }
0x1a: {  	[sflag:s9] =	ssyncset.done $0x0  }
0x1b: {  	[sflag:s9] =	ssyncadd.s32 $0xFFFFD880  }
0x1c: {  	[bflag:$0x0] =	sbarrier.arrive $0xFFFF  }
0x1d: {  	[spmem:s3] =	stream.indirect.scatter.add.f32 [tilespmem:s10], [sflag:$0x1], $0x80, s4, s13, $0xb8;
	[tilespmem:$0x18C00] =	vst v63  }
0x1e: {  	_ = 	snop  }
0x1f: {  	[spmem:s3] =	stream.indirect.scatter.add.f32 [tilespmem:s10], [sflag:$0x2], $0x80, s14, s13, $0xb8;
	[tilespmem:$0x18C00] =	vst v63  }
0x20: {  	_ =	swait.ge [sflag:s15], $0x3200  }
0x21: {  	[sflag:s15] =	ssyncset.done $0x0  }
0x22: {  	[sflag:s15] =	ssyncadd.s32 $0xFFFFCE00  }
0x23: {  	_ =	swait.ge [sflag:s16], $0x3200  }
0x24: {  	[sflag:s16] =	ssyncset.done $0x0  }
0x25: {  	s18 =	simm.s32 $0x100;
	[sflag:s16] =	ssyncadd.s32 $0xFFFFCE00  }
0x26: {  	[spmem:s3] =	stream.indirect.scatter.add.f32 [tilespmem:s10], [sflag:$0x1], $0x80, s18, s13, $0xb8;
	[tilespmem:$0x18C00] =	vst v63  }
0x27: {  	s19 =	simm.s32 $0x180;
	s18 =	simm.s32 $0xFFFFA400  }
.LBB2_2:
0x28: {  	[spmem:s3] =	stream.indirect.scatter.add.f32 [tilespmem:s10], [sflag:$0x2], $0x80, s19, s13, $0xb8;
	[tilespmem:$0x18C00] =	vst v63  }
0x29: {  	s19 =	smov.u32 s18  }
0x2a: {  	p0 =	sne.s32 s18, $0xFFFFFC00;
	s18 =	sadd.s32 $0x400, s18;
	_ =	swait.ge [sflag:s15], $0x3200  }
0x2b: {  	[sflag:s15] =	ssyncset.done $0x0  }
0x2c: {  	[sflag:s15] =	ssyncadd.s32 $0xFFFFCE00  }
.Ltmp0:
0x2d: {  	_ =	swait.ge [sflag:s16], $0x3200;
	(pc) =	sbr.rel @p0 .LBB2_2-.Ltmp0, $4  }
0x2e: {  	s19 =	sshra.s32 s19, $0x2;
	[sflag:s16] =	ssyncset.done $0x0  }
0x2f: {  	s20 =	sadd.s32 $0x1900, s19;
	[sflag:s16] =	ssyncadd.s32 $0xFFFFCE00  }
0x30: {  	[spmem:s3] =	stream.indirect.scatter.add.f32 [tilespmem:s10], [sflag:$0x1], $0x80, s20, s13, $0xb8;
	[tilespmem:$0x18C00] =	vst v63  }
0x31: {  	s19 =	sadd.s32 $0x1980, s19  }
0x32: {  	[spmem:s3] =	stream.indirect.scatter.add.f32 [tilespmem:s10], [sflag:$0x2], $0x80, s19, s13, $0xb8;
	[tilespmem:$0x18C00] =	vst v63  }
0x33: {  	_ =	swait.ge [sflag:s15], $0x3200  }
0x34: {  	[sflag:s15] =	ssyncset.done $0x0  }
0x35: {  	[sflag:s15] =	ssyncadd.s32 $0xFFFFCE00  }
0x36: {  	_ =	swait.ge [sflag:s16], $0x3200  }
0x37: {  	s17 =	sadd.s32 $0x1, s17;
	[sflag:s16] =	ssyncset.done $0x0  }
0x38: {  	p0 =	sne.s32 s17, s8;
	[sflag:s16] =	ssyncadd.s32 $0xFFFFCE00  }
.Ltmp1:
0x39: {  	[bflag:$0x0] =	sbarrier.arrive $0xFFFF;
	(pc) =	sbr.rel @p0 .LBB2_1-.Ltmp1, $4  }
0x3a: {  	[hbm:s7], [sflag:s11] =	dma.local [spmem:s12], $0x2780  }
0x3b: {  	_ =	swait.ge [sflag:s9], $0x2780  }
0x3c: {  	[sflag:s9] =	ssyncset.done $0x0  }
0x3d: {  	[sflag:s9] =	ssyncadd.s32 $0xFFFFD880  }
0x3e: {  	_ =	sfence.sel $0x180000  }
0x3f: {  	[bflag:$0x0] =	sbarrier.arrive $0xFFFF  }
0x40: {  	p0 =	sne.s32 s2, $0x0;
	_ =	strace $0x90000047  }
0x41: {  	s0 =	sadd.s32 @!p0 $0x100000, s1;
	[bflag:$0x2] =	sbarrier.arrive $0xFFFF  }
0x42: {  	[sflag:s0] =	ssyncadd.tile.s32 @!p0 $0x1;
	_ =	shalt  }
.Lfunc_end2:
_tile_overlayer_lowered:
.L_overlay_start_2:
0x43: {  	(tag) =	ssettag $0x2  }
0x44: {  	s0 =	rddreg [dreg:$0x0];
	s2 =	stileid.u32  }
0x45: {  	s1 =	rddreg [dreg:$0x1];
	p0 =	sne.s32 s2, $0x0  }
0x46: {  	s3 =	rddreg [dreg:$0x2];
	[bflag:$0x3] =	sbarrier.arrive $0xFFFF;
	s2 =	simm.s32 @!p0 $0x1C03  }
0x47: {  	[timem:s3], [sflag:s2] =	dma.local @!p0 [hbm:s0], s1  }
0x48: {  	s0 =	simm.s32 @!p0 $0x3  }
0x49: {  	_ =	swait.ge @!p0 [sflag:s0], s1  }
0x4a: {  	s1 =	ssub.s32 @!p0 $0x0, s1;
	[sflag:s0] =	ssyncset.done @!p0 $0x0  }
0x4b: {  	[sflag:s0] =	ssyncadd.s32 @!p0 s1  }
0x4c: {  	[bflag:$0x3] =	sbarrier.arrive $0xFFFF  }
0x4d: {  	_ =	shalt  }

// kernel: kernel.14.cloned.1.call-start
scs
__scs_entry_jumppad:
0x0: {  	(pc) =	sbr.rel $0x88, $3  }
0x1: {  	(tag) =	ssettag $0x0;
	lr =	simm.s32 $0x1  }
0x2: {  	[smem:$0x3F9B] =	sst lr;
	_ =	strace $0xD0000000  }
0x3: {  	_ = 	snop  }
0x4: {  	_ = 	snop  }
0x5: {  	_ = 	snop  }
0x6: {  	_ = 	snop  }
0x7: {  	_ = 	snop  }
__scs_overlays_trampoline_lowered:
0x8: {  	[smem:$0x3FAA] =	sst s0  }
0x9: {  	[smem:$0x3FAB] =	sst s1  }
0xa: {  	[smem:$0x3FAC] =	sst s2  }
0xb: {  	[smem:$0x3FAD] =	sst s3  }
0xc: {  	[smem:$0x3FAE] =	sst s4  }
0xd: {  	[smem:$0x3FAF] =	sst s5  }
0xe: {  	[smem:$0x3FB0] =	sst s6  }
0xf: {  	[smem:$0x3FB1] =	sst s7  }
0x10: {  	[smem:$0x3FB2] =	sst s8  }
0x11: {  	[smem:$0x3FB3] =	sst s9;
	s0 =	simm.s32 @!p0 $0x0  }
0x12: {  	s1 =	sld [smem:$0x3F99];
	s0 =	simm.s32 @p0 $0x1  }
0x13: {  	[smem:$0x3FB4] =	sst s0;
	s0 =	simm.s32 @!p1 $0x0  }
0x14: {  	s2 =	sld [smem:$0x3F98];
	s0 =	simm.s32 @p1 $0x1  }
0x15: {  	[smem:$0x3FB5] =	sst s0;
	s0 =	simm.s32 @!p2 $0x0  }
0x16: {  	s3 =	sld [smem:$0x3FDB];
	s0 =	simm.s32 @p2 $0x1  }
0x17: {  	s4 =	simm.s32 $0x1BF5;
	[smem:$0x3FB7] =	sst s0  }
0x18: {  	s0 =	sld [smem:$0x3F9A];
	_ =	swait.ge [sflag:s4], $0x0  }
0x19: {  	s7 =	sld [smem:$0x3F9B]  }
0x1a: {  	s8 =	sadd.s32 $0xFFFFE003, lr  }
0x1b: {  	s9 =	sadd.s32 $0xFFFFFEF7, lr;
	s5 =	simm.s32 $0xFFFFFFFF;
	p2 =	slt.u32 s8, $0xFFFFF086  }
0x1c: {  	p1 =	slt.u32 s9, $0xF7A;
	s5 =	simm.s32 @!p2 $0x0  }
0x1d: {  	s5 =	simm.s32 @p1 $0x1;
	p0 =	seq.s32 s7, s2  }
0x1e: {  	s7 =	smul.u32 @!p0 $0xF7A, s2;
	p2 =	seq.s32 @!p0 s5, $0x0  }
0x1f: {  	s9 =	smul.u32 $0xF7A, s1;
	s8 =	simm.s32 @!p0 $0x1BF5;
	p2 =	por !p2, p0  }
0x20: {  	[sflag:s8] =	ssyncset.s32 @!p0 $0xFFFFF086;
	s6 =	sadd.s32 @!p0 s3, s7;
	s7 =	simm.s32 @!p0 $0x108  }
0x21: {  	s3 =	sadd.s32 s3, s9;
	s6 =	sadd.s32 @!p0 $0x88, s6;
	s7 =	simm.s32 @p2 $0x1082  }
0x22: {  	[simem:s7], [sflag:s8] =	dma.local @!p0 [hbm:s6], $0xF7A  }
0x23: {  	s9 =	sor.u32 $0xD0000000, s2;
	s6 =	simm.s32 $0x108;
	_ =	swait.ge @!p0 [sflag:s8], $0x0  }
0x24: {  	s3 =	sadd.s32 $0x88, s3;
	s6 =	simm.s32 @!p1 $0x1082;
	[sflag:s4] =	ssyncset.s32 $0xFFFFF086  }
0x25: {  	[simem:s6], [sflag:s4] =	dma.local [hbm:s3], $0xF7A  }
0x26: {  	[smem:$0x3F9B] =	sst s1;
	(tag) =	ssettag s2;
	_ =	strace s9  }
0x27: {  	s1 =	sld [smem:$0x3FAB]  }
0x28: {  	s2 =	sld [smem:$0x3FAC]  }
0x29: {  	s4 =	sld [smem:$0x3FAE]  }
0x2a: {  	p0 =	seq.s32 s5, $0x0;
	s5 =	sld [smem:$0x3FAF]  }
0x2b: {  	s6 =	sld [smem:$0x3FB0]  }
0x2c: {  	s7 =	sld [smem:$0x3FB1]  }
0x2d: {  	s3 =	simm.s32 $0x108;
	s8 =	sld [smem:$0x3FB2]  }
0x2e: {  	s3 =	simm.s32 @!p0 $0x1082;
	s9 =	sld [smem:$0x3FB3]  }
0x2f: {  	lr =	sadd.s32 s0, s3;
	s0 =	sld [smem:$0x3FAA]  }
0x30: {  	s3 =	sld [smem:$0x3FAD]  }
0x31: {  	[smem:$0x3FB6] =	sst s10  }
0x32: {  	s10 =	sld [smem:$0x3FB4];
	_ =	sdelay $0x3  }
0x33: {  	p0 =	seq.s32 s10, $0x1;
	s10 =	sld [smem:$0x3FB6];
	_ =	sdelay $0x3  }
0x34: {  	[smem:$0x3FB6] =	sst s10  }
0x35: {  	s10 =	sld [smem:$0x3FB5];
	_ =	sdelay $0x3  }
0x36: {  	p1 =	seq.s32 s10, $0x1;
	s10 =	sld [smem:$0x3FB6];
	_ =	sdelay $0x3  }
0x37: {  	[smem:$0x3FB6] =	sst s10  }
0x38: {  	s10 =	sld [smem:$0x3FB7]  }
0x39: {  	_ = 	snop;
	(pc) =	sbr.ind lr, $3  }
0x3a: {  	_ = 	snop  }
0x3b: {  	_ = 	snop  }
0x3c: {  	p2 =	seq.s32 s10, $0x1;
	s10 =	sld [smem:$0x3FB6]  }
0x3d: {  	_ =	shalt  }
0x3e: {  	_ =	shalt  }
0x3f: {  	_ =	shalt  }
0x40: {  	_ =	shalt  }
0x41: {  	_ =	shalt  }
0x42: {  	_ =	shalt  }
0x43: {  	_ =	shalt  }
0x44: {  	_ =	shalt  }
0x45: {  	_ =	shalt  }
0x46: {  	_ =	shalt  }
0x47: {  	_ =	shalt  }
0x48: {  	_ =	shalt  }
0x49: {  	_ =	shalt  }
0x4a: {  	_ =	shalt  }
0x4b: {  	_ =	shalt  }
0x4c: {  	_ =	shalt  }
0x4d: {  	_ =	shalt  }
0x4e: {  	_ =	shalt  }
0x4f: {  	_ =	shalt  }
0x50: {  	_ =	shalt  }
0x51: {  	_ =	shalt  }
0x52: {  	_ =	shalt  }
0x53: {  	_ =	shalt  }
0x54: {  	_ =	shalt  }
0x55: {  	_ =	shalt  }
0x56: {  	_ =	shalt  }
0x57: {  	_ =	shalt  }
0x58: {  	_ =	shalt  }
0x59: {  	_ =	shalt  }
0x5a: {  	_ =	shalt  }
0x5b: {  	_ =	shalt  }
0x5c: {  	_ =	shalt  }
0x5d: {  	_ =	shalt  }
0x5e: {  	_ =	shalt  }
0x5f: {  	_ =	shalt  }
0x60: {  	_ =	shalt  }
0x61: {  	_ =	shalt  }
0x62: {  	_ =	shalt  }
0x63: {  	_ =	shalt  }
0x64: {  	_ =	shalt  }
0x65: {  	_ =	shalt  }
0x66: {  	_ =	shalt  }
0x67: {  	_ =	shalt  }
0x68: {  	_ =	shalt  }
0x69: {  	_ =	shalt  }
0x6a: {  	_ =	shalt  }
0x6b: {  	_ =	shalt  }
0x6c: {  	_ =	shalt  }
0x6d: {  	_ =	shalt  }
0x6e: {  	_ =	shalt  }
0x6f: {  	_ =	shalt  }
0x70: {  	_ =	shalt  }
0x71: {  	_ =	shalt  }
0x72: {  	_ =	shalt  }
0x73: {  	_ =	shalt  }
0x74: {  	_ =	shalt  }
0x75: {  	_ =	shalt  }
0x76: {  	_ =	shalt  }
0x77: {  	_ =	shalt  }
0x78: {  	_ =	shalt  }
0x79: {  	_ =	shalt  }
0x7a: {  	_ =	shalt  }
0x7b: {  	_ =	shalt  }
0x7c: {  	_ =	shalt  }
0x7d: {  	_ =	shalt  }
0x7e: {  	_ =	shalt  }
0x7f: {  	_ =	shalt  }
0x80: {  	_ =	shalt  }
0x81: {  	_ =	shalt  }
0x82: {  	_ =	shalt  }
0x83: {  	_ =	shalt  }
0x84: {  	_ =	shalt  }
0x85: {  	_ =	shalt  }
0x86: {  	_ =	shalt  }
0x87: {  	_ =	shalt  }
.Lfunc_end0:
.L_simem_size_0:
called_computation.1_lowered:
.L_overlay_start_0:
0x88: {  	s2 =	sld [smem:$0x3FD9]  }
0x89: {  	s3 =	sld [smem:$0x3FFE];
	_ =	sdelay $0x1  }
0x8a: {  	s1 =	srdreg.scid  }
0x8b: {  	s0 =	sand.u32 $0x1, s1  }
0x8c: {  	s17 =	sshll.u32 s0, $0xA;
	s2 =	sadd.s32 s3, s2  }
0x8d: {  	s2 =	sadd.s32 s2, s17  }
0x8e: {  	[smem:$0x3FC2] =	sst s2  }
0x8f: {  	_ = 	snop  }
0x90: {  	(tm) =	ssettm $0x1  }
0x91: {  	s18 =	sld [smem:$0x3FFB];
	_ =	sdelay $0x3  }
0x92: {  	_ =	strace s18  }
0x93: {  	s2 =	sld [smem:$0x3FFC];
	_ =	sdelay $0x3  }
0x94: {  	_ =	strace s2  }
0x95: {  	s2 =	sld [smem:$0x3FFD];
	_ =	sdelay $0x3  }
0x96: {  	_ =	strace s2  }
0x97: {  	_ =	strace $0x8FFFFFFF  }
0x98: {  	s19 =	sld [smem:$0x3FDB];
	_ =	sdelay $0x1  }
0x99: {  	s20 =	simm.s32 $_scs_section_size  }
0x9a: {  	s4 =	simm.s32 $_size__tile_overlayer_lowered;
	s5 =	simm.s32 $_tile_overlayer_lowered  }
0x9b: {  	s6 =	simm.s32 $0x1BFF;
	s21 =	sshll.u32 s5, $0x1;
	s3 =	sadd.s32 s20, s19  }
0x9c: {  	s22 =	simm.s32 $0x0;
	s4 =	sshll.u32 s4, $0x1;
	s5 =	sadd.s32 s21, s3  }
0x9d: {  	[timem:s22], [sflag:s6] =	dma.local [hbm:s5], s4  }
0x9e: {  	_ =	swait.ge [sflag:s6], s4  }
0x9f: {  	s4 =	ssub.s32 $0x0, s4;
	[sflag:s6] =	ssyncset.done $0x0  }
0xa0: {  	[sflag:s6] =	ssyncadd.s32 s4;
	_ =	sdelay $0x1  }
0xa1: {  	s23 =	simm.s32 $0x1B8B  }
0xa2: {  	_ =	swait.ge [sflag:s23], $0x1  }
0xa3: {  	[sflag:s23] =	ssyncset.done $0x0  }
0xa4: {  	[sflag:s23] =	ssyncadd.s32 $0xFFFFFFFF  }
0xa5: {  	s4 =	sld [smem:$0x0]  }
0xa6: {  	s5 =	sand.u32 $0xFFFFFFFE, s1  }
0xa7: {  	p0 =	sne.s32 s1, s5  }
0xa8: {  	s5 =	sshll.u32 @p0 s5, $0xE  }
0xa9: {  	s5 =	sadd.s32 @p0 $0x11B8D, s5;
	s6 =	sshll.u32 @p0 s4, $0x11  }
0xaa: {  	s5 =	sor.u32 @p0 s6, s5  }
0xab: {  	[sflag:s5] =	ssyncadd.remote.s32 @p0 $0x1;
	_ =	sdelay $0x1  }
0xac: {  	s5 =	simm.s32 @p0 $0x1B8D  }
0xad: {  	_ =	swait.eq @p0 [sflag:s5], $0x1  }
0xae: {  	[sflag:s5] =	ssyncadd.s32 @p0 $0xFFFFFFFF  }
0xaf: {  	s6 =	sshll.u32 @!p0 s1, $0xE  }
0xb0: {  	s6 =	sor.u32 @!p0 $0x4000, s6;
	s5 =	simm.s32 @!p0 $0x1B8D  }
0xb1: {  	s4 =	sshll.u32 @!p0 s4, $0x11;
	s6 =	sadd.s32 @!p0 $0x11B8D, s6;
	_ =	swait.eq @!p0 [sflag:s5], $0x1  }
0xb2: {  	s4 =	sor.u32 @!p0 s4, s6;
	[sflag:s5] =	ssyncadd.s32 @!p0 $0xFFFFFFFF  }
0xb3: {  	s25 =	simm.s32 $0x1B8E;
	s24 =	sld [smem:$0x3FFE];
	[sflag:s4] =	ssyncadd.remote.s32 @!p0 $0x1  }
0xb4: {  	s26 =	simm.s32 $execute0_lowered;
	[smem:$0x3FD2] =	sst s25  }
0xb5: {  	s5 =	sshll.u32 s26, $0x1;
	_ =	strace $0x8000004C;
	[dreg:$0x1] =	wrdreg $0xFFFFFFFF  }
0xb6: {  	s28 =	simm.s32 $_size_execute0_lowered;
	s3 =	sadd.s32 s3, s5;
	[dreg:$0x0] =	wrdreg $0x0  }
0xb7: {  	s5 =	sshll.u32 s28, $0x1;
	[dreg:$0x2] =	wrdreg s3  }
0xb8: {  	[dreg:$0x3] =	wrdreg s5  }
0xb9: {  	[dreg:$0x4] =	wrdreg $0xC0  }
0xba: {  	_ =	task [dreg:s22], $0x5FFFF  }
0xbb: {  	[dreg:$0x1] =	wrdreg $0xFFFFFFFF  }
0xbc: {  	[dreg:$0x0] =	wrdreg $0x60  }
0xbd: {  	[dreg:$0x2] =	wrdreg s24  }
0xbe: {  	[dreg:$0x3] =	wrdreg $0xA0000  }
0xbf: {  	[dreg:$0x4] =	wrdreg $0x9  }
0xc0: {  	_ =	task.clear_ibuf [dreg:s22], $0x5FFFF;
	_ =	strace $0x9000004C  }
0xc1: {  	s29 =	simm.s32 $0x9;
	_ =	strace $0x8000004E  }
0xc2: {  	_ =	swait.ge [sflag:s29], $0x1  }
0xc3: {  	[sflag:s29] =	ssyncadd.s32 $0xFFFFFFFF  }
0xc4: {  	_ =	strace $0x9000004E  }
0xc5: {  	_ =	sfence  }
0xc6: {  	s30 =	sld [smem:$0x0];
	_ =	sdelay $0x2  }
0xc7: {  	s31 =	sshll.u32 s1, $0xD;
	s1 =	sshrl.u32 s1, $0x2  }
0xc8: {  	s4 =	sand.u32 $0x4000, s31;
	s1 =	sadd.s32 s1, s30  }
0xc9: {  	s0 =	sor.u32 s4, s0;
	s1 =	sshll.u32 s1, $0x11  }
0xca: {  	s0 =	sor.u32 s1, s0  }
0xcb: {  	s0 =	sadd.s32 $0x8F2B, s0  }
0xcc: {  	[sflag:s0] =	ssyncadd.remote.s32 $0x1  }
0xcd: {  	_ =	sfence.sel $0xFFFF  }
0xce: {  	[dreg:$0x0] =	wrdreg $0xFFFFFFFF;
	(pc) =	sbr.abs _section_cstart, $3  }
0xcf: {  	[dreg:$0x1] =	wrdreg $0xFFFFFFFF  }
0xd0: {  	_ =	task.clear_ibuf [dreg:s22], $0x2FFFF;
	_ =	strace $0x9FFFFFFF  }
0xd1: {  	(tm) =	ssettm $0x7FFFFFFF  }
tec
execute0_lowered:
.L_overlay_start_1:
0x0: {  	(tag) =	ssettag $0x1  }
0x1: {  	s6 =	rddreg [dreg:$0x0]  }
0x2: {  	s2 =	rddreg [dreg:$0x1]  }
0x3: {  	s0 =	srdreg.scid;
	s1 =	rddreg [dreg:$0x2];
	s3 =	simm.s32 $0x0  }
0x4: {  	s14 =	simm.s32 $0x64;
	s15 =	simm.s32 $0x3800;
	s16 =	simm.s32 $0x80  }
0x5: {  	s17 =	simm.s32 $0x6C00;
	s18 =	simm.s32 $0x1;
	s5 =	sand.u32 $0x1, s0  }
0x6: {  	s19 =	simm.s32 $0x2;
	s0 =	stileid.u32;
	s4 =	smul.u32 $0x1C000, s5  }
0x7: {  	s20 =	simm.s32 $0x3;
	s21 =	simm.s32 $0x4;
	s7 =	smul.u32 $0x1C00, s0  }
0x8: {  	s22 =	simm.s32 $0x3400;
	s23 =	simm.s32 $0x3480;
	s28 =	smul.u32 $0x13C000, s5  }
0x9: {  	s24 =	simm.s32 $0x0;
	[smem:$0x7FF] =	sst s3;
	s8 =	smul.u32 $0x13C00, s0  }
0xa: {  	_ =	strace $0x8000004D;
	s29 =	ssub.s32 $0x2, s5;
	s10 =	smul.u32 $0x4F000, s0  }
0xb: {  	s5 =	sadd.s32 $0xAE00, s6;
	s31 =	sshll.u32 s0, $0x6;
	s11 =	sshrl.u32 s29, $0x1  }
0xc: {  	s4 =	sadd.s32 s7, s4;
	s7 =	sadd.s32 s8, s28;
	s11 =	ssub.s32 s29, s11  }
0xd: {  	s30 =	sshrl.u32 s10, $0x2;
	s10 =	simm.s32 $0x5;
	s4 =	sshrl.u32 s4, $0x3  }
0xe: {  	s7 =	sshrl.u32 s7, $0x3;
	s13 =	sadd.s32 s30, s2;
	s9 =	sadd.s32 s4, s6  }
0xf: {  	s4 =	sadd.s32 $0x2B600, s6;
	s12 =	sadd.s32 s7, s6;
	s13 =	sshrl.u32 s13, $0x3  }
0x10: {  	s6 =	sadd.s32 $0x52800, s9;
	s7 =	sadd.s32 $0x3E00, s9;
	s8 =	sadd.s32 $0x59800, s12  }
0x11: {  	s9 =	smax.u32 s11, $0x1;
	s11 =	simm.s32 $0x1C00;
	s12 =	sor.u32 $0x1C05, s31  }
.LBB2_1:
0x12: {  	[tilespmem:s3], [sflag:$0x5] =	stream.linear.gather [hbm4b:s6+s3], $0x1900, $0x38;
	[tilespmem:$0x1DC00] =	vst v63  }
0x13: {  	_ =	swait.ge [sflag:s10], $0x1900  }
0x14: {  	[sflag:s10] =	ssyncset.done $0x0  }
0x15: {  	[sflag:s10] =	ssyncadd.s32 $0xFFFFE700  }
0x16: {  	[tilespmem:s11], [sflag:$0x5] =	stream.linear.gather [hbm4b:s7+s3], $0x1900, $0x38;
	[tilespmem:$0x1DC00] =	vst v63  }
0x17: {  	_ =	swait.ge [sflag:s10], $0x1900  }
0x18: {  	[sflag:s10] =	ssyncset.done $0x0  }
0x19: {  	[sflag:s10] =	ssyncadd.s32 $0xFFFFE700  }
0x1a: {  	[spmem:s13], [sflag:s12] =	dma.local [hbm:s5], $0x2780  }
0x1b: {  	_ =	swait.ge [sflag:s10], $0x2780  }
0x1c: {  	[sflag:s10] =	ssyncset.done $0x0  }
0x1d: {  	[sflag:s10] =	ssyncadd.s32 $0xFFFFD880  }
0x1e: {  	[bflag:$0x0] =	sbarrier.arrive $0xFFFF  }
0x1f: {  	[tilespmem:s15], [sflag:$0x1] =	stream.indirect.gather [hbm4b:s4+s14], $0x80, s3, s14, $0xb8;
	[tilespmem:$0x1DC00] =	vst v63  }
0x20: {  	_ = 	snop  }
0x21: {  	[tilespmem:s17], [sflag:$0x2] =	stream.indirect.gather [hbm4b:s4+s14], $0x80, s16, s14, $0xb8;
	[tilespmem:$0x1DC00] =	vst v63  }
0x22: {  	_ =	swait.ge [sflag:s18], $0x3200  }
0x23: {  	[sflag:s18] =	ssyncset.done $0x0  }
0x24: {  	s25 =	simm.s32 $0x1C00;
	[sflag:s18] =	ssyncadd.s32 $0xFFFFCE00  }
0x25: {  	[spmem:s2] =	stream.indirect.scatter.add.f32 [tilespmem:s15], [sflag:$0x3], $0x80, s25, s14, $0xb8;
	[tilespmem:$0x1DC00] =	vst v63  }
0x26: {  	_ =	swait.ge [sflag:s19], $0x3200  }
0x27: {  	[sflag:s19] =	ssyncset.done $0x0  }
0x28: {  	s30 =	simm.s32 $0x1C80;
	[sflag:s19] =	ssyncadd.s32 $0xFFFFCE00  }
0x29: {  	[spmem:s2] =	stream.indirect.scatter.add.f32 [tilespmem:s17], [sflag:$0x4], $0x80, s30, s14, $0xb8;
	[tilespmem:$0x1DC00] =	vst v63  }
0x2a: {  	_ =	swait.ge [sflag:s20], $0x3200  }
0x2b: {  	[sflag:s20] =	ssyncset.done $0x0  }
0x2c: {  	s31 =	simm.s32 $0x100;
	[sflag:s20] =	ssyncadd.s32 $0xFFFFCE00  }
0x2d: {  	[tilespmem:s15], [sflag:$0x1] =	stream.indirect.gather [hbm4b:s4+s14], $0x80, s31, s14, $0xb8;
	[tilespmem:$0x1DC00] =	vst v63  }
0x2e: {  	_ =	swait.ge [sflag:s21], $0x3200  }
0x2f: {  	[sflag:s21] =	ssyncset.done $0x0  }
0x30: {  	s26 =	simm.s32 $0x180;
	s25 =	simm.s32 $0x400;
	[sflag:s21] =	ssyncadd.s32 $0xFFFFCE00  }
.LBB2_2:
0x31: {  	[tilespmem:s17], [sflag:$0x2] =	stream.indirect.gather [hbm4b:s4+s14], $0x80, s26, s14, $0xb8;
	[tilespmem:$0x1DC00] =	vst v63  }
0x32: {  	s26 =	smov.u32 s25  }
0x33: {  	p0 =	sne.s32 s25, $0x5C00;
	s25 =	sadd.s32 $0x400, s25;
	_ =	swait.ge [sflag:s18], $0x3200  }
0x34: {  	s26 =	sshra.s32 s26, $0x2;
	[sflag:s18] =	ssyncset.done $0x0  }
0x35: {  	s28 =	sadd.s32 $0x1C00, s26;
	[sflag:s18] =	ssyncadd.s32 $0xFFFFCE00  }
0x36: {  	[spmem:s2] =	stream.indirect.scatter.add.f32 [tilespmem:s15], [sflag:$0x3], $0x80, s28, s14, $0xb8;
	[tilespmem:$0x1DC00] =	vst v63  }
0x37: {  	_ =	swait.ge [sflag:s19], $0x3200  }
0x38: {  	[sflag:s19] =	ssyncset.done $0x0  }
0x39: {  	s28 =	sadd.s32 $0x1C80, s26;
	[sflag:s19] =	ssyncadd.s32 $0xFFFFCE00  }
0x3a: {  	[spmem:s2] =	stream.indirect.scatter.add.f32 [tilespmem:s17], [sflag:$0x4], $0x80, s28, s14, $0xb8;
	[tilespmem:$0x1DC00] =	vst v63  }
0x3b: {  	_ =	swait.ge [sflag:s20], $0x3200  }
0x3c: {  	[sflag:s20] =	ssyncset.done $0x0  }
.Ltmp0:
0x3d: {  	s28 =	sadd.s32 $0x100, s26;
	[sflag:s20] =	ssyncadd.s32 $0xFFFFCE00;
	(pc) =	sbr.rel @p0 .LBB2_2-.Ltmp0, $4  }
0x3e: {  	[tilespmem:s15], [sflag:$0x1] =	stream.indirect.gather [hbm4b:s4+s14], $0x80, s28, s14, $0xb8;
	[tilespmem:$0x1DC00] =	vst v63  }
0x3f: {  	_ =	swait.ge [sflag:s21], $0x3200  }
0x40: {  	[sflag:s21] =	ssyncset.done $0x0  }
0x41: {  	s26 =	sadd.s32 $0x180, s26;
	[sflag:s21] =	ssyncadd.s32 $0xFFFFCE00  }
0x42: {  	[tilespmem:s17], [sflag:$0x2] =	stream.indirect.gather [hbm4b:s4+s14], $0x80, s26, s14, $0xb8;
	[tilespmem:$0x1DC00] =	vst v63  }
0x43: {  	_ =	swait.ge [sflag:s18], $0x3200  }
0x44: {  	[sflag:s18] =	ssyncset.done $0x0  }
0x45: {  	[sflag:s18] =	ssyncadd.s32 $0xFFFFCE00  }
0x46: {  	[spmem:s2] =	stream.indirect.scatter.add.f32 [tilespmem:s15], [sflag:$0x3], $0x80, s22, s14, $0xb8;
	[tilespmem:$0x1DC00] =	vst v63  }
0x47: {  	_ =	swait.ge [sflag:s19], $0x3200  }
0x48: {  	[sflag:s19] =	ssyncset.done $0x0  }
0x49: {  	[sflag:s19] =	ssyncadd.s32 $0xFFFFCE00  }
0x4a: {  	[spmem:s2] =	stream.indirect.scatter.add.f32 [tilespmem:s17], [sflag:$0x4], $0x80, s23, s14, $0xb8;
	[tilespmem:$0x1DC00] =	vst v63  }
0x4b: {  	_ =	swait.ge [sflag:s20], $0x3200  }
0x4c: {  	[sflag:s20] =	ssyncset.done $0x0  }
0x4d: {  	[sflag:s20] =	ssyncadd.s32 $0xFFFFCE00  }
0x4e: {  	_ =	swait.ge [sflag:s21], $0x3200  }
0x4f: {  	s24 =	sadd.s32 $0x1, s24;
	[sflag:s21] =	ssyncset.done $0x0  }
0x50: {  	p0 =	sne.s32 s24, s9;
	[sflag:s21] =	ssyncadd.s32 $0xFFFFCE00  }
.Ltmp1:
0x51: {  	[bflag:$0x0] =	sbarrier.arrive $0xFFFF;
	(pc) =	sbr.rel @p0 .LBB2_1-.Ltmp1, $4  }
0x52: {  	[hbm:s8], [sflag:s12] =	dma.local [spmem:s13], $0x2780  }
0x53: {  	_ =	swait.ge [sflag:s10], $0x2780  }
0x54: {  	[sflag:s10] =	ssyncset.done $0x0  }
0x55: {  	[sflag:s10] =	ssyncadd.s32 $0xFFFFD880  }
0x56: {  	_ =	sfence.sel $0x180000  }
0x57: {  	[bflag:$0x0] =	sbarrier.arrive $0xFFFF  }
0x58: {  	p0 =	sne.s32 s0, $0x0;
	_ =	strace $0x9000004D  }
0x59: {  	s0 =	sadd.s32 @!p0 $0x100000, s1;
	[bflag:$0x2] =	sbarrier.arrive $0xFFFF  }
0x5a: {  	[sflag:s0] =	ssyncadd.tile.s32 @!p0 $0x1;
	_ =	shalt  }
.Lfunc_end2:
_tile_overlayer_lowered:
.L_overlay_start_2:
0x5b: {  	(tag) =	ssettag $0x2  }
0x5c: {  	s0 =	rddreg [dreg:$0x0];
	s2 =	stileid.u32  }
0x5d: {  	s1 =	rddreg [dreg:$0x1];
	p0 =	sne.s32 s2, $0x0  }
0x5e: {  	s3 =	rddreg [dreg:$0x2];
	[bflag:$0x3] =	sbarrier.arrive $0xFFFF;
	s2 =	simm.s32 @!p0 $0x1C05  }
0x5f: {  	[timem:s3], [sflag:s2] =	dma.local @!p0 [hbm:s0], s1  }
0x60: {  	s0 =	simm.s32 @!p0 $0x5  }
0x61: {  	_ =	swait.ge @!p0 [sflag:s0], s1  }
0x62: {  	s1 =	ssub.s32 @!p0 $0x0, s1;
	[sflag:s0] =	ssyncset.done @!p0 $0x0  }
0x63: {  	[sflag:s0] =	ssyncadd.s32 @!p0 s1  }
0x64: {  	[bflag:$0x3] =	sbarrier.arrive $0xFFFF  }
0x65: {  	_ =	shalt  }

// kernel: kernel.17.cloned.1.call-start
scs
__scs_entry_jumppad:
0x0: {  	(pc) =	sbr.rel $0x88, $3  }
0x1: {  	(tag) =	ssettag $0x0;
	lr =	simm.s32 $0x1  }
0x2: {  	[smem:$0x3F9B] =	sst lr;
	_ =	strace $0xD0000000  }
0x3: {  	_ = 	snop  }
0x4: {  	_ = 	snop  }
0x5: {  	_ = 	snop  }
0x6: {  	_ = 	snop  }
0x7: {  	_ = 	snop  }
__scs_overlays_trampoline_lowered:
0x8: {  	[smem:$0x3FAA] =	sst s0  }
0x9: {  	[smem:$0x3FAB] =	sst s1  }
0xa: {  	[smem:$0x3FAC] =	sst s2  }
0xb: {  	[smem:$0x3FAD] =	sst s3  }
0xc: {  	[smem:$0x3FAE] =	sst s4  }
0xd: {  	[smem:$0x3FAF] =	sst s5  }
0xe: {  	[smem:$0x3FB0] =	sst s6  }
0xf: {  	[smem:$0x3FB1] =	sst s7  }
0x10: {  	[smem:$0x3FB2] =	sst s8  }
0x11: {  	[smem:$0x3FB3] =	sst s9;
	s0 =	simm.s32 @!p0 $0x0  }
0x12: {  	s1 =	sld [smem:$0x3F99];
	s0 =	simm.s32 @p0 $0x1  }
0x13: {  	[smem:$0x3FB4] =	sst s0;
	s0 =	simm.s32 @!p1 $0x0  }
0x14: {  	s2 =	sld [smem:$0x3F98];
	s0 =	simm.s32 @p1 $0x1  }
0x15: {  	[smem:$0x3FB5] =	sst s0;
	s0 =	simm.s32 @!p2 $0x0  }
0x16: {  	s3 =	sld [smem:$0x3FDB];
	s0 =	simm.s32 @p2 $0x1  }
0x17: {  	s4 =	simm.s32 $0x1BF5;
	[smem:$0x3FB7] =	sst s0  }
0x18: {  	s0 =	sld [smem:$0x3F9A];
	_ =	swait.ge [sflag:s4], $0x0  }
0x19: {  	s7 =	sld [smem:$0x3F9B]  }
0x1a: {  	s8 =	sadd.s32 $0xFFFFE003, lr  }
0x1b: {  	s9 =	sadd.s32 $0xFFFFFEF7, lr;
	s5 =	simm.s32 $0xFFFFFFFF;
	p2 =	slt.u32 s8, $0xFFFFF086  }
0x1c: {  	p1 =	slt.u32 s9, $0xF7A;
	s5 =	simm.s32 @!p2 $0x0  }
0x1d: {  	s5 =	simm.s32 @p1 $0x1;
	p0 =	seq.s32 s7, s2  }
0x1e: {  	s7 =	smul.u32 @!p0 $0xF7A, s2;
	p2 =	seq.s32 @!p0 s5, $0x0  }
0x1f: {  	s9 =	smul.u32 $0xF7A, s1;
	s8 =	simm.s32 @!p0 $0x1BF5;
	p2 =	por !p2, p0  }
0x20: {  	[sflag:s8] =	ssyncset.s32 @!p0 $0xFFFFF086;
	s6 =	sadd.s32 @!p0 s3, s7;
	s7 =	simm.s32 @!p0 $0x108  }
0x21: {  	s3 =	sadd.s32 s3, s9;
	s6 =	sadd.s32 @!p0 $0x88, s6;
	s7 =	simm.s32 @p2 $0x1082  }
0x22: {  	[simem:s7], [sflag:s8] =	dma.local @!p0 [hbm:s6], $0xF7A  }
0x23: {  	s9 =	sor.u32 $0xD0000000, s2;
	s6 =	simm.s32 $0x108;
	_ =	swait.ge @!p0 [sflag:s8], $0x0  }
0x24: {  	s3 =	sadd.s32 $0x88, s3;
	s6 =	simm.s32 @!p1 $0x1082;
	[sflag:s4] =	ssyncset.s32 $0xFFFFF086  }
0x25: {  	[simem:s6], [sflag:s4] =	dma.local [hbm:s3], $0xF7A  }
0x26: {  	[smem:$0x3F9B] =	sst s1;
	(tag) =	ssettag s2;
	_ =	strace s9  }
0x27: {  	s1 =	sld [smem:$0x3FAB]  }
0x28: {  	s2 =	sld [smem:$0x3FAC]  }
0x29: {  	s4 =	sld [smem:$0x3FAE]  }
0x2a: {  	p0 =	seq.s32 s5, $0x0;
	s5 =	sld [smem:$0x3FAF]  }
0x2b: {  	s6 =	sld [smem:$0x3FB0]  }
0x2c: {  	s7 =	sld [smem:$0x3FB1]  }
0x2d: {  	s3 =	simm.s32 $0x108;
	s8 =	sld [smem:$0x3FB2]  }
0x2e: {  	s3 =	simm.s32 @!p0 $0x1082;
	s9 =	sld [smem:$0x3FB3]  }
0x2f: {  	lr =	sadd.s32 s0, s3;
	s0 =	sld [smem:$0x3FAA]  }
0x30: {  	s3 =	sld [smem:$0x3FAD]  }
0x31: {  	[smem:$0x3FB6] =	sst s10  }
0x32: {  	s10 =	sld [smem:$0x3FB4];
	_ =	sdelay $0x3  }
0x33: {  	p0 =	seq.s32 s10, $0x1;
	s10 =	sld [smem:$0x3FB6];
	_ =	sdelay $0x3  }
0x34: {  	[smem:$0x3FB6] =	sst s10  }
0x35: {  	s10 =	sld [smem:$0x3FB5];
	_ =	sdelay $0x3  }
0x36: {  	p1 =	seq.s32 s10, $0x1;
	s10 =	sld [smem:$0x3FB6];
	_ =	sdelay $0x3  }
0x37: {  	[smem:$0x3FB6] =	sst s10  }
0x38: {  	s10 =	sld [smem:$0x3FB7]  }
0x39: {  	_ = 	snop;
	(pc) =	sbr.ind lr, $3  }
0x3a: {  	_ = 	snop  }
0x3b: {  	_ = 	snop  }
0x3c: {  	p2 =	seq.s32 s10, $0x1;
	s10 =	sld [smem:$0x3FB6]  }
0x3d: {  	_ =	shalt  }
0x3e: {  	_ =	shalt  }
0x3f: {  	_ =	shalt  }
0x40: {  	_ =	shalt  }
0x41: {  	_ =	shalt  }
0x42: {  	_ =	shalt  }
0x43: {  	_ =	shalt  }
0x44: {  	_ =	shalt  }
0x45: {  	_ =	shalt  }
0x46: {  	_ =	shalt  }
0x47: {  	_ =	shalt  }
0x48: {  	_ =	shalt  }
0x49: {  	_ =	shalt  }
0x4a: {  	_ =	shalt  }
0x4b: {  	_ =	shalt  }
0x4c: {  	_ =	shalt  }
0x4d: {  	_ =	shalt  }
0x4e: {  	_ =	shalt  }
0x4f: {  	_ =	shalt  }
0x50: {  	_ =	shalt  }
0x51: {  	_ =	shalt  }
0x52: {  	_ =	shalt  }
0x53: {  	_ =	shalt  }
0x54: {  	_ =	shalt  }
0x55: {  	_ =	shalt  }
0x56: {  	_ =	shalt  }
0x57: {  	_ =	shalt  }
0x58: {  	_ =	shalt  }
0x59: {  	_ =	shalt  }
0x5a: {  	_ =	shalt  }
0x5b: {  	_ =	shalt  }
0x5c: {  	_ =	shalt  }
0x5d: {  	_ =	shalt  }
0x5e: {  	_ =	shalt  }
0x5f: {  	_ =	shalt  }
0x60: {  	_ =	shalt  }
0x61: {  	_ =	shalt  }
0x62: {  	_ =	shalt  }
0x63: {  	_ =	shalt  }
0x64: {  	_ =	shalt  }
0x65: {  	_ =	shalt  }
0x66: {  	_ =	shalt  }
0x67: {  	_ =	shalt  }
0x68: {  	_ =	shalt  }
0x69: {  	_ =	shalt  }
0x6a: {  	_ =	shalt  }
0x6b: {  	_ =	shalt  }
0x6c: {  	_ =	shalt  }
0x6d: {  	_ =	shalt  }
0x6e: {  	_ =	shalt  }
0x6f: {  	_ =	shalt  }
0x70: {  	_ =	shalt  }
0x71: {  	_ =	shalt  }
0x72: {  	_ =	shalt  }
0x73: {  	_ =	shalt  }
0x74: {  	_ =	shalt  }
0x75: {  	_ =	shalt  }
0x76: {  	_ =	shalt  }
0x77: {  	_ =	shalt  }
0x78: {  	_ =	shalt  }
0x79: {  	_ =	shalt  }
0x7a: {  	_ =	shalt  }
0x7b: {  	_ =	shalt  }
0x7c: {  	_ =	shalt  }
0x7d: {  	_ =	shalt  }
0x7e: {  	_ =	shalt  }
0x7f: {  	_ =	shalt  }
0x80: {  	_ =	shalt  }
0x81: {  	_ =	shalt  }
0x82: {  	_ =	shalt  }
0x83: {  	_ =	shalt  }
0x84: {  	_ =	shalt  }
0x85: {  	_ =	shalt  }
0x86: {  	_ =	shalt  }
0x87: {  	_ =	shalt  }
.Lfunc_end0:
.L_simem_size_0:
called_computation.2_lowered:
.L_overlay_start_0:
0x88: {  	s2 =	sld [smem:$0x3FD9]  }
0x89: {  	s3 =	sld [smem:$0x3FFE];
	_ =	sdelay $0x1  }
0x8a: {  	s1 =	srdreg.scid  }
0x8b: {  	s0 =	sand.u32 $0x1, s1  }
0x8c: {  	s14 =	sshll.u32 s0, $0xA;
	s2 =	sadd.s32 s3, s2  }
0x8d: {  	s2 =	sadd.s32 s2, s14  }
0x8e: {  	[smem:$0x3FC2] =	sst s2  }
0x8f: {  	_ = 	snop  }
0x90: {  	s2 =	sld [smem:$0x3FD0];
	_ =	sdelay $0x2  }
0x91: {  	s15 =	simm.s32 $0xB;
	s4 =	simm.s32 $0x10  }
0x92: {  	[smem:s4], [sflag:s15] =	dma.local [hbm:s2], $0x1  }
0x93: {  	_ =	swait.eq [sflag:s15], $0x1  }
0x94: {  	[sflag:s15] =	ssyncset.done $0x0  }
0x95: {  	s16 =	sld [smem:$0x10];
	[sflag:s15] =	ssyncadd.s32 $0xFFFFFFFF  }
0x96: {  	s17 =	sld [smem:$0x11];
	(tm) =	ssettm $0x1  }
0x97: {  	s18 =	sld [smem:$0x3FFB];
	_ =	sdelay $0x3  }
0x98: {  	_ =	strace s18  }
0x99: {  	s4 =	sld [smem:$0x3FFC];
	_ =	sdelay $0x3  }
0x9a: {  	_ =	strace s4  }
0x9b: {  	s4 =	sld [smem:$0x3FFD];
	_ =	sdelay $0x3  }
0x9c: {  	_ =	strace s4  }
0x9d: {  	_ =	strace $0x8FFFFFFF  }
0x9e: {  	s19 =	sld [smem:$0x3FDB];
	_ =	sdelay $0x1  }
0x9f: {  	s5 =	simm.s32 $_scs_section_size  }
0xa0: {  	s6 =	simm.s32 $_size__tile_overlayer_lowered;
	s7 =	simm.s32 $_tile_overlayer_lowered  }
0xa1: {  	s22 =	simm.s32 $0x1BFF;
	s21 =	sshll.u32 s7, $0x1;
	s4 =	sadd.s32 s5, s19  }
0xa2: {  	s8 =	simm.s32 $0x0;
	s20 =	sshll.u32 s6, $0x1;
	s6 =	sadd.s32 s21, s4  }
0xa3: {  	[timem:s8], [sflag:s22] =	dma.local [hbm:s6], s20  }
0xa4: {  	_ =	swait.ge [sflag:s22], s20  }
0xa5: {  	s5 =	ssub.s32 $0x0, s20;
	[sflag:s22] =	ssyncset.done $0x0  }
0xa6: {  	[sflag:s22] =	ssyncadd.s32 s5;
	_ =	sdelay $0x1  }
0xa7: {  	s23 =	simm.s32 $0x1B8B  }
0xa8: {  	_ =	swait.ge [sflag:s23], $0x1  }
0xa9: {  	[sflag:s23] =	ssyncset.done $0x0  }
0xaa: {  	s25 =	simm.s32 $0x1B8E;
	s24 =	sld [smem:$0x3FFE];
	[sflag:s23] =	ssyncadd.s32 $0xFFFFFFFF  }
0xab: {  	s26 =	simm.s32 $execute0_lowered;
	[smem:$0x3FD2] =	sst s25  }
0xac: {  	s6 =	sshll.u32 s26, $0x1;
	_ =	strace $0x80000049;
	[dreg:$0x1] =	wrdreg $0xFFFFFFFF  }
0xad: {  	s28 =	simm.s32 $_size_execute0_lowered;
	s4 =	sadd.s32 s4, s6;
	[dreg:$0x0] =	wrdreg $0x0  }
0xae: {  	s6 =	sshll.u32 s28, $0x1;
	[dreg:$0x2] =	wrdreg s4  }
0xaf: {  	[dreg:$0x3] =	wrdreg s6  }
0xb0: {  	[dreg:$0x4] =	wrdreg $0xC0  }
0xb1: {  	_ =	task [dreg:s8], $0x5FFFF  }
0xb2: {  	[dreg:$0x1] =	wrdreg $0xFFFFFFFF  }
0xb3: {  	[dreg:$0x0] =	wrdreg $0x60  }
0xb4: {  	[dreg:$0x2] =	wrdreg s24  }
0xb5: {  	[dreg:$0x3] =	wrdreg s16  }
0xb6: {  	[dreg:$0x4] =	wrdreg s17  }
0xb7: {  	[dreg:$0x5] =	wrdreg $0x88000  }
0xb8: {  	[dreg:$0x6] =	wrdreg $0xA  }
0xb9: {  	_ =	task.clear_ibuf [dreg:s8], $0x7FFFF;
	_ =	strace $0x90000049  }
0xba: {  	s29 =	simm.s32 $0xA;
	_ =	strace $0x8000004B  }
0xbb: {  	_ =	swait.ge [sflag:s29], $0x1  }
0xbc: {  	[sflag:s29] =	ssyncadd.s32 $0xFFFFFFFF  }
0xbd: {  	_ =	strace $0x9000004B  }
0xbe: {  	_ =	sfence  }
0xbf: {  	s30 =	sld [smem:$0x0];
	_ =	sdelay $0x2  }
0xc0: {  	s31 =	sshll.u32 s1, $0xD;
	s1 =	sshrl.u32 s1, $0x2  }
0xc1: {  	s3 =	sand.u32 $0x4000, s31;
	s1 =	sadd.s32 s1, s30  }
0xc2: {  	s0 =	sor.u32 s3, s0;
	s1 =	sshll.u32 s1, $0x11  }
0xc3: {  	s0 =	sor.u32 s1, s0  }
0xc4: {  	s0 =	sadd.s32 $0x8F2B, s0  }
0xc5: {  	[sflag:s0] =	ssyncadd.remote.s32 $0x1  }
0xc6: {  	_ =	sfence.sel $0xFFFF  }
0xc7: {  	[dreg:$0x0] =	wrdreg $0xFFFFFFFF;
	(pc) =	sbr.abs _section_cstart, $3  }
0xc8: {  	[dreg:$0x1] =	wrdreg $0xFFFFFFFF  }
0xc9: {  	_ =	task.clear_ibuf [dreg:s8], $0x2FFFF;
	_ =	strace $0x9FFFFFFF  }
0xca: {  	(tm) =	ssettm $0x7FFFFFFF  }
0xcb: {  	_ =	shalt  }
tec
execute0_lowered:
.L_overlay_start_1:
0x0: {  	(tag) =	ssettag $0x1  }
0x1: {  	s0 =	rddreg [dreg:$0x0]  }
0x2: {  	s1 =	rddreg [dreg:$0x1]  }
0x3: {  	s4 =	rddreg [dreg:$0x2]  }
0x4: {  	s2 =	rddreg [dreg:$0x3];
	s3 =	simm.s32 $0x0  }
0x5: {  	s5 =	srdreg.scid;
	s21 =	stileid.u32;
	s16 =	simm.s32 $0x1  }
0x6: {  	s17 =	simm.s32 $0x3;
	s18 =	simm.s32 $0x64;
	s19 =	simm.s32 $0x2000  }
0x7: {  	[smem:$0x7FF] =	sst s3;
	s6 =	sand.u32 $0x1, s5;
	s9 =	smul.u32 $0x5000, s21  }
0x8: {  	s11 =	sadd.s32 $0x17600, s0;
	s12 =	sadd.s32 $0xD600, s0;
	s10 =	smul.u32 $0x4F000, s21  }
0x9: {  	s0 =	sadd.s32 $0xAE00, s0;
	s26 =	smul.u32 $0x13C00, s21;
	s28 =	sshll.u32 s21, $0x6  }
0xa: {  	s15 =	smul.u32 $0xA00, s21;
	s21 =	simm.s32 $0x5400;
	_ =	strace $0x8000004A  }
0xb: {  	s7 =	smul.u32 $0x50000, s6;
	s8 =	ssub.s32 $0x2, s6;
	[dreg:$0x5] =	wrdreg s0  }
0xc: {  	s13 =	smul.u32 $0x13C000, s6;
	s22 =	sshrl.u32 s8, $0x1;
	s25 =	sshrl.u32 s9, $0x3  }
0xd: {  	s10 =	sshrl.u32 s10, $0x2;
	s31 =	sadd.s32 s15, s12;
	s15 =	simm.s32 $0x9  }
0xe: {  	s0 =	ssub.s32 s8, s22;
	s23 =	sadd.s32 s9, s7;
	s7 =	sadd.s32 s12, s25  }
0xf: {  	s14 =	sadd.s32 s10, s2;
	s9 =	sadd.s32 s26, s13;
	s8 =	sor.u32 $0x1C09, s28  }
0x10: {  	s12 =	sadd.s32 $0x100, s31;
	s22 =	simm.s32 $0x5;
	s25 =	simm.s32 $0x8  }
0x11: {  	s26 =	simm.s32 $0x0;
	s24 =	sshrl.u32 s23, $0x3;
	s9 =	sshrl.u32 s9, $0x3  }
0x12: {  	s29 =	sor.u32 $0x800, s23;
	s10 =	smax.u32 s0, $0x1;
	s14 =	sshrl.u32 s14, $0x3  }
0x13: {  	s23 =	simm.s32 $0x6;
	s6 =	sadd.s32 s11, s24;
	s30 =	sshrl.u32 s29, $0x3  }
0x14: {  	s9 =	sadd.s32 s4, s9;
	s24 =	simm.s32 $0x7;
	s11 =	sadd.s32 s30, s11  }
.LBB2_1:
0x15: {  	[tilespmem:s3], [sflag:$0x1] =	stream.linear.gather [hbm4b:s6+s3], $0x500, $0x38;
	[tilespmem:$0x1C400] =	vst v63  }
0x16: {  	s0 =	simm.s32 $0x1000;
	s20 =	rddreg [dreg:$0x5]  }
0x17: {  	[tilespmem:s0], [sflag:$0x3] =	stream.linear.gather [hbm4b:s7+s3], $0x500, $0x38;
	[tilespmem:$0x1C400] =	vst v63  }
0x18: {  	[spmem:s14], [sflag:s8] =	dma.local [hbm:s20], $0x2780  }
0x19: {  	_ =	swait.ge [sflag:s15], $0x2780  }
0x1a: {  	[sflag:s15] =	ssyncset.done $0x0  }
0x1b: {  	[sflag:s15] =	ssyncadd.s32 $0xFFFFD880  }
0x1c: {  	[bflag:$0x0] =	sbarrier.arrive $0xFFFF  }
0x1d: {  	_ =	swait.ge [sflag:s16], $0x500  }
0x1e: {  	[sflag:s16] =	ssyncset.done $0x0  }
0x1f: {  	[sflag:s16] =	ssyncadd.s32 $0xFFFFFB00  }
0x20: {  	_ =	swait.ge [sflag:s17], $0x500  }
0x21: {  	[sflag:s17] =	ssyncset.done $0x0  }
0x22: {  	s31 =	simm.s32 $0x80;
	[sflag:s17] =	ssyncadd.s32 $0xFFFFFB00  }
0x23: {  	[tilespmem:s19], [sflag:$0x5] =	stream.indirect.gather [hbm4b:s1+s18], $0x80, s3, s18, $0xb8;
	[tilespmem:$0x1C400] =	vst v63  }
0x24: {  	s28 =	smov.u32 s12;
	s29 =	smov.u32 s11;
	s30 =	simm.s32 $0x0  }
0x25: {  	[tilespmem:s21], [sflag:$0x6] =	stream.indirect.gather [hbm4b:s1+s18], $0x80, s31, s18, $0xb8;
	[tilespmem:$0x1C400] =	vst v63  }
.LBB2_2:
0x26: {  	s4 =	sand.u32 $0x1, s30;
	p0 =	seq.s32 s30, $0x9  }
0x27: {  	s13 =	sxor.u32 $0x1, s4;
	s20 =	simm.s32 @!p0 $0x0  }
0x28: {  	p1 =	seq.s32 @!p0 s30, $0x0;
	s31 =	sshll.u32 @!p0 s13, $0xB;
	s0 =	sadd.s32 @!p0 $0x1, s13  }
0x29: {  	[tilespmem:s31], [sflag:s0] =	stream.linear.gather @!p0 [hbm4b:s29+s20], $0x500, $0x38;
	[tilespmem:$0x1C400] =	vst v63  }
0x2a: {  	s13 =	sadd.s32 @!p0 $0x3, s13;
	p1 =	por p0, !p1;
	s5 =	sor.u32 @!p0 $0x1000, s31  }
0x2b: {  	[tilespmem:s5], [sflag:s13] =	stream.linear.gather @!p0 [hbm4b:s28+s20], $0x500, $0x38;
	[tilespmem:$0x1C400] =	vst v63  }
0x2c: {  	s5 =	sadd.s32 @p1 $0x3, s4  }
0x2d: {  	_ =	swait.ge @p1 [sflag:s5], $0x500  }
0x2e: {  	[sflag:s5] =	ssyncset.done @p1 $0x0  }
0x2f: {  	[sflag:s5] =	ssyncadd.s32 @p1 $0xFFFFFB00  }
0x30: {  	_ =	swait.ge [sflag:s22], $0x3200  }
0x31: {  	s4 =	sshll.u32 s4, $0xB;
	[sflag:s22] =	ssyncset.done $0x0  }
0x32: {  	s20 =	sor.u32 $0x1000, s4;
	[sflag:s22] =	ssyncadd.s32 $0xFFFFCE00  }
0x33: {  	[spmem:s2] =	stream.indirect.scatter.add.f32 [tilespmem:s19], [sflag:$0x7], $0x80, s20, s18, $0xb8;
	[tilespmem:$0x1C400] =	vst v63  }
0x34: {  	_ =	swait.ge [sflag:s23], $0x3200  }
0x35: {  	[sflag:s23] =	ssyncset.done $0x0  }
0x36: {  	s13 =	sor.u32 $0x1080, s4;
	[sflag:s23] =	ssyncadd.s32 $0xFFFFCE00  }
0x37: {  	[spmem:s2] =	stream.indirect.scatter.add.f32 [tilespmem:s21], [sflag:$0x8], $0x80, s13, s18, $0xb8;
	[tilespmem:$0x1C400] =	vst v63  }
0x38: {  	_ =	swait.ge [sflag:s24], $0x3200  }
0x39: {  	[sflag:s24] =	ssyncset.done $0x0  }
0x3a: {  	s20 =	sor.u32 $0x100, s4;
	[sflag:s24] =	ssyncadd.s32 $0xFFFFCE00  }
0x3b: {  	[tilespmem:s19], [sflag:$0x5] =	stream.indirect.gather [hbm4b:s1+s18], $0x80, s20, s18, $0xb8;
	[tilespmem:$0x1C400] =	vst v63  }
0x3c: {  	_ =	swait.ge [sflag:s25], $0x3200  }
0x3d: {  	[sflag:s25] =	ssyncset.done $0x0  }
0x3e: {  	s13 =	sor.u32 $0x180, s4;
	[sflag:s25] =	ssyncadd.s32 $0xFFFFCE00  }
0x3f: {  	[tilespmem:s21], [sflag:$0x6] =	stream.indirect.gather [hbm4b:s1+s18], $0x80, s13, s18, $0xb8;
	[tilespmem:$0x1C400] =	vst v63  }
0x40: {  	_ =	swait.ge [sflag:s22], $0x3200  }
0x41: {  	[sflag:s22] =	ssyncset.done $0x0  }
0x42: {  	s20 =	sor.u32 $0x1100, s4;
	[sflag:s22] =	ssyncadd.s32 $0xFFFFCE00  }
0x43: {  	[spmem:s2] =	stream.indirect.scatter.add.f32 [tilespmem:s19], [sflag:$0x7], $0x80, s20, s18, $0xb8;
	[tilespmem:$0x1C400] =	vst v63  }
0x44: {  	_ =	swait.ge [sflag:s23], $0x3200  }
0x45: {  	[sflag:s23] =	ssyncset.done $0x0  }
0x46: {  	s13 =	sor.u32 $0x1180, s4;
	[sflag:s23] =	ssyncadd.s32 $0xFFFFCE00  }
0x47: {  	[spmem:s2] =	stream.indirect.scatter.add.f32 [tilespmem:s21], [sflag:$0x8], $0x80, s13, s18, $0xb8;
	[tilespmem:$0x1C400] =	vst v63  }
0x48: {  	_ =	swait.ge [sflag:s24], $0x3200  }
0x49: {  	[sflag:s24] =	ssyncset.done $0x0  }
0x4a: {  	s20 =	sor.u32 $0x200, s4;
	[sflag:s24] =	ssyncadd.s32 $0xFFFFCE00  }
0x4b: {  	[tilespmem:s19], [sflag:$0x5] =	stream.indirect.gather [hbm4b:s1+s18], $0x80, s20, s18, $0xb8;
	[tilespmem:$0x1C400] =	vst v63  }
0x4c: {  	_ =	swait.ge [sflag:s25], $0x3200  }
0x4d: {  	[sflag:s25] =	ssyncset.done $0x0  }
0x4e: {  	s13 =	sor.u32 $0x280, s4;
	[sflag:s25] =	ssyncadd.s32 $0xFFFFCE00  }
0x4f: {  	[tilespmem:s21], [sflag:$0x6] =	stream.indirect.gather [hbm4b:s1+s18], $0x80, s13, s18, $0xb8;
	[tilespmem:$0x1C400] =	vst v63  }
0x50: {  	_ =	swait.ge [sflag:s22], $0x3200  }
0x51: {  	[sflag:s22] =	ssyncset.done $0x0  }
0x52: {  	s20 =	sor.u32 $0x1200, s4;
	[sflag:s22] =	ssyncadd.s32 $0xFFFFCE00  }
0x53: {  	[spmem:s2] =	stream.indirect.scatter.add.f32 [tilespmem:s19], [sflag:$0x7], $0x80, s20, s18, $0xb8;
	[tilespmem:$0x1C400] =	vst v63  }
0x54: {  	_ =	swait.ge [sflag:s23], $0x3200  }
0x55: {  	[sflag:s23] =	ssyncset.done $0x0  }
0x56: {  	s13 =	sor.u32 $0x1280, s4;
	[sflag:s23] =	ssyncadd.s32 $0xFFFFCE00  }
0x57: {  	[spmem:s2] =	stream.indirect.scatter.add.f32 [tilespmem:s21], [sflag:$0x8], $0x80, s13, s18, $0xb8;
	[tilespmem:$0x1C400] =	vst v63  }
0x58: {  	_ =	swait.ge [sflag:s24], $0x3200  }
0x59: {  	[sflag:s24] =	ssyncset.done $0x0  }
0x5a: {  	s20 =	sor.u32 $0x300, s4;
	[sflag:s24] =	ssyncadd.s32 $0xFFFFCE00  }
0x5b: {  	[tilespmem:s19], [sflag:$0x5] =	stream.indirect.gather [hbm4b:s1+s18], $0x80, s20, s18, $0xb8;
	[tilespmem:$0x1C400] =	vst v63  }
0x5c: {  	_ =	swait.ge [sflag:s25], $0x3200  }
0x5d: {  	[sflag:s25] =	ssyncset.done $0x0  }
0x5e: {  	s13 =	sor.u32 $0x380, s4;
	[sflag:s25] =	ssyncadd.s32 $0xFFFFCE00  }
0x5f: {  	[tilespmem:s21], [sflag:$0x6] =	stream.indirect.gather [hbm4b:s1+s18], $0x80, s13, s18, $0xb8;
	[tilespmem:$0x1C400] =	vst v63  }
0x60: {  	_ =	swait.ge [sflag:s22], $0x3200  }
0x61: {  	[sflag:s22] =	ssyncset.done $0x0  }
0x62: {  	s20 =	sor.u32 $0x1300, s4;
	[sflag:s22] =	ssyncadd.s32 $0xFFFFCE00  }
0x63: {  	[spmem:s2] =	stream.indirect.scatter.add.f32 [tilespmem:s19], [sflag:$0x7], $0x80, s20, s18, $0xb8;
	[tilespmem:$0x1C400] =	vst v63  }
0x64: {  	_ =	swait.ge [sflag:s23], $0x3200  }
0x65: {  	[sflag:s23] =	ssyncset.done $0x0  }
0x66: {  	s13 =	sor.u32 $0x1380, s4;
	[sflag:s23] =	ssyncadd.s32 $0xFFFFCE00  }
0x67: {  	[spmem:s2] =	stream.indirect.scatter.add.f32 [tilespmem:s21], [sflag:$0x8], $0x80, s13, s18, $0xb8;
	[tilespmem:$0x1C400] =	vst v63  }
0x68: {  	_ =	swait.ge [sflag:s24], $0x3200  }
0x69: {  	[sflag:s24] =	ssyncset.done $0x0  }
0x6a: {  	s20 =	sor.u32 $0x400, s4;
	[sflag:s24] =	ssyncadd.s32 $0xFFFFCE00  }
0x6b: {  	[tilespmem:s19], [sflag:$0x5] =	stream.indirect.gather [hbm4b:s1+s18], $0x80, s20, s18, $0xb8;
	[tilespmem:$0x1C400] =	vst v63  }
0x6c: {  	_ =	swait.ge [sflag:s25], $0x3200  }
0x6d: {  	[sflag:s25] =	ssyncset.done $0x0  }
0x6e: {  	s13 =	sor.u32 $0x480, s4;
	[sflag:s25] =	ssyncadd.s32 $0xFFFFCE00  }
0x6f: {  	[tilespmem:s21], [sflag:$0x6] =	stream.indirect.gather [hbm4b:s1+s18], $0x80, s13, s18, $0xb8;
	[tilespmem:$0x1C400] =	vst v63  }
0x70: {  	_ =	swait.ge [sflag:s22], $0x3200  }
0x71: {  	[sflag:s22] =	ssyncset.done $0x0  }
0x72: {  	s20 =	sor.u32 $0x1400, s4;
	[sflag:s22] =	ssyncadd.s32 $0xFFFFCE00  }
0x73: {  	[spmem:s2] =	stream.indirect.scatter.add.f32 [tilespmem:s19], [sflag:$0x7], $0x80, s20, s18, $0xb8;
	[tilespmem:$0x1C400] =	vst v63  }
0x74: {  	_ =	swait.ge [sflag:s23], $0x3200  }
0x75: {  	[sflag:s23] =	ssyncset.done $0x0  }
0x76: {  	s4 =	sor.u32 $0x1480, s4;
	[sflag:s23] =	ssyncadd.s32 $0xFFFFCE00  }
0x77: {  	[spmem:s2] =	stream.indirect.scatter.add.f32 [tilespmem:s21], [sflag:$0x8], $0x80, s4, s18, $0xb8;
	[tilespmem:$0x1C400] =	vst v63  }
0x78: {  	_ =	swait.ge @!p0 [sflag:s0], $0x500  }
0x79: {  	[sflag:s0] =	ssyncset.done @!p0 $0x0  }
0x7a: {  	s30 =	sadd.s32 $0x1, s30;
	[sflag:s0] =	ssyncadd.s32 @!p0 $0xFFFFFB00;
	s0 =	simm.s32 @!p0 $0x7  }
0x7b: {  	p1 =	sne.s32 @!p0 s30, $0xA;
	_ =	swait.ge @!p0 [sflag:s0], $0x3200  }
0x7c: {  	p1 =	por p0, !p1;
	[sflag:s0] =	ssyncset.done @!p0 $0x0  }
0x7d: {  	s4 =	simm.s32 @!p0 $0x2000;
	[sflag:s0] =	ssyncadd.s32 @!p0 $0xFFFFCE00;
	s0 =	simm.s32 @!p0 $0x64  }
0x7e: {  	[tilespmem:s4], [sflag:$0x5] =	stream.indirect.gather @!p0 [hbm4b:s1+s0], $0x80, s31, s0, $0xb8;
	[tilespmem:$0x1C400] =	vst v63  }
.Ltmp0:
0x7f: {  	s4 =	simm.s32 @!p0 $0x8;
	(pc) =	sbr.rel @!p1 .LBB2_2-.Ltmp0, $4  }
0x80: {  	_ =	swait.ge @!p0 [sflag:s4], $0x3200  }
0x81: {  	s29 =	sadd.s32 @!p0 $0x100, s29;
	s28 =	sadd.s32 @!p0 $0x100, s28;
	[sflag:s4] =	ssyncset.done @!p0 $0x0  }
0x82: {  	s5 =	simm.s32 @!p0 $0x5400;
	[sflag:s4] =	ssyncadd.s32 @!p0 $0xFFFFCE00;
	s4 =	sor.u32 @!p0 $0x80, s31  }
0x83: {  	[tilespmem:s5], [sflag:$0x6] =	stream.indirect.gather @!p0 [hbm4b:s1+s0], $0x80, s4, s0, $0xb8;
	[tilespmem:$0x1C400] =	vst v63  }
0x84: {  	_ =	swait.ge [sflag:s24], $0x3200  }
0x85: {  	[sflag:s24] =	ssyncset.done $0x0  }
0x86: {  	[sflag:s24] =	ssyncadd.s32 $0xFFFFCE00  }
0x87: {  	_ =	swait.ge [sflag:s25], $0x3200  }
0x88: {  	s26 =	sadd.s32 $0x1, s26;
	[sflag:s25] =	ssyncset.done $0x0  }
0x89: {  	p0 =	sne.s32 s26, s10;
	[sflag:s25] =	ssyncadd.s32 $0xFFFFCE00  }
.Ltmp1:
0x8a: {  	[bflag:$0x0] =	sbarrier.arrive $0xFFFF;
	(pc) =	sbr.rel @p0 .LBB2_1-.Ltmp1, $4  }
0x8b: {  	[hbm:s9], [sflag:s8] =	dma.local [spmem:s14], $0x2780  }
0x8c: {  	_ =	swait.ge [sflag:s15], $0x2780  }
0x8d: {  	[sflag:s15] =	ssyncset.done $0x0  }
0x8e: {  	[sflag:s15] =	ssyncadd.s32 $0xFFFFD880  }
0x8f: {  	_ =	sfence.sel $0x180000  }
0x90: {  	[bflag:$0x0] =	sbarrier.arrive $0xFFFF  }
0x91: {  	_ =	strace $0x9000004A  }
0x92: {  	s0 =	stileid.u32;
	[bflag:$0x2] =	sbarrier.arrive $0xFFFF  }
0x93: {  	p0 =	sne.s32 s0, $0x0;
	s0 =	rddreg [dreg:$0x4]  }
0x94: {  	s0 =	sadd.s32 @!p0 $0x100000, s0  }
0x95: {  	[sflag:s0] =	ssyncadd.tile.s32 @!p0 $0x1;
	_ =	shalt  }
.Lfunc_end2:
_tile_overlayer_lowered:
.L_overlay_start_2:
0x96: {  	(tag) =	ssettag $0x2  }
0x97: {  	s0 =	rddreg [dreg:$0x0];
	s2 =	stileid.u32  }
0x98: {  	s1 =	rddreg [dreg:$0x1];
	p0 =	sne.s32 s2, $0x0  }
0x99: {  	s3 =	rddreg [dreg:$0x2];
	[bflag:$0x3] =	sbarrier.arrive $0xFFFF;
	s2 =	simm.s32 @!p0 $0x1C09  }
0x9a: {  	[timem:s3], [sflag:s2] =	dma.local @!p0 [hbm:s0], s1  }
0x9b: {  	s0 =	simm.s32 @!p0 $0x9  }
0x9c: {  	_ =	swait.ge @!p0 [sflag:s0], s1  }
0x9d: {  	s1 =	ssub.s32 @!p0 $0x0, s1;
	[sflag:s0] =	ssyncset.done @!p0 $0x0  }
0x9e: {  	[sflag:s0] =	ssyncadd.s32 @!p0 s1  }
0x9f: {  	[bflag:$0x3] =	sbarrier.arrive $0xFFFF  }
0xa0: {  	_ =	shalt  }

// kernel: kernel.20.cloned.1.call-start
scs
__scs_entry_jumppad:
0x0: {  	(pc) =	sbr.rel $0x88, $3  }
0x1: {  	(tag) =	ssettag $0x0;
	lr =	simm.s32 $0x1  }
0x2: {  	[smem:$0x3F9B] =	sst lr;
	_ =	strace $0xD0000000  }
0x3: {  	_ = 	snop  }
0x4: {  	_ = 	snop  }
0x5: {  	_ = 	snop  }
0x6: {  	_ = 	snop  }
0x7: {  	_ = 	snop  }
__scs_overlays_trampoline_lowered:
0x8: {  	[smem:$0x3FAA] =	sst s0  }
0x9: {  	[smem:$0x3FAB] =	sst s1  }
0xa: {  	[smem:$0x3FAC] =	sst s2  }
0xb: {  	[smem:$0x3FAD] =	sst s3  }
0xc: {  	[smem:$0x3FAE] =	sst s4  }
0xd: {  	[smem:$0x3FAF] =	sst s5  }
0xe: {  	[smem:$0x3FB0] =	sst s6  }
0xf: {  	[smem:$0x3FB1] =	sst s7  }
0x10: {  	[smem:$0x3FB2] =	sst s8  }
0x11: {  	[smem:$0x3FB3] =	sst s9;
	s0 =	simm.s32 @!p0 $0x0  }
0x12: {  	s1 =	sld [smem:$0x3F99];
	s0 =	simm.s32 @p0 $0x1  }
0x13: {  	[smem:$0x3FB4] =	sst s0;
	s0 =	simm.s32 @!p1 $0x0  }
0x14: {  	s2 =	sld [smem:$0x3F98];
	s0 =	simm.s32 @p1 $0x1  }
0x15: {  	[smem:$0x3FB5] =	sst s0;
	s0 =	simm.s32 @!p2 $0x0  }
0x16: {  	s3 =	sld [smem:$0x3FDB];
	s0 =	simm.s32 @p2 $0x1  }
0x17: {  	s4 =	simm.s32 $0x1BF5;
	[smem:$0x3FB7] =	sst s0  }
0x18: {  	s0 =	sld [smem:$0x3F9A];
	_ =	swait.ge [sflag:s4], $0x0  }
0x19: {  	s7 =	sld [smem:$0x3F9B]  }
0x1a: {  	s8 =	sadd.s32 $0xFFFFE003, lr  }
0x1b: {  	s9 =	sadd.s32 $0xFFFFFEF7, lr;
	s5 =	simm.s32 $0xFFFFFFFF;
	p2 =	slt.u32 s8, $0xFFFFF086  }
0x1c: {  	p1 =	slt.u32 s9, $0xF7A;
	s5 =	simm.s32 @!p2 $0x0  }
0x1d: {  	s5 =	simm.s32 @p1 $0x1;
	p0 =	seq.s32 s7, s2  }
0x1e: {  	s7 =	smul.u32 @!p0 $0xF7A, s2;
	p2 =	seq.s32 @!p0 s5, $0x0  }
0x1f: {  	s9 =	smul.u32 $0xF7A, s1;
	s8 =	simm.s32 @!p0 $0x1BF5;
	p2 =	por !p2, p0  }
0x20: {  	[sflag:s8] =	ssyncset.s32 @!p0 $0xFFFFF086;
	s6 =	sadd.s32 @!p0 s3, s7;
	s7 =	simm.s32 @!p0 $0x108  }
0x21: {  	s3 =	sadd.s32 s3, s9;
	s6 =	sadd.s32 @!p0 $0x88, s6;
	s7 =	simm.s32 @p2 $0x1082  }
0x22: {  	[simem:s7], [sflag:s8] =	dma.local @!p0 [hbm:s6], $0xF7A  }
0x23: {  	s9 =	sor.u32 $0xD0000000, s2;
	s6 =	simm.s32 $0x108;
	_ =	swait.ge @!p0 [sflag:s8], $0x0  }
0x24: {  	s3 =	sadd.s32 $0x88, s3;
	s6 =	simm.s32 @!p1 $0x1082;
	[sflag:s4] =	ssyncset.s32 $0xFFFFF086  }
0x25: {  	[simem:s6], [sflag:s4] =	dma.local [hbm:s3], $0xF7A  }
0x26: {  	[smem:$0x3F9B] =	sst s1;
	(tag) =	ssettag s2;
	_ =	strace s9  }
0x27: {  	s1 =	sld [smem:$0x3FAB]  }
0x28: {  	s2 =	sld [smem:$0x3FAC]  }
0x29: {  	s4 =	sld [smem:$0x3FAE]  }
0x2a: {  	p0 =	seq.s32 s5, $0x0;
	s5 =	sld [smem:$0x3FAF]  }
0x2b: {  	s6 =	sld [smem:$0x3FB0]  }
0x2c: {  	s7 =	sld [smem:$0x3FB1]  }
0x2d: {  	s3 =	simm.s32 $0x108;
	s8 =	sld [smem:$0x3FB2]  }
0x2e: {  	s3 =	simm.s32 @!p0 $0x1082;
	s9 =	sld [smem:$0x3FB3]  }
0x2f: {  	lr =	sadd.s32 s0, s3;
	s0 =	sld [smem:$0x3FAA]  }
0x30: {  	s3 =	sld [smem:$0x3FAD]  }
0x31: {  	[smem:$0x3FB6] =	sst s10  }
0x32: {  	s10 =	sld [smem:$0x3FB4];
	_ =	sdelay $0x3  }
0x33: {  	p0 =	seq.s32 s10, $0x1;
	s10 =	sld [smem:$0x3FB6];
	_ =	sdelay $0x3  }
0x34: {  	[smem:$0x3FB6] =	sst s10  }
0x35: {  	s10 =	sld [smem:$0x3FB5];
	_ =	sdelay $0x3  }
0x36: {  	p1 =	seq.s32 s10, $0x1;
	s10 =	sld [smem:$0x3FB6];
	_ =	sdelay $0x3  }
0x37: {  	[smem:$0x3FB6] =	sst s10  }
0x38: {  	s10 =	sld [smem:$0x3FB7]  }
0x39: {  	_ = 	snop;
	(pc) =	sbr.ind lr, $3  }
0x3a: {  	_ = 	snop  }
0x3b: {  	_ = 	snop  }
0x3c: {  	p2 =	seq.s32 s10, $0x1;
	s10 =	sld [smem:$0x3FB6]  }
0x3d: {  	_ =	shalt  }
0x3e: {  	_ =	shalt  }
0x3f: {  	_ =	shalt  }
0x40: {  	_ =	shalt  }
0x41: {  	_ =	shalt  }
0x42: {  	_ =	shalt  }
0x43: {  	_ =	shalt  }
0x44: {  	_ =	shalt  }
0x45: {  	_ =	shalt  }
0x46: {  	_ =	shalt  }
0x47: {  	_ =	shalt  }
0x48: {  	_ =	shalt  }
0x49: {  	_ =	shalt  }
0x4a: {  	_ =	shalt  }
0x4b: {  	_ =	shalt  }
0x4c: {  	_ =	shalt  }
0x4d: {  	_ =	shalt  }
0x4e: {  	_ =	shalt  }
0x4f: {  	_ =	shalt  }
0x50: {  	_ =	shalt  }
0x51: {  	_ =	shalt  }
0x52: {  	_ =	shalt  }
0x53: {  	_ =	shalt  }
0x54: {  	_ =	shalt  }
0x55: {  	_ =	shalt  }
0x56: {  	_ =	shalt  }
0x57: {  	_ =	shalt  }
0x58: {  	_ =	shalt  }
0x59: {  	_ =	shalt  }
0x5a: {  	_ =	shalt  }
0x5b: {  	_ =	shalt  }
0x5c: {  	_ =	shalt  }
0x5d: {  	_ =	shalt  }
0x5e: {  	_ =	shalt  }
0x5f: {  	_ =	shalt  }
0x60: {  	_ =	shalt  }
0x61: {  	_ =	shalt  }
0x62: {  	_ =	shalt  }
0x63: {  	_ =	shalt  }
0x64: {  	_ =	shalt  }
0x65: {  	_ =	shalt  }
0x66: {  	_ =	shalt  }
0x67: {  	_ =	shalt  }
0x68: {  	_ =	shalt  }
0x69: {  	_ =	shalt  }
0x6a: {  	_ =	shalt  }
0x6b: {  	_ =	shalt  }
0x6c: {  	_ =	shalt  }
0x6d: {  	_ =	shalt  }
0x6e: {  	_ =	shalt  }
0x6f: {  	_ =	shalt  }
0x70: {  	_ =	shalt  }
0x71: {  	_ =	shalt  }
0x72: {  	_ =	shalt  }
0x73: {  	_ =	shalt  }
0x74: {  	_ =	shalt  }
0x75: {  	_ =	shalt  }
0x76: {  	_ =	shalt  }
0x77: {  	_ =	shalt  }
0x78: {  	_ =	shalt  }
0x79: {  	_ =	shalt  }
0x7a: {  	_ =	shalt  }
0x7b: {  	_ =	shalt  }
0x7c: {  	_ =	shalt  }
0x7d: {  	_ =	shalt  }
0x7e: {  	_ =	shalt  }
0x7f: {  	_ =	shalt  }
0x80: {  	_ =	shalt  }
0x81: {  	_ =	shalt  }
0x82: {  	_ =	shalt  }
0x83: {  	_ =	shalt  }
0x84: {  	_ =	shalt  }
0x85: {  	_ =	shalt  }
0x86: {  	_ =	shalt  }
0x87: {  	_ =	shalt  }
.Lfunc_end0:
.L_simem_size_0:
called_computation.3_lowered:
.L_overlay_start_0:
0x88: {  	s2 =	sld [smem:$0x3FD9]  }
0x89: {  	s3 =	sld [smem:$0x3FFE];
	_ =	sdelay $0x1  }
0x8a: {  	s1 =	srdreg.scid  }
0x8b: {  	s0 =	sand.u32 $0x1, s1  }
0x8c: {  	s14 =	sshll.u32 s0, $0xA;
	s2 =	sadd.s32 s3, s2  }
0x8d: {  	s2 =	sadd.s32 s2, s14  }
0x8e: {  	[smem:$0x3FC2] =	sst s2  }
0x8f: {  	_ = 	snop  }
0x90: {  	s2 =	sld [smem:$0x3FD0];
	_ =	sdelay $0x2  }
0x91: {  	s15 =	simm.s32 $0xB;
	s4 =	simm.s32 $0x10  }
0x92: {  	[smem:s4], [sflag:s15] =	dma.local [hbm:s2], $0x1  }
0x93: {  	_ =	swait.eq [sflag:s15], $0x1  }
0x94: {  	[sflag:s15] =	ssyncset.done $0x0  }
0x95: {  	s16 =	sld [smem:$0x10];
	[sflag:s15] =	ssyncadd.s32 $0xFFFFFFFF  }
0x96: {  	s17 =	sld [smem:$0x11];
	(tm) =	ssettm $0x1  }
0x97: {  	s18 =	sld [smem:$0x3FFB];
	_ =	sdelay $0x3  }
0x98: {  	_ =	strace s18  }
0x99: {  	s4 =	sld [smem:$0x3FFC];
	_ =	sdelay $0x3  }
0x9a: {  	_ =	strace s4  }
0x9b: {  	s4 =	sld [smem:$0x3FFD];
	_ =	sdelay $0x3  }
0x9c: {  	_ =	strace s4  }
0x9d: {  	_ =	strace $0x8FFFFFFF  }
0x9e: {  	s19 =	sld [smem:$0x3FDB];
	_ =	sdelay $0x1  }
0x9f: {  	s5 =	simm.s32 $_scs_section_size  }
0xa0: {  	s6 =	simm.s32 $_size__tile_overlayer_lowered;
	s7 =	simm.s32 $_tile_overlayer_lowered  }
0xa1: {  	s22 =	simm.s32 $0x1BFF;
	s21 =	sshll.u32 s7, $0x1;
	s4 =	sadd.s32 s5, s19  }
0xa2: {  	s8 =	simm.s32 $0x0;
	s20 =	sshll.u32 s6, $0x1;
	s6 =	sadd.s32 s21, s4  }
0xa3: {  	[timem:s8], [sflag:s22] =	dma.local [hbm:s6], s20  }
0xa4: {  	_ =	swait.ge [sflag:s22], s20  }
0xa5: {  	s5 =	ssub.s32 $0x0, s20;
	[sflag:s22] =	ssyncset.done $0x0  }
0xa6: {  	[sflag:s22] =	ssyncadd.s32 s5;
	_ =	sdelay $0x1  }
0xa7: {  	s23 =	simm.s32 $0x1B8B  }
0xa8: {  	_ =	swait.ge [sflag:s23], $0x1  }
0xa9: {  	[sflag:s23] =	ssyncset.done $0x0  }
0xaa: {  	s25 =	simm.s32 $0x1B8E;
	s24 =	sld [smem:$0x3FFE];
	[sflag:s23] =	ssyncadd.s32 $0xFFFFFFFF  }
0xab: {  	s26 =	simm.s32 $execute0_lowered;
	[smem:$0x3FD2] =	sst s25  }
0xac: {  	s6 =	sshll.u32 s26, $0x1;
	_ =	strace $0x8000004F;
	[dreg:$0x1] =	wrdreg $0xFFFFFFFF  }
0xad: {  	s28 =	simm.s32 $_size_execute0_lowered;
	s4 =	sadd.s32 s4, s6;
	[dreg:$0x0] =	wrdreg $0x0  }
0xae: {  	s6 =	sshll.u32 s28, $0x1;
	[dreg:$0x2] =	wrdreg s4  }
0xaf: {  	[dreg:$0x3] =	wrdreg s6  }
0xb0: {  	[dreg:$0x4] =	wrdreg $0xC0  }
0xb1: {  	_ =	task [dreg:s8], $0x5FFFF  }
0xb2: {  	[dreg:$0x1] =	wrdreg $0xFFFFFFFF  }
0xb3: {  	[dreg:$0x0] =	wrdreg $0x60  }
0xb4: {  	[dreg:$0x2] =	wrdreg s24  }
0xb5: {  	[dreg:$0x3] =	wrdreg s16  }
0xb6: {  	[dreg:$0x4] =	wrdreg s17  }
0xb7: {  	[dreg:$0x5] =	wrdreg $0x88000  }
0xb8: {  	[dreg:$0x6] =	wrdreg $0x9  }
0xb9: {  	_ =	task.clear_ibuf [dreg:s8], $0x7FFFF;
	_ =	strace $0x9000004F  }
0xba: {  	s29 =	simm.s32 $0x9;
	_ =	strace $0x80000051  }
0xbb: {  	_ =	swait.ge [sflag:s29], $0x1  }
0xbc: {  	[sflag:s29] =	ssyncadd.s32 $0xFFFFFFFF  }
0xbd: {  	_ =	strace $0x90000051  }
0xbe: {  	_ =	sfence  }
0xbf: {  	s30 =	sld [smem:$0x0];
	_ =	sdelay $0x2  }
0xc0: {  	s31 =	sshll.u32 s1, $0xD;
	s1 =	sshrl.u32 s1, $0x2  }
0xc1: {  	s3 =	sand.u32 $0x4000, s31;
	s1 =	sadd.s32 s1, s30  }
0xc2: {  	s0 =	sor.u32 s3, s0;
	s1 =	sshll.u32 s1, $0x11  }
0xc3: {  	s0 =	sor.u32 s1, s0  }
0xc4: {  	s0 =	sadd.s32 $0x8F2B, s0  }
0xc5: {  	[sflag:s0] =	ssyncadd.remote.s32 $0x1  }
0xc6: {  	_ =	sfence.sel $0xFFFF  }
0xc7: {  	[dreg:$0x0] =	wrdreg $0xFFFFFFFF;
	(pc) =	sbr.abs _section_cstart, $3  }
0xc8: {  	[dreg:$0x1] =	wrdreg $0xFFFFFFFF  }
0xc9: {  	_ =	task.clear_ibuf [dreg:s8], $0x2FFFF;
	_ =	strace $0x9FFFFFFF  }
0xca: {  	(tm) =	ssettm $0x7FFFFFFF  }
0xcb: {  	_ =	shalt  }
tec
execute0_lowered:
.L_overlay_start_1:
0x0: {  	(tag) =	ssettag $0x1  }
0x1: {  	s0 =	rddreg [dreg:$0x0]  }
0x2: {  	s1 =	rddreg [dreg:$0x1]  }
0x3: {  	s4 =	rddreg [dreg:$0x2]  }
0x4: {  	s2 =	rddreg [dreg:$0x3];
	s3 =	simm.s32 $0x0  }
0x5: {  	s5 =	srdreg.scid;
	s21 =	stileid.u32;
	s16 =	simm.s32 $0x1  }
0x6: {  	s17 =	simm.s32 $0x3;
	s18 =	simm.s32 $0x64;
	s19 =	simm.s32 $0x2000  }
0x7: {  	[smem:$0x7FF] =	sst s3;
	s6 =	sand.u32 $0x1, s5;
	s9 =	smul.u32 $0x5000, s21  }
0x8: {  	s11 =	sadd.s32 $0x17600, s0;
	s12 =	sadd.s32 $0xD600, s0;
	s10 =	smul.u32 $0x4F000, s21  }
0x9: {  	s0 =	sadd.s32 $0xAE00, s0;
	s26 =	smul.u32 $0x13C00, s21;
	s28 =	sshll.u32 s21, $0x6  }
0xa: {  	s15 =	smul.u32 $0xA00, s21;
	s21 =	simm.s32 $0x5400;
	_ =	strace $0x80000050  }
0xb: {  	s7 =	smul.u32 $0x50000, s6;
	s8 =	ssub.s32 $0x2, s6;
	[dreg:$0x5] =	wrdreg s0  }
0xc: {  	s13 =	smul.u32 $0x13C000, s6;
	s22 =	sshrl.u32 s8, $0x1;
	s25 =	sshrl.u32 s9, $0x3  }
0xd: {  	s10 =	sshrl.u32 s10, $0x2;
	s31 =	sadd.s32 s15, s12;
	s15 =	simm.s32 $0x9  }
0xe: {  	s0 =	ssub.s32 s8, s22;
	s23 =	sadd.s32 s9, s7;
	s7 =	sadd.s32 s12, s25  }
0xf: {  	s14 =	sadd.s32 s10, s2;
	s9 =	sadd.s32 s26, s13;
	s8 =	sor.u32 $0x1C09, s28  }
0x10: {  	s12 =	sadd.s32 $0x100, s31;
	s22 =	simm.s32 $0x5;
	s25 =	simm.s32 $0x8  }
0x11: {  	s26 =	simm.s32 $0x0;
	s24 =	sshrl.u32 s23, $0x3;
	s9 =	sshrl.u32 s9, $0x3  }
0x12: {  	s29 =	sor.u32 $0x800, s23;
	s10 =	smax.u32 s0, $0x1;
	s14 =	sshrl.u32 s14, $0x3  }
0x13: {  	s23 =	simm.s32 $0x6;
	s6 =	sadd.s32 s11, s24;
	s30 =	sshrl.u32 s29, $0x3  }
0x14: {  	s9 =	sadd.s32 s4, s9;
	s24 =	simm.s32 $0x7;
	s11 =	sadd.s32 s30, s11  }
.LBB2_1:
0x15: {  	[tilespmem:s3], [sflag:$0x1] =	stream.linear.gather [hbm4b:s6+s3], $0x500, $0x38;
	[tilespmem:$0x1C400] =	vst v63  }
0x16: {  	s0 =	simm.s32 $0x1000;
	s20 =	rddreg [dreg:$0x5]  }
0x17: {  	[tilespmem:s0], [sflag:$0x3] =	stream.linear.gather [hbm4b:s7+s3], $0x500, $0x38;
	[tilespmem:$0x1C400] =	vst v63  }
0x18: {  	[spmem:s14], [sflag:s8] =	dma.local [hbm:s20], $0x2780  }
0x19: {  	_ =	swait.ge [sflag:s15], $0x2780  }
0x1a: {  	[sflag:s15] =	ssyncset.done $0x0  }
0x1b: {  	[sflag:s15] =	ssyncadd.s32 $0xFFFFD880  }
0x1c: {  	[bflag:$0x0] =	sbarrier.arrive $0xFFFF  }
0x1d: {  	_ =	swait.ge [sflag:s16], $0x500  }
0x1e: {  	[sflag:s16] =	ssyncset.done $0x0  }
0x1f: {  	[sflag:s16] =	ssyncadd.s32 $0xFFFFFB00  }
0x20: {  	_ =	swait.ge [sflag:s17], $0x500  }
0x21: {  	[sflag:s17] =	ssyncset.done $0x0  }
0x22: {  	s31 =	simm.s32 $0x80;
	[sflag:s17] =	ssyncadd.s32 $0xFFFFFB00  }
0x23: {  	[tilespmem:s19], [sflag:$0x5] =	stream.indirect.gather [hbm4b:s1+s18], $0x80, s3, s18, $0xb8;
	[tilespmem:$0x1C400] =	vst v63  }
0x24: {  	s28 =	smov.u32 s12;
	s29 =	smov.u32 s11;
	s30 =	simm.s32 $0x0  }
0x25: {  	[tilespmem:s21], [sflag:$0x6] =	stream.indirect.gather [hbm4b:s1+s18], $0x80, s31, s18, $0xb8;
	[tilespmem:$0x1C400] =	vst v63  }
.LBB2_2:
0x26: {  	s4 =	sand.u32 $0x1, s30;
	p0 =	seq.s32 s30, $0x9  }
0x27: {  	s13 =	sxor.u32 $0x1, s4;
	s20 =	simm.s32 @!p0 $0x0  }
0x28: {  	p1 =	seq.s32 @!p0 s30, $0x0;
	s31 =	sshll.u32 @!p0 s13, $0xB;
	s0 =	sadd.s32 @!p0 $0x1, s13  }
0x29: {  	[tilespmem:s31], [sflag:s0] =	stream.linear.gather @!p0 [hbm4b:s29+s20], $0x500, $0x38;
	[tilespmem:$0x1C400] =	vst v63  }
0x2a: {  	s13 =	sadd.s32 @!p0 $0x3, s13;
	p1 =	por p0, !p1;
	s5 =	sor.u32 @!p0 $0x1000, s31  }
0x2b: {  	[tilespmem:s5], [sflag:s13] =	stream.linear.gather @!p0 [hbm4b:s28+s20], $0x500, $0x38;
	[tilespmem:$0x1C400] =	vst v63  }
0x2c: {  	s5 =	sadd.s32 @p1 $0x3, s4  }
0x2d: {  	_ =	swait.ge @p1 [sflag:s5], $0x500  }
0x2e: {  	[sflag:s5] =	ssyncset.done @p1 $0x0  }
0x2f: {  	[sflag:s5] =	ssyncadd.s32 @p1 $0xFFFFFB00  }
0x30: {  	_ =	swait.ge [sflag:s22], $0x3200  }
0x31: {  	s4 =	sshll.u32 s4, $0xB;
	[sflag:s22] =	ssyncset.done $0x0  }
0x32: {  	s20 =	sor.u32 $0x1000, s4;
	[sflag:s22] =	ssyncadd.s32 $0xFFFFCE00  }
0x33: {  	[spmem:s2] =	stream.indirect.scatter.add.f32 [tilespmem:s19], [sflag:$0x7], $0x80, s20, s18, $0xb8;
	[tilespmem:$0x1C400] =	vst v63  }
0x34: {  	_ =	swait.ge [sflag:s23], $0x3200  }
0x35: {  	[sflag:s23] =	ssyncset.done $0x0  }
0x36: {  	s13 =	sor.u32 $0x1080, s4;
	[sflag:s23] =	ssyncadd.s32 $0xFFFFCE00  }
0x37: {  	[spmem:s2] =	stream.indirect.scatter.add.f32 [tilespmem:s21], [sflag:$0x8], $0x80, s13, s18, $0xb8;
	[tilespmem:$0x1C400] =	vst v63  }
0x38: {  	_ =	swait.ge [sflag:s24], $0x3200  }
0x39: {  	[sflag:s24] =	ssyncset.done $0x0  }
0x3a: {  	s20 =	sor.u32 $0x100, s4;
	[sflag:s24] =	ssyncadd.s32 $0xFFFFCE00  }
0x3b: {  	[tilespmem:s19], [sflag:$0x5] =	stream.indirect.gather [hbm4b:s1+s18], $0x80, s20, s18, $0xb8;
	[tilespmem:$0x1C400] =	vst v63  }
0x3c: {  	_ =	swait.ge [sflag:s25], $0x3200  }
0x3d: {  	[sflag:s25] =	ssyncset.done $0x0  }
0x3e: {  	s13 =	sor.u32 $0x180, s4;
	[sflag:s25] =	ssyncadd.s32 $0xFFFFCE00  }
0x3f: {  	[tilespmem:s21], [sflag:$0x6] =	stream.indirect.gather [hbm4b:s1+s18], $0x80, s13, s18, $0xb8;
	[tilespmem:$0x1C400] =	vst v63  }
0x40: {  	_ =	swait.ge [sflag:s22], $0x3200  }
0x41: {  	[sflag:s22] =	ssyncset.done $0x0  }
0x42: {  	s20 =	sor.u32 $0x1100, s4;
	[sflag:s22] =	ssyncadd.s32 $0xFFFFCE00  }
0x43: {  	[spmem:s2] =	stream.indirect.scatter.add.f32 [tilespmem:s19], [sflag:$0x7], $0x80, s20, s18, $0xb8;
	[tilespmem:$0x1C400] =	vst v63  }
0x44: {  	_ =	swait.ge [sflag:s23], $0x3200  }
0x45: {  	[sflag:s23] =	ssyncset.done $0x0  }
0x46: {  	s13 =	sor.u32 $0x1180, s4;
	[sflag:s23] =	ssyncadd.s32 $0xFFFFCE00  }
0x47: {  	[spmem:s2] =	stream.indirect.scatter.add.f32 [tilespmem:s21], [sflag:$0x8], $0x80, s13, s18, $0xb8;
	[tilespmem:$0x1C400] =	vst v63  }
0x48: {  	_ =	swait.ge [sflag:s24], $0x3200  }
0x49: {  	[sflag:s24] =	ssyncset.done $0x0  }
0x4a: {  	s20 =	sor.u32 $0x200, s4;
	[sflag:s24] =	ssyncadd.s32 $0xFFFFCE00  }
0x4b: {  	[tilespmem:s19], [sflag:$0x5] =	stream.indirect.gather [hbm4b:s1+s18], $0x80, s20, s18, $0xb8;
	[tilespmem:$0x1C400] =	vst v63  }
0x4c: {  	_ =	swait.ge [sflag:s25], $0x3200  }
0x4d: {  	[sflag:s25] =	ssyncset.done $0x0  }
0x4e: {  	s13 =	sor.u32 $0x280, s4;
	[sflag:s25] =	ssyncadd.s32 $0xFFFFCE00  }
0x4f: {  	[tilespmem:s21], [sflag:$0x6] =	stream.indirect.gather [hbm4b:s1+s18], $0x80, s13, s18, $0xb8;
	[tilespmem:$0x1C400] =	vst v63  }
0x50: {  	_ =	swait.ge [sflag:s22], $0x3200  }
0x51: {  	[sflag:s22] =	ssyncset.done $0x0  }
0x52: {  	s20 =	sor.u32 $0x1200, s4;
	[sflag:s22] =	ssyncadd.s32 $0xFFFFCE00  }
0x53: {  	[spmem:s2] =	stream.indirect.scatter.add.f32 [tilespmem:s19], [sflag:$0x7], $0x80, s20, s18, $0xb8;
	[tilespmem:$0x1C400] =	vst v63  }
0x54: {  	_ =	swait.ge [sflag:s23], $0x3200  }
0x55: {  	[sflag:s23] =	ssyncset.done $0x0  }
0x56: {  	s13 =	sor.u32 $0x1280, s4;
	[sflag:s23] =	ssyncadd.s32 $0xFFFFCE00  }
0x57: {  	[spmem:s2] =	stream.indirect.scatter.add.f32 [tilespmem:s21], [sflag:$0x8], $0x80, s13, s18, $0xb8;
	[tilespmem:$0x1C400] =	vst v63  }
0x58: {  	_ =	swait.ge [sflag:s24], $0x3200  }
0x59: {  	[sflag:s24] =	ssyncset.done $0x0  }
0x5a: {  	s20 =	sor.u32 $0x300, s4;
	[sflag:s24] =	ssyncadd.s32 $0xFFFFCE00  }
0x5b: {  	[tilespmem:s19], [sflag:$0x5] =	stream.indirect.gather [hbm4b:s1+s18], $0x80, s20, s18, $0xb8;
	[tilespmem:$0x1C400] =	vst v63  }
0x5c: {  	_ =	swait.ge [sflag:s25], $0x3200  }
0x5d: {  	[sflag:s25] =	ssyncset.done $0x0  }
0x5e: {  	s13 =	sor.u32 $0x380, s4;
	[sflag:s25] =	ssyncadd.s32 $0xFFFFCE00  }
0x5f: {  	[tilespmem:s21], [sflag:$0x6] =	stream.indirect.gather [hbm4b:s1+s18], $0x80, s13, s18, $0xb8;
	[tilespmem:$0x1C400] =	vst v63  }
0x60: {  	_ =	swait.ge [sflag:s22], $0x3200  }
0x61: {  	[sflag:s22] =	ssyncset.done $0x0  }
0x62: {  	s20 =	sor.u32 $0x1300, s4;
	[sflag:s22] =	ssyncadd.s32 $0xFFFFCE00  }
0x63: {  	[spmem:s2] =	stream.indirect.scatter.add.f32 [tilespmem:s19], [sflag:$0x7], $0x80, s20, s18, $0xb8;
	[tilespmem:$0x1C400] =	vst v63  }
0x64: {  	_ =	swait.ge [sflag:s23], $0x3200  }
0x65: {  	[sflag:s23] =	ssyncset.done $0x0  }
0x66: {  	s13 =	sor.u32 $0x1380, s4;
	[sflag:s23] =	ssyncadd.s32 $0xFFFFCE00  }
0x67: {  	[spmem:s2] =	stream.indirect.scatter.add.f32 [tilespmem:s21], [sflag:$0x8], $0x80, s13, s18, $0xb8;
	[tilespmem:$0x1C400] =	vst v63  }
0x68: {  	_ =	swait.ge [sflag:s24], $0x3200  }
0x69: {  	[sflag:s24] =	ssyncset.done $0x0  }
0x6a: {  	s20 =	sor.u32 $0x400, s4;
	[sflag:s24] =	ssyncadd.s32 $0xFFFFCE00  }
0x6b: {  	[tilespmem:s19], [sflag:$0x5] =	stream.indirect.gather [hbm4b:s1+s18], $0x80, s20, s18, $0xb8;
	[tilespmem:$0x1C400] =	vst v63  }
0x6c: {  	_ =	swait.ge [sflag:s25], $0x3200  }
0x6d: {  	[sflag:s25] =	ssyncset.done $0x0  }
0x6e: {  	s13 =	sor.u32 $0x480, s4;
	[sflag:s25] =	ssyncadd.s32 $0xFFFFCE00  }
0x6f: {  	[tilespmem:s21], [sflag:$0x6] =	stream.indirect.gather [hbm4b:s1+s18], $0x80, s13, s18, $0xb8;
	[tilespmem:$0x1C400] =	vst v63  }
0x70: {  	_ =	swait.ge [sflag:s22], $0x3200  }
0x71: {  	[sflag:s22] =	ssyncset.done $0x0  }
0x72: {  	s20 =	sor.u32 $0x1400, s4;
	[sflag:s22] =	ssyncadd.s32 $0xFFFFCE00  }
0x73: {  	[spmem:s2] =	stream.indirect.scatter.add.f32 [tilespmem:s19], [sflag:$0x7], $0x80, s20, s18, $0xb8;
	[tilespmem:$0x1C400] =	vst v63  }
0x74: {  	_ =	swait.ge [sflag:s23], $0x3200  }
0x75: {  	[sflag:s23] =	ssyncset.done $0x0  }
0x76: {  	s4 =	sor.u32 $0x1480, s4;
	[sflag:s23] =	ssyncadd.s32 $0xFFFFCE00  }
0x77: {  	[spmem:s2] =	stream.indirect.scatter.add.f32 [tilespmem:s21], [sflag:$0x8], $0x80, s4, s18, $0xb8;
	[tilespmem:$0x1C400] =	vst v63  }
0x78: {  	_ =	swait.ge @!p0 [sflag:s0], $0x500  }
0x79: {  	[sflag:s0] =	ssyncset.done @!p0 $0x0  }
0x7a: {  	s30 =	sadd.s32 $0x1, s30;
	[sflag:s0] =	ssyncadd.s32 @!p0 $0xFFFFFB00;
	s0 =	simm.s32 @!p0 $0x7  }
0x7b: {  	p1 =	sne.s32 @!p0 s30, $0xA;
	_ =	swait.ge @!p0 [sflag:s0], $0x3200  }
0x7c: {  	p1 =	por p0, !p1;
	[sflag:s0] =	ssyncset.done @!p0 $0x0  }
0x7d: {  	s4 =	simm.s32 @!p0 $0x2000;
	[sflag:s0] =	ssyncadd.s32 @!p0 $0xFFFFCE00;
	s0 =	simm.s32 @!p0 $0x64  }
0x7e: {  	[tilespmem:s4], [sflag:$0x5] =	stream.indirect.gather @!p0 [hbm4b:s1+s0], $0x80, s31, s0, $0xb8;
	[tilespmem:$0x1C400] =	vst v63  }
.Ltmp0:
0x7f: {  	s4 =	simm.s32 @!p0 $0x8;
	(pc) =	sbr.rel @!p1 .LBB2_2-.Ltmp0, $4  }
0x80: {  	_ =	swait.ge @!p0 [sflag:s4], $0x3200  }
0x81: {  	s29 =	sadd.s32 @!p0 $0x100, s29;
	s28 =	sadd.s32 @!p0 $0x100, s28;
	[sflag:s4] =	ssyncset.done @!p0 $0x0  }
0x82: {  	s5 =	simm.s32 @!p0 $0x5400;
	[sflag:s4] =	ssyncadd.s32 @!p0 $0xFFFFCE00;
	s4 =	sor.u32 @!p0 $0x80, s31  }
0x83: {  	[tilespmem:s5], [sflag:$0x6] =	stream.indirect.gather @!p0 [hbm4b:s1+s0], $0x80, s4, s0, $0xb8;
	[tilespmem:$0x1C400] =	vst v63  }
0x84: {  	_ =	swait.ge [sflag:s24], $0x3200  }
0x85: {  	[sflag:s24] =	ssyncset.done $0x0  }
0x86: {  	[sflag:s24] =	ssyncadd.s32 $0xFFFFCE00  }
0x87: {  	_ =	swait.ge [sflag:s25], $0x3200  }
0x88: {  	s26 =	sadd.s32 $0x1, s26;
	[sflag:s25] =	ssyncset.done $0x0  }
0x89: {  	p0 =	sne.s32 s26, s10;
	[sflag:s25] =	ssyncadd.s32 $0xFFFFCE00  }
.Ltmp1:
0x8a: {  	[bflag:$0x0] =	sbarrier.arrive $0xFFFF;
	(pc) =	sbr.rel @p0 .LBB2_1-.Ltmp1, $4  }
0x8b: {  	[hbm:s9], [sflag:s8] =	dma.local [spmem:s14], $0x2780  }
0x8c: {  	_ =	swait.ge [sflag:s15], $0x2780  }
0x8d: {  	[sflag:s15] =	ssyncset.done $0x0  }
0x8e: {  	[sflag:s15] =	ssyncadd.s32 $0xFFFFD880  }
0x8f: {  	_ =	sfence.sel $0x180000  }
0x90: {  	[bflag:$0x0] =	sbarrier.arrive $0xFFFF  }
0x91: {  	_ =	strace $0x90000050  }
0x92: {  	s0 =	stileid.u32;
	[bflag:$0x2] =	sbarrier.arrive $0xFFFF  }
0x93: {  	p0 =	sne.s32 s0, $0x0;
	s0 =	rddreg [dreg:$0x4]  }
0x94: {  	s0 =	sadd.s32 @!p0 $0x100000, s0  }
0x95: {  	[sflag:s0] =	ssyncadd.tile.s32 @!p0 $0x1;
	_ =	shalt  }
.Lfunc_end2:
_tile_overlayer_lowered:
.L_overlay_start_2:
0x96: {  	(tag) =	ssettag $0x2  }
0x97: {  	s0 =	rddreg [dreg:$0x0];
	s2 =	stileid.u32  }
0x98: {  	s1 =	rddreg [dreg:$0x1];
	p0 =	sne.s32 s2, $0x0  }
0x99: {  	s3 =	rddreg [dreg:$0x2];
	[bflag:$0x3] =	sbarrier.arrive $0xFFFF;
	s2 =	simm.s32 @!p0 $0x1C09  }
0x9a: {  	[timem:s3], [sflag:s2] =	dma.local @!p0 [hbm:s0], s1  }
0x9b: {  	s0 =	simm.s32 @!p0 $0x9  }
0x9c: {  	_ =	swait.ge @!p0 [sflag:s0], s1  }
0x9d: {  	s1 =	ssub.s32 @!p0 $0x0, s1;
	[sflag:s0] =	ssyncset.done @!p0 $0x0  }
0x9e: {  	[sflag:s0] =	ssyncadd.s32 @!p0 s1  }
0x9f: {  	[bflag:$0x3] =	sbarrier.arrive $0xFFFF  }
0xa0: {  	_ =	shalt  }

// kernel: kernel.23.cloned.1.call-start
scs
__scs_entry_jumppad:
0x0: {  	(pc) =	sbr.rel $0x88, $3  }
0x1: {  	(tag) =	ssettag $0x0;
	lr =	simm.s32 $0x1  }
0x2: {  	[smem:$0x3F9B] =	sst lr;
	_ =	strace $0xD0000000  }
0x3: {  	_ = 	snop  }
0x4: {  	_ = 	snop  }
0x5: {  	_ = 	snop  }
0x6: {  	_ = 	snop  }
0x7: {  	_ = 	snop  }
__scs_overlays_trampoline_lowered:
0x8: {  	[smem:$0x3FAA] =	sst s0  }
0x9: {  	[smem:$0x3FAB] =	sst s1  }
0xa: {  	[smem:$0x3FAC] =	sst s2  }
0xb: {  	[smem:$0x3FAD] =	sst s3  }
0xc: {  	[smem:$0x3FAE] =	sst s4  }
0xd: {  	[smem:$0x3FAF] =	sst s5  }
0xe: {  	[smem:$0x3FB0] =	sst s6  }
0xf: {  	[smem:$0x3FB1] =	sst s7  }
0x10: {  	[smem:$0x3FB2] =	sst s8  }
0x11: {  	[smem:$0x3FB3] =	sst s9;
	s0 =	simm.s32 @!p0 $0x0  }
0x12: {  	s1 =	sld [smem:$0x3F99];
	s0 =	simm.s32 @p0 $0x1  }
0x13: {  	[smem:$0x3FB4] =	sst s0;
	s0 =	simm.s32 @!p1 $0x0  }
0x14: {  	s2 =	sld [smem:$0x3F98];
	s0 =	simm.s32 @p1 $0x1  }
0x15: {  	[smem:$0x3FB5] =	sst s0;
	s0 =	simm.s32 @!p2 $0x0  }
0x16: {  	s3 =	sld [smem:$0x3FDB];
	s0 =	simm.s32 @p2 $0x1  }
0x17: {  	s4 =	simm.s32 $0x1BF5;
	[smem:$0x3FB7] =	sst s0  }
0x18: {  	s0 =	sld [smem:$0x3F9A];
	_ =	swait.ge [sflag:s4], $0x0  }
0x19: {  	s7 =	sld [smem:$0x3F9B]  }
0x1a: {  	s8 =	sadd.s32 $0xFFFFE003, lr  }
0x1b: {  	s9 =	sadd.s32 $0xFFFFFEF7, lr;
	s5 =	simm.s32 $0xFFFFFFFF;
	p2 =	slt.u32 s8, $0xFFFFF086  }
0x1c: {  	p1 =	slt.u32 s9, $0xF7A;
	s5 =	simm.s32 @!p2 $0x0  }
0x1d: {  	s5 =	simm.s32 @p1 $0x1;
	p0 =	seq.s32 s7, s2  }
0x1e: {  	s7 =	smul.u32 @!p0 $0xF7A, s2;
	p2 =	seq.s32 @!p0 s5, $0x0  }
0x1f: {  	s9 =	smul.u32 $0xF7A, s1;
	s8 =	simm.s32 @!p0 $0x1BF5;
	p2 =	por !p2, p0  }
0x20: {  	[sflag:s8] =	ssyncset.s32 @!p0 $0xFFFFF086;
	s6 =	sadd.s32 @!p0 s3, s7;
	s7 =	simm.s32 @!p0 $0x108  }
0x21: {  	s3 =	sadd.s32 s3, s9;
	s6 =	sadd.s32 @!p0 $0x88, s6;
	s7 =	simm.s32 @p2 $0x1082  }
0x22: {  	[simem:s7], [sflag:s8] =	dma.local @!p0 [hbm:s6], $0xF7A  }
0x23: {  	s9 =	sor.u32 $0xD0000000, s2;
	s6 =	simm.s32 $0x108;
	_ =	swait.ge @!p0 [sflag:s8], $0x0  }
0x24: {  	s3 =	sadd.s32 $0x88, s3;
	s6 =	simm.s32 @!p1 $0x1082;
	[sflag:s4] =	ssyncset.s32 $0xFFFFF086  }
0x25: {  	[simem:s6], [sflag:s4] =	dma.local [hbm:s3], $0xF7A  }
0x26: {  	[smem:$0x3F9B] =	sst s1;
	(tag) =	ssettag s2;
	_ =	strace s9  }
0x27: {  	s1 =	sld [smem:$0x3FAB]  }
0x28: {  	s2 =	sld [smem:$0x3FAC]  }
0x29: {  	s4 =	sld [smem:$0x3FAE]  }
0x2a: {  	p0 =	seq.s32 s5, $0x0;
	s5 =	sld [smem:$0x3FAF]  }
0x2b: {  	s6 =	sld [smem:$0x3FB0]  }
0x2c: {  	s7 =	sld [smem:$0x3FB1]  }
0x2d: {  	s3 =	simm.s32 $0x108;
	s8 =	sld [smem:$0x3FB2]  }
0x2e: {  	s3 =	simm.s32 @!p0 $0x1082;
	s9 =	sld [smem:$0x3FB3]  }
0x2f: {  	lr =	sadd.s32 s0, s3;
	s0 =	sld [smem:$0x3FAA]  }
0x30: {  	s3 =	sld [smem:$0x3FAD]  }
0x31: {  	[smem:$0x3FB6] =	sst s10  }
0x32: {  	s10 =	sld [smem:$0x3FB4];
	_ =	sdelay $0x3  }
0x33: {  	p0 =	seq.s32 s10, $0x1;
	s10 =	sld [smem:$0x3FB6];
	_ =	sdelay $0x3  }
0x34: {  	[smem:$0x3FB6] =	sst s10  }
0x35: {  	s10 =	sld [smem:$0x3FB5];
	_ =	sdelay $0x3  }
0x36: {  	p1 =	seq.s32 s10, $0x1;
	s10 =	sld [smem:$0x3FB6];
	_ =	sdelay $0x3  }
0x37: {  	[smem:$0x3FB6] =	sst s10  }
0x38: {  	s10 =	sld [smem:$0x3FB7]  }
0x39: {  	_ = 	snop;
	(pc) =	sbr.ind lr, $3  }
0x3a: {  	_ = 	snop  }
0x3b: {  	_ = 	snop  }
0x3c: {  	p2 =	seq.s32 s10, $0x1;
	s10 =	sld [smem:$0x3FB6]  }
0x3d: {  	_ =	shalt  }
0x3e: {  	_ =	shalt  }
0x3f: {  	_ =	shalt  }
0x40: {  	_ =	shalt  }
0x41: {  	_ =	shalt  }
0x42: {  	_ =	shalt  }
0x43: {  	_ =	shalt  }
0x44: {  	_ =	shalt  }
0x45: {  	_ =	shalt  }
0x46: {  	_ =	shalt  }
0x47: {  	_ =	shalt  }
0x48: {  	_ =	shalt  }
0x49: {  	_ =	shalt  }
0x4a: {  	_ =	shalt  }
0x4b: {  	_ =	shalt  }
0x4c: {  	_ =	shalt  }
0x4d: {  	_ =	shalt  }
0x4e: {  	_ =	shalt  }
0x4f: {  	_ =	shalt  }
0x50: {  	_ =	shalt  }
0x51: {  	_ =	shalt  }
0x52: {  	_ =	shalt  }
0x53: {  	_ =	shalt  }
0x54: {  	_ =	shalt  }
0x55: {  	_ =	shalt  }
0x56: {  	_ =	shalt  }
0x57: {  	_ =	shalt  }
0x58: {  	_ =	shalt  }
0x59: {  	_ =	shalt  }
0x5a: {  	_ =	shalt  }
0x5b: {  	_ =	shalt  }
0x5c: {  	_ =	shalt  }
0x5d: {  	_ =	shalt  }
0x5e: {  	_ =	shalt  }
0x5f: {  	_ =	shalt  }
0x60: {  	_ =	shalt  }
0x61: {  	_ =	shalt  }
0x62: {  	_ =	shalt  }
0x63: {  	_ =	shalt  }
0x64: {  	_ =	shalt  }
0x65: {  	_ =	shalt  }
0x66: {  	_ =	shalt  }
0x67: {  	_ =	shalt  }
0x68: {  	_ =	shalt  }
0x69: {  	_ =	shalt  }
0x6a: {  	_ =	shalt  }
0x6b: {  	_ =	shalt  }
0x6c: {  	_ =	shalt  }
0x6d: {  	_ =	shalt  }
0x6e: {  	_ =	shalt  }
0x6f: {  	_ =	shalt  }
0x70: {  	_ =	shalt  }
0x71: {  	_ =	shalt  }
0x72: {  	_ =	shalt  }
0x73: {  	_ =	shalt  }
0x74: {  	_ =	shalt  }
0x75: {  	_ =	shalt  }
0x76: {  	_ =	shalt  }
0x77: {  	_ =	shalt  }
0x78: {  	_ =	shalt  }
0x79: {  	_ =	shalt  }
0x7a: {  	_ =	shalt  }
0x7b: {  	_ =	shalt  }
0x7c: {  	_ =	shalt  }
0x7d: {  	_ =	shalt  }
0x7e: {  	_ =	shalt  }
0x7f: {  	_ =	shalt  }
0x80: {  	_ =	shalt  }
0x81: {  	_ =	shalt  }
0x82: {  	_ =	shalt  }
0x83: {  	_ =	shalt  }
0x84: {  	_ =	shalt  }
0x85: {  	_ =	shalt  }
0x86: {  	_ =	shalt  }
0x87: {  	_ =	shalt  }
.Lfunc_end0:
.L_simem_size_0:
called_computation.4_lowered:
.L_overlay_start_0:
0x88: {  	s2 =	sld [smem:$0x3FD9]  }
0x89: {  	s3 =	sld [smem:$0x3FFE];
	_ =	sdelay $0x1  }
0x8a: {  	s1 =	srdreg.scid  }
0x8b: {  	s0 =	sand.u32 $0x1, s1  }
0x8c: {  	s14 =	sshll.u32 s0, $0xA;
	s2 =	sadd.s32 s3, s2  }
0x8d: {  	s2 =	sadd.s32 s2, s14  }
0x8e: {  	[smem:$0x3FC2] =	sst s2  }
0x8f: {  	_ = 	snop  }
0x90: {  	s2 =	sld [smem:$0x3FD0];
	_ =	sdelay $0x2  }
0x91: {  	s15 =	simm.s32 $0xB;
	s4 =	simm.s32 $0x10  }
0x92: {  	[smem:s4], [sflag:s15] =	dma.local [hbm:s2], $0x1  }
0x93: {  	_ =	swait.eq [sflag:s15], $0x1  }
0x94: {  	[sflag:s15] =	ssyncset.done $0x0  }
0x95: {  	s16 =	sld [smem:$0x10];
	[sflag:s15] =	ssyncadd.s32 $0xFFFFFFFF  }
0x96: {  	s17 =	sld [smem:$0x11];
	(tm) =	ssettm $0x1  }
0x97: {  	s18 =	sld [smem:$0x3FFB];
	_ =	sdelay $0x3  }
0x98: {  	_ =	strace s18  }
0x99: {  	s4 =	sld [smem:$0x3FFC];
	_ =	sdelay $0x3  }
0x9a: {  	_ =	strace s4  }
0x9b: {  	s4 =	sld [smem:$0x3FFD];
	_ =	sdelay $0x3  }
0x9c: {  	_ =	strace s4  }
0x9d: {  	_ =	strace $0x8FFFFFFF  }
0x9e: {  	s19 =	sld [smem:$0x3FDB];
	_ =	sdelay $0x1  }
0x9f: {  	s5 =	simm.s32 $_scs_section_size  }
0xa0: {  	s6 =	simm.s32 $_size__tile_overlayer_lowered;
	s7 =	simm.s32 $_tile_overlayer_lowered  }
0xa1: {  	s22 =	simm.s32 $0x1BFF;
	s21 =	sshll.u32 s7, $0x1;
	s4 =	sadd.s32 s5, s19  }
0xa2: {  	s8 =	simm.s32 $0x0;
	s20 =	sshll.u32 s6, $0x1;
	s6 =	sadd.s32 s21, s4  }
0xa3: {  	[timem:s8], [sflag:s22] =	dma.local [hbm:s6], s20  }
0xa4: {  	_ =	swait.ge [sflag:s22], s20  }
0xa5: {  	s5 =	ssub.s32 $0x0, s20;
	[sflag:s22] =	ssyncset.done $0x0  }
0xa6: {  	[sflag:s22] =	ssyncadd.s32 s5;
	_ =	sdelay $0x1  }
0xa7: {  	s23 =	simm.s32 $0x1B8B  }
0xa8: {  	_ =	swait.ge [sflag:s23], $0x1  }
0xa9: {  	[sflag:s23] =	ssyncset.done $0x0  }
0xaa: {  	s25 =	simm.s32 $0x1B8E;
	s24 =	sld [smem:$0x3FFE];
	[sflag:s23] =	ssyncadd.s32 $0xFFFFFFFF  }
0xab: {  	s26 =	simm.s32 $execute0_lowered;
	[smem:$0x3FD2] =	sst s25  }
0xac: {  	s6 =	sshll.u32 s26, $0x1;
	_ =	strace $0x80000052;
	[dreg:$0x1] =	wrdreg $0xFFFFFFFF  }
0xad: {  	s28 =	simm.s32 $_size_execute0_lowered;
	s4 =	sadd.s32 s4, s6;
	[dreg:$0x0] =	wrdreg $0x0  }
0xae: {  	s6 =	sshll.u32 s28, $0x1;
	[dreg:$0x2] =	wrdreg s4  }
0xaf: {  	[dreg:$0x3] =	wrdreg s6  }
0xb0: {  	[dreg:$0x4] =	wrdreg $0xC0  }
0xb1: {  	_ =	task [dreg:s8], $0x5FFFF  }
0xb2: {  	[dreg:$0x1] =	wrdreg $0xFFFFFFFF  }
0xb3: {  	[dreg:$0x0] =	wrdreg $0x60  }
0xb4: {  	[dreg:$0x2] =	wrdreg s24  }
0xb5: {  	[dreg:$0x3] =	wrdreg s16  }
0xb6: {  	[dreg:$0x4] =	wrdreg s17  }
0xb7: {  	[dreg:$0x5] =	wrdreg $0x88000  }
0xb8: {  	[dreg:$0x6] =	wrdreg $0x9  }
0xb9: {  	_ =	task.clear_ibuf [dreg:s8], $0x7FFFF;
	_ =	strace $0x90000052  }
0xba: {  	s29 =	simm.s32 $0x9;
	_ =	strace $0x80000054  }
0xbb: {  	_ =	swait.ge [sflag:s29], $0x1  }
0xbc: {  	[sflag:s29] =	ssyncadd.s32 $0xFFFFFFFF  }
0xbd: {  	_ =	strace $0x90000054  }
0xbe: {  	_ =	sfence  }
0xbf: {  	s30 =	sld [smem:$0x0];
	_ =	sdelay $0x2  }
0xc0: {  	s31 =	sshll.u32 s1, $0xD;
	s1 =	sshrl.u32 s1, $0x2  }
0xc1: {  	s3 =	sand.u32 $0x4000, s31;
	s1 =	sadd.s32 s1, s30  }
0xc2: {  	s0 =	sor.u32 s3, s0;
	s1 =	sshll.u32 s1, $0x11  }
0xc3: {  	s0 =	sor.u32 s1, s0  }
0xc4: {  	s0 =	sadd.s32 $0x8F2B, s0  }
0xc5: {  	[sflag:s0] =	ssyncadd.remote.s32 $0x1  }
0xc6: {  	_ =	sfence.sel $0xFFFF  }
0xc7: {  	[dreg:$0x0] =	wrdreg $0xFFFFFFFF;
	(pc) =	sbr.abs _section_cstart, $3  }
0xc8: {  	[dreg:$0x1] =	wrdreg $0xFFFFFFFF  }
0xc9: {  	_ =	task.clear_ibuf [dreg:s8], $0x2FFFF;
	_ =	strace $0x9FFFFFFF  }
0xca: {  	(tm) =	ssettm $0x7FFFFFFF  }
0xcb: {  	_ =	shalt  }
tec
execute0_lowered:
.L_overlay_start_1:
0x0: {  	(tag) =	ssettag $0x1  }
0x1: {  	s0 =	rddreg [dreg:$0x0]  }
0x2: {  	s1 =	rddreg [dreg:$0x1]  }
0x3: {  	s4 =	rddreg [dreg:$0x2]  }
0x4: {  	s2 =	rddreg [dreg:$0x3];
	s3 =	simm.s32 $0x0  }
0x5: {  	s5 =	srdreg.scid;
	s21 =	stileid.u32;
	s16 =	simm.s32 $0x1  }
0x6: {  	s17 =	simm.s32 $0x3;
	s18 =	simm.s32 $0x64;
	s19 =	simm.s32 $0x2000  }
0x7: {  	[smem:$0x7FF] =	sst s3;
	s6 =	sand.u32 $0x1, s5;
	s9 =	smul.u32 $0x5000, s21  }
0x8: {  	s11 =	sadd.s32 $0x17600, s0;
	s12 =	sadd.s32 $0xD600, s0;
	s10 =	smul.u32 $0x4F000, s21  }
0x9: {  	s0 =	sadd.s32 $0xAE00, s0;
	s26 =	smul.u32 $0x13C00, s21;
	s28 =	sshll.u32 s21, $0x6  }
0xa: {  	s15 =	smul.u32 $0xA00, s21;
	s21 =	simm.s32 $0x5400;
	_ =	strace $0x80000053  }
0xb: {  	s7 =	smul.u32 $0x50000, s6;
	s8 =	ssub.s32 $0x2, s6;
	[dreg:$0x5] =	wrdreg s0  }
0xc: {  	s13 =	smul.u32 $0x13C000, s6;
	s22 =	sshrl.u32 s8, $0x1;
	s25 =	sshrl.u32 s9, $0x3  }
0xd: {  	s10 =	sshrl.u32 s10, $0x2;
	s31 =	sadd.s32 s15, s12;
	s15 =	simm.s32 $0x9  }
0xe: {  	s0 =	ssub.s32 s8, s22;
	s23 =	sadd.s32 s9, s7;
	s7 =	sadd.s32 s12, s25  }
0xf: {  	s14 =	sadd.s32 s10, s2;
	s9 =	sadd.s32 s26, s13;
	s8 =	sor.u32 $0x1C09, s28  }
0x10: {  	s12 =	sadd.s32 $0x100, s31;
	s22 =	simm.s32 $0x5;
	s25 =	simm.s32 $0x8  }
0x11: {  	s26 =	simm.s32 $0x0;
	s24 =	sshrl.u32 s23, $0x3;
	s9 =	sshrl.u32 s9, $0x3  }
0x12: {  	s29 =	sor.u32 $0x800, s23;
	s10 =	smax.u32 s0, $0x1;
	s14 =	sshrl.u32 s14, $0x3  }
0x13: {  	s23 =	simm.s32 $0x6;
	s6 =	sadd.s32 s11, s24;
	s30 =	sshrl.u32 s29, $0x3  }
0x14: {  	s9 =	sadd.s32 s4, s9;
	s24 =	simm.s32 $0x7;
	s11 =	sadd.s32 s30, s11  }
.LBB2_1:
0x15: {  	[tilespmem:s3], [sflag:$0x1] =	stream.linear.gather [hbm4b:s6+s3], $0x500, $0x38;
	[tilespmem:$0x1C400] =	vst v63  }
0x16: {  	s0 =	simm.s32 $0x1000;
	s20 =	rddreg [dreg:$0x5]  }
0x17: {  	[tilespmem:s0], [sflag:$0x3] =	stream.linear.gather [hbm4b:s7+s3], $0x500, $0x38;
	[tilespmem:$0x1C400] =	vst v63  }
0x18: {  	[spmem:s14], [sflag:s8] =	dma.local [hbm:s20], $0x2780  }
0x19: {  	_ =	swait.ge [sflag:s15], $0x2780  }
0x1a: {  	[sflag:s15] =	ssyncset.done $0x0  }
0x1b: {  	[sflag:s15] =	ssyncadd.s32 $0xFFFFD880  }
0x1c: {  	[bflag:$0x0] =	sbarrier.arrive $0xFFFF  }
0x1d: {  	_ =	swait.ge [sflag:s16], $0x500  }
0x1e: {  	[sflag:s16] =	ssyncset.done $0x0  }
0x1f: {  	[sflag:s16] =	ssyncadd.s32 $0xFFFFFB00  }
0x20: {  	_ =	swait.ge [sflag:s17], $0x500  }
0x21: {  	[sflag:s17] =	ssyncset.done $0x0  }
0x22: {  	s31 =	simm.s32 $0x80;
	[sflag:s17] =	ssyncadd.s32 $0xFFFFFB00  }
0x23: {  	[tilespmem:s19], [sflag:$0x5] =	stream.indirect.gather [hbm4b:s1+s18], $0x80, s3, s18, $0xb8;
	[tilespmem:$0x1C400] =	vst v63  }
0x24: {  	s28 =	smov.u32 s12;
	s29 =	smov.u32 s11;
	s30 =	simm.s32 $0x0  }
0x25: {  	[tilespmem:s21], [sflag:$0x6] =	stream.indirect.gather [hbm4b:s1+s18], $0x80, s31, s18, $0xb8;
	[tilespmem:$0x1C400] =	vst v63  }
.LBB2_2:
0x26: {  	s4 =	sand.u32 $0x1, s30;
	p0 =	seq.s32 s30, $0x9  }
0x27: {  	s13 =	sxor.u32 $0x1, s4;
	s20 =	simm.s32 @!p0 $0x0  }
0x28: {  	p1 =	seq.s32 @!p0 s30, $0x0;
	s31 =	sshll.u32 @!p0 s13, $0xB;
	s0 =	sadd.s32 @!p0 $0x1, s13  }
0x29: {  	[tilespmem:s31], [sflag:s0] =	stream.linear.gather @!p0 [hbm4b:s29+s20], $0x500, $0x38;
	[tilespmem:$0x1C400] =	vst v63  }
0x2a: {  	s13 =	sadd.s32 @!p0 $0x3, s13;
	p1 =	por p0, !p1;
	s5 =	sor.u32 @!p0 $0x1000, s31  }
0x2b: {  	[tilespmem:s5], [sflag:s13] =	stream.linear.gather @!p0 [hbm4b:s28+s20], $0x500, $0x38;
	[tilespmem:$0x1C400] =	vst v63  }
0x2c: {  	s5 =	sadd.s32 @p1 $0x3, s4  }
0x2d: {  	_ =	swait.ge @p1 [sflag:s5], $0x500  }
0x2e: {  	[sflag:s5] =	ssyncset.done @p1 $0x0  }
0x2f: {  	[sflag:s5] =	ssyncadd.s32 @p1 $0xFFFFFB00  }
0x30: {  	_ =	swait.ge [sflag:s22], $0x3200  }
0x31: {  	s4 =	sshll.u32 s4, $0xB;
	[sflag:s22] =	ssyncset.done $0x0  }
0x32: {  	s20 =	sor.u32 $0x1000, s4;
	[sflag:s22] =	ssyncadd.s32 $0xFFFFCE00  }
0x33: {  	[spmem:s2] =	stream.indirect.scatter.add.f32 [tilespmem:s19], [sflag:$0x7], $0x80, s20, s18, $0xb8;
	[tilespmem:$0x1C400] =	vst v63  }
0x34: {  	_ =	swait.ge [sflag:s23], $0x3200  }
0x35: {  	[sflag:s23] =	ssyncset.done $0x0  }
0x36: {  	s13 =	sor.u32 $0x1080, s4;
	[sflag:s23] =	ssyncadd.s32 $0xFFFFCE00  }
0x37: {  	[spmem:s2] =	stream.indirect.scatter.add.f32 [tilespmem:s21], [sflag:$0x8], $0x80, s13, s18, $0xb8;
	[tilespmem:$0x1C400] =	vst v63  }
0x38: {  	_ =	swait.ge [sflag:s24], $0x3200  }
0x39: {  	[sflag:s24] =	ssyncset.done $0x0  }
0x3a: {  	s20 =	sor.u32 $0x100, s4;
	[sflag:s24] =	ssyncadd.s32 $0xFFFFCE00  }
0x3b: {  	[tilespmem:s19], [sflag:$0x5] =	stream.indirect.gather [hbm4b:s1+s18], $0x80, s20, s18, $0xb8;
	[tilespmem:$0x1C400] =	vst v63  }
0x3c: {  	_ =	swait.ge [sflag:s25], $0x3200  }
0x3d: {  	[sflag:s25] =	ssyncset.done $0x0  }
0x3e: {  	s13 =	sor.u32 $0x180, s4;
	[sflag:s25] =	ssyncadd.s32 $0xFFFFCE00  }
0x3f: {  	[tilespmem:s21], [sflag:$0x6] =	stream.indirect.gather [hbm4b:s1+s18], $0x80, s13, s18, $0xb8;
	[tilespmem:$0x1C400] =	vst v63  }
0x40: {  	_ =	swait.ge [sflag:s22], $0x3200  }
0x41: {  	[sflag:s22] =	ssyncset.done $0x0  }
0x42: {  	s20 =	sor.u32 $0x1100, s4;
	[sflag:s22] =	ssyncadd.s32 $0xFFFFCE00  }
0x43: {  	[spmem:s2] =	stream.indirect.scatter.add.f32 [tilespmem:s19], [sflag:$0x7], $0x80, s20, s18, $0xb8;
	[tilespmem:$0x1C400] =	vst v63  }
0x44: {  	_ =	swait.ge [sflag:s23], $0x3200  }
0x45: {  	[sflag:s23] =	ssyncset.done $0x0  }
0x46: {  	s13 =	sor.u32 $0x1180, s4;
	[sflag:s23] =	ssyncadd.s32 $0xFFFFCE00  }
0x47: {  	[spmem:s2] =	stream.indirect.scatter.add.f32 [tilespmem:s21], [sflag:$0x8], $0x80, s13, s18, $0xb8;
	[tilespmem:$0x1C400] =	vst v63  }
0x48: {  	_ =	swait.ge [sflag:s24], $0x3200  }
0x49: {  	[sflag:s24] =	ssyncset.done $0x0  }
0x4a: {  	s20 =	sor.u32 $0x200, s4;
	[sflag:s24] =	ssyncadd.s32 $0xFFFFCE00  }
0x4b: {  	[tilespmem:s19], [sflag:$0x5] =	stream.indirect.gather [hbm4b:s1+s18], $0x80, s20, s18, $0xb8;
	[tilespmem:$0x1C400] =	vst v63  }
0x4c: {  	_ =	swait.ge [sflag:s25], $0x3200  }
0x4d: {  	[sflag:s25] =	ssyncset.done $0x0  }
0x4e: {  	s13 =	sor.u32 $0x280, s4;
	[sflag:s25] =	ssyncadd.s32 $0xFFFFCE00  }
0x4f: {  	[tilespmem:s21], [sflag:$0x6] =	stream.indirect.gather [hbm4b:s1+s18], $0x80, s13, s18, $0xb8;
	[tilespmem:$0x1C400] =	vst v63  }
0x50: {  	_ =	swait.ge [sflag:s22], $0x3200  }
0x51: {  	[sflag:s22] =	ssyncset.done $0x0  }
0x52: {  	s20 =	sor.u32 $0x1200, s4;
	[sflag:s22] =	ssyncadd.s32 $0xFFFFCE00  }
0x53: {  	[spmem:s2] =	stream.indirect.scatter.add.f32 [tilespmem:s19], [sflag:$0x7], $0x80, s20, s18, $0xb8;
	[tilespmem:$0x1C400] =	vst v63  }
0x54: {  	_ =	swait.ge [sflag:s23], $0x3200  }
0x55: {  	[sflag:s23] =	ssyncset.done $0x0  }
0x56: {  	s13 =	sor.u32 $0x1280, s4;
	[sflag:s23] =	ssyncadd.s32 $0xFFFFCE00  }
0x57: {  	[spmem:s2] =	stream.indirect.scatter.add.f32 [tilespmem:s21], [sflag:$0x8], $0x80, s13, s18, $0xb8;
	[tilespmem:$0x1C400] =	vst v63  }
0x58: {  	_ =	swait.ge [sflag:s24], $0x3200  }
0x59: {  	[sflag:s24] =	ssyncset.done $0x0  }
0x5a: {  	s20 =	sor.u32 $0x300, s4;
	[sflag:s24] =	ssyncadd.s32 $0xFFFFCE00  }
0x5b: {  	[tilespmem:s19], [sflag:$0x5] =	stream.indirect.gather [hbm4b:s1+s18], $0x80, s20, s18, $0xb8;
	[tilespmem:$0x1C400] =	vst v63  }
0x5c: {  	_ =	swait.ge [sflag:s25], $0x3200  }
0x5d: {  	[sflag:s25] =	ssyncset.done $0x0  }
0x5e: {  	s13 =	sor.u32 $0x380, s4;
	[sflag:s25] =	ssyncadd.s32 $0xFFFFCE00  }
0x5f: {  	[tilespmem:s21], [sflag:$0x6] =	stream.indirect.gather [hbm4b:s1+s18], $0x80, s13, s18, $0xb8;
	[tilespmem:$0x1C400] =	vst v63  }
0x60: {  	_ =	swait.ge [sflag:s22], $0x3200  }
0x61: {  	[sflag:s22] =	ssyncset.done $0x0  }
0x62: {  	s20 =	sor.u32 $0x1300, s4;
	[sflag:s22] =	ssyncadd.s32 $0xFFFFCE00  }
0x63: {  	[spmem:s2] =	stream.indirect.scatter.add.f32 [tilespmem:s19], [sflag:$0x7], $0x80, s20, s18, $0xb8;
	[tilespmem:$0x1C400] =	vst v63  }
0x64: {  	_ =	swait.ge [sflag:s23], $0x3200  }
0x65: {  	[sflag:s23] =	ssyncset.done $0x0  }
0x66: {  	s13 =	sor.u32 $0x1380, s4;
	[sflag:s23] =	ssyncadd.s32 $0xFFFFCE00  }
0x67: {  	[spmem:s2] =	stream.indirect.scatter.add.f32 [tilespmem:s21], [sflag:$0x8], $0x80, s13, s18, $0xb8;
	[tilespmem:$0x1C400] =	vst v63  }
0x68: {  	_ =	swait.ge [sflag:s24], $0x3200  }
0x69: {  	[sflag:s24] =	ssyncset.done $0x0  }
0x6a: {  	s20 =	sor.u32 $0x400, s4;
	[sflag:s24] =	ssyncadd.s32 $0xFFFFCE00  }
0x6b: {  	[tilespmem:s19], [sflag:$0x5] =	stream.indirect.gather [hbm4b:s1+s18], $0x80, s20, s18, $0xb8;
	[tilespmem:$0x1C400] =	vst v63  }
0x6c: {  	_ =	swait.ge [sflag:s25], $0x3200  }
0x6d: {  	[sflag:s25] =	ssyncset.done $0x0  }
0x6e: {  	s13 =	sor.u32 $0x480, s4;
	[sflag:s25] =	ssyncadd.s32 $0xFFFFCE00  }
0x6f: {  	[tilespmem:s21], [sflag:$0x6] =	stream.indirect.gather [hbm4b:s1+s18], $0x80, s13, s18, $0xb8;
	[tilespmem:$0x1C400] =	vst v63  }
0x70: {  	_ =	swait.ge [sflag:s22], $0x3200  }
0x71: {  	[sflag:s22] =	ssyncset.done $0x0  }
0x72: {  	s20 =	sor.u32 $0x1400, s4;
	[sflag:s22] =	ssyncadd.s32 $0xFFFFCE00  }
0x73: {  	[spmem:s2] =	stream.indirect.scatter.add.f32 [tilespmem:s19], [sflag:$0x7], $0x80, s20, s18, $0xb8;
	[tilespmem:$0x1C400] =	vst v63  }
0x74: {  	_ =	swait.ge [sflag:s23], $0x3200  }
0x75: {  	[sflag:s23] =	ssyncset.done $0x0  }
0x76: {  	s4 =	sor.u32 $0x1480, s4;
	[sflag:s23] =	ssyncadd.s32 $0xFFFFCE00  }
0x77: {  	[spmem:s2] =	stream.indirect.scatter.add.f32 [tilespmem:s21], [sflag:$0x8], $0x80, s4, s18, $0xb8;
	[tilespmem:$0x1C400] =	vst v63  }
0x78: {  	_ =	swait.ge @!p0 [sflag:s0], $0x500  }
0x79: {  	[sflag:s0] =	ssyncset.done @!p0 $0x0  }
0x7a: {  	s30 =	sadd.s32 $0x1, s30;
	[sflag:s0] =	ssyncadd.s32 @!p0 $0xFFFFFB00;
	s0 =	simm.s32 @!p0 $0x7  }
0x7b: {  	p1 =	sne.s32 @!p0 s30, $0xA;
	_ =	swait.ge @!p0 [sflag:s0], $0x3200  }
0x7c: {  	p1 =	por p0, !p1;
	[sflag:s0] =	ssyncset.done @!p0 $0x0  }
0x7d: {  	s4 =	simm.s32 @!p0 $0x2000;
	[sflag:s0] =	ssyncadd.s32 @!p0 $0xFFFFCE00;
	s0 =	simm.s32 @!p0 $0x64  }
0x7e: {  	[tilespmem:s4], [sflag:$0x5] =	stream.indirect.gather @!p0 [hbm4b:s1+s0], $0x80, s31, s0, $0xb8;
	[tilespmem:$0x1C400] =	vst v63  }
.Ltmp0:
0x7f: {  	s4 =	simm.s32 @!p0 $0x8;
	(pc) =	sbr.rel @!p1 .LBB2_2-.Ltmp0, $4  }
0x80: {  	_ =	swait.ge @!p0 [sflag:s4], $0x3200  }
0x81: {  	s29 =	sadd.s32 @!p0 $0x100, s29;
	s28 =	sadd.s32 @!p0 $0x100, s28;
	[sflag:s4] =	ssyncset.done @!p0 $0x0  }
0x82: {  	s5 =	simm.s32 @!p0 $0x5400;
	[sflag:s4] =	ssyncadd.s32 @!p0 $0xFFFFCE00;
	s4 =	sor.u32 @!p0 $0x80, s31  }
0x83: {  	[tilespmem:s5], [sflag:$0x6] =	stream.indirect.gather @!p0 [hbm4b:s1+s0], $0x80, s4, s0, $0xb8;
	[tilespmem:$0x1C400] =	vst v63  }
0x84: {  	_ =	swait.ge [sflag:s24], $0x3200  }
0x85: {  	[sflag:s24] =	ssyncset.done $0x0  }
0x86: {  	[sflag:s24] =	ssyncadd.s32 $0xFFFFCE00  }
0x87: {  	_ =	swait.ge [sflag:s25], $0x3200  }
0x88: {  	s26 =	sadd.s32 $0x1, s26;
	[sflag:s25] =	ssyncset.done $0x0  }
0x89: {  	p0 =	sne.s32 s26, s10;
	[sflag:s25] =	ssyncadd.s32 $0xFFFFCE00  }
.Ltmp1:
0x8a: {  	[bflag:$0x0] =	sbarrier.arrive $0xFFFF;
	(pc) =	sbr.rel @p0 .LBB2_1-.Ltmp1, $4  }
0x8b: {  	[hbm:s9], [sflag:s8] =	dma.local [spmem:s14], $0x2780  }
0x8c: {  	_ =	swait.ge [sflag:s15], $0x2780  }
0x8d: {  	[sflag:s15] =	ssyncset.done $0x0  }
0x8e: {  	[sflag:s15] =	ssyncadd.s32 $0xFFFFD880  }
0x8f: {  	_ =	sfence.sel $0x180000  }
0x90: {  	[bflag:$0x0] =	sbarrier.arrive $0xFFFF  }
0x91: {  	_ =	strace $0x90000053  }
0x92: {  	s0 =	stileid.u32;
	[bflag:$0x2] =	sbarrier.arrive $0xFFFF  }
0x93: {  	p0 =	sne.s32 s0, $0x0;
	s0 =	rddreg [dreg:$0x4]  }
0x94: {  	s0 =	sadd.s32 @!p0 $0x100000, s0  }
0x95: {  	[sflag:s0] =	ssyncadd.tile.s32 @!p0 $0x1;
	_ =	shalt  }
.Lfunc_end2:
_tile_overlayer_lowered:
.L_overlay_start_2:
0x96: {  	(tag) =	ssettag $0x2  }
0x97: {  	s0 =	rddreg [dreg:$0x0];
	s2 =	stileid.u32  }
0x98: {  	s1 =	rddreg [dreg:$0x1];
	p0 =	sne.s32 s2, $0x0  }
0x99: {  	s3 =	rddreg [dreg:$0x2];
	[bflag:$0x3] =	sbarrier.arrive $0xFFFF;
	s2 =	simm.s32 @!p0 $0x1C09  }
0x9a: {  	[timem:s3], [sflag:s2] =	dma.local @!p0 [hbm:s0], s1  }
0x9b: {  	s0 =	simm.s32 @!p0 $0x9  }
0x9c: {  	_ =	swait.ge @!p0 [sflag:s0], s1  }
0x9d: {  	s1 =	ssub.s32 @!p0 $0x0, s1;
	[sflag:s0] =	ssyncset.done @!p0 $0x0  }
0x9e: {  	[sflag:s0] =	ssyncadd.s32 @!p0 s1  }
0x9f: {  	[bflag:$0x3] =	sbarrier.arrive $0xFFFF  }
0xa0: {  	_ =	shalt  }

</sc_bundles>
